<compile_context>
chip_gen: v7x
topology: tpu7x:2x2x1
jax: 0.10.2.dev20260603
libtpu: 0.0.44.dev20260713+nightly
codegen_flags: <defaults>
</compile_context>

<pallas_src>
import jax
import jax.numpy as jnp
from jax import lax
from jax.experimental import pallas as pl
from jax.experimental.pallas import tpu as pltpu
from jax.experimental.pallas import tpu_sc as plsc

B, C, H, W = 8, 2, 512, 512
HW = H * W
N = B * H * W
MIN_KEPT = 100000
K_RANK = min(MIN_KEPT, N - 1)
LOGIT_T = 0.8472978603872037

H_TC = 352
ROWS = 352
GB, GH = B, H_TC // ROWS
ROWS_BIS = 128
GH_FULL = H // ROWS_BIS

NC, NS = 2, 16
NW = NC * NS
RPT = (H - H_TC) // (NW // B)
CHR = 8
NCH = RPT // CHR

_LOG1P_C = (0.9999970542923676, -0.4998254710554547, 0.33078789064803327,
            -0.23417367475167797, 0.14810677481238943, -0.06577012721513113,
            0.014026852411466048)


def _dt(x_ref, t_ref):
    diff = x_ref[1] - x_ref[0]
    tt = t_ref[...]
    return jnp.where(tt == 1, diff, -diff), tt


def _loss(d, tt, w_ref):
    wt = jnp.where(tt == 1, w_ref[1], w_ref[0])
    return wt * (jnp.log1p(jnp.exp(-jnp.abs(d))) + jnp.maximum(-d, 0.0))


def _pass1_body(x_ref, t_ref, w_ref, clt_ref, sum_ref, a_lt, a_sum):
    b, h = pl.program_id(0), pl.program_id(1)
    first = jnp.logical_and(b == 0, h == 0)
    last = jnp.logical_and(b == GB - 1, h == GH - 1)

    @pl.when(first)
    def _():
        a_lt[...] = jnp.zeros_like(a_lt)
        a_sum[...] = jnp.zeros_like(a_sum)

    d, tt = _dt(x_ref, t_ref)
    L = jnp.float32(LOGIT_T)
    sel = d < L
    one = jnp.float32(1.0)
    zero = jnp.float32(0.0)
    a_lt[...] += jnp.where(sel, one, zero)
    a_sum[...] += jnp.where(sel, _loss(d, tt, w_ref), zero)

    @pl.when(last)
    def _():
        clt_ref[0, 0] = jnp.sum(a_lt[...])
        sum_ref[0, 0] = jnp.sum(a_sum[...])


def _sc_body(x_hbm, t_hbm, oacc_hbm, bx0, bx1, bt, bacc, sem0, sem1):
    cc = lax.axis_index("c")
    ss = lax.axis_index("s")
    wid = ss * NC + cc
    b = wid // (NW // B)
    q = wid % (NW // B)
    row0 = H_TC + q * RPT

    L = jnp.float32(LOGIT_T)
    sems = (sem0, sem1)

    def issue(k):
        r = row0 + k * CHR
        p = k % 2
        s = sems[p]
        return (
            pltpu.async_copy(x_hbm.at[2 * b, pl.ds(r, CHR), :], bx0.at[p], s),
            pltpu.async_copy(x_hbm.at[2 * b + 1, pl.ds(r, CHR), :],
                             bx1.at[p], s),
            pltpu.async_copy(t_hbm.at[pl.ds(b * H + r, CHR), :], bt.at[p], s),
        )

    def compute(p, carry):
        def inner(i, c2):
            cnt2, sp2, s12 = c2
            s16 = pl.ds(i * 16, 16)
            for u in range(CHR):
                x0 = bx0[p, u, s16]
                x1 = bx1[p, u, s16]
                tf = bt[p, u, s16].astype(jnp.float32)
                d = (x1 - x0) * (tf + tf - 1.0)
                ind = jnp.where(d < L, jnp.float32(1.0), jnp.float32(0.0))
                y = jnp.exp(-jnp.abs(d))
                qq = jnp.float32(_LOG1P_C[6])
                for cf in _LOG1P_C[5::-1]:
                    qq = qq * y + jnp.float32(cf)
                spv = (y * qq + jnp.maximum(-d, jnp.float32(0.0))) * ind
                cnt2 = cnt2 + ind
                sp2 = sp2 + spv
                s12 = s12 + spv * tf
            return cnt2, sp2, s12

        return lax.fori_loop(0, W // 16, inner, carry)

    z = jnp.zeros((16,), jnp.float32)
    carry = (z, z, z)
    pending = issue(0)
    for k in range(NCH):
        nxt = issue(k + 1) if k + 1 < NCH else None
        for h in pending:
            h.wait()
        carry = compute(k % 2, carry)
        pending = nxt
    bacc[0] = carry[0]
    bacc[1] = carry[1]
    bacc[2] = carry[2]
    pltpu.sync_copy(bacc, oacc_hbm.at[wid])


def _key(d):
    bits = lax.bitcast_convert_type(d, jnp.int32)
    return jnp.where(bits >= 0, bits, bits ^ jnp.int32(0x7FFFFFFF))


def _bisect_body(x_ref, t_ref, w_ref, cnt_ref, sum_ref, sm_ref, sf_ref):
    j, b, h = pl.program_id(0), pl.program_id(1), pl.program_id(2)
    first = jnp.logical_and(b == 0, h == 0)

    @pl.when(jnp.logical_and(first, j == 0))
    def _():
        sm_ref[0] = jnp.int32(-2147483648)
        sm_ref[1] = 0
        sm_ref[2] = 0
        sf_ref[0] = 0.0

    @pl.when(jnp.logical_and(first, jnp.logical_and(j > 0, j <= 32)))
    def _():
        bump = jnp.where(
            sm_ref[1] <= K_RANK,
            lax.shift_left(jnp.int32(1), jnp.clip(32 - j, 0, 31)), 0)
        sm_ref[0] += bump
        sm_ref[1] = 0

    d, tt = _dt(x_ref, t_ref)
    key = _key(d)

    @pl.when(j < 32)
    def _():
        t = sm_ref[0] + lax.shift_left(jnp.int32(1), jnp.clip(31 - j, 0, 31))
        sm_ref[1] += jnp.sum((key < t).astype(jnp.int32))

    @pl.when(j == 32)
    def _():
        sel = key < sm_ref[0]
        sm_ref[2] += jnp.sum(sel.astype(jnp.int32))
        sf_ref[0] += jnp.sum(jnp.where(sel, _loss(d, tt, w_ref), 0.0))

    @pl.when(j == 33)
    def _():
        cnt_ref[0, 0] = sm_ref[2]
        sum_ref[0, 0] = sf_ref[0]


def _mk_specs(three_d):
    off = 1 if three_d else 0
    rows = ROWS_BIS if three_d else ROWS

    def xmap(*ids):
        return (ids[off], ids[off + 1], 0)

    def tmap(*ids):
        return (ids[off] * (GH_FULL if three_d else GH) + ids[off + 1], 0)

    return [
        pl.BlockSpec((2, rows, W), xmap),
        pl.BlockSpec((rows, W), tmap),
        pl.BlockSpec(memory_space=pltpu.SMEM),
    ]


def _scalar_outs(dtypes):
    return (
        tuple(jax.ShapeDtypeStruct((1, 1), dt) for dt in dtypes),
        tuple(pl.BlockSpec(memory_space=pltpu.SMEM) for _ in dtypes),
    )


@jax.jit
def kernel(predict, target, weight):
    xv = predict.reshape(B * C, H, W)
    tv = target.astype(jnp.int32).reshape(B * H, W)
    wv = weight.astype(jnp.float32)
    sc_acc = pl.kernel(
        _sc_body,
        out_type=jax.ShapeDtypeStruct((NW, 3, 16), jnp.float32),
        mesh=plsc.VectorSubcoreMesh(core_axis_name="c", subcore_axis_name="s"),
        scratch_types=[pltpu.VMEM((2, CHR, W), jnp.float32),
                       pltpu.VMEM((2, CHR, W), jnp.float32),
                       pltpu.VMEM((2, CHR, W), jnp.int32),
                       pltpu.VMEM((3, 16), jnp.float32),
                       pltpu.SemaphoreType.DMA,
                       pltpu.SemaphoreType.DMA],
    )(xv, tv)

    out_shape, out_specs = _scalar_outs((jnp.float32, jnp.float32))
    clt, s_lt = pl.pallas_call(
        _pass1_body,
        grid=(GB, GH),
        in_specs=_mk_specs(False),
        out_specs=list(out_specs),
        out_shape=list(out_shape),
        scratch_shapes=[pltpu.VMEM((ROWS, W), jnp.float32)] * 2,
    )(xv, tv, wv)

    parts = jnp.sum(sc_acc, axis=(0, 2))
    cnt_lt = (clt[0, 0] + parts[0]).astype(jnp.int32)
    s_all = s_lt[0, 0] + wv[0] * (parts[1] - parts[2]) + wv[1] * parts[2]

    def common(_):
        return s_all, cnt_lt

    def rare(_):
        o_shape, o_specs = _scalar_outs((jnp.int32, jnp.float32))
        cnt, tot = pl.pallas_call(
            _bisect_body,
            grid=(34, GB, GH_FULL),
            in_specs=_mk_specs(True),
            out_specs=list(o_specs),
            out_shape=list(o_shape),
            scratch_shapes=[pltpu.SMEM((3,), jnp.int32),
                            pltpu.SMEM((1,), jnp.float32)],
        )(xv, tv, wv)
        return tot[0, 0], cnt[0, 0]

    total, cnt = lax.cond(cnt_lt >= K_RANK + 1, common, rare, operand=None)
    return jnp.where(cnt == 0, total,
                     total / jnp.maximum(cnt, 1).astype(jnp.float32))

# --- scband reference (transcript-rebuilt; emitter-appended) ---
"""Pipeline reference for scband-fsohem-celoss-13288628814021 (READ-ONLY COPY).

The authoritative reference and input builder live on the scoring server;
editing this copy changes nothing except your own understanding.
"""

import jax, jax.numpy as jnp
import numpy as np

B, C, H, W = 8, 2, 512, 512
IGNORE = -1
THRESH = 0.7
MIN_KEPT = 100000


def setup_inputs(seed: int = 0) -> dict:
    key = jax.random.key(seed)
    k1, k2 = jax.random.split(key)
    predict = jax.random.normal(k1, (B, C, H, W), dtype=jnp.float32)
    target = jax.random.randint(k2, (B, H, W), 0, 2).astype(jnp.int64)
    weight = jnp.array([1.0, 4.0], dtype=jnp.float32)  # class weights buffer from __init__
    return {"predict": predict, "target": target, "weight": weight}


def _fs_ohem(predict, weight, target):
    # softmax probabilities
    prob_out = jax.nn.softmax(predict, axis=1)
    tmp_target = jnp.where(target == IGNORE, 0, target)
    # gather prob of (clamped) target class: (B,1,H,W) -> flat
    prob = jnp.take_along_axis(prob_out, tmp_target[:, None, :, :], axis=1).reshape(-1)
    target_flat = target.reshape(-1)
    mask = target_flat != IGNORE
    N = target_flat.shape[0]
    n = jnp.sum(mask)
    # stable sort with invalid entries pushed to the end via +inf keys;
    # the first n sorted entries match the original compacted sort exactly
    sort_key = jnp.where(mask, prob, jnp.float32(jnp.inf))
    sort_indices = jnp.argsort(sort_key)
    sort_prob = jnp.take(sort_key, sort_indices)
    idx = jnp.clip(jnp.minimum(MIN_KEPT, n - 1), 0, N - 1)
    min_threshold = jnp.where(n > 0, sort_prob[idx], jnp.float32(0.0))
    threshold = jnp.maximum(min_threshold, jnp.float32(THRESH))
    # weighted CE with reduction='none', ignore -> 0
    logp = jax.nn.log_softmax(predict, axis=1)
    nll = -jnp.take_along_axis(logp, tmp_target[:, None, :, :], axis=1).reshape(-1)
    w = jnp.take(weight, tmp_target.reshape(-1))
    loss_matrix = jnp.where(mask, w * nll, 0.0)
    sort_loss = jnp.take(loss_matrix, sort_indices)
    sel = sort_prob < threshold
    total = jnp.sum(jnp.where(sel, sort_loss, 0.0))
    cnt = jnp.sum(sel)
    # torch: sum if empty selection (==0), else mean
    return jnp.where(cnt == 0, total, total / jnp.maximum(cnt, 1).astype(total.dtype))


def reference(predict, target, weight):
    return _fs_ohem(predict, weight, target)

if __name__ == "__main__":
    import jax
    _d = setup_inputs()
    print(jax.jit(kernel)(*tuple(_d.values())))

</pallas_src>

<mosaic_0001>
#map = affine_map<(d0, d1) -> (0, 0, 0)>
#map1 = affine_map<(d0, d1) -> (0, 0)>
module attributes {stable_mosaic.version = 14 : i64} {
  func.func @_sc_body(%arg0: i32, %arg1: i32, %arg2: memref<16x512x512xf32, #tpu.memory_space<hbm>>, %arg3: memref<4096x512xi32, #tpu.memory_space<hbm>>, %arg4: memref<32x3x16xf32, #tpu.memory_space<hbm>>, %arg5: memref<2x8x512xf32, #tpu.memory_space<vmem>>, %arg6: memref<2x8x512xf32, #tpu.memory_space<vmem>>, %arg7: memref<2x8x512xi32, #tpu.memory_space<vmem>>, %arg8: memref<3x16xf32, #tpu.memory_space<vmem>>, %arg9: memref<!tpu.dma_semaphore, #tpu.memory_space<semaphore_mem>>, %arg10: memref<!tpu.dma_semaphore, #tpu.memory_space<semaphore_mem>>) attributes {dimension_semantics = [#tpu.dimension_semantics<core_parallel>, #tpu.dimension_semantics<subcore_parallel>], iteration_bounds = array<i64: 2, 16>, scalar_prefetch = 0 : i64, scratch_operands = 6 : i64, tpu.core_type = #tpu.core_type<sc_vector_subcore>, window_params = [{transform_indices = #map}, {transform_indices = #map1}, {transform_indices = #map}]} {
    %mul3A = arith.constant 2 : i32
    %mul3A_0 = arith.muli %arg1, %mul3A : i32
    %add3A = arith.addi %mul3A_0, %arg0 : i32
    %jit3A = arith.constant 4 : i32
    %div3A = arith.divsi %add3A, %jit3A : i32
    %sign3A = arith.constant 0 : i32
    %sign3A_1 = arith.cmpi sgt, %add3A, %sign3A : i32
    %sign3A_2 = arith.extui %sign3A_1 : i1 to i32
    %sign3A_3 = arith.constant 0 : i32
    %sign3A_4 = arith.cmpi slt, %add3A, %sign3A_3 : i32
    %sign3A_5 = arith.extui %sign3A_4 : i1 to i32
    %sign3A_6 = arith.subi %sign3A_2, %sign3A_5 : i32
    %sign3A_7 = arith.constant 0 : i32
    %sign3A_8 = arith.cmpi sgt, %jit3A, %sign3A_7 : i32
    %sign3A_9 = arith.extui %sign3A_8 : i1 to i32
    %sign3A_10 = arith.constant 0 : i32
    %sign3A_11 = arith.cmpi slt, %jit3A, %sign3A_10 : i32
    %sign3A_12 = arith.extui %sign3A_11 : i1 to i32
    %sign3A_13 = arith.subi %sign3A_9, %sign3A_12 : i32
    %ne3A = arith.cmpi ne, %sign3A_6, %sign3A_13 : i32
    %rem3A = arith.remsi %add3A, %jit3A : i32
    %ne3A_14 = arith.constant 0 : i32
    %ne3A_15 = arith.cmpi ne, %rem3A, %ne3A_14 : i32
    %and3A = arith.andi %ne3A, %ne3A_15 : i1
    %sub3A = arith.constant 1 : i32
    %sub3A_16 = arith.subi %div3A, %sub3A : i32
    %select_n3A = arith.select %and3A, %sub3A_16, %div3A : i32
    %jit3A_17 = arith.constant 4 : i32
    %eq3A = arith.constant 0 : i32
    %eq3A_18 = arith.cmpi eq, %jit3A_17, %eq3A : i32
    %jit3A_19 = arith.constant 1 : i32
    %select_n3A_20 = arith.select %eq3A_18, %jit3A_19, %jit3A_17 : i32
    %rem3A_21 = arith.remsi %add3A, %select_n3A_20 : i32
    %ne3A_22 = arith.constant 0 : i32
    %ne3A_23 = arith.cmpi ne, %rem3A_21, %ne3A_22 : i32
    %lt3A = arith.constant 0 : i32
    %lt3A_24 = arith.cmpi slt, %rem3A_21, %lt3A : i32
    %lt3A_25 = arith.constant 0 : i32
    %lt3A_26 = arith.cmpi slt, %select_n3A_20, %lt3A_25 : i32
    %ne3A_27 = arith.xori %lt3A_24, %lt3A_26 : i1
    %and3A_28 = arith.andi %ne3A_27, %ne3A_23 : i1
    %add3A_29 = arith.addi %rem3A_21, %select_n3A_20 : i32
    %select_n3A_30 = arith.select %and3A_28, %add3A_29, %rem3A_21 : i32
    %mul3A_31 = arith.constant 40 : i32
    %mul3A_32 = arith.muli %select_n3A_30, %mul3A_31 : i32
    %add3A_33 = arith.constant 352 : i32
    %add3A_34 = arith.addi %add3A_33, %mul3A_32 : i32
    %broadcast_in_dim3A = arith.constant 0.000000e+00 : f32
    %broadcast_in_dim3A_35 = vector.broadcast %broadcast_in_dim3A : f32 to vector<16xf32>
    %add3A_36 = arith.constant 0 : i32
    %add3A_37 = arith.addi %add3A_34, %add3A_36 : i32
    %mul3A_38 = arith.constant 2 : i32
    %mul3A_39 = arith.muli %mul3A_38, %select_n3A : i32
    %dma_start3A = arith.constant 0 : i32
    %dma_start3A_40 = arith.constant 0 : i32
    %dma_start3A_41 = arith.constant 0 : i32
    %dma_start3A_42 = tpu.memref_slice %arg5[%dma_start3A, %dma_start3A_40, %dma_start3A_41] : memref<2x8x512xf32, #tpu.memory_space<vmem>> -> memref<1x8x512xf32, #tpu.memory_space<vmem>>
    %dma_start3A_43 = tpu.memref_squeeze %dma_start3A_42 : memref<1x8x512xf32, #tpu.memory_space<vmem>> -> memref<8x512xf32, #tpu.memory_space<vmem>>
    %dma_start3A_44 = arith.constant 0 : i32
    %dma_start3A_45 = tpu.memref_slice %arg2[%mul3A_39, %add3A_37, %dma_start3A_44] : memref<16x512x512xf32, #tpu.memory_space<hbm>> -> memref<1x8x512xf32, #tpu.memory_space<hbm>>
    %dma_start3A_46 = tpu.memref_squeeze %dma_start3A_45 : memref<1x8x512xf32, #tpu.memory_space<hbm>> -> memref<8x512xf32, #tpu.memory_space<hbm>>
    %dma_start3A_47 = arith.constant 0 : i32
    %dma_start3A_48 = arith.constant 0 : i32
    %dma_start3A_49 = tpu.memref_slice %arg5[%dma_start3A, %dma_start3A_47, %dma_start3A_48] : memref<2x8x512xf32, #tpu.memory_space<vmem>> -> memref<1x8x512xf32, #tpu.memory_space<vmem>>
    %dma_start3A_50 = tpu.memref_squeeze %dma_start3A_49 : memref<1x8x512xf32, #tpu.memory_space<vmem>> -> memref<8x512xf32, #tpu.memory_space<vmem>>
    %dma_start3A_51 = arith.constant 0 : i32
    %dma_start3A_52 = tpu.memref_slice %arg2[%mul3A_39, %add3A_37, %dma_start3A_51] : memref<16x512x512xf32, #tpu.memory_space<hbm>> -> memref<1x8x512xf32, #tpu.memory_space<hbm>>
    %dma_start3A_53 = tpu.memref_squeeze %dma_start3A_52 : memref<1x8x512xf32, #tpu.memory_space<hbm>> -> memref<8x512xf32, #tpu.memory_space<hbm>>
    tpu.enqueue_dma source(%dma_start3A_53 : memref<8x512xf32, #tpu.memory_space<hbm>>) target(%dma_start3A_50 : memref<8x512xf32, #tpu.memory_space<vmem>>) target_semaphore(%arg9 : memref<!tpu.dma_semaphore, #tpu.memory_space<semaphore_mem>>)
    %mul3A_54 = arith.constant 2 : i32
    %mul3A_55 = arith.muli %mul3A_54, %select_n3A : i32
    %add3A_56 = arith.constant 1 : i32
    %add3A_57 = arith.addi %mul3A_55, %add3A_56 : i32
    %dma_start3A_58 = arith.constant 0 : i32
    %dma_start3A_59 = arith.constant 0 : i32
    %dma_start3A_60 = arith.constant 0 : i32
    %dma_start3A_61 = tpu.memref_slice %arg6[%dma_start3A_58, %dma_start3A_59, %dma_start3A_60] : memref<2x8x512xf32, #tpu.memory_space<vmem>> -> memref<1x8x512xf32, #tpu.memory_space<vmem>>
    %dma_start3A_62 = tpu.memref_squeeze %dma_start3A_61 : memref<1x8x512xf32, #tpu.memory_space<vmem>> -> memref<8x512xf32, #tpu.memory_space<vmem>>
    %dma_start3A_63 = arith.constant 0 : i32
    %dma_start3A_64 = tpu.memref_slice %arg2[%add3A_57, %add3A_37, %dma_start3A_63] : memref<16x512x512xf32, #tpu.memory_space<hbm>> -> memref<1x8x512xf32, #tpu.memory_space<hbm>>
    %dma_start3A_65 = tpu.memref_squeeze %dma_start3A_64 : memref<1x8x512xf32, #tpu.memory_space<hbm>> -> memref<8x512xf32, #tpu.memory_space<hbm>>
    %dma_start3A_66 = arith.constant 0 : i32
    %dma_start3A_67 = arith.constant 0 : i32
    %dma_start3A_68 = tpu.memref_slice %arg6[%dma_start3A_58, %dma_start3A_66, %dma_start3A_67] : memref<2x8x512xf32, #tpu.memory_space<vmem>> -> memref<1x8x512xf32, #tpu.memory_space<vmem>>
    %dma_start3A_69 = tpu.memref_squeeze %dma_start3A_68 : memref<1x8x512xf32, #tpu.memory_space<vmem>> -> memref<8x512xf32, #tpu.memory_space<vmem>>
    %dma_start3A_70 = arith.constant 0 : i32
    %dma_start3A_71 = tpu.memref_slice %arg2[%add3A_57, %add3A_37, %dma_start3A_70] : memref<16x512x512xf32, #tpu.memory_space<hbm>> -> memref<1x8x512xf32, #tpu.memory_space<hbm>>
    %dma_start3A_72 = tpu.memref_squeeze %dma_start3A_71 : memref<1x8x512xf32, #tpu.memory_space<hbm>> -> memref<8x512xf32, #tpu.memory_space<hbm>>
    tpu.enqueue_dma source(%dma_start3A_72 : memref<8x512xf32, #tpu.memory_space<hbm>>) target(%dma_start3A_69 : memref<8x512xf32, #tpu.memory_space<vmem>>) target_semaphore(%arg9 : memref<!tpu.dma_semaphore, #tpu.memory_space<semaphore_mem>>)
    %mul3A_73 = arith.constant 512 : i32
    %mul3A_74 = arith.muli %select_n3A, %mul3A_73 : i32
    %add3A_75 = arith.addi %mul3A_74, %add3A_37 : i32
    %dma_start3A_76 = arith.constant 0 : i32
    %dma_start3A_77 = arith.constant 0 : i32
    %dma_start3A_78 = arith.constant 0 : i32
    %dma_start3A_79 = tpu.memref_slice %arg7[%dma_start3A_76, %dma_start3A_77, %dma_start3A_78] : memref<2x8x512xi32, #tpu.memory_space<vmem>> -> memref<1x8x512xi32, #tpu.memory_space<vmem>>
    %dma_start3A_80 = tpu.memref_squeeze %dma_start3A_79 : memref<1x8x512xi32, #tpu.memory_space<vmem>> -> memref<8x512xi32, #tpu.memory_space<vmem>>
    %dma_start3A_81 = arith.constant 0 : i32
    %dma_start3A_82 = tpu.memref_slice %arg3[%add3A_75, %dma_start3A_81] : memref<4096x512xi32, #tpu.memory_space<hbm>> -> memref<8x512xi32, #tpu.memory_space<hbm>>
    %dma_start3A_83 = arith.constant 0 : i32
    %dma_start3A_84 = arith.constant 0 : i32
    %dma_start3A_85 = tpu.memref_slice %arg7[%dma_start3A_76, %dma_start3A_83, %dma_start3A_84] : memref<2x8x512xi32, #tpu.memory_space<vmem>> -> memref<1x8x512xi32, #tpu.memory_space<vmem>>
    %dma_start3A_86 = tpu.memref_squeeze %dma_start3A_85 : memref<1x8x512xi32, #tpu.memory_space<vmem>> -> memref<8x512xi32, #tpu.memory_space<vmem>>
    %dma_start3A_87 = arith.constant 0 : i32
    %dma_start3A_88 = tpu.memref_slice %arg3[%add3A_75, %dma_start3A_87] : memref<4096x512xi32, #tpu.memory_space<hbm>> -> memref<8x512xi32, #tpu.memory_space<hbm>>
    tpu.enqueue_dma source(%dma_start3A_88 : memref<8x512xi32, #tpu.memory_space<hbm>>) target(%dma_start3A_86 : memref<8x512xi32, #tpu.memory_space<vmem>>) target_semaphore(%arg9 : memref<!tpu.dma_semaphore, #tpu.memory_space<semaphore_mem>>)
    %add3A_89 = arith.constant 8 : i32
    %add3A_90 = arith.addi %add3A_34, %add3A_89 : i32
    %mul3A_91 = arith.constant 2 : i32
    %mul3A_92 = arith.muli %mul3A_91, %select_n3A : i32
    %dma_start3A_93 = arith.constant 1 : i32
    %dma_start3A_94 = arith.constant 0 : i32
    %dma_start3A_95 = arith.constant 0 : i32
    %dma_start3A_96 = tpu.memref_slice %arg5[%dma_start3A_93, %dma_start3A_94, %dma_start3A_95] : memref<2x8x512xf32, #tpu.memory_space<vmem>> -> memref<1x8x512xf32, #tpu.memory_space<vmem>>
    %dma_start3A_97 = tpu.memref_squeeze %dma_start3A_96 : memref<1x8x512xf32, #tpu.memory_space<vmem>> -> memref<8x512xf32, #tpu.memory_space<vmem>>
    %dma_start3A_98 = arith.constant 0 : i32
    %dma_start3A_99 = tpu.memref_slice %arg2[%mul3A_92, %add3A_90, %dma_start3A_98] : memref<16x512x512xf32, #tpu.memory_space<hbm>> -> memref<1x8x512xf32, #tpu.memory_space<hbm>>
    %dma_start3A_100 = tpu.memref_squeeze %dma_start3A_99 : memref<1x8x512xf32, #tpu.memory_space<hbm>> -> memref<8x512xf32, #tpu.memory_space<hbm>>
    %dma_start3A_101 = arith.constant 0 : i32
    %dma_start3A_102 = arith.constant 0 : i32
    %dma_start3A_103 = tpu.memref_slice %arg5[%dma_start3A_93, %dma_start3A_101, %dma_start3A_102] : memref<2x8x512xf32, #tpu.memory_space<vmem>> -> memref<1x8x512xf32, #tpu.memory_space<vmem>>
    %dma_start3A_104 = tpu.memref_squeeze %dma_start3A_103 : memref<1x8x512xf32, #tpu.memory_space<vmem>> -> memref<8x512xf32, #tpu.memory_space<vmem>>
    %dma_start3A_105 = arith.constant 0 : i32
    %dma_start3A_106 = tpu.memref_slice %arg2[%mul3A_92, %add3A_90, %dma_start3A_105] : memref<16x512x512xf32, #tpu.memory_space<hbm>> -> memref<1x8x512xf32, #tpu.memory_space<hbm>>
    %dma_start3A_107 = tpu.memref_squeeze %dma_start3A_106 : memref<1x8x512xf32, #tpu.memory_space<hbm>> -> memref<8x512xf32, #tpu.memory_space<hbm>>
    tpu.enqueue_dma source(%dma_start3A_107 : memref<8x512xf32, #tpu.memory_space<hbm>>) target(%dma_start3A_104 : memref<8x512xf32, #tpu.memory_space<vmem>>) target_semaphore(%arg10 : memref<!tpu.dma_semaphore, #tpu.memory_space<semaphore_mem>>)
    %mul3A_108 = arith.constant 2 : i32
    %mul3A_109 = arith.muli %mul3A_108, %select_n3A : i32
    %add3A_110 = arith.constant 1 : i32
    %add3A_111 = arith.addi %mul3A_109, %add3A_110 : i32
    %dma_start3A_112 = arith.constant 1 : i32
    %dma_start3A_113 = arith.constant 0 : i32
    %dma_start3A_114 = arith.constant 0 : i32
    %dma_start3A_115 = tpu.memref_slice %arg6[%dma_start3A_112, %dma_start3A_113, %dma_start3A_114] : memref<2x8x512xf32, #tpu.memory_space<vmem>> -> memref<1x8x512xf32, #tpu.memory_space<vmem>>
    %dma_start3A_116 = tpu.memref_squeeze %dma_start3A_115 : memref<1x8x512xf32, #tpu.memory_space<vmem>> -> memref<8x512xf32, #tpu.memory_space<vmem>>
    %dma_start3A_117 = arith.constant 0 : i32
    %dma_start3A_118 = tpu.memref_slice %arg2[%add3A_111, %add3A_90, %dma_start3A_117] : memref<16x512x512xf32, #tpu.memory_space<hbm>> -> memref<1x8x512xf32, #tpu.memory_space<hbm>>
    %dma_start3A_119 = tpu.memref_squeeze %dma_start3A_118 : memref<1x8x512xf32, #tpu.memory_space<hbm>> -> memref<8x512xf32, #tpu.memory_space<hbm>>
    %dma_start3A_120 = arith.constant 0 : i32
    %dma_start3A_121 = arith.constant 0 : i32
    %dma_start3A_122 = tpu.memref_slice %arg6[%dma_start3A_112, %dma_start3A_120, %dma_start3A_121] : memref<2x8x512xf32, #tpu.memory_space<vmem>> -> memref<1x8x512xf32, #tpu.memory_space<vmem>>
    %dma_start3A_123 = tpu.memref_squeeze %dma_start3A_122 : memref<1x8x512xf32, #tpu.memory_space<vmem>> -> memref<8x512xf32, #tpu.memory_space<vmem>>
    %dma_start3A_124 = arith.constant 0 : i32
    %dma_start3A_125 = tpu.memref_slice %arg2[%add3A_111, %add3A_90, %dma_start3A_124] : memref<16x512x512xf32, #tpu.memory_space<hbm>> -> memref<1x8x512xf32, #tpu.memory_space<hbm>>
    %dma_start3A_126 = tpu.memref_squeeze %dma_start3A_125 : memref<1x8x512xf32, #tpu.memory_space<hbm>> -> memref<8x512xf32, #tpu.memory_space<hbm>>
    tpu.enqueue_dma source(%dma_start3A_126 : memref<8x512xf32, #tpu.memory_space<hbm>>) target(%dma_start3A_123 : memref<8x512xf32, #tpu.memory_space<vmem>>) target_semaphore(%arg10 : memref<!tpu.dma_semaphore, #tpu.memory_space<semaphore_mem>>)
    %mul3A_127 = arith.constant 512 : i32
    %mul3A_128 = arith.muli %select_n3A, %mul3A_127 : i32
    %add3A_129 = arith.addi %mul3A_128, %add3A_90 : i32
    %dma_start3A_130 = arith.constant 1 : i32
    %dma_start3A_131 = arith.constant 0 : i32
    %dma_start3A_132 = arith.constant 0 : i32
    %dma_start3A_133 = tpu.memref_slice %arg7[%dma_start3A_130, %dma_start3A_131, %dma_start3A_132] : memref<2x8x512xi32, #tpu.memory_space<vmem>> -> memref<1x8x512xi32, #tpu.memory_space<vmem>>
    %dma_start3A_134 = tpu.memref_squeeze %dma_start3A_133 : memref<1x8x512xi32, #tpu.memory_space<vmem>> -> memref<8x512xi32, #tpu.memory_space<vmem>>
    %dma_start3A_135 = arith.constant 0 : i32
    %dma_start3A_136 = tpu.memref_slice %arg3[%add3A_129, %dma_start3A_135] : memref<4096x512xi32, #tpu.memory_space<hbm>> -> memref<8x512xi32, #tpu.memory_space<hbm>>
    %dma_start3A_137 = arith.constant 0 : i32
    %dma_start3A_138 = arith.constant 0 : i32
    %dma_start3A_139 = tpu.memref_slice %arg7[%dma_start3A_130, %dma_start3A_137, %dma_start3A_138] : memref<2x8x512xi32, #tpu.memory_space<vmem>> -> memref<1x8x512xi32, #tpu.memory_space<vmem>>
    %dma_start3A_140 = tpu.memref_squeeze %dma_start3A_139 : memref<1x8x512xi32, #tpu.memory_space<vmem>> -> memref<8x512xi32, #tpu.memory_space<vmem>>
    %dma_start3A_141 = arith.constant 0 : i32
    %dma_start3A_142 = tpu.memref_slice %arg3[%add3A_129, %dma_start3A_141] : memref<4096x512xi32, #tpu.memory_space<hbm>> -> memref<8x512xi32, #tpu.memory_space<hbm>>
    tpu.enqueue_dma source(%dma_start3A_142 : memref<8x512xi32, #tpu.memory_space<hbm>>) target(%dma_start3A_140 : memref<8x512xi32, #tpu.memory_space<vmem>>) target_semaphore(%arg10 : memref<!tpu.dma_semaphore, #tpu.memory_space<semaphore_mem>>)
    %dma_wait3A = arith.constant 0 : i32
    %dma_wait3A_143 = arith.constant 0 : i32
    %dma_wait3A_144 = arith.constant 0 : i32
    %dma_wait3A_145 = tpu.memref_slice %arg5[%dma_wait3A, %dma_wait3A_143, %dma_wait3A_144] : memref<2x8x512xf32, #tpu.memory_space<vmem>> -> memref<1x8x512xf32, #tpu.memory_space<vmem>>
    %dma_wait3A_146 = tpu.memref_squeeze %dma_wait3A_145 : memref<1x8x512xf32, #tpu.memory_space<vmem>> -> memref<8x512xf32, #tpu.memory_space<vmem>>
    %dma_wait3A_147 = arith.constant 0 : i32
    %dma_wait3A_148 = tpu.memref_slice %arg2[%mul3A_39, %add3A_37, %dma_wait3A_147] : memref<16x512x512xf32, #tpu.memory_space<hbm>> -> memref<1x8x512xf32, #tpu.memory_space<hbm>>
    %dma_wait3A_149 = tpu.memref_squeeze %dma_wait3A_148 : memref<1x8x512xf32, #tpu.memory_space<hbm>> -> memref<8x512xf32, #tpu.memory_space<hbm>>
    %dma_wait3A_150 = arith.constant 0 : i32
    %dma_wait3A_151 = arith.constant 0 : i32
    %dma_wait3A_152 = tpu.memref_slice %arg5[%dma_wait3A, %dma_wait3A_150, %dma_wait3A_151] : memref<2x8x512xf32, #tpu.memory_space<vmem>> -> memref<1x8x512xf32, #tpu.memory_space<vmem>>
    %dma_wait3A_153 = tpu.memref_squeeze %dma_wait3A_152 : memref<1x8x512xf32, #tpu.memory_space<vmem>> -> memref<8x512xf32, #tpu.memory_space<vmem>>
    %dma_wait3A_154 = arith.constant 0 : i32
    %dma_wait3A_155 = tpu.memref_slice %arg2[%mul3A_39, %add3A_37, %dma_wait3A_154] : memref<16x512x512xf32, #tpu.memory_space<hbm>> -> memref<1x8x512xf32, #tpu.memory_space<hbm>>
    %dma_wait3A_156 = tpu.memref_squeeze %dma_wait3A_155 : memref<1x8x512xf32, #tpu.memory_space<hbm>> -> memref<8x512xf32, #tpu.memory_space<hbm>>
    tpu.wait_dma2 semaphore(%arg9 : memref<!tpu.dma_semaphore, #tpu.memory_space<semaphore_mem>>) src(%dma_wait3A_156 : memref<8x512xf32, #tpu.memory_space<hbm>>) dst(%dma_wait3A_153 : memref<8x512xf32, #tpu.memory_space<vmem>>)
    %dma_wait3A_157 = arith.constant 0 : i32
    %dma_wait3A_158 = arith.constant 0 : i32
    %dma_wait3A_159 = arith.constant 0 : i32
    %dma_wait3A_160 = tpu.memref_slice %arg6[%dma_wait3A_157, %dma_wait3A_158, %dma_wait3A_159] : memref<2x8x512xf32, #tpu.memory_space<vmem>> -> memref<1x8x512xf32, #tpu.memory_space<vmem>>
    %dma_wait3A_161 = tpu.memref_squeeze %dma_wait3A_160 : memref<1x8x512xf32, #tpu.memory_space<vmem>> -> memref<8x512xf32, #tpu.memory_space<vmem>>
    %dma_wait3A_162 = arith.constant 0 : i32
    %dma_wait3A_163 = tpu.memref_slice %arg2[%add3A_57, %add3A_37, %dma_wait3A_162] : memref<16x512x512xf32, #tpu.memory_space<hbm>> -> memref<1x8x512xf32, #tpu.memory_space<hbm>>
    %dma_wait3A_164 = tpu.memref_squeeze %dma_wait3A_163 : memref<1x8x512xf32, #tpu.memory_space<hbm>> -> memref<8x512xf32, #tpu.memory_space<hbm>>
    %dma_wait3A_165 = arith.constant 0 : i32
    %dma_wait3A_166 = arith.constant 0 : i32
    %dma_wait3A_167 = tpu.memref_slice %arg6[%dma_wait3A_157, %dma_wait3A_165, %dma_wait3A_166] : memref<2x8x512xf32, #tpu.memory_space<vmem>> -> memref<1x8x512xf32, #tpu.memory_space<vmem>>
    %dma_wait3A_168 = tpu.memref_squeeze %dma_wait3A_167 : memref<1x8x512xf32, #tpu.memory_space<vmem>> -> memref<8x512xf32, #tpu.memory_space<vmem>>
    %dma_wait3A_169 = arith.constant 0 : i32
    %dma_wait3A_170 = tpu.memref_slice %arg2[%add3A_57, %add3A_37, %dma_wait3A_169] : memref<16x512x512xf32, #tpu.memory_space<hbm>> -> memref<1x8x512xf32, #tpu.memory_space<hbm>>
    %dma_wait3A_171 = tpu.memref_squeeze %dma_wait3A_170 : memref<1x8x512xf32, #tpu.memory_space<hbm>> -> memref<8x512xf32, #tpu.memory_space<hbm>>
    tpu.wait_dma2 semaphore(%arg9 : memref<!tpu.dma_semaphore, #tpu.memory_space<semaphore_mem>>) src(%dma_wait3A_171 : memref<8x512xf32, #tpu.memory_space<hbm>>) dst(%dma_wait3A_168 : memref<8x512xf32, #tpu.memory_space<vmem>>)
    %dma_wait3A_172 = arith.constant 0 : i32
    %dma_wait3A_173 = arith.constant 0 : i32
    %dma_wait3A_174 = arith.constant 0 : i32
    %dma_wait3A_175 = tpu.memref_slice %arg7[%dma_wait3A_172, %dma_wait3A_173, %dma_wait3A_174] : memref<2x8x512xi32, #tpu.memory_space<vmem>> -> memref<1x8x512xi32, #tpu.memory_space<vmem>>
    %dma_wait3A_176 = tpu.memref_squeeze %dma_wait3A_175 : memref<1x8x512xi32, #tpu.memory_space<vmem>> -> memref<8x512xi32, #tpu.memory_space<vmem>>
    %dma_wait3A_177 = arith.constant 0 : i32
    %dma_wait3A_178 = tpu.memref_slice %arg3[%add3A_75, %dma_wait3A_177] : memref<4096x512xi32, #tpu.memory_space<hbm>> -> memref<8x512xi32, #tpu.memory_space<hbm>>
    %dma_wait3A_179 = arith.constant 0 : i32
    %dma_wait3A_180 = arith.constant 0 : i32
    %dma_wait3A_181 = tpu.memref_slice %arg7[%dma_wait3A_172, %dma_wait3A_179, %dma_wait3A_180] : memref<2x8x512xi32, #tpu.memory_space<vmem>> -> memref<1x8x512xi32, #tpu.memory_space<vmem>>
    %dma_wait3A_182 = tpu.memref_squeeze %dma_wait3A_181 : memref<1x8x512xi32, #tpu.memory_space<vmem>> -> memref<8x512xi32, #tpu.memory_space<vmem>>
    %dma_wait3A_183 = arith.constant 0 : i32
    %dma_wait3A_184 = tpu.memref_slice %arg3[%add3A_75, %dma_wait3A_183] : memref<4096x512xi32, #tpu.memory_space<hbm>> -> memref<8x512xi32, #tpu.memory_space<hbm>>
    tpu.wait_dma2 semaphore(%arg9 : memref<!tpu.dma_semaphore, #tpu.memory_space<semaphore_mem>>) src(%dma_wait3A_184 : memref<8x512xi32, #tpu.memory_space<hbm>>) dst(%dma_wait3A_182 : memref<8x512xi32, #tpu.memory_space<vmem>>)
    %scan3A = arith.constant 0.847297847 : f32
    %scan3A_185 = arith.constant 0 : i32
    %scan3A_186 = arith.constant 32 : i32
    %scan3A_187 = arith.addi %scan3A_185, %scan3A_186 : i32
    %scan3A_188 = arith.constant 1 : i32
    %scan3A_189:3 = scf.for %scan3A_570 = %scan3A_185 to %scan3A_187 step %scan3A_188 iter_args(%scan3A_571 = %broadcast_in_dim3A_35, %scan3A_572 = %broadcast_in_dim3A_35, %scan3A_573 = %broadcast_in_dim3A_35) -> (vector<16xf32>, vector<16xf32>, vector<16xf32>)  : i32 {
      %mul3A_574 = arith.constant 16 : i32
      %mul3A_575 = arith.muli %scan3A_570, %mul3A_574 : i32
      %get3A = arith.constant 0 : i32
      %get3A_576 = arith.constant 0 : i32
      %get3A_577 = arith.index_cast %get3A : i32 to index
      %get3A_578 = arith.index_cast %get3A_576 : i32 to index
      %get3A_579 = arith.index_cast %mul3A_575 : i32 to index
      %get3A_580 = tpu.vector_load %arg5[%get3A_577, %get3A_578, %get3A_579] {strides = array<i32>} : memref<2x8x512xf32, #tpu.memory_space<vmem>>, vector<1x1x16xf32>,
      %get3A_581 = vector.shape_cast %get3A_580 : vector<1x1x16xf32> to vector<16xf32>
      %get3A_582 = arith.constant 0 : i32
      %get3A_583 = arith.constant 0 : i32
      %get3A_584 = arith.index_cast %get3A_582 : i32 to index
      %get3A_585 = arith.index_cast %get3A_583 : i32 to index
      %get3A_586 = arith.index_cast %mul3A_575 : i32 to index
      %get3A_587 = tpu.vector_load %arg6[%get3A_584, %get3A_585, %get3A_586] {strides = array<i32>} : memref<2x8x512xf32, #tpu.memory_space<vmem>>, vector<1x1x16xf32>,
      %get3A_588 = vector.shape_cast %get3A_587 : vector<1x1x16xf32> to vector<16xf32>
      %get3A_589 = arith.constant 0 : i32
      %get3A_590 = arith.constant 0 : i32
      %get3A_591 = arith.index_cast %get3A_589 : i32 to index
      %get3A_592 = arith.index_cast %get3A_590 : i32 to index
      %get3A_593 = arith.index_cast %mul3A_575 : i32 to index
      %get3A_594 = tpu.vector_load %arg7[%get3A_591, %get3A_592, %get3A_593] {strides = array<i32>} : memref<2x8x512xi32, #tpu.memory_space<vmem>>, vector<1x1x16xi32>,
      %get3A_595 = vector.shape_cast %get3A_594 : vector<1x1x16xi32> to vector<16xi32>
      %convert_element_type3A = arith.sitofp %get3A_595 : vector<16xi32> to vector<16xf32>
      %sub3A_596 = arith.subf %get3A_588, %get3A_581 : vector<16xf32>
      %add3A_597 = arith.addf %convert_element_type3A, %convert_element_type3A : vector<16xf32>
      %sub3A_598 = arith.constant 1.000000e+00 : f32
      %sub3A_599 = vector.broadcast %sub3A_598 : f32 to vector<16xf32>
      %sub3A_600 = arith.subf %add3A_597, %sub3A_599 : vector<16xf32>
      %mul3A_601 = arith.mulf %sub3A_596, %sub3A_600 : vector<16xf32>
      %lt3A_602 = vector.broadcast %scan3A : f32 to vector<16xf32>
      %lt3A_603 = arith.cmpf olt, %mul3A_601, %lt3A_602 : vector<16xf32>
      %jit3A_604 = arith.constant 1.000000e+00 : f32
      %jit3A_605 = arith.constant 0.000000e+00 : f32
      %broadcast_in_dim3A_606 = vector.broadcast %jit3A_604 : f32 to vector<16xf32>
      %broadcast_in_dim3A_607 = vector.broadcast %jit3A_605 : f32 to vector<16xf32>
      %select_n3A_608 = arith.select %lt3A_603, %broadcast_in_dim3A_606, %broadcast_in_dim3A_607 : vector<16xi1>, vector<16xf32>
      %abs3A = math.absf %mul3A_601 : vector<16xf32>
      %neg3A = arith.constant 0.000000e+00 : f32
      %neg3A_609 = vector.broadcast %neg3A : f32 to vector<16xf32>
      %neg3A_610 = arith.subf %neg3A_609, %abs3A : vector<16xf32>
      %exp3A = math.exp %neg3A_610 : vector<16xf32>
      %mul3A_611 = arith.constant 0.0140268523 : f32
      %mul3A_612 = vector.broadcast %mul3A_611 : f32 to vector<16xf32>
      %mul3A_613 = arith.mulf %mul3A_612, %exp3A : vector<16xf32>
      %add3A_614 = arith.constant -0.0657701269 : f32
      %add3A_615 = vector.broadcast %add3A_614 : f32 to vector<16xf32>
      %add3A_616 = arith.addf %mul3A_613, %add3A_615 : vector<16xf32>
      %mul3A_617 = arith.mulf %add3A_616, %exp3A : vector<16xf32>
      %add3A_618 = arith.constant 0.148106769 : f32
      %add3A_619 = vector.broadcast %add3A_618 : f32 to vector<16xf32>
      %add3A_620 = arith.addf %mul3A_617, %add3A_619 : vector<16xf32>
      %mul3A_621 = arith.mulf %add3A_620, %exp3A : vector<16xf32>
      %add3A_622 = arith.constant -0.23417367 : f32
      %add3A_623 = vector.broadcast %add3A_622 : f32 to vector<16xf32>
      %add3A_624 = arith.addf %mul3A_621, %add3A_623 : vector<16xf32>
      %mul3A_625 = arith.mulf %add3A_624, %exp3A : vector<16xf32>
      %add3A_626 = arith.constant 0.330787897 : f32
      %add3A_627 = vector.broadcast %add3A_626 : f32 to vector<16xf32>
      %add3A_628 = arith.addf %mul3A_625, %add3A_627 : vector<16xf32>
      %mul3A_629 = arith.mulf %add3A_628, %exp3A : vector<16xf32>
      %add3A_630 = arith.constant -0.499825478 : f32
      %add3A_631 = vector.broadcast %add3A_630 : f32 to vector<16xf32>
      %add3A_632 = arith.addf %mul3A_629, %add3A_631 : vector<16xf32>
      %mul3A_633 = arith.mulf %add3A_632, %exp3A : vector<16xf32>
      %add3A_634 = arith.constant 0.999997079 : f32
      %add3A_635 = vector.broadcast %add3A_634 : f32 to vector<16xf32>
      %add3A_636 = arith.addf %mul3A_633, %add3A_635 : vector<16xf32>
      %mul3A_637 = arith.mulf %exp3A, %add3A_636 : vector<16xf32>
      %neg3A_638 = arith.constant 0.000000e+00 : f32
      %neg3A_639 = vector.broadcast %neg3A_638 : f32 to vector<16xf32>
      %neg3A_640 = arith.subf %neg3A_639, %mul3A_601 : vector<16xf32>
      %max3A = arith.constant 0.000000e+00 : f32
      %max3A_641 = vector.broadcast %max3A : f32 to vector<16xf32>
      %max3A_642 = arith.maximumf %neg3A_640, %max3A_641 : vector<16xf32>
      %add3A_643 = arith.addf %mul3A_637, %max3A_642 : vector<16xf32>
      %mul3A_644 = arith.mulf %add3A_643, %select_n3A_608 : vector<16xf32>
      %add3A_645 = arith.addf %scan3A_571, %select_n3A_608 : vector<16xf32>
      %add3A_646 = arith.addf %scan3A_572, %mul3A_644 : vector<16xf32>
      %mul3A_647 = arith.mulf %mul3A_644, %convert_element_type3A : vector<16xf32>
      %add3A_648 = arith.addf %scan3A_573, %mul3A_647 : vector<16xf32>
      %get3A_649 = arith.constant 0 : i32
      %get3A_650 = arith.constant 1 : i32
      %get3A_651 = arith.index_cast %get3A_649 : i32 to index
      %get3A_652 = arith.index_cast %get3A_650 : i32 to index
      %get3A_653 = arith.index_cast %mul3A_575 : i32 to index
      %get3A_654 = tpu.vector_load %arg5[%get3A_651, %get3A_652, %get3A_653] {strides = array<i32>} : memref<2x8x512xf32, #tpu.memory_space<vmem>>, vector<1x1x16xf32>,
      %get3A_655 = vector.shape_cast %get3A_654 : vector<1x1x16xf32> to vector<16xf32>
      %get3A_656 = arith.constant 0 : i32
      %get3A_657 = arith.constant 1 : i32
      %get3A_658 = arith.index_cast %get3A_656 : i32 to index
      %get3A_659 = arith.index_cast %get3A_657 : i32 to index
      %get3A_660 = arith.index_cast %mul3A_575 : i32 to index
      %get3A_661 = tpu.vector_load %arg6[%get3A_658, %get3A_659, %get3A_660] {strides = array<i32>} : memref<2x8x512xf32, #tpu.memory_space<vmem>>, vector<1x1x16xf32>,
      %get3A_662 = vector.shape_cast %get3A_661 : vector<1x1x16xf32> to vector<16xf32>
      %get3A_663 = arith.constant 0 : i32
      %get3A_664 = arith.constant 1 : i32
      %get3A_665 = arith.index_cast %get3A_663 : i32 to index
      %get3A_666 = arith.index_cast %get3A_664 : i32 to index
      %get3A_667 = arith.index_cast %mul3A_575 : i32 to index
      %get3A_668 = tpu.vector_load %arg7[%get3A_665, %get3A_666, %get3A_667] {strides = array<i32>} : memref<2x8x512xi32, #tpu.memory_space<vmem>>, vector<1x1x16xi32>,
      %get3A_669 = vector.shape_cast %get3A_668 : vector<1x1x16xi32> to vector<16xi32>
      %convert_element_type3A_670 = arith.sitofp %get3A_669 : vector<16xi32> to vector<16xf32>
      %sub3A_671 = arith.subf %get3A_662, %get3A_655 : vector<16xf32>
      %add3A_672 = arith.addf %convert_element_type3A_670, %convert_element_type3A_670 : vector<16xf32>
      %sub3A_673 = arith.constant 1.000000e+00 : f32
      %sub3A_674 = vector.broadcast %sub3A_673 : f32 to vector<16xf32>
      %sub3A_675 = arith.subf %add3A_672, %sub3A_674 : vector<16xf32>
      %mul3A_676 = arith.mulf %sub3A_671, %sub3A_675 : vector<16xf32>
      %lt3A_677 = vector.broadcast %scan3A : f32 to vector<16xf32>
      %lt3A_678 = arith.cmpf olt, %mul3A_676, %lt3A_677 : vector<16xf32>
      %jit3A_679 = arith.constant 1.000000e+00 : f32
      %jit3A_680 = arith.constant 0.000000e+00 : f32
      %broadcast_in_dim3A_681 = vector.broadcast %jit3A_679 : f32 to vector<16xf32>
      %broadcast_in_dim3A_682 = vector.broadcast %jit3A_680 : f32 to vector<16xf32>
      %select_n3A_683 = arith.select %lt3A_678, %broadcast_in_dim3A_681, %broadcast_in_dim3A_682 : vector<16xi1>, vector<16xf32>
      %abs3A_684 = math.absf %mul3A_676 : vector<16xf32>
      %neg3A_685 = arith.constant 0.000000e+00 : f32
      %neg3A_686 = vector.broadcast %neg3A_685 : f32 to vector<16xf32>
      %neg3A_687 = arith.subf %neg3A_686, %abs3A_684 : vector<16xf32>
      %exp3A_688 = math.exp %neg3A_687 : vector<16xf32>
      %mul3A_689 = arith.constant 0.0140268523 : f32
      %mul3A_690 = vector.broadcast %mul3A_689 : f32 to vector<16xf32>
      %mul3A_691 = arith.mulf %mul3A_690, %exp3A_688 : vector<16xf32>
      %add3A_692 = arith.constant -0.0657701269 : f32
      %add3A_693 = vector.broadcast %add3A_692 : f32 to vector<16xf32>
      %add3A_694 = arith.addf %mul3A_691, %add3A_693 : vector<16xf32>
      %mul3A_695 = arith.mulf %add3A_694, %exp3A_688 : vector<16xf32>
      %add3A_696 = arith.constant 0.148106769 : f32
      %add3A_697 = vector.broadcast %add3A_696 : f32 to vector<16xf32>
      %add3A_698 = arith.addf %mul3A_695, %add3A_697 : vector<16xf32>
      %mul3A_699 = arith.mulf %add3A_698, %exp3A_688 : vector<16xf32>
      %add3A_700 = arith.constant -0.23417367 : f32
      %add3A_701 = vector.broadcast %add3A_700 : f32 to vector<16xf32>
      %add3A_702 = arith.addf %mul3A_699, %add3A_701 : vector<16xf32>
      %mul3A_703 = arith.mulf %add3A_702, %exp3A_688 : vector<16xf32>
      %add3A_704 = arith.constant 0.330787897 : f32
      %add3A_705 = vector.broadcast %add3A_704 : f32 to vector<16xf32>
      %add3A_706 = arith.addf %mul3A_703, %add3A_705 : vector<16xf32>
      %mul3A_707 = arith.mulf %add3A_706, %exp3A_688 : vector<16xf32>
      %add3A_708 = arith.constant -0.499825478 : f32
      %add3A_709 = vector.broadcast %add3A_708 : f32 to vector<16xf32>
      %add3A_710 = arith.addf %mul3A_707, %add3A_709 : vector<16xf32>
      %mul3A_711 = arith.mulf %add3A_710, %exp3A_688 : vector<16xf32>
      %add3A_712 = arith.constant 0.999997079 : f32
      %add3A_713 = vector.broadcast %add3A_712 : f32 to vector<16xf32>
      %add3A_714 = arith.addf %mul3A_711, %add3A_713 : vector<16xf32>
      %mul3A_715 = arith.mulf %exp3A_688, %add3A_714 : vector<16xf32>
      %neg3A_716 = arith.constant 0.000000e+00 : f32
      %neg3A_717 = vector.broadcast %neg3A_716 : f32 to vector<16xf32>
      %neg3A_718 = arith.subf %neg3A_717, %mul3A_676 : vector<16xf32>
      %max3A_719 = arith.constant 0.000000e+00 : f32
      %max3A_720 = vector.broadcast %max3A_719 : f32 to vector<16xf32>
      %max3A_721 = arith.maximumf %neg3A_718, %max3A_720 : vector<16xf32>
      %add3A_722 = arith.addf %mul3A_715, %max3A_721 : vector<16xf32>
      %mul3A_723 = arith.mulf %add3A_722, %select_n3A_683 : vector<16xf32>
      %add3A_724 = arith.addf %add3A_645, %select_n3A_683 : vector<16xf32>
      %add3A_725 = arith.addf %add3A_646, %mul3A_723 : vector<16xf32>
      %mul3A_726 = arith.mulf %mul3A_723, %convert_element_type3A_670 : vector<16xf32>
      %add3A_727 = arith.addf %add3A_648, %mul3A_726 : vector<16xf32>
      %get3A_728 = arith.constant 0 : i32
      %get3A_729 = arith.constant 2 : i32
      %get3A_730 = arith.index_cast %get3A_728 : i32 to index
      %get3A_731 = arith.index_cast %get3A_729 : i32 to index
      %get3A_732 = arith.index_cast %mul3A_575 : i32 to index
      %get3A_733 = tpu.vector_load %arg5[%get3A_730, %get3A_731, %get3A_732] {strides = array<i32>} : memref<2x8x512xf32, #tpu.memory_space<vmem>>, vector<1x1x16xf32>,
      %get3A_734 = vector.shape_cast %get3A_733 : vector<1x1x16xf32> to vector<16xf32>
      %get3A_735 = arith.constant 0 : i32
      %get3A_736 = arith.constant 2 : i32
      %get3A_737 = arith.index_cast %get3A_735 : i32 to index
      %get3A_738 = arith.index_cast %get3A_736 : i32 to index
      %get3A_739 = arith.index_cast %mul3A_575 : i32 to index
      %get3A_740 = tpu.vector_load %arg6[%get3A_737, %get3A_738, %get3A_739] {strides = array<i32>} : memref<2x8x512xf32, #tpu.memory_space<vmem>>, vector<1x1x16xf32>,
      %get3A_741 = vector.shape_cast %get3A_740 : vector<1x1x16xf32> to vector<16xf32>
      %get3A_742 = arith.constant 0 : i32
      %get3A_743 = arith.constant 2 : i32
      %get3A_744 = arith.index_cast %get3A_742 : i32 to index
      %get3A_745 = arith.index_cast %get3A_743 : i32 to index
      %get3A_746 = arith.index_cast %mul3A_575 : i32 to index
      %get3A_747 = tpu.vector_load %arg7[%get3A_744, %get3A_745, %get3A_746] {strides = array<i32>} : memref<2x8x512xi32, #tpu.memory_space<vmem>>, vector<1x1x16xi32>,
      %get3A_748 = vector.shape_cast %get3A_747 : vector<1x1x16xi32> to vector<16xi32>
      %convert_element_type3A_749 = arith.sitofp %get3A_748 : vector<16xi32> to vector<16xf32>
      %sub3A_750 = arith.subf %get3A_741, %get3A_734 : vector<16xf32>
      %add3A_751 = arith.addf %convert_element_type3A_749, %convert_element_type3A_749 : vector<16xf32>
      %sub3A_752 = arith.constant 1.000000e+00 : f32
      %sub3A_753 = vector.broadcast %sub3A_752 : f32 to vector<16xf32>
      %sub3A_754 = arith.subf %add3A_751, %sub3A_753 : vector<16xf32>
      %mul3A_755 = arith.mulf %sub3A_750, %sub3A_754 : vector<16xf32>
      %lt3A_756 = vector.broadcast %scan3A : f32 to vector<16xf32>
      %lt3A_757 = arith.cmpf olt, %mul3A_755, %lt3A_756 : vector<16xf32>
      %jit3A_758 = arith.constant 1.000000e+00 : f32
      %jit3A_759 = arith.constant 0.000000e+00 : f32
      %broadcast_in_dim3A_760 = vector.broadcast %jit3A_758 : f32 to vector<16xf32>
      %broadcast_in_dim3A_761 = vector.broadcast %jit3A_759 : f32 to vector<16xf32>
      %select_n3A_762 = arith.select %lt3A_757, %broadcast_in_dim3A_760, %broadcast_in_dim3A_761 : vector<16xi1>, vector<16xf32>
      %abs3A_763 = math.absf %mul3A_755 : vector<16xf32>
      %neg3A_764 = arith.constant 0.000000e+00 : f32
      %neg3A_765 = vector.broadcast %neg3A_764 : f32 to vector<16xf32>
      %neg3A_766 = arith.subf %neg3A_765, %abs3A_763 : vector<16xf32>
      %exp3A_767 = math.exp %neg3A_766 : vector<16xf32>
      %mul3A_768 = arith.constant 0.0140268523 : f32
      %mul3A_769 = vector.broadcast %mul3A_768 : f32 to vector<16xf32>
      %mul3A_770 = arith.mulf %mul3A_769, %exp3A_767 : vector<16xf32>
      %add3A_771 = arith.constant -0.0657701269 : f32
      %add3A_772 = vector.broadcast %add3A_771 : f32 to vector<16xf32>
      %add3A_773 = arith.addf %mul3A_770, %add3A_772 : vector<16xf32>
      %mul3A_774 = arith.mulf %add3A_773, %exp3A_767 : vector<16xf32>
      %add3A_775 = arith.constant 0.148106769 : f32
      %add3A_776 = vector.broadcast %add3A_775 : f32 to vector<16xf32>
      %add3A_777 = arith.addf %mul3A_774, %add3A_776 : vector<16xf32>
      %mul3A_778 = arith.mulf %add3A_777, %exp3A_767 : vector<16xf32>
      %add3A_779 = arith.constant -0.23417367 : f32
      %add3A_780 = vector.broadcast %add3A_779 : f32 to vector<16xf32>
      %add3A_781 = arith.addf %mul3A_778, %add3A_780 : vector<16xf32>
      %mul3A_782 = arith.mulf %add3A_781, %exp3A_767 : vector<16xf32>
      %add3A_783 = arith.constant 0.330787897 : f32
      %add3A_784 = vector.broadcast %add3A_783 : f32 to vector<16xf32>
      %add3A_785 = arith.addf %mul3A_782, %add3A_784 : vector<16xf32>
      %mul3A_786 = arith.mulf %add3A_785, %exp3A_767 : vector<16xf32>
      %add3A_787 = arith.constant -0.499825478 : f32
      %add3A_788 = vector.broadcast %add3A_787 : f32 to vector<16xf32>
      %add3A_789 = arith.addf %mul3A_786, %add3A_788 : vector<16xf32>
      %mul3A_790 = arith.mulf %add3A_789, %exp3A_767 : vector<16xf32>
      %add3A_791 = arith.constant 0.999997079 : f32
      %add3A_792 = vector.broadcast %add3A_791 : f32 to vector<16xf32>
      %add3A_793 = arith.addf %mul3A_790, %add3A_792 : vector<16xf32>
      %mul3A_794 = arith.mulf %exp3A_767, %add3A_793 : vector<16xf32>
      %neg3A_795 = arith.constant 0.000000e+00 : f32
      %neg3A_796 = vector.broadcast %neg3A_795 : f32 to vector<16xf32>
      %neg3A_797 = arith.subf %neg3A_796, %mul3A_755 : vector<16xf32>
      %max3A_798 = arith.constant 0.000000e+00 : f32
      %max3A_799 = vector.broadcast %max3A_798 : f32 to vector<16xf32>
      %max3A_800 = arith.maximumf %neg3A_797, %max3A_799 : vector<16xf32>
      %add3A_801 = arith.addf %mul3A_794, %max3A_800 : vector<16xf32>
      %mul3A_802 = arith.mulf %add3A_801, %select_n3A_762 : vector<16xf32>
      %add3A_803 = arith.addf %add3A_724, %select_n3A_762 : vector<16xf32>
      %add3A_804 = arith.addf %add3A_725, %mul3A_802 : vector<16xf32>
      %mul3A_805 = arith.mulf %mul3A_802, %convert_element_type3A_749 : vector<16xf32>
      %add3A_806 = arith.addf %add3A_727, %mul3A_805 : vector<16xf32>
      %get3A_807 = arith.constant 0 : i32
      %get3A_808 = arith.constant 3 : i32
      %get3A_809 = arith.index_cast %get3A_807 : i32 to index
      %get3A_810 = arith.index_cast %get3A_808 : i32 to index
      %get3A_811 = arith.index_cast %mul3A_575 : i32 to index
      %get3A_812 = tpu.vector_load %arg5[%get3A_809, %get3A_810, %get3A_811] {strides = array<i32>} : memref<2x8x512xf32, #tpu.memory_space<vmem>>, vector<1x1x16xf32>,
      %get3A_813 = vector.shape_cast %get3A_812 : vector<1x1x16xf32> to vector<16xf32>
      %get3A_814 = arith.constant 0 : i32
      %get3A_815 = arith.constant 3 : i32
      %get3A_816 = arith.index_cast %get3A_814 : i32 to index
      %get3A_817 = arith.index_cast %get3A_815 : i32 to index
      %get3A_818 = arith.index_cast %mul3A_575 : i32 to index
      %get3A_819 = tpu.vector_load %arg6[%get3A_816, %get3A_817, %get3A_818] {strides = array<i32>} : memref<2x8x512xf32, #tpu.memory_space<vmem>>, vector<1x1x16xf32>,
      %get3A_820 = vector.shape_cast %get3A_819 : vector<1x1x16xf32> to vector<16xf32>
      %get3A_821 = arith.constant 0 : i32
      %get3A_822 = arith.constant 3 : i32
      %get3A_823 = arith.index_cast %get3A_821 : i32 to index
      %get3A_824 = arith.index_cast %get3A_822 : i32 to index
      %get3A_825 = arith.index_cast %mul3A_575 : i32 to index
      %get3A_826 = tpu.vector_load %arg7[%get3A_823, %get3A_824, %get3A_825] {strides = array<i32>} : memref<2x8x512xi32, #tpu.memory_space<vmem>>, vector<1x1x16xi32>,
      %get3A_827 = vector.shape_cast %get3A_826 : vector<1x1x16xi32> to vector<16xi32>
      %convert_element_type3A_828 = arith.sitofp %get3A_827 : vector<16xi32> to vector<16xf32>
      %sub3A_829 = arith.subf %get3A_820, %get3A_813 : vector<16xf32>
      %add3A_830 = arith.addf %convert_element_type3A_828, %convert_element_type3A_828 : vector<16xf32>
      %sub3A_831 = arith.constant 1.000000e+00 : f32
      %sub3A_832 = vector.broadcast %sub3A_831 : f32 to vector<16xf32>
      %sub3A_833 = arith.subf %add3A_830, %sub3A_832 : vector<16xf32>
      %mul3A_834 = arith.mulf %sub3A_829, %sub3A_833 : vector<16xf32>
      %lt3A_835 = vector.broadcast %scan3A : f32 to vector<16xf32>
      %lt3A_836 = arith.cmpf olt, %mul3A_834, %lt3A_835 : vector<16xf32>
      %jit3A_837 = arith.constant 1.000000e+00 : f32
      %jit3A_838 = arith.constant 0.000000e+00 : f32
      %broadcast_in_dim3A_839 = vector.broadcast %jit3A_837 : f32 to vector<16xf32>
      %broadcast_in_dim3A_840 = vector.broadcast %jit3A_838 : f32 to vector<16xf32>
      %select_n3A_841 = arith.select %lt3A_836, %broadcast_in_dim3A_839, %broadcast_in_dim3A_840 : vector<16xi1>, vector<16xf32>
      %abs3A_842 = math.absf %mul3A_834 : vector<16xf32>
      %neg3A_843 = arith.constant 0.000000e+00 : f32
      %neg3A_844 = vector.broadcast %neg3A_843 : f32 to vector<16xf32>
      %neg3A_845 = arith.subf %neg3A_844, %abs3A_842 : vector<16xf32>
      %exp3A_846 = math.exp %neg3A_845 : vector<16xf32>
      %mul3A_847 = arith.constant 0.0140268523 : f32
      %mul3A_848 = vector.broadcast %mul3A_847 : f32 to vector<16xf32>
      %mul3A_849 = arith.mulf %mul3A_848, %exp3A_846 : vector<16xf32>
      %add3A_850 = arith.constant -0.0657701269 : f32
      %add3A_851 = vector.broadcast %add3A_850 : f32 to vector<16xf32>
      %add3A_852 = arith.addf %mul3A_849, %add3A_851 : vector<16xf32>
      %mul3A_853 = arith.mulf %add3A_852, %exp3A_846 : vector<16xf32>
      %add3A_854 = arith.constant 0.148106769 : f32
      %add3A_855 = vector.broadcast %add3A_854 : f32 to vector<16xf32>
      %add3A_856 = arith.addf %mul3A_853, %add3A_855 : vector<16xf32>
      %mul3A_857 = arith.mulf %add3A_856, %exp3A_846 : vector<16xf32>
      %add3A_858 = arith.constant -0.23417367 : f32
      %add3A_859 = vector.broadcast %add3A_858 : f32 to vector<16xf32>
      %add3A_860 = arith.addf %mul3A_857, %add3A_859 : vector<16xf32>
      %mul3A_861 = arith.mulf %add3A_860, %exp3A_846 : vector<16xf32>
      %add3A_862 = arith.constant 0.330787897 : f32
      %add3A_863 = vector.broadcast %add3A_862 : f32 to vector<16xf32>
      %add3A_864 = arith.addf %mul3A_861, %add3A_863 : vector<16xf32>
      %mul3A_865 = arith.mulf %add3A_864, %exp3A_846 : vector<16xf32>
      %add3A_866 = arith.constant -0.499825478 : f32
      %add3A_867 = vector.broadcast %add3A_866 : f32 to vector<16xf32>
      %add3A_868 = arith.addf %mul3A_865, %add3A_867 : vector<16xf32>
      %mul3A_869 = arith.mulf %add3A_868, %exp3A_846 : vector<16xf32>
      %add3A_870 = arith.constant 0.999997079 : f32
      %add3A_871 = vector.broadcast %add3A_870 : f32 to vector<16xf32>
      %add3A_872 = arith.addf %mul3A_869, %add3A_871 : vector<16xf32>
      %mul3A_873 = arith.mulf %exp3A_846, %add3A_872 : vector<16xf32>
      %neg3A_874 = arith.constant 0.000000e+00 : f32
      %neg3A_875 = vector.broadcast %neg3A_874 : f32 to vector<16xf32>
      %neg3A_876 = arith.subf %neg3A_875, %mul3A_834 : vector<16xf32>
      %max3A_877 = arith.constant 0.000000e+00 : f32
      %max3A_878 = vector.broadcast %max3A_877 : f32 to vector<16xf32>
      %max3A_879 = arith.maximumf %neg3A_876, %max3A_878 : vector<16xf32>
      %add3A_880 = arith.addf %mul3A_873, %max3A_879 : vector<16xf32>
      %mul3A_881 = arith.mulf %add3A_880, %select_n3A_841 : vector<16xf32>
      %add3A_882 = arith.addf %add3A_803, %select_n3A_841 : vector<16xf32>
      %add3A_883 = arith.addf %add3A_804, %mul3A_881 : vector<16xf32>
      %mul3A_884 = arith.mulf %mul3A_881, %convert_element_type3A_828 : vector<16xf32>
      %add3A_885 = arith.addf %add3A_806, %mul3A_884 : vector<16xf32>
      %get3A_886 = arith.constant 0 : i32
      %get3A_887 = arith.constant 4 : i32
      %get3A_888 = arith.index_cast %get3A_886 : i32 to index
      %get3A_889 = arith.index_cast %get3A_887 : i32 to index
      %get3A_890 = arith.index_cast %mul3A_575 : i32 to index
      %get3A_891 = tpu.vector_load %arg5[%get3A_888, %get3A_889, %get3A_890] {strides = array<i32>} : memref<2x8x512xf32, #tpu.memory_space<vmem>>, vector<1x1x16xf32>,
      %get3A_892 = vector.shape_cast %get3A_891 : vector<1x1x16xf32> to vector<16xf32>
      %get3A_893 = arith.constant 0 : i32
      %get3A_894 = arith.constant 4 : i32
      %get3A_895 = arith.index_cast %get3A_893 : i32 to index
      %get3A_896 = arith.index_cast %get3A_894 : i32 to index
      %get3A_897 = arith.index_cast %mul3A_575 : i32 to index
      %get3A_898 = tpu.vector_load %arg6[%get3A_895, %get3A_896, %get3A_897] {strides = array<i32>} : memref<2x8x512xf32, #tpu.memory_space<vmem>>, vector<1x1x16xf32>,
      %get3A_899 = vector.shape_cast %get3A_898 : vector<1x1x16xf32> to vector<16xf32>
      %get3A_900 = arith.constant 0 : i32
      %get3A_901 = arith.constant 4 : i32
      %get3A_902 = arith.index_cast %get3A_900 : i32 to index
      %get3A_903 = arith.index_cast %get3A_901 : i32 to index
      %get3A_904 = arith.index_cast %mul3A_575 : i32 to index
      %get3A_905 = tpu.vector_load %arg7[%get3A_902, %get3A_903, %get3A_904] {strides = array<i32>} : memref<2x8x512xi32, #tpu.memory_space<vmem>>, vector<1x1x16xi32>,
      %get3A_906 = vector.shape_cast %get3A_905 : vector<1x1x16xi32> to vector<16xi32>
      %convert_element_type3A_907 = arith.sitofp %get3A_906 : vector<16xi32> to vector<16xf32>
      %sub3A_908 = arith.subf %get3A_899, %get3A_892 : vector<16xf32>
      %add3A_909 = arith.addf %convert_element_type3A_907, %convert_element_type3A_907 : vector<16xf32>
      %sub3A_910 = arith.constant 1.000000e+00 : f32
      %sub3A_911 = vector.broadcast %sub3A_910 : f32 to vector<16xf32>
      %sub3A_912 = arith.subf %add3A_909, %sub3A_911 : vector<16xf32>
      %mul3A_913 = arith.mulf %sub3A_908, %sub3A_912 : vector<16xf32>
      %lt3A_914 = vector.broadcast %scan3A : f32 to vector<16xf32>
      %lt3A_915 = arith.cmpf olt, %mul3A_913, %lt3A_914 : vector<16xf32>
      %jit3A_916 = arith.constant 1.000000e+00 : f32
      %jit3A_917 = arith.constant 0.000000e+00 : f32
      %broadcast_in_dim3A_918 = vector.broadcast %jit3A_916 : f32 to vector<16xf32>
      %broadcast_in_dim3A_919 = vector.broadcast %jit3A_917 : f32 to vector<16xf32>
      %select_n3A_920 = arith.select %lt3A_915, %broadcast_in_dim3A_918, %broadcast_in_dim3A_919 : vector<16xi1>, vector<16xf32>
      %abs3A_921 = math.absf %mul3A_913 : vector<16xf32>
      %neg3A_922 = arith.constant 0.000000e+00 : f32
      %neg3A_923 = vector.broadcast %neg3A_922 : f32 to vector<16xf32>
      %neg3A_924 = arith.subf %neg3A_923, %abs3A_921 : vector<16xf32>
      %exp3A_925 = math.exp %neg3A_924 : vector<16xf32>
      %mul3A_926 = arith.constant 0.0140268523 : f32
      %mul3A_927 = vector.broadcast %mul3A_926 : f32 to vector<16xf32>
      %mul3A_928 = arith.mulf %mul3A_927, %exp3A_925 : vector<16xf32>
      %add3A_929 = arith.constant -0.0657701269 : f32
      %add3A_930 = vector.broadcast %add3A_929 : f32 to vector<16xf32>
      %add3A_931 = arith.addf %mul3A_928, %add3A_930 : vector<16xf32>
      %mul3A_932 = arith.mulf %add3A_931, %exp3A_925 : vector<16xf32>
      %add3A_933 = arith.constant 0.148106769 : f32
      %add3A_934 = vector.broadcast %add3A_933 : f32 to vector<16xf32>
      %add3A_935 = arith.addf %mul3A_932, %add3A_934 : vector<16xf32>
      %mul3A_936 = arith.mulf %add3A_935, %exp3A_925 : vector<16xf32>
      %add3A_937 = arith.constant -0.23417367 : f32
      %add3A_938 = vector.broadcast %add3A_937 : f32 to vector<16xf32>
      %add3A_939 = arith.addf %mul3A_936, %add3A_938 : vector<16xf32>
      %mul3A_940 = arith.mulf %add3A_939, %exp3A_925 : vector<16xf32>
      %add3A_941 = arith.constant 0.330787897 : f32
      %add3A_942 = vector.broadcast %add3A_941 : f32 to vector<16xf32>
      %add3A_943 = arith.addf %mul3A_940, %add3A_942 : vector<16xf32>
      %mul3A_944 = arith.mulf %add3A_943, %exp3A_925 : vector<16xf32>
      %add3A_945 = arith.constant -0.499825478 : f32
      %add3A_946 = vector.broadcast %add3A_945 : f32 to vector<16xf32>
      %add3A_947 = arith.addf %mul3A_944, %add3A_946 : vector<16xf32>
      %mul3A_948 = arith.mulf %add3A_947, %exp3A_925 : vector<16xf32>
      %add3A_949 = arith.constant 0.999997079 : f32
      %add3A_950 = vector.broadcast %add3A_949 : f32 to vector<16xf32>
      %add3A_951 = arith.addf %mul3A_948, %add3A_950 : vector<16xf32>
      %mul3A_952 = arith.mulf %exp3A_925, %add3A_951 : vector<16xf32>
      %neg3A_953 = arith.constant 0.000000e+00 : f32
      %neg3A_954 = vector.broadcast %neg3A_953 : f32 to vector<16xf32>
      %neg3A_955 = arith.subf %neg3A_954, %mul3A_913 : vector<16xf32>
      %max3A_956 = arith.constant 0.000000e+00 : f32
      %max3A_957 = vector.broadcast %max3A_956 : f32 to vector<16xf32>
      %max3A_958 = arith.maximumf %neg3A_955, %max3A_957 : vector<16xf32>
      %add3A_959 = arith.addf %mul3A_952, %max3A_958 : vector<16xf32>
      %mul3A_960 = arith.mulf %add3A_959, %select_n3A_920 : vector<16xf32>
      %add3A_961 = arith.addf %add3A_882, %select_n3A_920 : vector<16xf32>
      %add3A_962 = arith.addf %add3A_883, %mul3A_960 : vector<16xf32>
      %mul3A_963 = arith.mulf %mul3A_960, %convert_element_type3A_907 : vector<16xf32>
      %add3A_964 = arith.addf %add3A_885, %mul3A_963 : vector<16xf32>
      %get3A_965 = arith.constant 0 : i32
      %get3A_966 = arith.constant 5 : i32
      %get3A_967 = arith.index_cast %get3A_965 : i32 to index
      %get3A_968 = arith.index_cast %get3A_966 : i32 to index
      %get3A_969 = arith.index_cast %mul3A_575 : i32 to index
      %get3A_970 = tpu.vector_load %arg5[%get3A_967, %get3A_968, %get3A_969] {strides = array<i32>} : memref<2x8x512xf32, #tpu.memory_space<vmem>>, vector<1x1x16xf32>,
      %get3A_971 = vector.shape_cast %get3A_970 : vector<1x1x16xf32> to vector<16xf32>
      %get3A_972 = arith.constant 0 : i32
      %get3A_973 = arith.constant 5 : i32
      %get3A_974 = arith.index_cast %get3A_972 : i32 to index
      %get3A_975 = arith.index_cast %get3A_973 : i32 to index
      %get3A_976 = arith.index_cast %mul3A_575 : i32 to index
      %get3A_977 = tpu.vector_load %arg6[%get3A_974, %get3A_975, %get3A_976] {strides = array<i32>} : memref<2x8x512xf32, #tpu.memory_space<vmem>>, vector<1x1x16xf32>,
      %get3A_978 = vector.shape_cast %get3A_977 : vector<1x1x16xf32> to vector<16xf32>
      %get3A_979 = arith.constant 0 : i32
      %get3A_980 = arith.constant 5 : i32
      %get3A_981 = arith.index_cast %get3A_979 : i32 to index
      %get3A_982 = arith.index_cast %get3A_980 : i32 to index
      %get3A_983 = arith.index_cast %mul3A_575 : i32 to index
      %get3A_984 = tpu.vector_load %arg7[%get3A_981, %get3A_982, %get3A_983] {strides = array<i32>} : memref<2x8x512xi32, #tpu.memory_space<vmem>>, vector<1x1x16xi32>,
      %get3A_985 = vector.shape_cast %get3A_984 : vector<1x1x16xi32> to vector<16xi32>
      %convert_element_type3A_986 = arith.sitofp %get3A_985 : vector<16xi32> to vector<16xf32>
      %sub3A_987 = arith.subf %get3A_978, %get3A_971 : vector<16xf32>
      %add3A_988 = arith.addf %convert_element_type3A_986, %convert_element_type3A_986 : vector<16xf32>
      %sub3A_989 = arith.constant 1.000000e+00 : f32
      %sub3A_990 = vector.broadcast %sub3A_989 : f32 to vector<16xf32>
      %sub3A_991 = arith.subf %add3A_988, %sub3A_990 : vector<16xf32>
      %mul3A_992 = arith.mulf %sub3A_987, %sub3A_991 : vector<16xf32>
      %lt3A_993 = vector.broadcast %scan3A : f32 to vector<16xf32>
      %lt3A_994 = arith.cmpf olt, %mul3A_992, %lt3A_993 : vector<16xf32>
      %jit3A_995 = arith.constant 1.000000e+00 : f32
      %jit3A_996 = arith.constant 0.000000e+00 : f32
      %broadcast_in_dim3A_997 = vector.broadcast %jit3A_995 : f32 to vector<16xf32>
      %broadcast_in_dim3A_998 = vector.broadcast %jit3A_996 : f32 to vector<16xf32>
      %select_n3A_999 = arith.select %lt3A_994, %broadcast_in_dim3A_997, %broadcast_in_dim3A_998 : vector<16xi1>, vector<16xf32>
      %abs3A_1000 = math.absf %mul3A_992 : vector<16xf32>
      %neg3A_1001 = arith.constant 0.000000e+00 : f32
      %neg3A_1002 = vector.broadcast %neg3A_1001 : f32 to vector<16xf32>
      %neg3A_1003 = arith.subf %neg3A_1002, %abs3A_1000 : vector<16xf32>
      %exp3A_1004 = math.exp %neg3A_1003 : vector<16xf32>
      %mul3A_1005 = arith.constant 0.0140268523 : f32
      %mul3A_1006 = vector.broadcast %mul3A_1005 : f32 to vector<16xf32>
      %mul3A_1007 = arith.mulf %mul3A_1006, %exp3A_1004 : vector<16xf32>
      %add3A_1008 = arith.constant -0.0657701269 : f32
      %add3A_1009 = vector.broadcast %add3A_1008 : f32 to vector<16xf32>
      %add3A_1010 = arith.addf %mul3A_1007, %add3A_1009 : vector<16xf32>
      %mul3A_1011 = arith.mulf %add3A_1010, %exp3A_1004 : vector<16xf32>
      %add3A_1012 = arith.constant 0.148106769 : f32
      %add3A_1013 = vector.broadcast %add3A_1012 : f32 to vector<16xf32>
      %add3A_1014 = arith.addf %mul3A_1011, %add3A_1013 : vector<16xf32>
      %mul3A_1015 = arith.mulf %add3A_1014, %exp3A_1004 : vector<16xf32>
      %add3A_1016 = arith.constant -0.23417367 : f32
      %add3A_1017 = vector.broadcast %add3A_1016 : f32 to vector<16xf32>
      %add3A_1018 = arith.addf %mul3A_1015, %add3A_1017 : vector<16xf32>
      %mul3A_1019 = arith.mulf %add3A_1018, %exp3A_1004 : vector<16xf32>
      %add3A_1020 = arith.constant 0.330787897 : f32
      %add3A_1021 = vector.broadcast %add3A_1020 : f32 to vector<16xf32>
      %add3A_1022 = arith.addf %mul3A_1019, %add3A_1021 : vector<16xf32>
      %mul3A_1023 = arith.mulf %add3A_1022, %exp3A_1004 : vector<16xf32>
      %add3A_1024 = arith.constant -0.499825478 : f32
      %add3A_1025 = vector.broadcast %add3A_1024 : f32 to vector<16xf32>
      %add3A_1026 = arith.addf %mul3A_1023, %add3A_1025 : vector<16xf32>
      %mul3A_1027 = arith.mulf %add3A_1026, %exp3A_1004 : vector<16xf32>
      %add3A_1028 = arith.constant 0.999997079 : f32
      %add3A_1029 = vector.broadcast %add3A_1028 : f32 to vector<16xf32>
      %add3A_1030 = arith.addf %mul3A_1027, %add3A_1029 : vector<16xf32>
      %mul3A_1031 = arith.mulf %exp3A_1004, %add3A_1030 : vector<16xf32>
      %neg3A_1032 = arith.constant 0.000000e+00 : f32
      %neg3A_1033 = vector.broadcast %neg3A_1032 : f32 to vector<16xf32>
      %neg3A_1034 = arith.subf %neg3A_1033, %mul3A_992 : vector<16xf32>
      %max3A_1035 = arith.constant 0.000000e+00 : f32
      %max3A_1036 = vector.broadcast %max3A_1035 : f32 to vector<16xf32>
      %max3A_1037 = arith.maximumf %neg3A_1034, %max3A_1036 : vector<16xf32>
      %add3A_1038 = arith.addf %mul3A_1031, %max3A_1037 : vector<16xf32>
      %mul3A_1039 = arith.mulf %add3A_1038, %select_n3A_999 : vector<16xf32>
      %add3A_1040 = arith.addf %add3A_961, %select_n3A_999 : vector<16xf32>
      %add3A_1041 = arith.addf %add3A_962, %mul3A_1039 : vector<16xf32>
      %mul3A_1042 = arith.mulf %mul3A_1039, %convert_element_type3A_986 : vector<16xf32>
      %add3A_1043 = arith.addf %add3A_964, %mul3A_1042 : vector<16xf32>
      %get3A_1044 = arith.constant 0 : i32
      %get3A_1045 = arith.constant 6 : i32
      %get3A_1046 = arith.index_cast %get3A_1044 : i32 to index
      %get3A_1047 = arith.index_cast %get3A_1045 : i32 to index
      %get3A_1048 = arith.index_cast %mul3A_575 : i32 to index
      %get3A_1049 = tpu.vector_load %arg5[%get3A_1046, %get3A_1047, %get3A_1048] {strides = array<i32>} : memref<2x8x512xf32, #tpu.memory_space<vmem>>, vector<1x1x16xf32>,
      %get3A_1050 = vector.shape_cast %get3A_1049 : vector<1x1x16xf32> to vector<16xf32>
      %get3A_1051 = arith.constant 0 : i32
      %get3A_1052 = arith.constant 6 : i32
      %get3A_1053 = arith.index_cast %get3A_1051 : i32 to index
      %get3A_1054 = arith.index_cast %get3A_1052 : i32 to index
      %get3A_1055 = arith.index_cast %mul3A_575 : i32 to index
      %get3A_1056 = tpu.vector_load %arg6[%get3A_1053, %get3A_1054, %get3A_1055] {strides = array<i32>} : memref<2x8x512xf32, #tpu.memory_space<vmem>>, vector<1x1x16xf32>,
      %get3A_1057 = vector.shape_cast %get3A_1056 : vector<1x1x16xf32> to vector<16xf32>
      %get3A_1058 = arith.constant 0 : i32
      %get3A_1059 = arith.constant 6 : i32
      %get3A_1060 = arith.index_cast %get3A_1058 : i32 to index
      %get3A_1061 = arith.index_cast %get3A_1059 : i32 to index
      %get3A_1062 = arith.index_cast %mul3A_575 : i32 to index
      %get3A_1063 = tpu.vector_load %arg7[%get3A_1060, %get3A_1061, %get3A_1062] {strides = array<i32>} : memref<2x8x512xi32, #tpu.memory_space<vmem>>, vector<1x1x16xi32>,
      %get3A_1064 = vector.shape_cast %get3A_1063 : vector<1x1x16xi32> to vector<16xi32>
      %convert_element_type3A_1065 = arith.sitofp %get3A_1064 : vector<16xi32> to vector<16xf32>
      %sub3A_1066 = arith.subf %get3A_1057, %get3A_1050 : vector<16xf32>
      %add3A_1067 = arith.addf %convert_element_type3A_1065, %convert_element_type3A_1065 : vector<16xf32>
      %sub3A_1068 = arith.constant 1.000000e+00 : f32
      %sub3A_1069 = vector.broadcast %sub3A_1068 : f32 to vector<16xf32>
      %sub3A_1070 = arith.subf %add3A_1067, %sub3A_1069 : vector<16xf32>
      %mul3A_1071 = arith.mulf %sub3A_1066, %sub3A_1070 : vector<16xf32>
      %lt3A_1072 = vector.broadcast %scan3A : f32 to vector<16xf32>
      %lt3A_1073 = arith.cmpf olt, %mul3A_1071, %lt3A_1072 : vector<16xf32>
      %jit3A_1074 = arith.constant 1.000000e+00 : f32
      %jit3A_1075 = arith.constant 0.000000e+00 : f32
      %broadcast_in_dim3A_1076 = vector.broadcast %jit3A_1074 : f32 to vector<16xf32>
      %broadcast_in_dim3A_1077 = vector.broadcast %jit3A_1075 : f32 to vector<16xf32>
      %select_n3A_1078 = arith.select %lt3A_1073, %broadcast_in_dim3A_1076, %broadcast_in_dim3A_1077 : vector<16xi1>, vector<16xf32>
      %abs3A_1079 = math.absf %mul3A_1071 : vector<16xf32>
      %neg3A_1080 = arith.constant 0.000000e+00 : f32
      %neg3A_1081 = vector.broadcast %neg3A_1080 : f32 to vector<16xf32>
      %neg3A_1082 = arith.subf %neg3A_1081, %abs3A_1079 : vector<16xf32>
      %exp3A_1083 = math.exp %neg3A_1082 : vector<16xf32>
      %mul3A_1084 = arith.constant 0.0140268523 : f32
      %mul3A_1085 = vector.broadcast %mul3A_1084 : f32 to vector<16xf32>
      %mul3A_1086 = arith.mulf %mul3A_1085, %exp3A_1083 : vector<16xf32>
      %add3A_1087 = arith.constant -0.0657701269 : f32
      %add3A_1088 = vector.broadcast %add3A_1087 : f32 to vector<16xf32>
      %add3A_1089 = arith.addf %mul3A_1086, %add3A_1088 : vector<16xf32>
      %mul3A_1090 = arith.mulf %add3A_1089, %exp3A_1083 : vector<16xf32>
      %add3A_1091 = arith.constant 0.148106769 : f32
      %add3A_1092 = vector.broadcast %add3A_1091 : f32 to vector<16xf32>
      %add3A_1093 = arith.addf %mul3A_1090, %add3A_1092 : vector<16xf32>
      %mul3A_1094 = arith.mulf %add3A_1093, %exp3A_1083 : vector<16xf32>
      %add3A_1095 = arith.constant -0.23417367 : f32
      %add3A_1096 = vector.broadcast %add3A_1095 : f32 to vector<16xf32>
      %add3A_1097 = arith.addf %mul3A_1094, %add3A_1096 : vector<16xf32>
      %mul3A_1098 = arith.mulf %add3A_1097, %exp3A_1083 : vector<16xf32>
      %add3A_1099 = arith.constant 0.330787897 : f32
      %add3A_1100 = vector.broadcast %add3A_1099 : f32 to vector<16xf32>
      %add3A_1101 = arith.addf %mul3A_1098, %add3A_1100 : vector<16xf32>
      %mul3A_1102 = arith.mulf %add3A_1101, %exp3A_1083 : vector<16xf32>
      %add3A_1103 = arith.constant -0.499825478 : f32
      %add3A_1104 = vector.broadcast %add3A_1103 : f32 to vector<16xf32>
      %add3A_1105 = arith.addf %mul3A_1102, %add3A_1104 : vector<16xf32>
      %mul3A_1106 = arith.mulf %add3A_1105, %exp3A_1083 : vector<16xf32>
      %add3A_1107 = arith.constant 0.999997079 : f32
      %add3A_1108 = vector.broadcast %add3A_1107 : f32 to vector<16xf32>
      %add3A_1109 = arith.addf %mul3A_1106, %add3A_1108 : vector<16xf32>
      %mul3A_1110 = arith.mulf %exp3A_1083, %add3A_1109 : vector<16xf32>
      %neg3A_1111 = arith.constant 0.000000e+00 : f32
      %neg3A_1112 = vector.broadcast %neg3A_1111 : f32 to vector<16xf32>
      %neg3A_1113 = arith.subf %neg3A_1112, %mul3A_1071 : vector<16xf32>
      %max3A_1114 = arith.constant 0.000000e+00 : f32
      %max3A_1115 = vector.broadcast %max3A_1114 : f32 to vector<16xf32>
      %max3A_1116 = arith.maximumf %neg3A_1113, %max3A_1115 : vector<16xf32>
      %add3A_1117 = arith.addf %mul3A_1110, %max3A_1116 : vector<16xf32>
      %mul3A_1118 = arith.mulf %add3A_1117, %select_n3A_1078 : vector<16xf32>
      %add3A_1119 = arith.addf %add3A_1040, %select_n3A_1078 : vector<16xf32>
      %add3A_1120 = arith.addf %add3A_1041, %mul3A_1118 : vector<16xf32>
      %mul3A_1121 = arith.mulf %mul3A_1118, %convert_element_type3A_1065 : vector<16xf32>
      %add3A_1122 = arith.addf %add3A_1043, %mul3A_1121 : vector<16xf32>
      %get3A_1123 = arith.constant 0 : i32
      %get3A_1124 = arith.constant 7 : i32
      %get3A_1125 = arith.index_cast %get3A_1123 : i32 to index
      %get3A_1126 = arith.index_cast %get3A_1124 : i32 to index
      %get3A_1127 = arith.index_cast %mul3A_575 : i32 to index
      %get3A_1128 = tpu.vector_load %arg5[%get3A_1125, %get3A_1126, %get3A_1127] {strides = array<i32>} : memref<2x8x512xf32, #tpu.memory_space<vmem>>, vector<1x1x16xf32>,
      %get3A_1129 = vector.shape_cast %get3A_1128 : vector<1x1x16xf32> to vector<16xf32>
      %get3A_1130 = arith.constant 0 : i32
      %get3A_1131 = arith.constant 7 : i32
      %get3A_1132 = arith.index_cast %get3A_1130 : i32 to index
      %get3A_1133 = arith.index_cast %get3A_1131 : i32 to index
      %get3A_1134 = arith.index_cast %mul3A_575 : i32 to index
      %get3A_1135 = tpu.vector_load %arg6[%get3A_1132, %get3A_1133, %get3A_1134] {strides = array<i32>} : memref<2x8x512xf32, #tpu.memory_space<vmem>>, vector<1x1x16xf32>,
      %get3A_1136 = vector.shape_cast %get3A_1135 : vector<1x1x16xf32> to vector<16xf32>
      %get3A_1137 = arith.constant 0 : i32
      %get3A_1138 = arith.constant 7 : i32
      %get3A_1139 = arith.index_cast %get3A_1137 : i32 to index
      %get3A_1140 = arith.index_cast %get3A_1138 : i32 to index
      %get3A_1141 = arith.index_cast %mul3A_575 : i32 to index
      %get3A_1142 = tpu.vector_load %arg7[%get3A_1139, %get3A_1140, %get3A_1141] {strides = array<i32>} : memref<2x8x512xi32, #tpu.memory_space<vmem>>, vector<1x1x16xi32>,
      %get3A_1143 = vector.shape_cast %get3A_1142 : vector<1x1x16xi32> to vector<16xi32>
      %convert_element_type3A_1144 = arith.sitofp %get3A_1143 : vector<16xi32> to vector<16xf32>
      %sub3A_1145 = arith.subf %get3A_1136, %get3A_1129 : vector<16xf32>
      %add3A_1146 = arith.addf %convert_element_type3A_1144, %convert_element_type3A_1144 : vector<16xf32>
      %sub3A_1147 = arith.constant 1.000000e+00 : f32
      %sub3A_1148 = vector.broadcast %sub3A_1147 : f32 to vector<16xf32>
      %sub3A_1149 = arith.subf %add3A_1146, %sub3A_1148 : vector<16xf32>
      %mul3A_1150 = arith.mulf %sub3A_1145, %sub3A_1149 : vector<16xf32>
      %lt3A_1151 = vector.broadcast %scan3A : f32 to vector<16xf32>
      %lt3A_1152 = arith.cmpf olt, %mul3A_1150, %lt3A_1151 : vector<16xf32>
      %jit3A_1153 = arith.constant 1.000000e+00 : f32
      %jit3A_1154 = arith.constant 0.000000e+00 : f32
      %broadcast_in_dim3A_1155 = vector.broadcast %jit3A_1153 : f32 to vector<16xf32>
      %broadcast_in_dim3A_1156 = vector.broadcast %jit3A_1154 : f32 to vector<16xf32>
      %select_n3A_1157 = arith.select %lt3A_1152, %broadcast_in_dim3A_1155, %broadcast_in_dim3A_1156 : vector<16xi1>, vector<16xf32>
      %abs3A_1158 = math.absf %mul3A_1150 : vector<16xf32>
      %neg3A_1159 = arith.constant 0.000000e+00 : f32
      %neg3A_1160 = vector.broadcast %neg3A_1159 : f32 to vector<16xf32>
      %neg3A_1161 = arith.subf %neg3A_1160, %abs3A_1158 : vector<16xf32>
      %exp3A_1162 = math.exp %neg3A_1161 : vector<16xf32>
      %mul3A_1163 = arith.constant 0.0140268523 : f32
      %mul3A_1164 = vector.broadcast %mul3A_1163 : f32 to vector<16xf32>
      %mul3A_1165 = arith.mulf %mul3A_1164, %exp3A_1162 : vector<16xf32>
      %add3A_1166 = arith.constant -0.0657701269 : f32
      %add3A_1167 = vector.broadcast %add3A_1166 : f32 to vector<16xf32>
      %add3A_1168 = arith.addf %mul3A_1165, %add3A_1167 : vector<16xf32>
      %mul3A_1169 = arith.mulf %add3A_1168, %exp3A_1162 : vector<16xf32>
      %add3A_1170 = arith.constant 0.148106769 : f32
      %add3A_1171 = vector.broadcast %add3A_1170 : f32 to vector<16xf32>
      %add3A_1172 = arith.addf %mul3A_1169, %add3A_1171 : vector<16xf32>
      %mul3A_1173 = arith.mulf %add3A_1172, %exp3A_1162 : vector<16xf32>
      %add3A_1174 = arith.constant -0.23417367 : f32
      %add3A_1175 = vector.broadcast %add3A_1174 : f32 to vector<16xf32>
      %add3A_1176 = arith.addf %mul3A_1173, %add3A_1175 : vector<16xf32>
      %mul3A_1177 = arith.mulf %add3A_1176, %exp3A_1162 : vector<16xf32>
      %add3A_1178 = arith.constant 0.330787897 : f32
      %add3A_1179 = vector.broadcast %add3A_1178 : f32 to vector<16xf32>
      %add3A_1180 = arith.addf %mul3A_1177, %add3A_1179 : vector<16xf32>
      %mul3A_1181 = arith.mulf %add3A_1180, %exp3A_1162 : vector<16xf32>
      %add3A_1182 = arith.constant -0.499825478 : f32
      %add3A_1183 = vector.broadcast %add3A_1182 : f32 to vector<16xf32>
      %add3A_1184 = arith.addf %mul3A_1181, %add3A_1183 : vector<16xf32>
      %mul3A_1185 = arith.mulf %add3A_1184, %exp3A_1162 : vector<16xf32>
      %add3A_1186 = arith.constant 0.999997079 : f32
      %add3A_1187 = vector.broadcast %add3A_1186 : f32 to vector<16xf32>
      %add3A_1188 = arith.addf %mul3A_1185, %add3A_1187 : vector<16xf32>
      %mul3A_1189 = arith.mulf %exp3A_1162, %add3A_1188 : vector<16xf32>
      %neg3A_1190 = arith.constant 0.000000e+00 : f32
      %neg3A_1191 = vector.broadcast %neg3A_1190 : f32 to vector<16xf32>
      %neg3A_1192 = arith.subf %neg3A_1191, %mul3A_1150 : vector<16xf32>
      %max3A_1193 = arith.constant 0.000000e+00 : f32
      %max3A_1194 = vector.broadcast %max3A_1193 : f32 to vector<16xf32>
      %max3A_1195 = arith.maximumf %neg3A_1192, %max3A_1194 : vector<16xf32>
      %add3A_1196 = arith.addf %mul3A_1189, %max3A_1195 : vector<16xf32>
      %mul3A_1197 = arith.mulf %add3A_1196, %select_n3A_1157 : vector<16xf32>
      %add3A_1198 = arith.addf %add3A_1119, %select_n3A_1157 : vector<16xf32>
      %add3A_1199 = arith.addf %add3A_1120, %mul3A_1197 : vector<16xf32>
      %mul3A_1200 = arith.mulf %mul3A_1197, %convert_element_type3A_1144 : vector<16xf32>
      %add3A_1201 = arith.addf %add3A_1122, %mul3A_1200 : vector<16xf32>
      scf.yield %add3A_1198, %add3A_1199, %add3A_1201 : vector<16xf32>, vector<16xf32>, vector<16xf32>
    }
    %scan3A_190 = arith.constant 32 : i32
    %add3A_191 = arith.constant 16 : i32
    %add3A_192 = arith.addi %add3A_34, %add3A_191 : i32
    %mul3A_193 = arith.constant 2 : i32
    %mul3A_194 = arith.muli %mul3A_193, %select_n3A : i32
    %dma_start3A_195 = arith.constant 0 : i32
    %dma_start3A_196 = arith.constant 0 : i32
    %dma_start3A_197 = arith.constant 0 : i32
    %dma_start3A_198 = tpu.memref_slice %arg5[%dma_start3A_195, %dma_start3A_196, %dma_start3A_197] : memref<2x8x512xf32, #tpu.memory_space<vmem>> -> memref<1x8x512xf32, #tpu.memory_space<vmem>>
    %dma_start3A_199 = tpu.memref_squeeze %dma_start3A_198 : memref<1x8x512xf32, #tpu.memory_space<vmem>> -> memref<8x512xf32, #tpu.memory_space<vmem>>
    %dma_start3A_200 = arith.constant 0 : i32
    %dma_start3A_201 = tpu.memref_slice %arg2[%mul3A_194, %add3A_192, %dma_start3A_200] : memref<16x512x512xf32, #tpu.memory_space<hbm>> -> memref<1x8x512xf32, #tpu.memory_space<hbm>>
    %dma_start3A_202 = tpu.memref_squeeze %dma_start3A_201 : memref<1x8x512xf32, #tpu.memory_space<hbm>> -> memref<8x512xf32, #tpu.memory_space<hbm>>
    %dma_start3A_203 = arith.constant 0 : i32
    %dma_start3A_204 = arith.constant 0 : i32
    %dma_start3A_205 = tpu.memref_slice %arg5[%dma_start3A_195, %dma_start3A_203, %dma_start3A_204] : memref<2x8x512xf32, #tpu.memory_space<vmem>> -> memref<1x8x512xf32, #tpu.memory_space<vmem>>
    %dma_start3A_206 = tpu.memref_squeeze %dma_start3A_205 : memref<1x8x512xf32, #tpu.memory_space<vmem>> -> memref<8x512xf32, #tpu.memory_space<vmem>>
    %dma_start3A_207 = arith.constant 0 : i32
    %dma_start3A_208 = tpu.memref_slice %arg2[%mul3A_194, %add3A_192, %dma_start3A_207] : memref<16x512x512xf32, #tpu.memory_space<hbm>> -> memref<1x8x512xf32, #tpu.memory_space<hbm>>
    %dma_start3A_209 = tpu.memref_squeeze %dma_start3A_208 : memref<1x8x512xf32, #tpu.memory_space<hbm>> -> memref<8x512xf32, #tpu.memory_space<hbm>>
    tpu.enqueue_dma source(%dma_start3A_209 : memref<8x512xf32, #tpu.memory_space<hbm>>) target(%dma_start3A_206 : memref<8x512xf32, #tpu.memory_space<vmem>>) target_semaphore(%arg9 : memref<!tpu.dma_semaphore, #tpu.memory_space<semaphore_mem>>)
    %mul3A_210 = arith.constant 2 : i32
    %mul3A_211 = arith.muli %mul3A_210, %select_n3A : i32
    %add3A_212 = arith.constant 1 : i32
    %add3A_213 = arith.addi %mul3A_211, %add3A_212 : i32
    %dma_start3A_214 = arith.constant 0 : i32
    %dma_start3A_215 = arith.constant 0 : i32
    %dma_start3A_216 = arith.constant 0 : i32
    %dma_start3A_217 = tpu.memref_slice %arg6[%dma_start3A_214, %dma_start3A_215, %dma_start3A_216] : memref<2x8x512xf32, #tpu.memory_space<vmem>> -> memref<1x8x512xf32, #tpu.memory_space<vmem>>
    %dma_start3A_218 = tpu.memref_squeeze %dma_start3A_217 : memref<1x8x512xf32, #tpu.memory_space<vmem>> -> memref<8x512xf32, #tpu.memory_space<vmem>>
    %dma_start3A_219 = arith.constant 0 : i32
    %dma_start3A_220 = tpu.memref_slice %arg2[%add3A_213, %add3A_192, %dma_start3A_219] : memref<16x512x512xf32, #tpu.memory_space<hbm>> -> memref<1x8x512xf32, #tpu.memory_space<hbm>>
    %dma_start3A_221 = tpu.memref_squeeze %dma_start3A_220 : memref<1x8x512xf32, #tpu.memory_space<hbm>> -> memref<8x512xf32, #tpu.memory_space<hbm>>
    %dma_start3A_222 = arith.constant 0 : i32
    %dma_start3A_223 = arith.constant 0 : i32
    %dma_start3A_224 = tpu.memref_slice %arg6[%dma_start3A_214, %dma_start3A_222, %dma_start3A_223] : memref<2x8x512xf32, #tpu.memory_space<vmem>> -> memref<1x8x512xf32, #tpu.memory_space<vmem>>
    %dma_start3A_225 = tpu.memref_squeeze %dma_start3A_224 : memref<1x8x512xf32, #tpu.memory_space<vmem>> -> memref<8x512xf32, #tpu.memory_space<vmem>>
    %dma_start3A_226 = arith.constant 0 : i32
    %dma_start3A_227 = tpu.memref_slice %arg2[%add3A_213, %add3A_192, %dma_start3A_226] : memref<16x512x512xf32, #tpu.memory_space<hbm>> -> memref<1x8x512xf32, #tpu.memory_space<hbm>>
    %dma_start3A_228 = tpu.memref_squeeze %dma_start3A_227 : memref<1x8x512xf32, #tpu.memory_space<hbm>> -> memref<8x512xf32, #tpu.memory_space<hbm>>
    tpu.enqueue_dma source(%dma_start3A_228 : memref<8x512xf32, #tpu.memory_space<hbm>>) target(%dma_start3A_225 : memref<8x512xf32, #tpu.memory_space<vmem>>) target_semaphore(%arg9 : memref<!tpu.dma_semaphore, #tpu.memory_space<semaphore_mem>>)
    %mul3A_229 = arith.constant 512 : i32
    %mul3A_230 = arith.muli %select_n3A, %mul3A_229 : i32
    %add3A_231 = arith.addi %mul3A_230, %add3A_192 : i32
    %dma_start3A_232 = arith.constant 0 : i32
    %dma_start3A_233 = arith.constant 0 : i32
    %dma_start3A_234 = arith.constant 0 : i32
    %dma_start3A_235 = tpu.memref_slice %arg7[%dma_start3A_232, %dma_start3A_233, %dma_start3A_234] : memref<2x8x512xi32, #tpu.memory_space<vmem>> -> memref<1x8x512xi32, #tpu.memory_space<vmem>>
    %dma_start3A_236 = tpu.memref_squeeze %dma_start3A_235 : memref<1x8x512xi32, #tpu.memory_space<vmem>> -> memref<8x512xi32, #tpu.memory_space<vmem>>
    %dma_start3A_237 = arith.constant 0 : i32
    %dma_start3A_238 = tpu.memref_slice %arg3[%add3A_231, %dma_start3A_237] : memref<4096x512xi32, #tpu.memory_space<hbm>> -> memref<8x512xi32, #tpu.memory_space<hbm>>
    %dma_start3A_239 = arith.constant 0 : i32
    %dma_start3A_240 = arith.constant 0 : i32
    %dma_start3A_241 = tpu.memref_slice %arg7[%dma_start3A_232, %dma_start3A_239, %dma_start3A_240] : memref<2x8x512xi32, #tpu.memory_space<vmem>> -> memref<1x8x512xi32, #tpu.memory_space<vmem>>
    %dma_start3A_242 = tpu.memref_squeeze %dma_start3A_241 : memref<1x8x512xi32, #tpu.memory_space<vmem>> -> memref<8x512xi32, #tpu.memory_space<vmem>>
    %dma_start3A_243 = arith.constant 0 : i32
    %dma_start3A_244 = tpu.memref_slice %arg3[%add3A_231, %dma_start3A_243] : memref<4096x512xi32, #tpu.memory_space<hbm>> -> memref<8x512xi32, #tpu.memory_space<hbm>>
    tpu.enqueue_dma source(%dma_start3A_244 : memref<8x512xi32, #tpu.memory_space<hbm>>) target(%dma_start3A_242 : memref<8x512xi32, #tpu.memory_space<vmem>>) target_semaphore(%arg9 : memref<!tpu.dma_semaphore, #tpu.memory_space<semaphore_mem>>)
    %dma_wait3A_245 = arith.constant 1 : i32
    %dma_wait3A_246 = arith.constant 0 : i32
    %dma_wait3A_247 = arith.constant 0 : i32
    %dma_wait3A_248 = tpu.memref_slice %arg5[%dma_wait3A_245, %dma_wait3A_246, %dma_wait3A_247] : memref<2x8x512xf32, #tpu.memory_space<vmem>> -> memref<1x8x512xf32, #tpu.memory_space<vmem>>
    %dma_wait3A_249 = tpu.memref_squeeze %dma_wait3A_248 : memref<1x8x512xf32, #tpu.memory_space<vmem>> -> memref<8x512xf32, #tpu.memory_space<vmem>>
    %dma_wait3A_250 = arith.constant 0 : i32
    %dma_wait3A_251 = tpu.memref_slice %arg2[%mul3A_92, %add3A_90, %dma_wait3A_250] : memref<16x512x512xf32, #tpu.memory_space<hbm>> -> memref<1x8x512xf32, #tpu.memory_space<hbm>>
    %dma_wait3A_252 = tpu.memref_squeeze %dma_wait3A_251 : memref<1x8x512xf32, #tpu.memory_space<hbm>> -> memref<8x512xf32, #tpu.memory_space<hbm>>
    %dma_wait3A_253 = arith.constant 0 : i32
    %dma_wait3A_254 = arith.constant 0 : i32
    %dma_wait3A_255 = tpu.memref_slice %arg5[%dma_wait3A_245, %dma_wait3A_253, %dma_wait3A_254] : memref<2x8x512xf32, #tpu.memory_space<vmem>> -> memref<1x8x512xf32, #tpu.memory_space<vmem>>
    %dma_wait3A_256 = tpu.memref_squeeze %dma_wait3A_255 : memref<1x8x512xf32, #tpu.memory_space<vmem>> -> memref<8x512xf32, #tpu.memory_space<vmem>>
    %dma_wait3A_257 = arith.constant 0 : i32
    %dma_wait3A_258 = tpu.memref_slice %arg2[%mul3A_92, %add3A_90, %dma_wait3A_257] : memref<16x512x512xf32, #tpu.memory_space<hbm>> -> memref<1x8x512xf32, #tpu.memory_space<hbm>>
    %dma_wait3A_259 = tpu.memref_squeeze %dma_wait3A_258 : memref<1x8x512xf32, #tpu.memory_space<hbm>> -> memref<8x512xf32, #tpu.memory_space<hbm>>
    tpu.wait_dma2 semaphore(%arg10 : memref<!tpu.dma_semaphore, #tpu.memory_space<semaphore_mem>>) src(%dma_wait3A_259 : memref<8x512xf32, #tpu.memory_space<hbm>>) dst(%dma_wait3A_256 : memref<8x512xf32, #tpu.memory_space<vmem>>)
    %dma_wait3A_260 = arith.constant 1 : i32
    %dma_wait3A_261 = arith.constant 0 : i32
    %dma_wait3A_262 = arith.constant 0 : i32
    %dma_wait3A_263 = tpu.memref_slice %arg6[%dma_wait3A_260, %dma_wait3A_261, %dma_wait3A_262] : memref<2x8x512xf32, #tpu.memory_space<vmem>> -> memref<1x8x512xf32, #tpu.memory_space<vmem>>
    %dma_wait3A_264 = tpu.memref_squeeze %dma_wait3A_263 : memref<1x8x512xf32, #tpu.memory_space<vmem>> -> memref<8x512xf32, #tpu.memory_space<vmem>>
    %dma_wait3A_265 = arith.constant 0 : i32
    %dma_wait3A_266 = tpu.memref_slice %arg2[%add3A_111, %add3A_90, %dma_wait3A_265] : memref<16x512x512xf32, #tpu.memory_space<hbm>> -> memref<1x8x512xf32, #tpu.memory_space<hbm>>
    %dma_wait3A_267 = tpu.memref_squeeze %dma_wait3A_266 : memref<1x8x512xf32, #tpu.memory_space<hbm>> -> memref<8x512xf32, #tpu.memory_space<hbm>>
    %dma_wait3A_268 = arith.constant 0 : i32
    %dma_wait3A_269 = arith.constant 0 : i32
    %dma_wait3A_270 = tpu.memref_slice %arg6[%dma_wait3A_260, %dma_wait3A_268, %dma_wait3A_269] : memref<2x8x512xf32, #tpu.memory_space<vmem>> -> memref<1x8x512xf32, #tpu.memory_space<vmem>>
    %dma_wait3A_271 = tpu.memref_squeeze %dma_wait3A_270 : memref<1x8x512xf32, #tpu.memory_space<vmem>> -> memref<8x512xf32, #tpu.memory_space<vmem>>
    %dma_wait3A_272 = arith.constant 0 : i32
    %dma_wait3A_273 = tpu.memref_slice %arg2[%add3A_111, %add3A_90, %dma_wait3A_272] : memref<16x512x512xf32, #tpu.memory_space<hbm>> -> memref<1x8x512xf32, #tpu.memory_space<hbm>>
    %dma_wait3A_274 = tpu.memref_squeeze %dma_wait3A_273 : memref<1x8x512xf32, #tpu.memory_space<hbm>> -> memref<8x512xf32, #tpu.memory_space<hbm>>
    tpu.wait_dma2 semaphore(%arg10 : memref<!tpu.dma_semaphore, #tpu.memory_space<semaphore_mem>>) src(%dma_wait3A_274 : memref<8x512xf32, #tpu.memory_space<hbm>>) dst(%dma_wait3A_271 : memref<8x512xf32, #tpu.memory_space<vmem>>)
    %dma_wait3A_275 = arith.constant 1 : i32
    %dma_wait3A_276 = arith.constant 0 : i32
    %dma_wait3A_277 = arith.constant 0 : i32
    %dma_wait3A_278 = tpu.memref_slice %arg7[%dma_wait3A_275, %dma_wait3A_276, %dma_wait3A_277] : memref<2x8x512xi32, #tpu.memory_space<vmem>> -> memref<1x8x512xi32, #tpu.memory_space<vmem>>
    %dma_wait3A_279 = tpu.memref_squeeze %dma_wait3A_278 : memref<1x8x512xi32, #tpu.memory_space<vmem>> -> memref<8x512xi32, #tpu.memory_space<vmem>>
    %dma_wait3A_280 = arith.constant 0 : i32
    %dma_wait3A_281 = tpu.memref_slice %arg3[%add3A_129, %dma_wait3A_280] : memref<4096x512xi32, #tpu.memory_space<hbm>> -> memref<8x512xi32, #tpu.memory_space<hbm>>
    %dma_wait3A_282 = arith.constant 0 : i32
    %dma_wait3A_283 = arith.constant 0 : i32
    %dma_wait3A_284 = tpu.memref_slice %arg7[%dma_wait3A_275, %dma_wait3A_282, %dma_wait3A_283] : memref<2x8x512xi32, #tpu.memory_space<vmem>> -> memref<1x8x512xi32, #tpu.memory_space<vmem>>
    %dma_wait3A_285 = tpu.memref_squeeze %dma_wait3A_284 : memref<1x8x512xi32, #tpu.memory_space<vmem>> -> memref<8x512xi32, #tpu.memory_space<vmem>>
    %dma_wait3A_286 = arith.constant 0 : i32
    %dma_wait3A_287 = tpu.memref_slice %arg3[%add3A_129, %dma_wait3A_286] : memref<4096x512xi32, #tpu.memory_space<hbm>> -> memref<8x512xi32, #tpu.memory_space<hbm>>
    tpu.wait_dma2 semaphore(%arg10 : memref<!tpu.dma_semaphore, #tpu.memory_space<semaphore_mem>>) src(%dma_wait3A_287 : memref<8x512xi32, #tpu.memory_space<hbm>>) dst(%dma_wait3A_285 : memref<8x512xi32, #tpu.memory_space<vmem>>)
    %scan3A_288 = arith.constant 0.847297847 : f32
    %scan3A_289 = arith.constant 0 : i32
    %scan3A_290 = arith.constant 32 : i32
    %scan3A_291 = arith.addi %scan3A_289, %scan3A_290 : i32
    %scan3A_292 = arith.constant 1 : i32
    %scan3A_293:3 = scf.for %scan3A_570 = %scan3A_289 to %scan3A_291 step %scan3A_292 iter_args(%scan3A_571 = %scan3A_189#0, %scan3A_572 = %scan3A_189#1, %scan3A_573 = %scan3A_189#2) -> (vector<16xf32>, vector<16xf32>, vector<16xf32>)  : i32 {
      %mul3A_574 = arith.constant 16 : i32
      %mul3A_575 = arith.muli %scan3A_570, %mul3A_574 : i32
      %get3A = arith.constant 1 : i32
      %get3A_576 = arith.constant 0 : i32
      %get3A_577 = arith.index_cast %get3A : i32 to index
      %get3A_578 = arith.index_cast %get3A_576 : i32 to index
      %get3A_579 = arith.index_cast %mul3A_575 : i32 to index
      %get3A_580 = tpu.vector_load %arg5[%get3A_577, %get3A_578, %get3A_579] {strides = array<i32>} : memref<2x8x512xf32, #tpu.memory_space<vmem>>, vector<1x1x16xf32>,
      %get3A_581 = vector.shape_cast %get3A_580 : vector<1x1x16xf32> to vector<16xf32>
      %get3A_582 = arith.constant 1 : i32
      %get3A_583 = arith.constant 0 : i32
      %get3A_584 = arith.index_cast %get3A_582 : i32 to index
      %get3A_585 = arith.index_cast %get3A_583 : i32 to index
      %get3A_586 = arith.index_cast %mul3A_575 : i32 to index
      %get3A_587 = tpu.vector_load %arg6[%get3A_584, %get3A_585, %get3A_586] {strides = array<i32>} : memref<2x8x512xf32, #tpu.memory_space<vmem>>, vector<1x1x16xf32>,
      %get3A_588 = vector.shape_cast %get3A_587 : vector<1x1x16xf32> to vector<16xf32>
      %get3A_589 = arith.constant 1 : i32
      %get3A_590 = arith.constant 0 : i32
      %get3A_591 = arith.index_cast %get3A_589 : i32 to index
      %get3A_592 = arith.index_cast %get3A_590 : i32 to index
      %get3A_593 = arith.index_cast %mul3A_575 : i32 to index
      %get3A_594 = tpu.vector_load %arg7[%get3A_591, %get3A_592, %get3A_593] {strides = array<i32>} : memref<2x8x512xi32, #tpu.memory_space<vmem>>, vector<1x1x16xi32>,
      %get3A_595 = vector.shape_cast %get3A_594 : vector<1x1x16xi32> to vector<16xi32>
      %convert_element_type3A = arith.sitofp %get3A_595 : vector<16xi32> to vector<16xf32>
      %sub3A_596 = arith.subf %get3A_588, %get3A_581 : vector<16xf32>
      %add3A_597 = arith.addf %convert_element_type3A, %convert_element_type3A : vector<16xf32>
      %sub3A_598 = arith.constant 1.000000e+00 : f32
      %sub3A_599 = vector.broadcast %sub3A_598 : f32 to vector<16xf32>
      %sub3A_600 = arith.subf %add3A_597, %sub3A_599 : vector<16xf32>
      %mul3A_601 = arith.mulf %sub3A_596, %sub3A_600 : vector<16xf32>
      %lt3A_602 = vector.broadcast %scan3A_288 : f32 to vector<16xf32>
      %lt3A_603 = arith.cmpf olt, %mul3A_601, %lt3A_602 : vector<16xf32>
      %jit3A_604 = arith.constant 1.000000e+00 : f32
      %jit3A_605 = arith.constant 0.000000e+00 : f32
      %broadcast_in_dim3A_606 = vector.broadcast %jit3A_604 : f32 to vector<16xf32>
      %broadcast_in_dim3A_607 = vector.broadcast %jit3A_605 : f32 to vector<16xf32>
      %select_n3A_608 = arith.select %lt3A_603, %broadcast_in_dim3A_606, %broadcast_in_dim3A_607 : vector<16xi1>, vector<16xf32>
      %abs3A = math.absf %mul3A_601 : vector<16xf32>
      %neg3A = arith.constant 0.000000e+00 : f32
      %neg3A_609 = vector.broadcast %neg3A : f32 to vector<16xf32>
      %neg3A_610 = arith.subf %neg3A_609, %abs3A : vector<16xf32>
      %exp3A = math.exp %neg3A_610 : vector<16xf32>
      %mul3A_611 = arith.constant 0.0140268523 : f32
      %mul3A_612 = vector.broadcast %mul3A_611 : f32 to vector<16xf32>
      %mul3A_613 = arith.mulf %mul3A_612, %exp3A : vector<16xf32>
      %add3A_614 = arith.constant -0.0657701269 : f32
      %add3A_615 = vector.broadcast %add3A_614 : f32 to vector<16xf32>
      %add3A_616 = arith.addf %mul3A_613, %add3A_615 : vector<16xf32>
      %mul3A_617 = arith.mulf %add3A_616, %exp3A : vector<16xf32>
      %add3A_618 = arith.constant 0.148106769 : f32
      %add3A_619 = vector.broadcast %add3A_618 : f32 to vector<16xf32>
      %add3A_620 = arith.addf %mul3A_617, %add3A_619 : vector<16xf32>
      %mul3A_621 = arith.mulf %add3A_620, %exp3A : vector<16xf32>
      %add3A_622 = arith.constant -0.23417367 : f32
      %add3A_623 = vector.broadcast %add3A_622 : f32 to vector<16xf32>
      %add3A_624 = arith.addf %mul3A_621, %add3A_623 : vector<16xf32>
      %mul3A_625 = arith.mulf %add3A_624, %exp3A : vector<16xf32>
      %add3A_626 = arith.constant 0.330787897 : f32
      %add3A_627 = vector.broadcast %add3A_626 : f32 to vector<16xf32>
      %add3A_628 = arith.addf %mul3A_625, %add3A_627 : vector<16xf32>
      %mul3A_629 = arith.mulf %add3A_628, %exp3A : vector<16xf32>
      %add3A_630 = arith.constant -0.499825478 : f32
      %add3A_631 = vector.broadcast %add3A_630 : f32 to vector<16xf32>
      %add3A_632 = arith.addf %mul3A_629, %add3A_631 : vector<16xf32>
      %mul3A_633 = arith.mulf %add3A_632, %exp3A : vector<16xf32>
      %add3A_634 = arith.constant 0.999997079 : f32
      %add3A_635 = vector.broadcast %add3A_634 : f32 to vector<16xf32>
      %add3A_636 = arith.addf %mul3A_633, %add3A_635 : vector<16xf32>
      %mul3A_637 = arith.mulf %exp3A, %add3A_636 : vector<16xf32>
      %neg3A_638 = arith.constant 0.000000e+00 : f32
      %neg3A_639 = vector.broadcast %neg3A_638 : f32 to vector<16xf32>
      %neg3A_640 = arith.subf %neg3A_639, %mul3A_601 : vector<16xf32>
      %max3A = arith.constant 0.000000e+00 : f32
      %max3A_641 = vector.broadcast %max3A : f32 to vector<16xf32>
      %max3A_642 = arith.maximumf %neg3A_640, %max3A_641 : vector<16xf32>
      %add3A_643 = arith.addf %mul3A_637, %max3A_642 : vector<16xf32>
      %mul3A_644 = arith.mulf %add3A_643, %select_n3A_608 : vector<16xf32>
      %add3A_645 = arith.addf %scan3A_571, %select_n3A_608 : vector<16xf32>
      %add3A_646 = arith.addf %scan3A_572, %mul3A_644 : vector<16xf32>
      %mul3A_647 = arith.mulf %mul3A_644, %convert_element_type3A : vector<16xf32>
      %add3A_648 = arith.addf %scan3A_573, %mul3A_647 : vector<16xf32>
      %get3A_649 = arith.constant 1 : i32
      %get3A_650 = arith.constant 1 : i32
      %get3A_651 = arith.index_cast %get3A_649 : i32 to index
      %get3A_652 = arith.index_cast %get3A_650 : i32 to index
      %get3A_653 = arith.index_cast %mul3A_575 : i32 to index
      %get3A_654 = tpu.vector_load %arg5[%get3A_651, %get3A_652, %get3A_653] {strides = array<i32>} : memref<2x8x512xf32, #tpu.memory_space<vmem>>, vector<1x1x16xf32>,
      %get3A_655 = vector.shape_cast %get3A_654 : vector<1x1x16xf32> to vector<16xf32>
      %get3A_656 = arith.constant 1 : i32
      %get3A_657 = arith.constant 1 : i32
      %get3A_658 = arith.index_cast %get3A_656 : i32 to index
      %get3A_659 = arith.index_cast %get3A_657 : i32 to index
      %get3A_660 = arith.index_cast %mul3A_575 : i32 to index
      %get3A_661 = tpu.vector_load %arg6[%get3A_658, %get3A_659, %get3A_660] {strides = array<i32>} : memref<2x8x512xf32, #tpu.memory_space<vmem>>, vector<1x1x16xf32>,
      %get3A_662 = vector.shape_cast %get3A_661 : vector<1x1x16xf32> to vector<16xf32>
      %get3A_663 = arith.constant 1 : i32
      %get3A_664 = arith.constant 1 : i32
      %get3A_665 = arith.index_cast %get3A_663 : i32 to index
      %get3A_666 = arith.index_cast %get3A_664 : i32 to index
      %get3A_667 = arith.index_cast %mul3A_575 : i32 to index
      %get3A_668 = tpu.vector_load %arg7[%get3A_665, %get3A_666, %get3A_667] {strides = array<i32>} : memref<2x8x512xi32, #tpu.memory_space<vmem>>, vector<1x1x16xi32>,
      %get3A_669 = vector.shape_cast %get3A_668 : vector<1x1x16xi32> to vector<16xi32>
      %convert_element_type3A_670 = arith.sitofp %get3A_669 : vector<16xi32> to vector<16xf32>
      %sub3A_671 = arith.subf %get3A_662, %get3A_655 : vector<16xf32>
      %add3A_672 = arith.addf %convert_element_type3A_670, %convert_element_type3A_670 : vector<16xf32>
      %sub3A_673 = arith.constant 1.000000e+00 : f32
      %sub3A_674 = vector.broadcast %sub3A_673 : f32 to vector<16xf32>
      %sub3A_675 = arith.subf %add3A_672, %sub3A_674 : vector<16xf32>
      %mul3A_676 = arith.mulf %sub3A_671, %sub3A_675 : vector<16xf32>
      %lt3A_677 = vector.broadcast %scan3A_288 : f32 to vector<16xf32>
      %lt3A_678 = arith.cmpf olt, %mul3A_676, %lt3A_677 : vector<16xf32>
      %jit3A_679 = arith.constant 1.000000e+00 : f32
      %jit3A_680 = arith.constant 0.000000e+00 : f32
      %broadcast_in_dim3A_681 = vector.broadcast %jit3A_679 : f32 to vector<16xf32>
      %broadcast_in_dim3A_682 = vector.broadcast %jit3A_680 : f32 to vector<16xf32>
      %select_n3A_683 = arith.select %lt3A_678, %broadcast_in_dim3A_681, %broadcast_in_dim3A_682 : vector<16xi1>, vector<16xf32>
      %abs3A_684 = math.absf %mul3A_676 : vector<16xf32>
      %neg3A_685 = arith.constant 0.000000e+00 : f32
      %neg3A_686 = vector.broadcast %neg3A_685 : f32 to vector<16xf32>
      %neg3A_687 = arith.subf %neg3A_686, %abs3A_684 : vector<16xf32>
      %exp3A_688 = math.exp %neg3A_687 : vector<16xf32>
      %mul3A_689 = arith.constant 0.0140268523 : f32
      %mul3A_690 = vector.broadcast %mul3A_689 : f32 to vector<16xf32>
      %mul3A_691 = arith.mulf %mul3A_690, %exp3A_688 : vector<16xf32>
      %add3A_692 = arith.constant -0.0657701269 : f32
      %add3A_693 = vector.broadcast %add3A_692 : f32 to vector<16xf32>
      %add3A_694 = arith.addf %mul3A_691, %add3A_693 : vector<16xf32>
      %mul3A_695 = arith.mulf %add3A_694, %exp3A_688 : vector<16xf32>
      %add3A_696 = arith.constant 0.148106769 : f32
      %add3A_697 = vector.broadcast %add3A_696 : f32 to vector<16xf32>
      %add3A_698 = arith.addf %mul3A_695, %add3A_697 : vector<16xf32>
      %mul3A_699 = arith.mulf %add3A_698, %exp3A_688 : vector<16xf32>
      %add3A_700 = arith.constant -0.23417367 : f32
      %add3A_701 = vector.broadcast %add3A_700 : f32 to vector<16xf32>
      %add3A_702 = arith.addf %mul3A_699, %add3A_701 : vector<16xf32>
      %mul3A_703 = arith.mulf %add3A_702, %exp3A_688 : vector<16xf32>
      %add3A_704 = arith.constant 0.330787897 : f32
      %add3A_705 = vector.broadcast %add3A_704 : f32 to vector<16xf32>
      %add3A_706 = arith.addf %mul3A_703, %add3A_705 : vector<16xf32>
      %mul3A_707 = arith.mulf %add3A_706, %exp3A_688 : vector<16xf32>
      %add3A_708 = arith.constant -0.499825478 : f32
      %add3A_709 = vector.broadcast %add3A_708 : f32 to vector<16xf32>
      %add3A_710 = arith.addf %mul3A_707, %add3A_709 : vector<16xf32>
      %mul3A_711 = arith.mulf %add3A_710, %exp3A_688 : vector<16xf32>
      %add3A_712 = arith.constant 0.999997079 : f32
      %add3A_713 = vector.broadcast %add3A_712 : f32 to vector<16xf32>
      %add3A_714 = arith.addf %mul3A_711, %add3A_713 : vector<16xf32>
      %mul3A_715 = arith.mulf %exp3A_688, %add3A_714 : vector<16xf32>
      %neg3A_716 = arith.constant 0.000000e+00 : f32
      %neg3A_717 = vector.broadcast %neg3A_716 : f32 to vector<16xf32>
      %neg3A_718 = arith.subf %neg3A_717, %mul3A_676 : vector<16xf32>
      %max3A_719 = arith.constant 0.000000e+00 : f32
      %max3A_720 = vector.broadcast %max3A_719 : f32 to vector<16xf32>
      %max3A_721 = arith.maximumf %neg3A_718, %max3A_720 : vector<16xf32>
      %add3A_722 = arith.addf %mul3A_715, %max3A_721 : vector<16xf32>
      %mul3A_723 = arith.mulf %add3A_722, %select_n3A_683 : vector<16xf32>
      %add3A_724 = arith.addf %add3A_645, %select_n3A_683 : vector<16xf32>
      %add3A_725 = arith.addf %add3A_646, %mul3A_723 : vector<16xf32>
      %mul3A_726 = arith.mulf %mul3A_723, %convert_element_type3A_670 : vector<16xf32>
      %add3A_727 = arith.addf %add3A_648, %mul3A_726 : vector<16xf32>
      %get3A_728 = arith.constant 1 : i32
      %get3A_729 = arith.constant 2 : i32
      %get3A_730 = arith.index_cast %get3A_728 : i32 to index
      %get3A_731 = arith.index_cast %get3A_729 : i32 to index
      %get3A_732 = arith.index_cast %mul3A_575 : i32 to index
      %get3A_733 = tpu.vector_load %arg5[%get3A_730, %get3A_731, %get3A_732] {strides = array<i32>} : memref<2x8x512xf32, #tpu.memory_space<vmem>>, vector<1x1x16xf32>,
      %get3A_734 = vector.shape_cast %get3A_733 : vector<1x1x16xf32> to vector<16xf32>
      %get3A_735 = arith.constant 1 : i32
      %get3A_736 = arith.constant 2 : i32
      %get3A_737 = arith.index_cast %get3A_735 : i32 to index
      %get3A_738 = arith.index_cast %get3A_736 : i32 to index
      %get3A_739 = arith.index_cast %mul3A_575 : i32 to index
      %get3A_740 = tpu.vector_load %arg6[%get3A_737, %get3A_738, %get3A_739] {strides = array<i32>} : memref<2x8x512xf32, #tpu.memory_space<vmem>>, vector<1x1x16xf32>,
      %get3A_741 = vector.shape_cast %get3A_740 : vector<1x1x16xf32> to vector<16xf32>
      %get3A_742 = arith.constant 1 : i32
      %get3A_743 = arith.constant 2 : i32
      %get3A_744 = arith.index_cast %get3A_742 : i32 to index
      %get3A_745 = arith.index_cast %get3A_743 : i32 to index
      %get3A_746 = arith.index_cast %mul3A_575 : i32 to index
      %get3A_747 = tpu.vector_load %arg7[%get3A_744, %get3A_745, %get3A_746] {strides = array<i32>} : memref<2x8x512xi32, #tpu.memory_space<vmem>>, vector<1x1x16xi32>,
      %get3A_748 = vector.shape_cast %get3A_747 : vector<1x1x16xi32> to vector<16xi32>
      %convert_element_type3A_749 = arith.sitofp %get3A_748 : vector<16xi32> to vector<16xf32>
      %sub3A_750 = arith.subf %get3A_741, %get3A_734 : vector<16xf32>
      %add3A_751 = arith.addf %convert_element_type3A_749, %convert_element_type3A_749 : vector<16xf32>
      %sub3A_752 = arith.constant 1.000000e+00 : f32
      %sub3A_753 = vector.broadcast %sub3A_752 : f32 to vector<16xf32>
      %sub3A_754 = arith.subf %add3A_751, %sub3A_753 : vector<16xf32>
      %mul3A_755 = arith.mulf %sub3A_750, %sub3A_754 : vector<16xf32>
      %lt3A_756 = vector.broadcast %scan3A_288 : f32 to vector<16xf32>
      %lt3A_757 = arith.cmpf olt, %mul3A_755, %lt3A_756 : vector<16xf32>
      %jit3A_758 = arith.constant 1.000000e+00 : f32
      %jit3A_759 = arith.constant 0.000000e+00 : f32
      %broadcast_in_dim3A_760 = vector.broadcast %jit3A_758 : f32 to vector<16xf32>
      %broadcast_in_dim3A_761 = vector.broadcast %jit3A_759 : f32 to vector<16xf32>
      %select_n3A_762 = arith.select %lt3A_757, %broadcast_in_dim3A_760, %broadcast_in_dim3A_761 : vector<16xi1>, vector<16xf32>
      %abs3A_763 = math.absf %mul3A_755 : vector<16xf32>
      %neg3A_764 = arith.constant 0.000000e+00 : f32
      %neg3A_765 = vector.broadcast %neg3A_764 : f32 to vector<16xf32>
      %neg3A_766 = arith.subf %neg3A_765, %abs3A_763 : vector<16xf32>
      %exp3A_767 = math.exp %neg3A_766 : vector<16xf32>
      %mul3A_768 = arith.constant 0.0140268523 : f32
      %mul3A_769 = vector.broadcast %mul3A_768 : f32 to vector<16xf32>
      %mul3A_770 = arith.mulf %mul3A_769, %exp3A_767 : vector<16xf32>
      %add3A_771 = arith.constant -0.0657701269 : f32
      %add3A_772 = vector.broadcast %add3A_771 : f32 to vector<16xf32>
      %add3A_773 = arith.addf %mul3A_770, %add3A_772 : vector<16xf32>
      %mul3A_774 = arith.mulf %add3A_773, %exp3A_767 : vector<16xf32>
      %add3A_775 = arith.constant 0.148106769 : f32
      %add3A_776 = vector.broadcast %add3A_775 : f32 to vector<16xf32>
      %add3A_777 = arith.addf %mul3A_774, %add3A_776 : vector<16xf32>
      %mul3A_778 = arith.mulf %add3A_777, %exp3A_767 : vector<16xf32>
      %add3A_779 = arith.constant -0.23417367 : f32
      %add3A_780 = vector.broadcast %add3A_779 : f32 to vector<16xf32>
      %add3A_781 = arith.addf %mul3A_778, %add3A_780 : vector<16xf32>
      %mul3A_782 = arith.mulf %add3A_781, %exp3A_767 : vector<16xf32>
      %add3A_783 = arith.constant 0.330787897 : f32
      %add3A_784 = vector.broadcast %add3A_783 : f32 to vector<16xf32>
      %add3A_785 = arith.addf %mul3A_782, %add3A_784 : vector<16xf32>
      %mul3A_786 = arith.mulf %add3A_785, %exp3A_767 : vector<16xf32>
      %add3A_787 = arith.constant -0.499825478 : f32
      %add3A_788 = vector.broadcast %add3A_787 : f32 to vector<16xf32>
      %add3A_789 = arith.addf %mul3A_786, %add3A_788 : vector<16xf32>
      %mul3A_790 = arith.mulf %add3A_789, %exp3A_767 : vector<16xf32>
      %add3A_791 = arith.constant 0.999997079 : f32
      %add3A_792 = vector.broadcast %add3A_791 : f32 to vector<16xf32>
      %add3A_793 = arith.addf %mul3A_790, %add3A_792 : vector<16xf32>
      %mul3A_794 = arith.mulf %exp3A_767, %add3A_793 : vector<16xf32>
      %neg3A_795 = arith.constant 0.000000e+00 : f32
      %neg3A_796 = vector.broadcast %neg3A_795 : f32 to vector<16xf32>
      %neg3A_797 = arith.subf %neg3A_796, %mul3A_755 : vector<16xf32>
      %max3A_798 = arith.constant 0.000000e+00 : f32
      %max3A_799 = vector.broadcast %max3A_798 : f32 to vector<16xf32>
      %max3A_800 = arith.maximumf %neg3A_797, %max3A_799 : vector<16xf32>
      %add3A_801 = arith.addf %mul3A_794, %max3A_800 : vector<16xf32>
      %mul3A_802 = arith.mulf %add3A_801, %select_n3A_762 : vector<16xf32>
      %add3A_803 = arith.addf %add3A_724, %select_n3A_762 : vector<16xf32>
      %add3A_804 = arith.addf %add3A_725, %mul3A_802 : vector<16xf32>
      %mul3A_805 = arith.mulf %mul3A_802, %convert_element_type3A_749 : vector<16xf32>
      %add3A_806 = arith.addf %add3A_727, %mul3A_805 : vector<16xf32>
      %get3A_807 = arith.constant 1 : i32
      %get3A_808 = arith.constant 3 : i32
      %get3A_809 = arith.index_cast %get3A_807 : i32 to index
      %get3A_810 = arith.index_cast %get3A_808 : i32 to index
      %get3A_811 = arith.index_cast %mul3A_575 : i32 to index
      %get3A_812 = tpu.vector_load %arg5[%get3A_809, %get3A_810, %get3A_811] {strides = array<i32>} : memref<2x8x512xf32, #tpu.memory_space<vmem>>, vector<1x1x16xf32>,
      %get3A_813 = vector.shape_cast %get3A_812 : vector<1x1x16xf32> to vector<16xf32>
      %get3A_814 = arith.constant 1 : i32
      %get3A_815 = arith.constant 3 : i32
      %get3A_816 = arith.index_cast %get3A_814 : i32 to index
      %get3A_817 = arith.index_cast %get3A_815 : i32 to index
      %get3A_818 = arith.index_cast %mul3A_575 : i32 to index
      %get3A_819 = tpu.vector_load %arg6[%get3A_816, %get3A_817, %get3A_818] {strides = array<i32>} : memref<2x8x512xf32, #tpu.memory_space<vmem>>, vector<1x1x16xf32>,
      %get3A_820 = vector.shape_cast %get3A_819 : vector<1x1x16xf32> to vector<16xf32>
      %get3A_821 = arith.constant 1 : i32
      %get3A_822 = arith.constant 3 : i32
      %get3A_823 = arith.index_cast %get3A_821 : i32 to index
      %get3A_824 = arith.index_cast %get3A_822 : i32 to index
      %get3A_825 = arith.index_cast %mul3A_575 : i32 to index
      %get3A_826 = tpu.vector_load %arg7[%get3A_823, %get3A_824, %get3A_825] {strides = array<i32>} : memref<2x8x512xi32, #tpu.memory_space<vmem>>, vector<1x1x16xi32>,
      %get3A_827 = vector.shape_cast %get3A_826 : vector<1x1x16xi32> to vector<16xi32>
      %convert_element_type3A_828 = arith.sitofp %get3A_827 : vector<16xi32> to vector<16xf32>
      %sub3A_829 = arith.subf %get3A_820, %get3A_813 : vector<16xf32>
      %add3A_830 = arith.addf %convert_element_type3A_828, %convert_element_type3A_828 : vector<16xf32>
      %sub3A_831 = arith.constant 1.000000e+00 : f32
      %sub3A_832 = vector.broadcast %sub3A_831 : f32 to vector<16xf32>
      %sub3A_833 = arith.subf %add3A_830, %sub3A_832 : vector<16xf32>
      %mul3A_834 = arith.mulf %sub3A_829, %sub3A_833 : vector<16xf32>
      %lt3A_835 = vector.broadcast %scan3A_288 : f32 to vector<16xf32>
      %lt3A_836 = arith.cmpf olt, %mul3A_834, %lt3A_835 : vector<16xf32>
      %jit3A_837 = arith.constant 1.000000e+00 : f32
      %jit3A_838 = arith.constant 0.000000e+00 : f32
      %broadcast_in_dim3A_839 = vector.broadcast %jit3A_837 : f32 to vector<16xf32>
      %broadcast_in_dim3A_840 = vector.broadcast %jit3A_838 : f32 to vector<16xf32>
      %select_n3A_841 = arith.select %lt3A_836, %broadcast_in_dim3A_839, %broadcast_in_dim3A_840 : vector<16xi1>, vector<16xf32>
      %abs3A_842 = math.absf %mul3A_834 : vector<16xf32>
      %neg3A_843 = arith.constant 0.000000e+00 : f32
      %neg3A_844 = vector.broadcast %neg3A_843 : f32 to vector<16xf32>
      %neg3A_845 = arith.subf %neg3A_844, %abs3A_842 : vector<16xf32>
      %exp3A_846 = math.exp %neg3A_845 : vector<16xf32>
      %mul3A_847 = arith.constant 0.0140268523 : f32
      %mul3A_848 = vector.broadcast %mul3A_847 : f32 to vector<16xf32>
      %mul3A_849 = arith.mulf %mul3A_848, %exp3A_846 : vector<16xf32>
      %add3A_850 = arith.constant -0.0657701269 : f32
      %add3A_851 = vector.broadcast %add3A_850 : f32 to vector<16xf32>
      %add3A_852 = arith.addf %mul3A_849, %add3A_851 : vector<16xf32>
      %mul3A_853 = arith.mulf %add3A_852, %exp3A_846 : vector<16xf32>
      %add3A_854 = arith.constant 0.148106769 : f32
      %add3A_855 = vector.broadcast %add3A_854 : f32 to vector<16xf32>
      %add3A_856 = arith.addf %mul3A_853, %add3A_855 : vector<16xf32>
      %mul3A_857 = arith.mulf %add3A_856, %exp3A_846 : vector<16xf32>
      %add3A_858 = arith.constant -0.23417367 : f32
      %add3A_859 = vector.broadcast %add3A_858 : f32 to vector<16xf32>
      %add3A_860 = arith.addf %mul3A_857, %add3A_859 : vector<16xf32>
      %mul3A_861 = arith.mulf %add3A_860, %exp3A_846 : vector<16xf32>
      %add3A_862 = arith.constant 0.330787897 : f32
      %add3A_863 = vector.broadcast %add3A_862 : f32 to vector<16xf32>
      %add3A_864 = arith.addf %mul3A_861, %add3A_863 : vector<16xf32>
      %mul3A_865 = arith.mulf %add3A_864, %exp3A_846 : vector<16xf32>
      %add3A_866 = arith.constant -0.499825478 : f32
      %add3A_867 = vector.broadcast %add3A_866 : f32 to vector<16xf32>
      %add3A_868 = arith.addf %mul3A_865, %add3A_867 : vector<16xf32>
      %mul3A_869 = arith.mulf %add3A_868, %exp3A_846 : vector<16xf32>
      %add3A_870 = arith.constant 0.999997079 : f32
      %add3A_871 = vector.broadcast %add3A_870 : f32 to vector<16xf32>
      %add3A_872 = arith.addf %mul3A_869, %add3A_871 : vector<16xf32>
      %mul3A_873 = arith.mulf %exp3A_846, %add3A_872 : vector<16xf32>
      %neg3A_874 = arith.constant 0.000000e+00 : f32
      %neg3A_875 = vector.broadcast %neg3A_874 : f32 to vector<16xf32>
      %neg3A_876 = arith.subf %neg3A_875, %mul3A_834 : vector<16xf32>
      %max3A_877 = arith.constant 0.000000e+00 : f32
      %max3A_878 = vector.broadcast %max3A_877 : f32 to vector<16xf32>
      %max3A_879 = arith.maximumf %neg3A_876, %max3A_878 : vector<16xf32>
      %add3A_880 = arith.addf %mul3A_873, %max3A_879 : vector<16xf32>
      %mul3A_881 = arith.mulf %add3A_880, %select_n3A_841 : vector<16xf32>
      %add3A_882 = arith.addf %add3A_803, %select_n3A_841 : vector<16xf32>
      %add3A_883 = arith.addf %add3A_804, %mul3A_881 : vector<16xf32>
      %mul3A_884 = arith.mulf %mul3A_881, %convert_element_type3A_828 : vector<16xf32>
      %add3A_885 = arith.addf %add3A_806, %mul3A_884 : vector<16xf32>
      %get3A_886 = arith.constant 1 : i32
      %get3A_887 = arith.constant 4 : i32
      %get3A_888 = arith.index_cast %get3A_886 : i32 to index
      %get3A_889 = arith.index_cast %get3A_887 : i32 to index
      %get3A_890 = arith.index_cast %mul3A_575 : i32 to index
      %get3A_891 = tpu.vector_load %arg5[%get3A_888, %get3A_889, %get3A_890] {strides = array<i32>} : memref<2x8x512xf32, #tpu.memory_space<vmem>>, vector<1x1x16xf32>,
      %get3A_892 = vector.shape_cast %get3A_891 : vector<1x1x16xf32> to vector<16xf32>
      %get3A_893 = arith.constant 1 : i32
      %get3A_894 = arith.constant 4 : i32
      %get3A_895 = arith.index_cast %get3A_893 : i32 to index
      %get3A_896 = arith.index_cast %get3A_894 : i32 to index
      %get3A_897 = arith.index_cast %mul3A_575 : i32 to index
      %get3A_898 = tpu.vector_load %arg6[%get3A_895, %get3A_896, %get3A_897] {strides = array<i32>} : memref<2x8x512xf32, #tpu.memory_space<vmem>>, vector<1x1x16xf32>,
      %get3A_899 = vector.shape_cast %get3A_898 : vector<1x1x16xf32> to vector<16xf32>
      %get3A_900 = arith.constant 1 : i32
      %get3A_901 = arith.constant 4 : i32
      %get3A_902 = arith.index_cast %get3A_900 : i32 to index
      %get3A_903 = arith.index_cast %get3A_901 : i32 to index
      %get3A_904 = arith.index_cast %mul3A_575 : i32 to index
      %get3A_905 = tpu.vector_load %arg7[%get3A_902, %get3A_903, %get3A_904] {strides = array<i32>} : memref<2x8x512xi32, #tpu.memory_space<vmem>>, vector<1x1x16xi32>,
      %get3A_906 = vector.shape_cast %get3A_905 : vector<1x1x16xi32> to vector<16xi32>
      %convert_element_type3A_907 = arith.sitofp %get3A_906 : vector<16xi32> to vector<16xf32>
      %sub3A_908 = arith.subf %get3A_899, %get3A_892 : vector<16xf32>
      %add3A_909 = arith.addf %convert_element_type3A_907, %convert_element_type3A_907 : vector<16xf32>
      %sub3A_910 = arith.constant 1.000000e+00 : f32
      %sub3A_911 = vector.broadcast %sub3A_910 : f32 to vector<16xf32>
      %sub3A_912 = arith.subf %add3A_909, %sub3A_911 : vector<16xf32>
      %mul3A_913 = arith.mulf %sub3A_908, %sub3A_912 : vector<16xf32>
      %lt3A_914 = vector.broadcast %scan3A_288 : f32 to vector<16xf32>
      %lt3A_915 = arith.cmpf olt, %mul3A_913, %lt3A_914 : vector<16xf32>
      %jit3A_916 = arith.constant 1.000000e+00 : f32
      %jit3A_917 = arith.constant 0.000000e+00 : f32
      %broadcast_in_dim3A_918 = vector.broadcast %jit3A_916 : f32 to vector<16xf32>
      %broadcast_in_dim3A_919 = vector.broadcast %jit3A_917 : f32 to vector<16xf32>
      %select_n3A_920 = arith.select %lt3A_915, %broadcast_in_dim3A_918, %broadcast_in_dim3A_919 : vector<16xi1>, vector<16xf32>
      %abs3A_921 = math.absf %mul3A_913 : vector<16xf32>
      %neg3A_922 = arith.constant 0.000000e+00 : f32
      %neg3A_923 = vector.broadcast %neg3A_922 : f32 to vector<16xf32>
      %neg3A_924 = arith.subf %neg3A_923, %abs3A_921 : vector<16xf32>
      %exp3A_925 = math.exp %neg3A_924 : vector<16xf32>
      %mul3A_926 = arith.constant 0.0140268523 : f32
      %mul3A_927 = vector.broadcast %mul3A_926 : f32 to vector<16xf32>
      %mul3A_928 = arith.mulf %mul3A_927, %exp3A_925 : vector<16xf32>
      %add3A_929 = arith.constant -0.0657701269 : f32
      %add3A_930 = vector.broadcast %add3A_929 : f32 to vector<16xf32>
      %add3A_931 = arith.addf %mul3A_928, %add3A_930 : vector<16xf32>
      %mul3A_932 = arith.mulf %add3A_931, %exp3A_925 : vector<16xf32>
      %add3A_933 = arith.constant 0.148106769 : f32
      %add3A_934 = vector.broadcast %add3A_933 : f32 to vector<16xf32>
      %add3A_935 = arith.addf %mul3A_932, %add3A_934 : vector<16xf32>
      %mul3A_936 = arith.mulf %add3A_935, %exp3A_925 : vector<16xf32>
      %add3A_937 = arith.constant -0.23417367 : f32
      %add3A_938 = vector.broadcast %add3A_937 : f32 to vector<16xf32>
      %add3A_939 = arith.addf %mul3A_936, %add3A_938 : vector<16xf32>
      %mul3A_940 = arith.mulf %add3A_939, %exp3A_925 : vector<16xf32>
      %add3A_941 = arith.constant 0.330787897 : f32
      %add3A_942 = vector.broadcast %add3A_941 : f32 to vector<16xf32>
      %add3A_943 = arith.addf %mul3A_940, %add3A_942 : vector<16xf32>
      %mul3A_944 = arith.mulf %add3A_943, %exp3A_925 : vector<16xf32>
      %add3A_945 = arith.constant -0.499825478 : f32
      %add3A_946 = vector.broadcast %add3A_945 : f32 to vector<16xf32>
      %add3A_947 = arith.addf %mul3A_944, %add3A_946 : vector<16xf32>
      %mul3A_948 = arith.mulf %add3A_947, %exp3A_925 : vector<16xf32>
      %add3A_949 = arith.constant 0.999997079 : f32
      %add3A_950 = vector.broadcast %add3A_949 : f32 to vector<16xf32>
      %add3A_951 = arith.addf %mul3A_948, %add3A_950 : vector<16xf32>
      %mul3A_952 = arith.mulf %exp3A_925, %add3A_951 : vector<16xf32>
      %neg3A_953 = arith.constant 0.000000e+00 : f32
      %neg3A_954 = vector.broadcast %neg3A_953 : f32 to vector<16xf32>
      %neg3A_955 = arith.subf %neg3A_954, %mul3A_913 : vector<16xf32>
      %max3A_956 = arith.constant 0.000000e+00 : f32
      %max3A_957 = vector.broadcast %max3A_956 : f32 to vector<16xf32>
      %max3A_958 = arith.maximumf %neg3A_955, %max3A_957 : vector<16xf32>
      %add3A_959 = arith.addf %mul3A_952, %max3A_958 : vector<16xf32>
      %mul3A_960 = arith.mulf %add3A_959, %select_n3A_920 : vector<16xf32>
      %add3A_961 = arith.addf %add3A_882, %select_n3A_920 : vector<16xf32>
      %add3A_962 = arith.addf %add3A_883, %mul3A_960 : vector<16xf32>
      %mul3A_963 = arith.mulf %mul3A_960, %convert_element_type3A_907 : vector<16xf32>
      %add3A_964 = arith.addf %add3A_885, %mul3A_963 : vector<16xf32>
      %get3A_965 = arith.constant 1 : i32
      %get3A_966 = arith.constant 5 : i32
      %get3A_967 = arith.index_cast %get3A_965 : i32 to index
      %get3A_968 = arith.index_cast %get3A_966 : i32 to index
      %get3A_969 = arith.index_cast %mul3A_575 : i32 to index
      %get3A_970 = tpu.vector_load %arg5[%get3A_967, %get3A_968, %get3A_969] {strides = array<i32>} : memref<2x8x512xf32, #tpu.memory_space<vmem>>, vector<1x1x16xf32>,
      %get3A_971 = vector.shape_cast %get3A_970 : vector<1x1x16xf32> to vector<16xf32>
      %get3A_972 = arith.constant 1 : i32
      %get3A_973 = arith.constant 5 : i32
      %get3A_974 = arith.index_cast %get3A_972 : i32 to index
      %get3A_975 = arith.index_cast %get3A_973 : i32 to index
      %get3A_976 = arith.index_cast %mul3A_575 : i32 to index
      %get3A_977 = tpu.vector_load %arg6[%get3A_974, %get3A_975, %get3A_976] {strides = array<i32>} : memref<2x8x512xf32, #tpu.memory_space<vmem>>, vector<1x1x16xf32>,
      %get3A_978 = vector.shape_cast %get3A_977 : vector<1x1x16xf32> to vector<16xf32>
      %get3A_979 = arith.constant 1 : i32
      %get3A_980 = arith.constant 5 : i32
      %get3A_981 = arith.index_cast %get3A_979 : i32 to index
      %get3A_982 = arith.index_cast %get3A_980 : i32 to index
      %get3A_983 = arith.index_cast %mul3A_575 : i32 to index
      %get3A_984 = tpu.vector_load %arg7[%get3A_981, %get3A_982, %get3A_983] {strides = array<i32>} : memref<2x8x512xi32, #tpu.memory_space<vmem>>, vector<1x1x16xi32>,
      %get3A_985 = vector.shape_cast %get3A_984 : vector<1x1x16xi32> to vector<16xi32>
      %convert_element_type3A_986 = arith.sitofp %get3A_985 : vector<16xi32> to vector<16xf32>
      %sub3A_987 = arith.subf %get3A_978, %get3A_971 : vector<16xf32>
      %add3A_988 = arith.addf %convert_element_type3A_986, %convert_element_type3A_986 : vector<16xf32>
      %sub3A_989 = arith.constant 1.000000e+00 : f32
      %sub3A_990 = vector.broadcast %sub3A_989 : f32 to vector<16xf32>
      %sub3A_991 = arith.subf %add3A_988, %sub3A_990 : vector<16xf32>
      %mul3A_992 = arith.mulf %sub3A_987, %sub3A_991 : vector<16xf32>
      %lt3A_993 = vector.broadcast %scan3A_288 : f32 to vector<16xf32>
      %lt3A_994 = arith.cmpf olt, %mul3A_992, %lt3A_993 : vector<16xf32>
      %jit3A_995 = arith.constant 1.000000e+00 : f32
      %jit3A_996 = arith.constant 0.000000e+00 : f32
      %broadcast_in_dim3A_997 = vector.broadcast %jit3A_995 : f32 to vector<16xf32>
      %broadcast_in_dim3A_998 = vector.broadcast %jit3A_996 : f32 to vector<16xf32>
      %select_n3A_999 = arith.select %lt3A_994, %broadcast_in_dim3A_997, %broadcast_in_dim3A_998 : vector<16xi1>, vector<16xf32>
      %abs3A_1000 = math.absf %mul3A_992 : vector<16xf32>
      %neg3A_1001 = arith.constant 0.000000e+00 : f32
      %neg3A_1002 = vector.broadcast %neg3A_1001 : f32 to vector<16xf32>
      %neg3A_1003 = arith.subf %neg3A_1002, %abs3A_1000 : vector<16xf32>
      %exp3A_1004 = math.exp %neg3A_1003 : vector<16xf32>
      %mul3A_1005 = arith.constant 0.0140268523 : f32
      %mul3A_1006 = vector.broadcast %mul3A_1005 : f32 to vector<16xf32>
      %mul3A_1007 = arith.mulf %mul3A_1006, %exp3A_1004 : vector<16xf32>
      %add3A_1008 = arith.constant -0.0657701269 : f32
      %add3A_1009 = vector.broadcast %add3A_1008 : f32 to vector<16xf32>
      %add3A_1010 = arith.addf %mul3A_1007, %add3A_1009 : vector<16xf32>
      %mul3A_1011 = arith.mulf %add3A_1010, %exp3A_1004 : vector<16xf32>
      %add3A_1012 = arith.constant 0.148106769 : f32
      %add3A_1013 = vector.broadcast %add3A_1012 : f32 to vector<16xf32>
      %add3A_1014 = arith.addf %mul3A_1011, %add3A_1013 : vector<16xf32>
      %mul3A_1015 = arith.mulf %add3A_1014, %exp3A_1004 : vector<16xf32>
      %add3A_1016 = arith.constant -0.23417367 : f32
      %add3A_1017 = vector.broadcast %add3A_1016 : f32 to vector<16xf32>
      %add3A_1018 = arith.addf %mul3A_1015, %add3A_1017 : vector<16xf32>
      %mul3A_1019 = arith.mulf %add3A_1018, %exp3A_1004 : vector<16xf32>
      %add3A_1020 = arith.constant 0.330787897 : f32
      %add3A_1021 = vector.broadcast %add3A_1020 : f32 to vector<16xf32>
      %add3A_1022 = arith.addf %mul3A_1019, %add3A_1021 : vector<16xf32>
      %mul3A_1023 = arith.mulf %add3A_1022, %exp3A_1004 : vector<16xf32>
      %add3A_1024 = arith.constant -0.499825478 : f32
      %add3A_1025 = vector.broadcast %add3A_1024 : f32 to vector<16xf32>
      %add3A_1026 = arith.addf %mul3A_1023, %add3A_1025 : vector<16xf32>
      %mul3A_1027 = arith.mulf %add3A_1026, %exp3A_1004 : vector<16xf32>
      %add3A_1028 = arith.constant 0.999997079 : f32
      %add3A_1029 = vector.broadcast %add3A_1028 : f32 to vector<16xf32>
      %add3A_1030 = arith.addf %mul3A_1027, %add3A_1029 : vector<16xf32>
      %mul3A_1031 = arith.mulf %exp3A_1004, %add3A_1030 : vector<16xf32>
      %neg3A_1032 = arith.constant 0.000000e+00 : f32
      %neg3A_1033 = vector.broadcast %neg3A_1032 : f32 to vector<16xf32>
      %neg3A_1034 = arith.subf %neg3A_1033, %mul3A_992 : vector<16xf32>
      %max3A_1035 = arith.constant 0.000000e+00 : f32
      %max3A_1036 = vector.broadcast %max3A_1035 : f32 to vector<16xf32>
      %max3A_1037 = arith.maximumf %neg3A_1034, %max3A_1036 : vector<16xf32>
      %add3A_1038 = arith.addf %mul3A_1031, %max3A_1037 : vector<16xf32>
      %mul3A_1039 = arith.mulf %add3A_1038, %select_n3A_999 : vector<16xf32>
      %add3A_1040 = arith.addf %add3A_961, %select_n3A_999 : vector<16xf32>
      %add3A_1041 = arith.addf %add3A_962, %mul3A_1039 : vector<16xf32>
      %mul3A_1042 = arith.mulf %mul3A_1039, %convert_element_type3A_986 : vector<16xf32>
      %add3A_1043 = arith.addf %add3A_964, %mul3A_1042 : vector<16xf32>
      %get3A_1044 = arith.constant 1 : i32
      %get3A_1045 = arith.constant 6 : i32
      %get3A_1046 = arith.index_cast %get3A_1044 : i32 to index
      %get3A_1047 = arith.index_cast %get3A_1045 : i32 to index
      %get3A_1048 = arith.index_cast %mul3A_575 : i32 to index
      %get3A_1049 = tpu.vector_load %arg5[%get3A_1046, %get3A_1047, %get3A_1048] {strides = array<i32>} : memref<2x8x512xf32, #tpu.memory_space<vmem>>, vector<1x1x16xf32>,
      %get3A_1050 = vector.shape_cast %get3A_1049 : vector<1x1x16xf32> to vector<16xf32>
      %get3A_1051 = arith.constant 1 : i32
      %get3A_1052 = arith.constant 6 : i32
      %get3A_1053 = arith.index_cast %get3A_1051 : i32 to index
      %get3A_1054 = arith.index_cast %get3A_1052 : i32 to index
      %get3A_1055 = arith.index_cast %mul3A_575 : i32 to index
      %get3A_1056 = tpu.vector_load %arg6[%get3A_1053, %get3A_1054, %get3A_1055] {strides = array<i32>} : memref<2x8x512xf32, #tpu.memory_space<vmem>>, vector<1x1x16xf32>,
      %get3A_1057 = vector.shape_cast %get3A_1056 : vector<1x1x16xf32> to vector<16xf32>
      %get3A_1058 = arith.constant 1 : i32
      %get3A_1059 = arith.constant 6 : i32
      %get3A_1060 = arith.index_cast %get3A_1058 : i32 to index
      %get3A_1061 = arith.index_cast %get3A_1059 : i32 to index
      %get3A_1062 = arith.index_cast %mul3A_575 : i32 to index
      %get3A_1063 = tpu.vector_load %arg7[%get3A_1060, %get3A_1061, %get3A_1062] {strides = array<i32>} : memref<2x8x512xi32, #tpu.memory_space<vmem>>, vector<1x1x16xi32>,
      %get3A_1064 = vector.shape_cast %get3A_1063 : vector<1x1x16xi32> to vector<16xi32>
      %convert_element_type3A_1065 = arith.sitofp %get3A_1064 : vector<16xi32> to vector<16xf32>
      %sub3A_1066 = arith.subf %get3A_1057, %get3A_1050 : vector<16xf32>
      %add3A_1067 = arith.addf %convert_element_type3A_1065, %convert_element_type3A_1065 : vector<16xf32>
      %sub3A_1068 = arith.constant 1.000000e+00 : f32
      %sub3A_1069 = vector.broadcast %sub3A_1068 : f32 to vector<16xf32>
      %sub3A_1070 = arith.subf %add3A_1067, %sub3A_1069 : vector<16xf32>
      %mul3A_1071 = arith.mulf %sub3A_1066, %sub3A_1070 : vector<16xf32>
      %lt3A_1072 = vector.broadcast %scan3A_288 : f32 to vector<16xf32>
      %lt3A_1073 = arith.cmpf olt, %mul3A_1071, %lt3A_1072 : vector<16xf32>
      %jit3A_1074 = arith.constant 1.000000e+00 : f32
      %jit3A_1075 = arith.constant 0.000000e+00 : f32
      %broadcast_in_dim3A_1076 = vector.broadcast %jit3A_1074 : f32 to vector<16xf32>
      %broadcast_in_dim3A_1077 = vector.broadcast %jit3A_1075 : f32 to vector<16xf32>
      %select_n3A_1078 = arith.select %lt3A_1073, %broadcast_in_dim3A_1076, %broadcast_in_dim3A_1077 : vector<16xi1>, vector<16xf32>
      %abs3A_1079 = math.absf %mul3A_1071 : vector<16xf32>
      %neg3A_1080 = arith.constant 0.000000e+00 : f32
      %neg3A_1081 = vector.broadcast %neg3A_1080 : f32 to vector<16xf32>
      %neg3A_1082 = arith.subf %neg3A_1081, %abs3A_1079 : vector<16xf32>
      %exp3A_1083 = math.exp %neg3A_1082 : vector<16xf32>
      %mul3A_1084 = arith.constant 0.0140268523 : f32
      %mul3A_1085 = vector.broadcast %mul3A_1084 : f32 to vector<16xf32>
      %mul3A_1086 = arith.mulf %mul3A_1085, %exp3A_1083 : vector<16xf32>
      %add3A_1087 = arith.constant -0.0657701269 : f32
      %add3A_1088 = vector.broadcast %add3A_1087 : f32 to vector<16xf32>
      %add3A_1089 = arith.addf %mul3A_1086, %add3A_1088 : vector<16xf32>
      %mul3A_1090 = arith.mulf %add3A_1089, %exp3A_1083 : vector<16xf32>
      %add3A_1091 = arith.constant 0.148106769 : f32
      %add3A_1092 = vector.broadcast %add3A_1091 : f32 to vector<16xf32>
      %add3A_1093 = arith.addf %mul3A_1090, %add3A_1092 : vector<16xf32>
      %mul3A_1094 = arith.mulf %add3A_1093, %exp3A_1083 : vector<16xf32>
      %add3A_1095 = arith.constant -0.23417367 : f32
      %add3A_1096 = vector.broadcast %add3A_1095 : f32 to vector<16xf32>
      %add3A_1097 = arith.addf %mul3A_1094, %add3A_1096 : vector<16xf32>
      %mul3A_1098 = arith.mulf %add3A_1097, %exp3A_1083 : vector<16xf32>
      %add3A_1099 = arith.constant 0.330787897 : f32
      %add3A_1100 = vector.broadcast %add3A_1099 : f32 to vector<16xf32>
      %add3A_1101 = arith.addf %mul3A_1098, %add3A_1100 : vector<16xf32>
      %mul3A_1102 = arith.mulf %add3A_1101, %exp3A_1083 : vector<16xf32>
      %add3A_1103 = arith.constant -0.499825478 : f32
      %add3A_1104 = vector.broadcast %add3A_1103 : f32 to vector<16xf32>
      %add3A_1105 = arith.addf %mul3A_1102, %add3A_1104 : vector<16xf32>
      %mul3A_1106 = arith.mulf %add3A_1105, %exp3A_1083 : vector<16xf32>
      %add3A_1107 = arith.constant 0.999997079 : f32
      %add3A_1108 = vector.broadcast %add3A_1107 : f32 to vector<16xf32>
      %add3A_1109 = arith.addf %mul3A_1106, %add3A_1108 : vector<16xf32>
      %mul3A_1110 = arith.mulf %exp3A_1083, %add3A_1109 : vector<16xf32>
      %neg3A_1111 = arith.constant 0.000000e+00 : f32
      %neg3A_1112 = vector.broadcast %neg3A_1111 : f32 to vector<16xf32>
      %neg3A_1113 = arith.subf %neg3A_1112, %mul3A_1071 : vector<16xf32>
      %max3A_1114 = arith.constant 0.000000e+00 : f32
      %max3A_1115 = vector.broadcast %max3A_1114 : f32 to vector<16xf32>
      %max3A_1116 = arith.maximumf %neg3A_1113, %max3A_1115 : vector<16xf32>
      %add3A_1117 = arith.addf %mul3A_1110, %max3A_1116 : vector<16xf32>
      %mul3A_1118 = arith.mulf %add3A_1117, %select_n3A_1078 : vector<16xf32>
      %add3A_1119 = arith.addf %add3A_1040, %select_n3A_1078 : vector<16xf32>
      %add3A_1120 = arith.addf %add3A_1041, %mul3A_1118 : vector<16xf32>
      %mul3A_1121 = arith.mulf %mul3A_1118, %convert_element_type3A_1065 : vector<16xf32>
      %add3A_1122 = arith.addf %add3A_1043, %mul3A_1121 : vector<16xf32>
      %get3A_1123 = arith.constant 1 : i32
      %get3A_1124 = arith.constant 7 : i32
      %get3A_1125 = arith.index_cast %get3A_1123 : i32 to index
      %get3A_1126 = arith.index_cast %get3A_1124 : i32 to index
      %get3A_1127 = arith.index_cast %mul3A_575 : i32 to index
      %get3A_1128 = tpu.vector_load %arg5[%get3A_1125, %get3A_1126, %get3A_1127] {strides = array<i32>} : memref<2x8x512xf32, #tpu.memory_space<vmem>>, vector<1x1x16xf32>,
      %get3A_1129 = vector.shape_cast %get3A_1128 : vector<1x1x16xf32> to vector<16xf32>
      %get3A_1130 = arith.constant 1 : i32
      %get3A_1131 = arith.constant 7 : i32
      %get3A_1132 = arith.index_cast %get3A_1130 : i32 to index
      %get3A_1133 = arith.index_cast %get3A_1131 : i32 to index
      %get3A_1134 = arith.index_cast %mul3A_575 : i32 to index
      %get3A_1135 = tpu.vector_load %arg6[%get3A_1132, %get3A_1133, %get3A_1134] {strides = array<i32>} : memref<2x8x512xf32, #tpu.memory_space<vmem>>, vector<1x1x16xf32>,
      %get3A_1136 = vector.shape_cast %get3A_1135 : vector<1x1x16xf32> to vector<16xf32>
      %get3A_1137 = arith.constant 1 : i32
      %get3A_1138 = arith.constant 7 : i32
      %get3A_1139 = arith.index_cast %get3A_1137 : i32 to index
      %get3A_1140 = arith.index_cast %get3A_1138 : i32 to index
      %get3A_1141 = arith.index_cast %mul3A_575 : i32 to index
      %get3A_1142 = tpu.vector_load %arg7[%get3A_1139, %get3A_1140, %get3A_1141] {strides = array<i32>} : memref<2x8x512xi32, #tpu.memory_space<vmem>>, vector<1x1x16xi32>,
      %get3A_1143 = vector.shape_cast %get3A_1142 : vector<1x1x16xi32> to vector<16xi32>
      %convert_element_type3A_1144 = arith.sitofp %get3A_1143 : vector<16xi32> to vector<16xf32>
      %sub3A_1145 = arith.subf %get3A_1136, %get3A_1129 : vector<16xf32>
      %add3A_1146 = arith.addf %convert_element_type3A_1144, %convert_element_type3A_1144 : vector<16xf32>
      %sub3A_1147 = arith.constant 1.000000e+00 : f32
      %sub3A_1148 = vector.broadcast %sub3A_1147 : f32 to vector<16xf32>
      %sub3A_1149 = arith.subf %add3A_1146, %sub3A_1148 : vector<16xf32>
      %mul3A_1150 = arith.mulf %sub3A_1145, %sub3A_1149 : vector<16xf32>
      %lt3A_1151 = vector.broadcast %scan3A_288 : f32 to vector<16xf32>
      %lt3A_1152 = arith.cmpf olt, %mul3A_1150, %lt3A_1151 : vector<16xf32>
      %jit3A_1153 = arith.constant 1.000000e+00 : f32
      %jit3A_1154 = arith.constant 0.000000e+00 : f32
      %broadcast_in_dim3A_1155 = vector.broadcast %jit3A_1153 : f32 to vector<16xf32>
      %broadcast_in_dim3A_1156 = vector.broadcast %jit3A_1154 : f32 to vector<16xf32>
      %select_n3A_1157 = arith.select %lt3A_1152, %broadcast_in_dim3A_1155, %broadcast_in_dim3A_1156 : vector<16xi1>, vector<16xf32>
      %abs3A_1158 = math.absf %mul3A_1150 : vector<16xf32>
      %neg3A_1159 = arith.constant 0.000000e+00 : f32
      %neg3A_1160 = vector.broadcast %neg3A_1159 : f32 to vector<16xf32>
      %neg3A_1161 = arith.subf %neg3A_1160, %abs3A_1158 : vector<16xf32>
      %exp3A_1162 = math.exp %neg3A_1161 : vector<16xf32>
      %mul3A_1163 = arith.constant 0.0140268523 : f32
      %mul3A_1164 = vector.broadcast %mul3A_1163 : f32 to vector<16xf32>
      %mul3A_1165 = arith.mulf %mul3A_1164, %exp3A_1162 : vector<16xf32>
      %add3A_1166 = arith.constant -0.0657701269 : f32
      %add3A_1167 = vector.broadcast %add3A_1166 : f32 to vector<16xf32>
      %add3A_1168 = arith.addf %mul3A_1165, %add3A_1167 : vector<16xf32>
      %mul3A_1169 = arith.mulf %add3A_1168, %exp3A_1162 : vector<16xf32>
      %add3A_1170 = arith.constant 0.148106769 : f32
      %add3A_1171 = vector.broadcast %add3A_1170 : f32 to vector<16xf32>
      %add3A_1172 = arith.addf %mul3A_1169, %add3A_1171 : vector<16xf32>
      %mul3A_1173 = arith.mulf %add3A_1172, %exp3A_1162 : vector<16xf32>
      %add3A_1174 = arith.constant -0.23417367 : f32
      %add3A_1175 = vector.broadcast %add3A_1174 : f32 to vector<16xf32>
      %add3A_1176 = arith.addf %mul3A_1173, %add3A_1175 : vector<16xf32>
      %mul3A_1177 = arith.mulf %add3A_1176, %exp3A_1162 : vector<16xf32>
      %add3A_1178 = arith.constant 0.330787897 : f32
      %add3A_1179 = vector.broadcast %add3A_1178 : f32 to vector<16xf32>
      %add3A_1180 = arith.addf %mul3A_1177, %add3A_1179 : vector<16xf32>
      %mul3A_1181 = arith.mulf %add3A_1180, %exp3A_1162 : vector<16xf32>
      %add3A_1182 = arith.constant -0.499825478 : f32
      %add3A_1183 = vector.broadcast %add3A_1182 : f32 to vector<16xf32>
      %add3A_1184 = arith.addf %mul3A_1181, %add3A_1183 : vector<16xf32>
      %mul3A_1185 = arith.mulf %add3A_1184, %exp3A_1162 : vector<16xf32>
      %add3A_1186 = arith.constant 0.999997079 : f32
      %add3A_1187 = vector.broadcast %add3A_1186 : f32 to vector<16xf32>
      %add3A_1188 = arith.addf %mul3A_1185, %add3A_1187 : vector<16xf32>
      %mul3A_1189 = arith.mulf %exp3A_1162, %add3A_1188 : vector<16xf32>
      %neg3A_1190 = arith.constant 0.000000e+00 : f32
      %neg3A_1191 = vector.broadcast %neg3A_1190 : f32 to vector<16xf32>
      %neg3A_1192 = arith.subf %neg3A_1191, %mul3A_1150 : vector<16xf32>
      %max3A_1193 = arith.constant 0.000000e+00 : f32
      %max3A_1194 = vector.broadcast %max3A_1193 : f32 to vector<16xf32>
      %max3A_1195 = arith.maximumf %neg3A_1192, %max3A_1194 : vector<16xf32>
      %add3A_1196 = arith.addf %mul3A_1189, %max3A_1195 : vector<16xf32>
      %mul3A_1197 = arith.mulf %add3A_1196, %select_n3A_1157 : vector<16xf32>
      %add3A_1198 = arith.addf %add3A_1119, %select_n3A_1157 : vector<16xf32>
      %add3A_1199 = arith.addf %add3A_1120, %mul3A_1197 : vector<16xf32>
      %mul3A_1200 = arith.mulf %mul3A_1197, %convert_element_type3A_1144 : vector<16xf32>
      %add3A_1201 = arith.addf %add3A_1122, %mul3A_1200 : vector<16xf32>
      scf.yield %add3A_1198, %add3A_1199, %add3A_1201 : vector<16xf32>, vector<16xf32>, vector<16xf32>
    }
    %scan3A_294 = arith.constant 32 : i32
    %add3A_295 = arith.constant 24 : i32
    %add3A_296 = arith.addi %add3A_34, %add3A_295 : i32
    %mul3A_297 = arith.constant 2 : i32
    %mul3A_298 = arith.muli %mul3A_297, %select_n3A : i32
    %dma_start3A_299 = arith.constant 1 : i32
    %dma_start3A_300 = arith.constant 0 : i32
    %dma_start3A_301 = arith.constant 0 : i32
    %dma_start3A_302 = tpu.memref_slice %arg5[%dma_start3A_299, %dma_start3A_300, %dma_start3A_301] : memref<2x8x512xf32, #tpu.memory_space<vmem>> -> memref<1x8x512xf32, #tpu.memory_space<vmem>>
    %dma_start3A_303 = tpu.memref_squeeze %dma_start3A_302 : memref<1x8x512xf32, #tpu.memory_space<vmem>> -> memref<8x512xf32, #tpu.memory_space<vmem>>
    %dma_start3A_304 = arith.constant 0 : i32
    %dma_start3A_305 = tpu.memref_slice %arg2[%mul3A_298, %add3A_296, %dma_start3A_304] : memref<16x512x512xf32, #tpu.memory_space<hbm>> -> memref<1x8x512xf32, #tpu.memory_space<hbm>>
    %dma_start3A_306 = tpu.memref_squeeze %dma_start3A_305 : memref<1x8x512xf32, #tpu.memory_space<hbm>> -> memref<8x512xf32, #tpu.memory_space<hbm>>
    %dma_start3A_307 = arith.constant 0 : i32
    %dma_start3A_308 = arith.constant 0 : i32
    %dma_start3A_309 = tpu.memref_slice %arg5[%dma_start3A_299, %dma_start3A_307, %dma_start3A_308] : memref<2x8x512xf32, #tpu.memory_space<vmem>> -> memref<1x8x512xf32, #tpu.memory_space<vmem>>
    %dma_start3A_310 = tpu.memref_squeeze %dma_start3A_309 : memref<1x8x512xf32, #tpu.memory_space<vmem>> -> memref<8x512xf32, #tpu.memory_space<vmem>>
    %dma_start3A_311 = arith.constant 0 : i32
    %dma_start3A_312 = tpu.memref_slice %arg2[%mul3A_298, %add3A_296, %dma_start3A_311] : memref<16x512x512xf32, #tpu.memory_space<hbm>> -> memref<1x8x512xf32, #tpu.memory_space<hbm>>
    %dma_start3A_313 = tpu.memref_squeeze %dma_start3A_312 : memref<1x8x512xf32, #tpu.memory_space<hbm>> -> memref<8x512xf32, #tpu.memory_space<hbm>>
    tpu.enqueue_dma source(%dma_start3A_313 : memref<8x512xf32, #tpu.memory_space<hbm>>) target(%dma_start3A_310 : memref<8x512xf32, #tpu.memory_space<vmem>>) target_semaphore(%arg10 : memref<!tpu.dma_semaphore, #tpu.memory_space<semaphore_mem>>)
    %mul3A_314 = arith.constant 2 : i32
    %mul3A_315 = arith.muli %mul3A_314, %select_n3A : i32
    %add3A_316 = arith.constant 1 : i32
    %add3A_317 = arith.addi %mul3A_315, %add3A_316 : i32
    %dma_start3A_318 = arith.constant 1 : i32
    %dma_start3A_319 = arith.constant 0 : i32
    %dma_start3A_320 = arith.constant 0 : i32
    %dma_start3A_321 = tpu.memref_slice %arg6[%dma_start3A_318, %dma_start3A_319, %dma_start3A_320] : memref<2x8x512xf32, #tpu.memory_space<vmem>> -> memref<1x8x512xf32, #tpu.memory_space<vmem>>
    %dma_start3A_322 = tpu.memref_squeeze %dma_start3A_321 : memref<1x8x512xf32, #tpu.memory_space<vmem>> -> memref<8x512xf32, #tpu.memory_space<vmem>>
    %dma_start3A_323 = arith.constant 0 : i32
    %dma_start3A_324 = tpu.memref_slice %arg2[%add3A_317, %add3A_296, %dma_start3A_323] : memref<16x512x512xf32, #tpu.memory_space<hbm>> -> memref<1x8x512xf32, #tpu.memory_space<hbm>>
    %dma_start3A_325 = tpu.memref_squeeze %dma_start3A_324 : memref<1x8x512xf32, #tpu.memory_space<hbm>> -> memref<8x512xf32, #tpu.memory_space<hbm>>
    %dma_start3A_326 = arith.constant 0 : i32
    %dma_start3A_327 = arith.constant 0 : i32
    %dma_start3A_328 = tpu.memref_slice %arg6[%dma_start3A_318, %dma_start3A_326, %dma_start3A_327] : memref<2x8x512xf32, #tpu.memory_space<vmem>> -> memref<1x8x512xf32, #tpu.memory_space<vmem>>
    %dma_start3A_329 = tpu.memref_squeeze %dma_start3A_328 : memref<1x8x512xf32, #tpu.memory_space<vmem>> -> memref<8x512xf32, #tpu.memory_space<vmem>>
    %dma_start3A_330 = arith.constant 0 : i32
    %dma_start3A_331 = tpu.memref_slice %arg2[%add3A_317, %add3A_296, %dma_start3A_330] : memref<16x512x512xf32, #tpu.memory_space<hbm>> -> memref<1x8x512xf32, #tpu.memory_space<hbm>>
    %dma_start3A_332 = tpu.memref_squeeze %dma_start3A_331 : memref<1x8x512xf32, #tpu.memory_space<hbm>> -> memref<8x512xf32, #tpu.memory_space<hbm>>
    tpu.enqueue_dma source(%dma_start3A_332 : memref<8x512xf32, #tpu.memory_space<hbm>>) target(%dma_start3A_329 : memref<8x512xf32, #tpu.memory_space<vmem>>) target_semaphore(%arg10 : memref<!tpu.dma_semaphore, #tpu.memory_space<semaphore_mem>>)
    %mul3A_333 = arith.constant 512 : i32
    %mul3A_334 = arith.muli %select_n3A, %mul3A_333 : i32
    %add3A_335 = arith.addi %mul3A_334, %add3A_296 : i32
    %dma_start3A_336 = arith.constant 1 : i32
    %dma_start3A_337 = arith.constant 0 : i32
    %dma_start3A_338 = arith.constant 0 : i32
    %dma_start3A_339 = tpu.memref_slice %arg7[%dma_start3A_336, %dma_start3A_337, %dma_start3A_338] : memref<2x8x512xi32, #tpu.memory_space<vmem>> -> memref<1x8x512xi32, #tpu.memory_space<vmem>>
    %dma_start3A_340 = tpu.memref_squeeze %dma_start3A_339 : memref<1x8x512xi32, #tpu.memory_space<vmem>> -> memref<8x512xi32, #tpu.memory_space<vmem>>
    %dma_start3A_341 = arith.constant 0 : i32
    %dma_start3A_342 = tpu.memref_slice %arg3[%add3A_335, %dma_start3A_341] : memref<4096x512xi32, #tpu.memory_space<hbm>> -> memref<8x512xi32, #tpu.memory_space<hbm>>
    %dma_start3A_343 = arith.constant 0 : i32
    %dma_start3A_344 = arith.constant 0 : i32
    %dma_start3A_345 = tpu.memref_slice %arg7[%dma_start3A_336, %dma_start3A_343, %dma_start3A_344] : memref<2x8x512xi32, #tpu.memory_space<vmem>> -> memref<1x8x512xi32, #tpu.memory_space<vmem>>
    %dma_start3A_346 = tpu.memref_squeeze %dma_start3A_345 : memref<1x8x512xi32, #tpu.memory_space<vmem>> -> memref<8x512xi32, #tpu.memory_space<vmem>>
    %dma_start3A_347 = arith.constant 0 : i32
    %dma_start3A_348 = tpu.memref_slice %arg3[%add3A_335, %dma_start3A_347] : memref<4096x512xi32, #tpu.memory_space<hbm>> -> memref<8x512xi32, #tpu.memory_space<hbm>>
    tpu.enqueue_dma source(%dma_start3A_348 : memref<8x512xi32, #tpu.memory_space<hbm>>) target(%dma_start3A_346 : memref<8x512xi32, #tpu.memory_space<vmem>>) target_semaphore(%arg10 : memref<!tpu.dma_semaphore, #tpu.memory_space<semaphore_mem>>)
    %dma_wait3A_349 = arith.constant 0 : i32
    %dma_wait3A_350 = arith.constant 0 : i32
    %dma_wait3A_351 = arith.constant 0 : i32
    %dma_wait3A_352 = tpu.memref_slice %arg5[%dma_wait3A_349, %dma_wait3A_350, %dma_wait3A_351] : memref<2x8x512xf32, #tpu.memory_space<vmem>> -> memref<1x8x512xf32, #tpu.memory_space<vmem>>
    %dma_wait3A_353 = tpu.memref_squeeze %dma_wait3A_352 : memref<1x8x512xf32, #tpu.memory_space<vmem>> -> memref<8x512xf32, #tpu.memory_space<vmem>>
    %dma_wait3A_354 = arith.constant 0 : i32
    %dma_wait3A_355 = tpu.memref_slice %arg2[%mul3A_194, %add3A_192, %dma_wait3A_354] : memref<16x512x512xf32, #tpu.memory_space<hbm>> -> memref<1x8x512xf32, #tpu.memory_space<hbm>>
    %dma_wait3A_356 = tpu.memref_squeeze %dma_wait3A_355 : memref<1x8x512xf32, #tpu.memory_space<hbm>> -> memref<8x512xf32, #tpu.memory_space<hbm>>
    %dma_wait3A_357 = arith.constant 0 : i32
    %dma_wait3A_358 = arith.constant 0 : i32
    %dma_wait3A_359 = tpu.memref_slice %arg5[%dma_wait3A_349, %dma_wait3A_357, %dma_wait3A_358] : memref<2x8x512xf32, #tpu.memory_space<vmem>> -> memref<1x8x512xf32, #tpu.memory_space<vmem>>
    %dma_wait3A_360 = tpu.memref_squeeze %dma_wait3A_359 : memref<1x8x512xf32, #tpu.memory_space<vmem>> -> memref<8x512xf32, #tpu.memory_space<vmem>>
    %dma_wait3A_361 = arith.constant 0 : i32
    %dma_wait3A_362 = tpu.memref_slice %arg2[%mul3A_194, %add3A_192, %dma_wait3A_361] : memref<16x512x512xf32, #tpu.memory_space<hbm>> -> memref<1x8x512xf32, #tpu.memory_space<hbm>>
    %dma_wait3A_363 = tpu.memref_squeeze %dma_wait3A_362 : memref<1x8x512xf32, #tpu.memory_space<hbm>> -> memref<8x512xf32, #tpu.memory_space<hbm>>
    tpu.wait_dma2 semaphore(%arg9 : memref<!tpu.dma_semaphore, #tpu.memory_space<semaphore_mem>>) src(%dma_wait3A_363 : memref<8x512xf32, #tpu.memory_space<hbm>>) dst(%dma_wait3A_360 : memref<8x512xf32, #tpu.memory_space<vmem>>)
    %dma_wait3A_364 = arith.constant 0 : i32
    %dma_wait3A_365 = arith.constant 0 : i32
    %dma_wait3A_366 = arith.constant 0 : i32
    %dma_wait3A_367 = tpu.memref_slice %arg6[%dma_wait3A_364, %dma_wait3A_365, %dma_wait3A_366] : memref<2x8x512xf32, #tpu.memory_space<vmem>> -> memref<1x8x512xf32, #tpu.memory_space<vmem>>
    %dma_wait3A_368 = tpu.memref_squeeze %dma_wait3A_367 : memref<1x8x512xf32, #tpu.memory_space<vmem>> -> memref<8x512xf32, #tpu.memory_space<vmem>>
    %dma_wait3A_369 = arith.constant 0 : i32
    %dma_wait3A_370 = tpu.memref_slice %arg2[%add3A_213, %add3A_192, %dma_wait3A_369] : memref<16x512x512xf32, #tpu.memory_space<hbm>> -> memref<1x8x512xf32, #tpu.memory_space<hbm>>
    %dma_wait3A_371 = tpu.memref_squeeze %dma_wait3A_370 : memref<1x8x512xf32, #tpu.memory_space<hbm>> -> memref<8x512xf32, #tpu.memory_space<hbm>>
    %dma_wait3A_372 = arith.constant 0 : i32
    %dma_wait3A_373 = arith.constant 0 : i32
    %dma_wait3A_374 = tpu.memref_slice %arg6[%dma_wait3A_364, %dma_wait3A_372, %dma_wait3A_373] : memref<2x8x512xf32, #tpu.memory_space<vmem>> -> memref<1x8x512xf32, #tpu.memory_space<vmem>>
    %dma_wait3A_375 = tpu.memref_squeeze %dma_wait3A_374 : memref<1x8x512xf32, #tpu.memory_space<vmem>> -> memref<8x512xf32, #tpu.memory_space<vmem>>
    %dma_wait3A_376 = arith.constant 0 : i32
    %dma_wait3A_377 = tpu.memref_slice %arg2[%add3A_213, %add3A_192, %dma_wait3A_376] : memref<16x512x512xf32, #tpu.memory_space<hbm>> -> memref<1x8x512xf32, #tpu.memory_space<hbm>>
    %dma_wait3A_378 = tpu.memref_squeeze %dma_wait3A_377 : memref<1x8x512xf32, #tpu.memory_space<hbm>> -> memref<8x512xf32, #tpu.memory_space<hbm>>
    tpu.wait_dma2 semaphore(%arg9 : memref<!tpu.dma_semaphore, #tpu.memory_space<semaphore_mem>>) src(%dma_wait3A_378 : memref<8x512xf32, #tpu.memory_space<hbm>>) dst(%dma_wait3A_375 : memref<8x512xf32, #tpu.memory_space<vmem>>)
    %dma_wait3A_379 = arith.constant 0 : i32
    %dma_wait3A_380 = arith.constant 0 : i32
    %dma_wait3A_381 = arith.constant 0 : i32
    %dma_wait3A_382 = tpu.memref_slice %arg7[%dma_wait3A_379, %dma_wait3A_380, %dma_wait3A_381] : memref<2x8x512xi32, #tpu.memory_space<vmem>> -> memref<1x8x512xi32, #tpu.memory_space<vmem>>
    %dma_wait3A_383 = tpu.memref_squeeze %dma_wait3A_382 : memref<1x8x512xi32, #tpu.memory_space<vmem>> -> memref<8x512xi32, #tpu.memory_space<vmem>>
    %dma_wait3A_384 = arith.constant 0 : i32
    %dma_wait3A_385 = tpu.memref_slice %arg3[%add3A_231, %dma_wait3A_384] : memref<4096x512xi32, #tpu.memory_space<hbm>> -> memref<8x512xi32, #tpu.memory_space<hbm>>
    %dma_wait3A_386 = arith.constant 0 : i32
    %dma_wait3A_387 = arith.constant 0 : i32
    %dma_wait3A_388 = tpu.memref_slice %arg7[%dma_wait3A_379, %dma_wait3A_386, %dma_wait3A_387] : memref<2x8x512xi32, #tpu.memory_space<vmem>> -> memref<1x8x512xi32, #tpu.memory_space<vmem>>
    %dma_wait3A_389 = tpu.memref_squeeze %dma_wait3A_388 : memref<1x8x512xi32, #tpu.memory_space<vmem>> -> memref<8x512xi32, #tpu.memory_space<vmem>>
    %dma_wait3A_390 = arith.constant 0 : i32
    %dma_wait3A_391 = tpu.memref_slice %arg3[%add3A_231, %dma_wait3A_390] : memref<4096x512xi32, #tpu.memory_space<hbm>> -> memref<8x512xi32, #tpu.memory_space<hbm>>
    tpu.wait_dma2 semaphore(%arg9 : memref<!tpu.dma_semaphore, #tpu.memory_space<semaphore_mem>>) src(%dma_wait3A_391 : memref<8x512xi32, #tpu.memory_space<hbm>>) dst(%dma_wait3A_389 : memref<8x512xi32, #tpu.memory_space<vmem>>)
    %scan3A_392 = arith.constant 0.847297847 : f32
    %scan3A_393 = arith.constant 0 : i32
    %scan3A_394 = arith.constant 32 : i32
    %scan3A_395 = arith.addi %scan3A_393, %scan3A_394 : i32
    %scan3A_396 = arith.constant 1 : i32
    %scan3A_397:3 = scf.for %scan3A_570 = %scan3A_393 to %scan3A_395 step %scan3A_396 iter_args(%scan3A_571 = %scan3A_293#0, %scan3A_572 = %scan3A_293#1, %scan3A_573 = %scan3A_293#2) -> (vector<16xf32>, vector<16xf32>, vector<16xf32>)  : i32 {
      %mul3A_574 = arith.constant 16 : i32
      %mul3A_575 = arith.muli %scan3A_570, %mul3A_574 : i32
      %get3A = arith.constant 0 : i32
      %get3A_576 = arith.constant 0 : i32
      %get3A_577 = arith.index_cast %get3A : i32 to index
      %get3A_578 = arith.index_cast %get3A_576 : i32 to index
      %get3A_579 = arith.index_cast %mul3A_575 : i32 to index
      %get3A_580 = tpu.vector_load %arg5[%get3A_577, %get3A_578, %get3A_579] {strides = array<i32>} : memref<2x8x512xf32, #tpu.memory_space<vmem>>, vector<1x1x16xf32>,
      %get3A_581 = vector.shape_cast %get3A_580 : vector<1x1x16xf32> to vector<16xf32>
      %get3A_582 = arith.constant 0 : i32
      %get3A_583 = arith.constant 0 : i32
      %get3A_584 = arith.index_cast %get3A_582 : i32 to index
      %get3A_585 = arith.index_cast %get3A_583 : i32 to index
      %get3A_586 = arith.index_cast %mul3A_575 : i32 to index
      %get3A_587 = tpu.vector_load %arg6[%get3A_584, %get3A_585, %get3A_586] {strides = array<i32>} : memref<2x8x512xf32, #tpu.memory_space<vmem>>, vector<1x1x16xf32>,
      %get3A_588 = vector.shape_cast %get3A_587 : vector<1x1x16xf32> to vector<16xf32>
      %get3A_589 = arith.constant 0 : i32
      %get3A_590 = arith.constant 0 : i32
      %get3A_591 = arith.index_cast %get3A_589 : i32 to index
      %get3A_592 = arith.index_cast %get3A_590 : i32 to index
      %get3A_593 = arith.index_cast %mul3A_575 : i32 to index
      %get3A_594 = tpu.vector_load %arg7[%get3A_591, %get3A_592, %get3A_593] {strides = array<i32>} : memref<2x8x512xi32, #tpu.memory_space<vmem>>, vector<1x1x16xi32>,
      %get3A_595 = vector.shape_cast %get3A_594 : vector<1x1x16xi32> to vector<16xi32>
      %convert_element_type3A = arith.sitofp %get3A_595 : vector<16xi32> to vector<16xf32>
      %sub3A_596 = arith.subf %get3A_588, %get3A_581 : vector<16xf32>
      %add3A_597 = arith.addf %convert_element_type3A, %convert_element_type3A : vector<16xf32>
      %sub3A_598 = arith.constant 1.000000e+00 : f32
      %sub3A_599 = vector.broadcast %sub3A_598 : f32 to vector<16xf32>
      %sub3A_600 = arith.subf %add3A_597, %sub3A_599 : vector<16xf32>
      %mul3A_601 = arith.mulf %sub3A_596, %sub3A_600 : vector<16xf32>
      %lt3A_602 = vector.broadcast %scan3A_392 : f32 to vector<16xf32>
      %lt3A_603 = arith.cmpf olt, %mul3A_601, %lt3A_602 : vector<16xf32>
      %jit3A_604 = arith.constant 1.000000e+00 : f32
      %jit3A_605 = arith.constant 0.000000e+00 : f32
      %broadcast_in_dim3A_606 = vector.broadcast %jit3A_604 : f32 to vector<16xf32>
      %broadcast_in_dim3A_607 = vector.broadcast %jit3A_605 : f32 to vector<16xf32>
      %select_n3A_608 = arith.select %lt3A_603, %broadcast_in_dim3A_606, %broadcast_in_dim3A_607 : vector<16xi1>, vector<16xf32>
      %abs3A = math.absf %mul3A_601 : vector<16xf32>
      %neg3A = arith.constant 0.000000e+00 : f32
      %neg3A_609 = vector.broadcast %neg3A : f32 to vector<16xf32>
      %neg3A_610 = arith.subf %neg3A_609, %abs3A : vector<16xf32>
      %exp3A = math.exp %neg3A_610 : vector<16xf32>
      %mul3A_611 = arith.constant 0.0140268523 : f32
      %mul3A_612 = vector.broadcast %mul3A_611 : f32 to vector<16xf32>
      %mul3A_613 = arith.mulf %mul3A_612, %exp3A : vector<16xf32>
      %add3A_614 = arith.constant -0.0657701269 : f32
      %add3A_615 = vector.broadcast %add3A_614 : f32 to vector<16xf32>
      %add3A_616 = arith.addf %mul3A_613, %add3A_615 : vector<16xf32>
      %mul3A_617 = arith.mulf %add3A_616, %exp3A : vector<16xf32>
      %add3A_618 = arith.constant 0.148106769 : f32
      %add3A_619 = vector.broadcast %add3A_618 : f32 to vector<16xf32>
      %add3A_620 = arith.addf %mul3A_617, %add3A_619 : vector<16xf32>
      %mul3A_621 = arith.mulf %add3A_620, %exp3A : vector<16xf32>
      %add3A_622 = arith.constant -0.23417367 : f32
      %add3A_623 = vector.broadcast %add3A_622 : f32 to vector<16xf32>
      %add3A_624 = arith.addf %mul3A_621, %add3A_623 : vector<16xf32>
      %mul3A_625 = arith.mulf %add3A_624, %exp3A : vector<16xf32>
      %add3A_626 = arith.constant 0.330787897 : f32
      %add3A_627 = vector.broadcast %add3A_626 : f32 to vector<16xf32>
      %add3A_628 = arith.addf %mul3A_625, %add3A_627 : vector<16xf32>
      %mul3A_629 = arith.mulf %add3A_628, %exp3A : vector<16xf32>
      %add3A_630 = arith.constant -0.499825478 : f32
      %add3A_631 = vector.broadcast %add3A_630 : f32 to vector<16xf32>
      %add3A_632 = arith.addf %mul3A_629, %add3A_631 : vector<16xf32>
      %mul3A_633 = arith.mulf %add3A_632, %exp3A : vector<16xf32>
      %add3A_634 = arith.constant 0.999997079 : f32
      %add3A_635 = vector.broadcast %add3A_634 : f32 to vector<16xf32>
      %add3A_636 = arith.addf %mul3A_633, %add3A_635 : vector<16xf32>
      %mul3A_637 = arith.mulf %exp3A, %add3A_636 : vector<16xf32>
      %neg3A_638 = arith.constant 0.000000e+00 : f32
      %neg3A_639 = vector.broadcast %neg3A_638 : f32 to vector<16xf32>
      %neg3A_640 = arith.subf %neg3A_639, %mul3A_601 : vector<16xf32>
      %max3A = arith.constant 0.000000e+00 : f32
      %max3A_641 = vector.broadcast %max3A : f32 to vector<16xf32>
      %max3A_642 = arith.maximumf %neg3A_640, %max3A_641 : vector<16xf32>
      %add3A_643 = arith.addf %mul3A_637, %max3A_642 : vector<16xf32>
      %mul3A_644 = arith.mulf %add3A_643, %select_n3A_608 : vector<16xf32>
      %add3A_645 = arith.addf %scan3A_571, %select_n3A_608 : vector<16xf32>
      %add3A_646 = arith.addf %scan3A_572, %mul3A_644 : vector<16xf32>
      %mul3A_647 = arith.mulf %mul3A_644, %convert_element_type3A : vector<16xf32>
      %add3A_648 = arith.addf %scan3A_573, %mul3A_647 : vector<16xf32>
      %get3A_649 = arith.constant 0 : i32
      %get3A_650 = arith.constant 1 : i32
      %get3A_651 = arith.index_cast %get3A_649 : i32 to index
      %get3A_652 = arith.index_cast %get3A_650 : i32 to index
      %get3A_653 = arith.index_cast %mul3A_575 : i32 to index
      %get3A_654 = tpu.vector_load %arg5[%get3A_651, %get3A_652, %get3A_653] {strides = array<i32>} : memref<2x8x512xf32, #tpu.memory_space<vmem>>, vector<1x1x16xf32>,
      %get3A_655 = vector.shape_cast %get3A_654 : vector<1x1x16xf32> to vector<16xf32>
      %get3A_656 = arith.constant 0 : i32
      %get3A_657 = arith.constant 1 : i32
      %get3A_658 = arith.index_cast %get3A_656 : i32 to index
      %get3A_659 = arith.index_cast %get3A_657 : i32 to index
      %get3A_660 = arith.index_cast %mul3A_575 : i32 to index
      %get3A_661 = tpu.vector_load %arg6[%get3A_658, %get3A_659, %get3A_660] {strides = array<i32>} : memref<2x8x512xf32, #tpu.memory_space<vmem>>, vector<1x1x16xf32>,
      %get3A_662 = vector.shape_cast %get3A_661 : vector<1x1x16xf32> to vector<16xf32>
      %get3A_663 = arith.constant 0 : i32
      %get3A_664 = arith.constant 1 : i32
      %get3A_665 = arith.index_cast %get3A_663 : i32 to index
      %get3A_666 = arith.index_cast %get3A_664 : i32 to index
      %get3A_667 = arith.index_cast %mul3A_575 : i32 to index
      %get3A_668 = tpu.vector_load %arg7[%get3A_665, %get3A_666, %get3A_667] {strides = array<i32>} : memref<2x8x512xi32, #tpu.memory_space<vmem>>, vector<1x1x16xi32>,
      %get3A_669 = vector.shape_cast %get3A_668 : vector<1x1x16xi32> to vector<16xi32>
      %convert_element_type3A_670 = arith.sitofp %get3A_669 : vector<16xi32> to vector<16xf32>
      %sub3A_671 = arith.subf %get3A_662, %get3A_655 : vector<16xf32>
      %add3A_672 = arith.addf %convert_element_type3A_670, %convert_element_type3A_670 : vector<16xf32>
      %sub3A_673 = arith.constant 1.000000e+00 : f32
      %sub3A_674 = vector.broadcast %sub3A_673 : f32 to vector<16xf32>
      %sub3A_675 = arith.subf %add3A_672, %sub3A_674 : vector<16xf32>
      %mul3A_676 = arith.mulf %sub3A_671, %sub3A_675 : vector<16xf32>
      %lt3A_677 = vector.broadcast %scan3A_392 : f32 to vector<16xf32>
      %lt3A_678 = arith.cmpf olt, %mul3A_676, %lt3A_677 : vector<16xf32>
      %jit3A_679 = arith.constant 1.000000e+00 : f32
      %jit3A_680 = arith.constant 0.000000e+00 : f32
      %broadcast_in_dim3A_681 = vector.broadcast %jit3A_679 : f32 to vector<16xf32>
      %broadcast_in_dim3A_682 = vector.broadcast %jit3A_680 : f32 to vector<16xf32>
      %select_n3A_683 = arith.select %lt3A_678, %broadcast_in_dim3A_681, %broadcast_in_dim3A_682 : vector<16xi1>, vector<16xf32>
      %abs3A_684 = math.absf %mul3A_676 : vector<16xf32>
      %neg3A_685 = arith.constant 0.000000e+00 : f32
      %neg3A_686 = vector.broadcast %neg3A_685 : f32 to vector<16xf32>
      %neg3A_687 = arith.subf %neg3A_686, %abs3A_684 : vector<16xf32>
      %exp3A_688 = math.exp %neg3A_687 : vector<16xf32>
      %mul3A_689 = arith.constant 0.0140268523 : f32
      %mul3A_690 = vector.broadcast %mul3A_689 : f32 to vector<16xf32>
      %mul3A_691 = arith.mulf %mul3A_690, %exp3A_688 : vector<16xf32>
      %add3A_692 = arith.constant -0.0657701269 : f32
      %add3A_693 = vector.broadcast %add3A_692 : f32 to vector<16xf32>
      %add3A_694 = arith.addf %mul3A_691, %add3A_693 : vector<16xf32>
      %mul3A_695 = arith.mulf %add3A_694, %exp3A_688 : vector<16xf32>
      %add3A_696 = arith.constant 0.148106769 : f32
      %add3A_697 = vector.broadcast %add3A_696 : f32 to vector<16xf32>
      %add3A_698 = arith.addf %mul3A_695, %add3A_697 : vector<16xf32>
      %mul3A_699 = arith.mulf %add3A_698, %exp3A_688 : vector<16xf32>
      %add3A_700 = arith.constant -0.23417367 : f32
      %add3A_701 = vector.broadcast %add3A_700 : f32 to vector<16xf32>
      %add3A_702 = arith.addf %mul3A_699, %add3A_701 : vector<16xf32>
      %mul3A_703 = arith.mulf %add3A_702, %exp3A_688 : vector<16xf32>
      %add3A_704 = arith.constant 0.330787897 : f32
      %add3A_705 = vector.broadcast %add3A_704 : f32 to vector<16xf32>
      %add3A_706 = arith.addf %mul3A_703, %add3A_705 : vector<16xf32>
      %mul3A_707 = arith.mulf %add3A_706, %exp3A_688 : vector<16xf32>
      %add3A_708 = arith.constant -0.499825478 : f32
      %add3A_709 = vector.broadcast %add3A_708 : f32 to vector<16xf32>
      %add3A_710 = arith.addf %mul3A_707, %add3A_709 : vector<16xf32>
      %mul3A_711 = arith.mulf %add3A_710, %exp3A_688 : vector<16xf32>
      %add3A_712 = arith.constant 0.999997079 : f32
      %add3A_713 = vector.broadcast %add3A_712 : f32 to vector<16xf32>
      %add3A_714 = arith.addf %mul3A_711, %add3A_713 : vector<16xf32>
      %mul3A_715 = arith.mulf %exp3A_688, %add3A_714 : vector<16xf32>
      %neg3A_716 = arith.constant 0.000000e+00 : f32
      %neg3A_717 = vector.broadcast %neg3A_716 : f32 to vector<16xf32>
      %neg3A_718 = arith.subf %neg3A_717, %mul3A_676 : vector<16xf32>
      %max3A_719 = arith.constant 0.000000e+00 : f32
      %max3A_720 = vector.broadcast %max3A_719 : f32 to vector<16xf32>
      %max3A_721 = arith.maximumf %neg3A_718, %max3A_720 : vector<16xf32>
      %add3A_722 = arith.addf %mul3A_715, %max3A_721 : vector<16xf32>
      %mul3A_723 = arith.mulf %add3A_722, %select_n3A_683 : vector<16xf32>
      %add3A_724 = arith.addf %add3A_645, %select_n3A_683 : vector<16xf32>
      %add3A_725 = arith.addf %add3A_646, %mul3A_723 : vector<16xf32>
      %mul3A_726 = arith.mulf %mul3A_723, %convert_element_type3A_670 : vector<16xf32>
      %add3A_727 = arith.addf %add3A_648, %mul3A_726 : vector<16xf32>
      %get3A_728 = arith.constant 0 : i32
      %get3A_729 = arith.constant 2 : i32
      %get3A_730 = arith.index_cast %get3A_728 : i32 to index
      %get3A_731 = arith.index_cast %get3A_729 : i32 to index
      %get3A_732 = arith.index_cast %mul3A_575 : i32 to index
      %get3A_733 = tpu.vector_load %arg5[%get3A_730, %get3A_731, %get3A_732] {strides = array<i32>} : memref<2x8x512xf32, #tpu.memory_space<vmem>>, vector<1x1x16xf32>,
      %get3A_734 = vector.shape_cast %get3A_733 : vector<1x1x16xf32> to vector<16xf32>
      %get3A_735 = arith.constant 0 : i32
      %get3A_736 = arith.constant 2 : i32
      %get3A_737 = arith.index_cast %get3A_735 : i32 to index
      %get3A_738 = arith.index_cast %get3A_736 : i32 to index
      %get3A_739 = arith.index_cast %mul3A_575 : i32 to index
      %get3A_740 = tpu.vector_load %arg6[%get3A_737, %get3A_738, %get3A_739] {strides = array<i32>} : memref<2x8x512xf32, #tpu.memory_space<vmem>>, vector<1x1x16xf32>,
      %get3A_741 = vector.shape_cast %get3A_740 : vector<1x1x16xf32> to vector<16xf32>
      %get3A_742 = arith.constant 0 : i32
      %get3A_743 = arith.constant 2 : i32
      %get3A_744 = arith.index_cast %get3A_742 : i32 to index
      %get3A_745 = arith.index_cast %get3A_743 : i32 to index
      %get3A_746 = arith.index_cast %mul3A_575 : i32 to index
      %get3A_747 = tpu.vector_load %arg7[%get3A_744, %get3A_745, %get3A_746] {strides = array<i32>} : memref<2x8x512xi32, #tpu.memory_space<vmem>>, vector<1x1x16xi32>,
      %get3A_748 = vector.shape_cast %get3A_747 : vector<1x1x16xi32> to vector<16xi32>
      %convert_element_type3A_749 = arith.sitofp %get3A_748 : vector<16xi32> to vector<16xf32>
      %sub3A_750 = arith.subf %get3A_741, %get3A_734 : vector<16xf32>
      %add3A_751 = arith.addf %convert_element_type3A_749, %convert_element_type3A_749 : vector<16xf32>
      %sub3A_752 = arith.constant 1.000000e+00 : f32
      %sub3A_753 = vector.broadcast %sub3A_752 : f32 to vector<16xf32>
      %sub3A_754 = arith.subf %add3A_751, %sub3A_753 : vector<16xf32>
      %mul3A_755 = arith.mulf %sub3A_750, %sub3A_754 : vector<16xf32>
      %lt3A_756 = vector.broadcast %scan3A_392 : f32 to vector<16xf32>
      %lt3A_757 = arith.cmpf olt, %mul3A_755, %lt3A_756 : vector<16xf32>
      %jit3A_758 = arith.constant 1.000000e+00 : f32
      %jit3A_759 = arith.constant 0.000000e+00 : f32
      %broadcast_in_dim3A_760 = vector.broadcast %jit3A_758 : f32 to vector<16xf32>
      %broadcast_in_dim3A_761 = vector.broadcast %jit3A_759 : f32 to vector<16xf32>
      %select_n3A_762 = arith.select %lt3A_757, %broadcast_in_dim3A_760, %broadcast_in_dim3A_761 : vector<16xi1>, vector<16xf32>
      %abs3A_763 = math.absf %mul3A_755 : vector<16xf32>
      %neg3A_764 = arith.constant 0.000000e+00 : f32
      %neg3A_765 = vector.broadcast %neg3A_764 : f32 to vector<16xf32>
      %neg3A_766 = arith.subf %neg3A_765, %abs3A_763 : vector<16xf32>
      %exp3A_767 = math.exp %neg3A_766 : vector<16xf32>
      %mul3A_768 = arith.constant 0.0140268523 : f32
      %mul3A_769 = vector.broadcast %mul3A_768 : f32 to vector<16xf32>
      %mul3A_770 = arith.mulf %mul3A_769, %exp3A_767 : vector<16xf32>
      %add3A_771 = arith.constant -0.0657701269 : f32
      %add3A_772 = vector.broadcast %add3A_771 : f32 to vector<16xf32>
      %add3A_773 = arith.addf %mul3A_770, %add3A_772 : vector<16xf32>
      %mul3A_774 = arith.mulf %add3A_773, %exp3A_767 : vector<16xf32>
      %add3A_775 = arith.constant 0.148106769 : f32
      %add3A_776 = vector.broadcast %add3A_775 : f32 to vector<16xf32>
      %add3A_777 = arith.addf %mul3A_774, %add3A_776 : vector<16xf32>
      %mul3A_778 = arith.mulf %add3A_777, %exp3A_767 : vector<16xf32>
      %add3A_779 = arith.constant -0.23417367 : f32
      %add3A_780 = vector.broadcast %add3A_779 : f32 to vector<16xf32>
      %add3A_781 = arith.addf %mul3A_778, %add3A_780 : vector<16xf32>
      %mul3A_782 = arith.mulf %add3A_781, %exp3A_767 : vector<16xf32>
      %add3A_783 = arith.constant 0.330787897 : f32
      %add3A_784 = vector.broadcast %add3A_783 : f32 to vector<16xf32>
      %add3A_785 = arith.addf %mul3A_782, %add3A_784 : vector<16xf32>
      %mul3A_786 = arith.mulf %add3A_785, %exp3A_767 : vector<16xf32>
      %add3A_787 = arith.constant -0.499825478 : f32
      %add3A_788 = vector.broadcast %add3A_787 : f32 to vector<16xf32>
      %add3A_789 = arith.addf %mul3A_786, %add3A_788 : vector<16xf32>
      %mul3A_790 = arith.mulf %add3A_789, %exp3A_767 : vector<16xf32>
      %add3A_791 = arith.constant 0.999997079 : f32
      %add3A_792 = vector.broadcast %add3A_791 : f32 to vector<16xf32>
      %add3A_793 = arith.addf %mul3A_790, %add3A_792 : vector<16xf32>
      %mul3A_794 = arith.mulf %exp3A_767, %add3A_793 : vector<16xf32>
      %neg3A_795 = arith.constant 0.000000e+00 : f32
      %neg3A_796 = vector.broadcast %neg3A_795 : f32 to vector<16xf32>
      %neg3A_797 = arith.subf %neg3A_796, %mul3A_755 : vector<16xf32>
      %max3A_798 = arith.constant 0.000000e+00 : f32
      %max3A_799 = vector.broadcast %max3A_798 : f32 to vector<16xf32>
      %max3A_800 = arith.maximumf %neg3A_797, %max3A_799 : vector<16xf32>
      %add3A_801 = arith.addf %mul3A_794, %max3A_800 : vector<16xf32>
      %mul3A_802 = arith.mulf %add3A_801, %select_n3A_762 : vector<16xf32>
      %add3A_803 = arith.addf %add3A_724, %select_n3A_762 : vector<16xf32>
      %add3A_804 = arith.addf %add3A_725, %mul3A_802 : vector<16xf32>
      %mul3A_805 = arith.mulf %mul3A_802, %convert_element_type3A_749 : vector<16xf32>
      %add3A_806 = arith.addf %add3A_727, %mul3A_805 : vector<16xf32>
      %get3A_807 = arith.constant 0 : i32
      %get3A_808 = arith.constant 3 : i32
      %get3A_809 = arith.index_cast %get3A_807 : i32 to index
      %get3A_810 = arith.index_cast %get3A_808 : i32 to index
      %get3A_811 = arith.index_cast %mul3A_575 : i32 to index
      %get3A_812 = tpu.vector_load %arg5[%get3A_809, %get3A_810, %get3A_811] {strides = array<i32>} : memref<2x8x512xf32, #tpu.memory_space<vmem>>, vector<1x1x16xf32>,
      %get3A_813 = vector.shape_cast %get3A_812 : vector<1x1x16xf32> to vector<16xf32>
      %get3A_814 = arith.constant 0 : i32
      %get3A_815 = arith.constant 3 : i32
      %get3A_816 = arith.index_cast %get3A_814 : i32 to index
      %get3A_817 = arith.index_cast %get3A_815 : i32 to index
      %get3A_818 = arith.index_cast %mul3A_575 : i32 to index
      %get3A_819 = tpu.vector_load %arg6[%get3A_816, %get3A_817, %get3A_818] {strides = array<i32>} : memref<2x8x512xf32, #tpu.memory_space<vmem>>, vector<1x1x16xf32>,
      %get3A_820 = vector.shape_cast %get3A_819 : vector<1x1x16xf32> to vector<16xf32>
      %get3A_821 = arith.constant 0 : i32
      %get3A_822 = arith.constant 3 : i32
      %get3A_823 = arith.index_cast %get3A_821 : i32 to index
      %get3A_824 = arith.index_cast %get3A_822 : i32 to index
      %get3A_825 = arith.index_cast %mul3A_575 : i32 to index
      %get3A_826 = tpu.vector_load %arg7[%get3A_823, %get3A_824, %get3A_825] {strides = array<i32>} : memref<2x8x512xi32, #tpu.memory_space<vmem>>, vector<1x1x16xi32>,
      %get3A_827 = vector.shape_cast %get3A_826 : vector<1x1x16xi32> to vector<16xi32>
      %convert_element_type3A_828 = arith.sitofp %get3A_827 : vector<16xi32> to vector<16xf32>
      %sub3A_829 = arith.subf %get3A_820, %get3A_813 : vector<16xf32>
      %add3A_830 = arith.addf %convert_element_type3A_828, %convert_element_type3A_828 : vector<16xf32>
      %sub3A_831 = arith.constant 1.000000e+00 : f32
      %sub3A_832 = vector.broadcast %sub3A_831 : f32 to vector<16xf32>
      %sub3A_833 = arith.subf %add3A_830, %sub3A_832 : vector<16xf32>
      %mul3A_834 = arith.mulf %sub3A_829, %sub3A_833 : vector<16xf32>
      %lt3A_835 = vector.broadcast %scan3A_392 : f32 to vector<16xf32>
      %lt3A_836 = arith.cmpf olt, %mul3A_834, %lt3A_835 : vector<16xf32>
      %jit3A_837 = arith.constant 1.000000e+00 : f32
      %jit3A_838 = arith.constant 0.000000e+00 : f32
      %broadcast_in_dim3A_839 = vector.broadcast %jit3A_837 : f32 to vector<16xf32>
      %broadcast_in_dim3A_840 = vector.broadcast %jit3A_838 : f32 to vector<16xf32>
      %select_n3A_841 = arith.select %lt3A_836, %broadcast_in_dim3A_839, %broadcast_in_dim3A_840 : vector<16xi1>, vector<16xf32>
      %abs3A_842 = math.absf %mul3A_834 : vector<16xf32>
      %neg3A_843 = arith.constant 0.000000e+00 : f32
      %neg3A_844 = vector.broadcast %neg3A_843 : f32 to vector<16xf32>
      %neg3A_845 = arith.subf %neg3A_844, %abs3A_842 : vector<16xf32>
      %exp3A_846 = math.exp %neg3A_845 : vector<16xf32>
      %mul3A_847 = arith.constant 0.0140268523 : f32
      %mul3A_848 = vector.broadcast %mul3A_847 : f32 to vector<16xf32>
      %mul3A_849 = arith.mulf %mul3A_848, %exp3A_846 : vector<16xf32>
      %add3A_850 = arith.constant -0.0657701269 : f32
      %add3A_851 = vector.broadcast %add3A_850 : f32 to vector<16xf32>
      %add3A_852 = arith.addf %mul3A_849, %add3A_851 : vector<16xf32>
      %mul3A_853 = arith.mulf %add3A_852, %exp3A_846 : vector<16xf32>
      %add3A_854 = arith.constant 0.148106769 : f32
      %add3A_855 = vector.broadcast %add3A_854 : f32 to vector<16xf32>
      %add3A_856 = arith.addf %mul3A_853, %add3A_855 : vector<16xf32>
      %mul3A_857 = arith.mulf %add3A_856, %exp3A_846 : vector<16xf32>
      %add3A_858 = arith.constant -0.23417367 : f32
      %add3A_859 = vector.broadcast %add3A_858 : f32 to vector<16xf32>
      %add3A_860 = arith.addf %mul3A_857, %add3A_859 : vector<16xf32>
      %mul3A_861 = arith.mulf %add3A_860, %exp3A_846 : vector<16xf32>
      %add3A_862 = arith.constant 0.330787897 : f32
      %add3A_863 = vector.broadcast %add3A_862 : f32 to vector<16xf32>
      %add3A_864 = arith.addf %mul3A_861, %add3A_863 : vector<16xf32>
      %mul3A_865 = arith.mulf %add3A_864, %exp3A_846 : vector<16xf32>
      %add3A_866 = arith.constant -0.499825478 : f32
      %add3A_867 = vector.broadcast %add3A_866 : f32 to vector<16xf32>
      %add3A_868 = arith.addf %mul3A_865, %add3A_867 : vector<16xf32>
      %mul3A_869 = arith.mulf %add3A_868, %exp3A_846 : vector<16xf32>
      %add3A_870 = arith.constant 0.999997079 : f32
      %add3A_871 = vector.broadcast %add3A_870 : f32 to vector<16xf32>
      %add3A_872 = arith.addf %mul3A_869, %add3A_871 : vector<16xf32>
      %mul3A_873 = arith.mulf %exp3A_846, %add3A_872 : vector<16xf32>
      %neg3A_874 = arith.constant 0.000000e+00 : f32
      %neg3A_875 = vector.broadcast %neg3A_874 : f32 to vector<16xf32>
      %neg3A_876 = arith.subf %neg3A_875, %mul3A_834 : vector<16xf32>
      %max3A_877 = arith.constant 0.000000e+00 : f32
      %max3A_878 = vector.broadcast %max3A_877 : f32 to vector<16xf32>
      %max3A_879 = arith.maximumf %neg3A_876, %max3A_878 : vector<16xf32>
      %add3A_880 = arith.addf %mul3A_873, %max3A_879 : vector<16xf32>
      %mul3A_881 = arith.mulf %add3A_880, %select_n3A_841 : vector<16xf32>
      %add3A_882 = arith.addf %add3A_803, %select_n3A_841 : vector<16xf32>
      %add3A_883 = arith.addf %add3A_804, %mul3A_881 : vector<16xf32>
      %mul3A_884 = arith.mulf %mul3A_881, %convert_element_type3A_828 : vector<16xf32>
      %add3A_885 = arith.addf %add3A_806, %mul3A_884 : vector<16xf32>
      %get3A_886 = arith.constant 0 : i32
      %get3A_887 = arith.constant 4 : i32
      %get3A_888 = arith.index_cast %get3A_886 : i32 to index
      %get3A_889 = arith.index_cast %get3A_887 : i32 to index
      %get3A_890 = arith.index_cast %mul3A_575 : i32 to index
      %get3A_891 = tpu.vector_load %arg5[%get3A_888, %get3A_889, %get3A_890] {strides = array<i32>} : memref<2x8x512xf32, #tpu.memory_space<vmem>>, vector<1x1x16xf32>,
      %get3A_892 = vector.shape_cast %get3A_891 : vector<1x1x16xf32> to vector<16xf32>
      %get3A_893 = arith.constant 0 : i32
      %get3A_894 = arith.constant 4 : i32
      %get3A_895 = arith.index_cast %get3A_893 : i32 to index
      %get3A_896 = arith.index_cast %get3A_894 : i32 to index
      %get3A_897 = arith.index_cast %mul3A_575 : i32 to index
      %get3A_898 = tpu.vector_load %arg6[%get3A_895, %get3A_896, %get3A_897] {strides = array<i32>} : memref<2x8x512xf32, #tpu.memory_space<vmem>>, vector<1x1x16xf32>,
      %get3A_899 = vector.shape_cast %get3A_898 : vector<1x1x16xf32> to vector<16xf32>
      %get3A_900 = arith.constant 0 : i32
      %get3A_901 = arith.constant 4 : i32
      %get3A_902 = arith.index_cast %get3A_900 : i32 to index
      %get3A_903 = arith.index_cast %get3A_901 : i32 to index
      %get3A_904 = arith.index_cast %mul3A_575 : i32 to index
      %get3A_905 = tpu.vector_load %arg7[%get3A_902, %get3A_903, %get3A_904] {strides = array<i32>} : memref<2x8x512xi32, #tpu.memory_space<vmem>>, vector<1x1x16xi32>,
      %get3A_906 = vector.shape_cast %get3A_905 : vector<1x1x16xi32> to vector<16xi32>
      %convert_element_type3A_907 = arith.sitofp %get3A_906 : vector<16xi32> to vector<16xf32>
      %sub3A_908 = arith.subf %get3A_899, %get3A_892 : vector<16xf32>
      %add3A_909 = arith.addf %convert_element_type3A_907, %convert_element_type3A_907 : vector<16xf32>
      %sub3A_910 = arith.constant 1.000000e+00 : f32
      %sub3A_911 = vector.broadcast %sub3A_910 : f32 to vector<16xf32>
      %sub3A_912 = arith.subf %add3A_909, %sub3A_911 : vector<16xf32>
      %mul3A_913 = arith.mulf %sub3A_908, %sub3A_912 : vector<16xf32>
      %lt3A_914 = vector.broadcast %scan3A_392 : f32 to vector<16xf32>
      %lt3A_915 = arith.cmpf olt, %mul3A_913, %lt3A_914 : vector<16xf32>
      %jit3A_916 = arith.constant 1.000000e+00 : f32
      %jit3A_917 = arith.constant 0.000000e+00 : f32
      %broadcast_in_dim3A_918 = vector.broadcast %jit3A_916 : f32 to vector<16xf32>
      %broadcast_in_dim3A_919 = vector.broadcast %jit3A_917 : f32 to vector<16xf32>
      %select_n3A_920 = arith.select %lt3A_915, %broadcast_in_dim3A_918, %broadcast_in_dim3A_919 : vector<16xi1>, vector<16xf32>
      %abs3A_921 = math.absf %mul3A_913 : vector<16xf32>
      %neg3A_922 = arith.constant 0.000000e+00 : f32
      %neg3A_923 = vector.broadcast %neg3A_922 : f32 to vector<16xf32>
      %neg3A_924 = arith.subf %neg3A_923, %abs3A_921 : vector<16xf32>
      %exp3A_925 = math.exp %neg3A_924 : vector<16xf32>
      %mul3A_926 = arith.constant 0.0140268523 : f32
      %mul3A_927 = vector.broadcast %mul3A_926 : f32 to vector<16xf32>
      %mul3A_928 = arith.mulf %mul3A_927, %exp3A_925 : vector<16xf32>
      %add3A_929 = arith.constant -0.0657701269 : f32
      %add3A_930 = vector.broadcast %add3A_929 : f32 to vector<16xf32>
      %add3A_931 = arith.addf %mul3A_928, %add3A_930 : vector<16xf32>
      %mul3A_932 = arith.mulf %add3A_931, %exp3A_925 : vector<16xf32>
      %add3A_933 = arith.constant 0.148106769 : f32
      %add3A_934 = vector.broadcast %add3A_933 : f32 to vector<16xf32>
      %add3A_935 = arith.addf %mul3A_932, %add3A_934 : vector<16xf32>
      %mul3A_936 = arith.mulf %add3A_935, %exp3A_925 : vector<16xf32>
      %add3A_937 = arith.constant -0.23417367 : f32
      %add3A_938 = vector.broadcast %add3A_937 : f32 to vector<16xf32>
      %add3A_939 = arith.addf %mul3A_936, %add3A_938 : vector<16xf32>
      %mul3A_940 = arith.mulf %add3A_939, %exp3A_925 : vector<16xf32>
      %add3A_941 = arith.constant 0.330787897 : f32
      %add3A_942 = vector.broadcast %add3A_941 : f32 to vector<16xf32>
      %add3A_943 = arith.addf %mul3A_940, %add3A_942 : vector<16xf32>
      %mul3A_944 = arith.mulf %add3A_943, %exp3A_925 : vector<16xf32>
      %add3A_945 = arith.constant -0.499825478 : f32
      %add3A_946 = vector.broadcast %add3A_945 : f32 to vector<16xf32>
      %add3A_947 = arith.addf %mul3A_944, %add3A_946 : vector<16xf32>
      %mul3A_948 = arith.mulf %add3A_947, %exp3A_925 : vector<16xf32>
      %add3A_949 = arith.constant 0.999997079 : f32
      %add3A_950 = vector.broadcast %add3A_949 : f32 to vector<16xf32>
      %add3A_951 = arith.addf %mul3A_948, %add3A_950 : vector<16xf32>
      %mul3A_952 = arith.mulf %exp3A_925, %add3A_951 : vector<16xf32>
      %neg3A_953 = arith.constant 0.000000e+00 : f32
      %neg3A_954 = vector.broadcast %neg3A_953 : f32 to vector<16xf32>
      %neg3A_955 = arith.subf %neg3A_954, %mul3A_913 : vector<16xf32>
      %max3A_956 = arith.constant 0.000000e+00 : f32
      %max3A_957 = vector.broadcast %max3A_956 : f32 to vector<16xf32>
      %max3A_958 = arith.maximumf %neg3A_955, %max3A_957 : vector<16xf32>
      %add3A_959 = arith.addf %mul3A_952, %max3A_958 : vector<16xf32>
      %mul3A_960 = arith.mulf %add3A_959, %select_n3A_920 : vector<16xf32>
      %add3A_961 = arith.addf %add3A_882, %select_n3A_920 : vector<16xf32>
      %add3A_962 = arith.addf %add3A_883, %mul3A_960 : vector<16xf32>
      %mul3A_963 = arith.mulf %mul3A_960, %convert_element_type3A_907 : vector<16xf32>
      %add3A_964 = arith.addf %add3A_885, %mul3A_963 : vector<16xf32>
      %get3A_965 = arith.constant 0 : i32
      %get3A_966 = arith.constant 5 : i32
      %get3A_967 = arith.index_cast %get3A_965 : i32 to index
      %get3A_968 = arith.index_cast %get3A_966 : i32 to index
      %get3A_969 = arith.index_cast %mul3A_575 : i32 to index
      %get3A_970 = tpu.vector_load %arg5[%get3A_967, %get3A_968, %get3A_969] {strides = array<i32>} : memref<2x8x512xf32, #tpu.memory_space<vmem>>, vector<1x1x16xf32>,
      %get3A_971 = vector.shape_cast %get3A_970 : vector<1x1x16xf32> to vector<16xf32>
      %get3A_972 = arith.constant 0 : i32
      %get3A_973 = arith.constant 5 : i32
      %get3A_974 = arith.index_cast %get3A_972 : i32 to index
      %get3A_975 = arith.index_cast %get3A_973 : i32 to index
      %get3A_976 = arith.index_cast %mul3A_575 : i32 to index
      %get3A_977 = tpu.vector_load %arg6[%get3A_974, %get3A_975, %get3A_976] {strides = array<i32>} : memref<2x8x512xf32, #tpu.memory_space<vmem>>, vector<1x1x16xf32>,
      %get3A_978 = vector.shape_cast %get3A_977 : vector<1x1x16xf32> to vector<16xf32>
      %get3A_979 = arith.constant 0 : i32
      %get3A_980 = arith.constant 5 : i32
      %get3A_981 = arith.index_cast %get3A_979 : i32 to index
      %get3A_982 = arith.index_cast %get3A_980 : i32 to index
      %get3A_983 = arith.index_cast %mul3A_575 : i32 to index
      %get3A_984 = tpu.vector_load %arg7[%get3A_981, %get3A_982, %get3A_983] {strides = array<i32>} : memref<2x8x512xi32, #tpu.memory_space<vmem>>, vector<1x1x16xi32>,
      %get3A_985 = vector.shape_cast %get3A_984 : vector<1x1x16xi32> to vector<16xi32>
      %convert_element_type3A_986 = arith.sitofp %get3A_985 : vector<16xi32> to vector<16xf32>
      %sub3A_987 = arith.subf %get3A_978, %get3A_971 : vector<16xf32>
      %add3A_988 = arith.addf %convert_element_type3A_986, %convert_element_type3A_986 : vector<16xf32>
      %sub3A_989 = arith.constant 1.000000e+00 : f32
      %sub3A_990 = vector.broadcast %sub3A_989 : f32 to vector<16xf32>
      %sub3A_991 = arith.subf %add3A_988, %sub3A_990 : vector<16xf32>
      %mul3A_992 = arith.mulf %sub3A_987, %sub3A_991 : vector<16xf32>
      %lt3A_993 = vector.broadcast %scan3A_392 : f32 to vector<16xf32>
      %lt3A_994 = arith.cmpf olt, %mul3A_992, %lt3A_993 : vector<16xf32>
      %jit3A_995 = arith.constant 1.000000e+00 : f32
      %jit3A_996 = arith.constant 0.000000e+00 : f32
      %broadcast_in_dim3A_997 = vector.broadcast %jit3A_995 : f32 to vector<16xf32>
      %broadcast_in_dim3A_998 = vector.broadcast %jit3A_996 : f32 to vector<16xf32>
      %select_n3A_999 = arith.select %lt3A_994, %broadcast_in_dim3A_997, %broadcast_in_dim3A_998 : vector<16xi1>, vector<16xf32>
      %abs3A_1000 = math.absf %mul3A_992 : vector<16xf32>
      %neg3A_1001 = arith.constant 0.000000e+00 : f32
      %neg3A_1002 = vector.broadcast %neg3A_1001 : f32 to vector<16xf32>
      %neg3A_1003 = arith.subf %neg3A_1002, %abs3A_1000 : vector<16xf32>
      %exp3A_1004 = math.exp %neg3A_1003 : vector<16xf32>
      %mul3A_1005 = arith.constant 0.0140268523 : f32
      %mul3A_1006 = vector.broadcast %mul3A_1005 : f32 to vector<16xf32>
      %mul3A_1007 = arith.mulf %mul3A_1006, %exp3A_1004 : vector<16xf32>
      %add3A_1008 = arith.constant -0.0657701269 : f32
      %add3A_1009 = vector.broadcast %add3A_1008 : f32 to vector<16xf32>
      %add3A_1010 = arith.addf %mul3A_1007, %add3A_1009 : vector<16xf32>
      %mul3A_1011 = arith.mulf %add3A_1010, %exp3A_1004 : vector<16xf32>
      %add3A_1012 = arith.constant 0.148106769 : f32
      %add3A_1013 = vector.broadcast %add3A_1012 : f32 to vector<16xf32>
      %add3A_1014 = arith.addf %mul3A_1011, %add3A_1013 : vector<16xf32>
      %mul3A_1015 = arith.mulf %add3A_1014, %exp3A_1004 : vector<16xf32>
      %add3A_1016 = arith.constant -0.23417367 : f32
      %add3A_1017 = vector.broadcast %add3A_1016 : f32 to vector<16xf32>
      %add3A_1018 = arith.addf %mul3A_1015, %add3A_1017 : vector<16xf32>
      %mul3A_1019 = arith.mulf %add3A_1018, %exp3A_1004 : vector<16xf32>
      %add3A_1020 = arith.constant 0.330787897 : f32
      %add3A_1021 = vector.broadcast %add3A_1020 : f32 to vector<16xf32>
      %add3A_1022 = arith.addf %mul3A_1019, %add3A_1021 : vector<16xf32>
      %mul3A_1023 = arith.mulf %add3A_1022, %exp3A_1004 : vector<16xf32>
      %add3A_1024 = arith.constant -0.499825478 : f32
      %add3A_1025 = vector.broadcast %add3A_1024 : f32 to vector<16xf32>
      %add3A_1026 = arith.addf %mul3A_1023, %add3A_1025 : vector<16xf32>
      %mul3A_1027 = arith.mulf %add3A_1026, %exp3A_1004 : vector<16xf32>
      %add3A_1028 = arith.constant 0.999997079 : f32
      %add3A_1029 = vector.broadcast %add3A_1028 : f32 to vector<16xf32>
      %add3A_1030 = arith.addf %mul3A_1027, %add3A_1029 : vector<16xf32>
      %mul3A_1031 = arith.mulf %exp3A_1004, %add3A_1030 : vector<16xf32>
      %neg3A_1032 = arith.constant 0.000000e+00 : f32
      %neg3A_1033 = vector.broadcast %neg3A_1032 : f32 to vector<16xf32>
      %neg3A_1034 = arith.subf %neg3A_1033, %mul3A_992 : vector<16xf32>
      %max3A_1035 = arith.constant 0.000000e+00 : f32
      %max3A_1036 = vector.broadcast %max3A_1035 : f32 to vector<16xf32>
      %max3A_1037 = arith.maximumf %neg3A_1034, %max3A_1036 : vector<16xf32>
      %add3A_1038 = arith.addf %mul3A_1031, %max3A_1037 : vector<16xf32>
      %mul3A_1039 = arith.mulf %add3A_1038, %select_n3A_999 : vector<16xf32>
      %add3A_1040 = arith.addf %add3A_961, %select_n3A_999 : vector<16xf32>
      %add3A_1041 = arith.addf %add3A_962, %mul3A_1039 : vector<16xf32>
      %mul3A_1042 = arith.mulf %mul3A_1039, %convert_element_type3A_986 : vector<16xf32>
      %add3A_1043 = arith.addf %add3A_964, %mul3A_1042 : vector<16xf32>
      %get3A_1044 = arith.constant 0 : i32
      %get3A_1045 = arith.constant 6 : i32
      %get3A_1046 = arith.index_cast %get3A_1044 : i32 to index
      %get3A_1047 = arith.index_cast %get3A_1045 : i32 to index
      %get3A_1048 = arith.index_cast %mul3A_575 : i32 to index
      %get3A_1049 = tpu.vector_load %arg5[%get3A_1046, %get3A_1047, %get3A_1048] {strides = array<i32>} : memref<2x8x512xf32, #tpu.memory_space<vmem>>, vector<1x1x16xf32>,
      %get3A_1050 = vector.shape_cast %get3A_1049 : vector<1x1x16xf32> to vector<16xf32>
      %get3A_1051 = arith.constant 0 : i32
      %get3A_1052 = arith.constant 6 : i32
      %get3A_1053 = arith.index_cast %get3A_1051 : i32 to index
      %get3A_1054 = arith.index_cast %get3A_1052 : i32 to index
      %get3A_1055 = arith.index_cast %mul3A_575 : i32 to index
      %get3A_1056 = tpu.vector_load %arg6[%get3A_1053, %get3A_1054, %get3A_1055] {strides = array<i32>} : memref<2x8x512xf32, #tpu.memory_space<vmem>>, vector<1x1x16xf32>,
      %get3A_1057 = vector.shape_cast %get3A_1056 : vector<1x1x16xf32> to vector<16xf32>
      %get3A_1058 = arith.constant 0 : i32
      %get3A_1059 = arith.constant 6 : i32
      %get3A_1060 = arith.index_cast %get3A_1058 : i32 to index
      %get3A_1061 = arith.index_cast %get3A_1059 : i32 to index
      %get3A_1062 = arith.index_cast %mul3A_575 : i32 to index
      %get3A_1063 = tpu.vector_load %arg7[%get3A_1060, %get3A_1061, %get3A_1062] {strides = array<i32>} : memref<2x8x512xi32, #tpu.memory_space<vmem>>, vector<1x1x16xi32>,
      %get3A_1064 = vector.shape_cast %get3A_1063 : vector<1x1x16xi32> to vector<16xi32>
      %convert_element_type3A_1065 = arith.sitofp %get3A_1064 : vector<16xi32> to vector<16xf32>
      %sub3A_1066 = arith.subf %get3A_1057, %get3A_1050 : vector<16xf32>
      %add3A_1067 = arith.addf %convert_element_type3A_1065, %convert_element_type3A_1065 : vector<16xf32>
      %sub3A_1068 = arith.constant 1.000000e+00 : f32
      %sub3A_1069 = vector.broadcast %sub3A_1068 : f32 to vector<16xf32>
      %sub3A_1070 = arith.subf %add3A_1067, %sub3A_1069 : vector<16xf32>
      %mul3A_1071 = arith.mulf %sub3A_1066, %sub3A_1070 : vector<16xf32>
      %lt3A_1072 = vector.broadcast %scan3A_392 : f32 to vector<16xf32>
      %lt3A_1073 = arith.cmpf olt, %mul3A_1071, %lt3A_1072 : vector<16xf32>
      %jit3A_1074 = arith.constant 1.000000e+00 : f32
      %jit3A_1075 = arith.constant 0.000000e+00 : f32
      %broadcast_in_dim3A_1076 = vector.broadcast %jit3A_1074 : f32 to vector<16xf32>
      %broadcast_in_dim3A_1077 = vector.broadcast %jit3A_1075 : f32 to vector<16xf32>
      %select_n3A_1078 = arith.select %lt3A_1073, %broadcast_in_dim3A_1076, %broadcast_in_dim3A_1077 : vector<16xi1>, vector<16xf32>
      %abs3A_1079 = math.absf %mul3A_1071 : vector<16xf32>
      %neg3A_1080 = arith.constant 0.000000e+00 : f32
      %neg3A_1081 = vector.broadcast %neg3A_1080 : f32 to vector<16xf32>
      %neg3A_1082 = arith.subf %neg3A_1081, %abs3A_1079 : vector<16xf32>
      %exp3A_1083 = math.exp %neg3A_1082 : vector<16xf32>
      %mul3A_1084 = arith.constant 0.0140268523 : f32
      %mul3A_1085 = vector.broadcast %mul3A_1084 : f32 to vector<16xf32>
      %mul3A_1086 = arith.mulf %mul3A_1085, %exp3A_1083 : vector<16xf32>
      %add3A_1087 = arith.constant -0.0657701269 : f32
      %add3A_1088 = vector.broadcast %add3A_1087 : f32 to vector<16xf32>
      %add3A_1089 = arith.addf %mul3A_1086, %add3A_1088 : vector<16xf32>
      %mul3A_1090 = arith.mulf %add3A_1089, %exp3A_1083 : vector<16xf32>
      %add3A_1091 = arith.constant 0.148106769 : f32
      %add3A_1092 = vector.broadcast %add3A_1091 : f32 to vector<16xf32>
      %add3A_1093 = arith.addf %mul3A_1090, %add3A_1092 : vector<16xf32>
      %mul3A_1094 = arith.mulf %add3A_1093, %exp3A_1083 : vector<16xf32>
      %add3A_1095 = arith.constant -0.23417367 : f32
      %add3A_1096 = vector.broadcast %add3A_1095 : f32 to vector<16xf32>
      %add3A_1097 = arith.addf %mul3A_1094, %add3A_1096 : vector<16xf32>
      %mul3A_1098 = arith.mulf %add3A_1097, %exp3A_1083 : vector<16xf32>
      %add3A_1099 = arith.constant 0.330787897 : f32
      %add3A_1100 = vector.broadcast %add3A_1099 : f32 to vector<16xf32>
      %add3A_1101 = arith.addf %mul3A_1098, %add3A_1100 : vector<16xf32>
      %mul3A_1102 = arith.mulf %add3A_1101, %exp3A_1083 : vector<16xf32>
      %add3A_1103 = arith.constant -0.499825478 : f32
      %add3A_1104 = vector.broadcast %add3A_1103 : f32 to vector<16xf32>
      %add3A_1105 = arith.addf %mul3A_1102, %add3A_1104 : vector<16xf32>
      %mul3A_1106 = arith.mulf %add3A_1105, %exp3A_1083 : vector<16xf32>
      %add3A_1107 = arith.constant 0.999997079 : f32
      %add3A_1108 = vector.broadcast %add3A_1107 : f32 to vector<16xf32>
      %add3A_1109 = arith.addf %mul3A_1106, %add3A_1108 : vector<16xf32>
      %mul3A_1110 = arith.mulf %exp3A_1083, %add3A_1109 : vector<16xf32>
      %neg3A_1111 = arith.constant 0.000000e+00 : f32
      %neg3A_1112 = vector.broadcast %neg3A_1111 : f32 to vector<16xf32>
      %neg3A_1113 = arith.subf %neg3A_1112, %mul3A_1071 : vector<16xf32>
      %max3A_1114 = arith.constant 0.000000e+00 : f32
      %max3A_1115 = vector.broadcast %max3A_1114 : f32 to vector<16xf32>
      %max3A_1116 = arith.maximumf %neg3A_1113, %max3A_1115 : vector<16xf32>
      %add3A_1117 = arith.addf %mul3A_1110, %max3A_1116 : vector<16xf32>
      %mul3A_1118 = arith.mulf %add3A_1117, %select_n3A_1078 : vector<16xf32>
      %add3A_1119 = arith.addf %add3A_1040, %select_n3A_1078 : vector<16xf32>
      %add3A_1120 = arith.addf %add3A_1041, %mul3A_1118 : vector<16xf32>
      %mul3A_1121 = arith.mulf %mul3A_1118, %convert_element_type3A_1065 : vector<16xf32>
      %add3A_1122 = arith.addf %add3A_1043, %mul3A_1121 : vector<16xf32>
      %get3A_1123 = arith.constant 0 : i32
      %get3A_1124 = arith.constant 7 : i32
      %get3A_1125 = arith.index_cast %get3A_1123 : i32 to index
      %get3A_1126 = arith.index_cast %get3A_1124 : i32 to index
      %get3A_1127 = arith.index_cast %mul3A_575 : i32 to index
      %get3A_1128 = tpu.vector_load %arg5[%get3A_1125, %get3A_1126, %get3A_1127] {strides = array<i32>} : memref<2x8x512xf32, #tpu.memory_space<vmem>>, vector<1x1x16xf32>,
      %get3A_1129 = vector.shape_cast %get3A_1128 : vector<1x1x16xf32> to vector<16xf32>
      %get3A_1130 = arith.constant 0 : i32
      %get3A_1131 = arith.constant 7 : i32
      %get3A_1132 = arith.index_cast %get3A_1130 : i32 to index
      %get3A_1133 = arith.index_cast %get3A_1131 : i32 to index
      %get3A_1134 = arith.index_cast %mul3A_575 : i32 to index
      %get3A_1135 = tpu.vector_load %arg6[%get3A_1132, %get3A_1133, %get3A_1134] {strides = array<i32>} : memref<2x8x512xf32, #tpu.memory_space<vmem>>, vector<1x1x16xf32>,
      %get3A_1136 = vector.shape_cast %get3A_1135 : vector<1x1x16xf32> to vector<16xf32>
      %get3A_1137 = arith.constant 0 : i32
      %get3A_1138 = arith.constant 7 : i32
      %get3A_1139 = arith.index_cast %get3A_1137 : i32 to index
      %get3A_1140 = arith.index_cast %get3A_1138 : i32 to index
      %get3A_1141 = arith.index_cast %mul3A_575 : i32 to index
      %get3A_1142 = tpu.vector_load %arg7[%get3A_1139, %get3A_1140, %get3A_1141] {strides = array<i32>} : memref<2x8x512xi32, #tpu.memory_space<vmem>>, vector<1x1x16xi32>,
      %get3A_1143 = vector.shape_cast %get3A_1142 : vector<1x1x16xi32> to vector<16xi32>
      %convert_element_type3A_1144 = arith.sitofp %get3A_1143 : vector<16xi32> to vector<16xf32>
      %sub3A_1145 = arith.subf %get3A_1136, %get3A_1129 : vector<16xf32>
      %add3A_1146 = arith.addf %convert_element_type3A_1144, %convert_element_type3A_1144 : vector<16xf32>
      %sub3A_1147 = arith.constant 1.000000e+00 : f32
      %sub3A_1148 = vector.broadcast %sub3A_1147 : f32 to vector<16xf32>
      %sub3A_1149 = arith.subf %add3A_1146, %sub3A_1148 : vector<16xf32>
      %mul3A_1150 = arith.mulf %sub3A_1145, %sub3A_1149 : vector<16xf32>
      %lt3A_1151 = vector.broadcast %scan3A_392 : f32 to vector<16xf32>
      %lt3A_1152 = arith.cmpf olt, %mul3A_1150, %lt3A_1151 : vector<16xf32>
      %jit3A_1153 = arith.constant 1.000000e+00 : f32
      %jit3A_1154 = arith.constant 0.000000e+00 : f32
      %broadcast_in_dim3A_1155 = vector.broadcast %jit3A_1153 : f32 to vector<16xf32>
      %broadcast_in_dim3A_1156 = vector.broadcast %jit3A_1154 : f32 to vector<16xf32>
      %select_n3A_1157 = arith.select %lt3A_1152, %broadcast_in_dim3A_1155, %broadcast_in_dim3A_1156 : vector<16xi1>, vector<16xf32>
      %abs3A_1158 = math.absf %mul3A_1150 : vector<16xf32>
      %neg3A_1159 = arith.constant 0.000000e+00 : f32
      %neg3A_1160 = vector.broadcast %neg3A_1159 : f32 to vector<16xf32>
      %neg3A_1161 = arith.subf %neg3A_1160, %abs3A_1158 : vector<16xf32>
      %exp3A_1162 = math.exp %neg3A_1161 : vector<16xf32>
      %mul3A_1163 = arith.constant 0.0140268523 : f32
      %mul3A_1164 = vector.broadcast %mul3A_1163 : f32 to vector<16xf32>
      %mul3A_1165 = arith.mulf %mul3A_1164, %exp3A_1162 : vector<16xf32>
      %add3A_1166 = arith.constant -0.0657701269 : f32
      %add3A_1167 = vector.broadcast %add3A_1166 : f32 to vector<16xf32>
      %add3A_1168 = arith.addf %mul3A_1165, %add3A_1167 : vector<16xf32>
      %mul3A_1169 = arith.mulf %add3A_1168, %exp3A_1162 : vector<16xf32>
      %add3A_1170 = arith.constant 0.148106769 : f32
      %add3A_1171 = vector.broadcast %add3A_1170 : f32 to vector<16xf32>
      %add3A_1172 = arith.addf %mul3A_1169, %add3A_1171 : vector<16xf32>
      %mul3A_1173 = arith.mulf %add3A_1172, %exp3A_1162 : vector<16xf32>
      %add3A_1174 = arith.constant -0.23417367 : f32
      %add3A_1175 = vector.broadcast %add3A_1174 : f32 to vector<16xf32>
      %add3A_1176 = arith.addf %mul3A_1173, %add3A_1175 : vector<16xf32>
      %mul3A_1177 = arith.mulf %add3A_1176, %exp3A_1162 : vector<16xf32>
      %add3A_1178 = arith.constant 0.330787897 : f32
      %add3A_1179 = vector.broadcast %add3A_1178 : f32 to vector<16xf32>
      %add3A_1180 = arith.addf %mul3A_1177, %add3A_1179 : vector<16xf32>
      %mul3A_1181 = arith.mulf %add3A_1180, %exp3A_1162 : vector<16xf32>
      %add3A_1182 = arith.constant -0.499825478 : f32
      %add3A_1183 = vector.broadcast %add3A_1182 : f32 to vector<16xf32>
      %add3A_1184 = arith.addf %mul3A_1181, %add3A_1183 : vector<16xf32>
      %mul3A_1185 = arith.mulf %add3A_1184, %exp3A_1162 : vector<16xf32>
      %add3A_1186 = arith.constant 0.999997079 : f32
      %add3A_1187 = vector.broadcast %add3A_1186 : f32 to vector<16xf32>
      %add3A_1188 = arith.addf %mul3A_1185, %add3A_1187 : vector<16xf32>
      %mul3A_1189 = arith.mulf %exp3A_1162, %add3A_1188 : vector<16xf32>
      %neg3A_1190 = arith.constant 0.000000e+00 : f32
      %neg3A_1191 = vector.broadcast %neg3A_1190 : f32 to vector<16xf32>
      %neg3A_1192 = arith.subf %neg3A_1191, %mul3A_1150 : vector<16xf32>
      %max3A_1193 = arith.constant 0.000000e+00 : f32
      %max3A_1194 = vector.broadcast %max3A_1193 : f32 to vector<16xf32>
      %max3A_1195 = arith.maximumf %neg3A_1192, %max3A_1194 : vector<16xf32>
      %add3A_1196 = arith.addf %mul3A_1189, %max3A_1195 : vector<16xf32>
      %mul3A_1197 = arith.mulf %add3A_1196, %select_n3A_1157 : vector<16xf32>
      %add3A_1198 = arith.addf %add3A_1119, %select_n3A_1157 : vector<16xf32>
      %add3A_1199 = arith.addf %add3A_1120, %mul3A_1197 : vector<16xf32>
      %mul3A_1200 = arith.mulf %mul3A_1197, %convert_element_type3A_1144 : vector<16xf32>
      %add3A_1201 = arith.addf %add3A_1122, %mul3A_1200 : vector<16xf32>
      scf.yield %add3A_1198, %add3A_1199, %add3A_1201 : vector<16xf32>, vector<16xf32>, vector<16xf32>
    }
    %scan3A_398 = arith.constant 32 : i32
    %add3A_399 = arith.constant 32 : i32
    %add3A_400 = arith.addi %add3A_34, %add3A_399 : i32
    %mul3A_401 = arith.constant 2 : i32
    %mul3A_402 = arith.muli %mul3A_401, %select_n3A : i32
    %dma_start3A_403 = arith.constant 0 : i32
    %dma_start3A_404 = arith.constant 0 : i32
    %dma_start3A_405 = arith.constant 0 : i32
    %dma_start3A_406 = tpu.memref_slice %arg5[%dma_start3A_403, %dma_start3A_404, %dma_start3A_405] : memref<2x8x512xf32, #tpu.memory_space<vmem>> -> memref<1x8x512xf32, #tpu.memory_space<vmem>>
    %dma_start3A_407 = tpu.memref_squeeze %dma_start3A_406 : memref<1x8x512xf32, #tpu.memory_space<vmem>> -> memref<8x512xf32, #tpu.memory_space<vmem>>
    %dma_start3A_408 = arith.constant 0 : i32
    %dma_start3A_409 = tpu.memref_slice %arg2[%mul3A_402, %add3A_400, %dma_start3A_408] : memref<16x512x512xf32, #tpu.memory_space<hbm>> -> memref<1x8x512xf32, #tpu.memory_space<hbm>>
    %dma_start3A_410 = tpu.memref_squeeze %dma_start3A_409 : memref<1x8x512xf32, #tpu.memory_space<hbm>> -> memref<8x512xf32, #tpu.memory_space<hbm>>
    %dma_start3A_411 = arith.constant 0 : i32
    %dma_start3A_412 = arith.constant 0 : i32
    %dma_start3A_413 = tpu.memref_slice %arg5[%dma_start3A_403, %dma_start3A_411, %dma_start3A_412] : memref<2x8x512xf32, #tpu.memory_space<vmem>> -> memref<1x8x512xf32, #tpu.memory_space<vmem>>
    %dma_start3A_414 = tpu.memref_squeeze %dma_start3A_413 : memref<1x8x512xf32, #tpu.memory_space<vmem>> -> memref<8x512xf32, #tpu.memory_space<vmem>>
    %dma_start3A_415 = arith.constant 0 : i32
    %dma_start3A_416 = tpu.memref_slice %arg2[%mul3A_402, %add3A_400, %dma_start3A_415] : memref<16x512x512xf32, #tpu.memory_space<hbm>> -> memref<1x8x512xf32, #tpu.memory_space<hbm>>
    %dma_start3A_417 = tpu.memref_squeeze %dma_start3A_416 : memref<1x8x512xf32, #tpu.memory_space<hbm>> -> memref<8x512xf32, #tpu.memory_space<hbm>>
    tpu.enqueue_dma source(%dma_start3A_417 : memref<8x512xf32, #tpu.memory_space<hbm>>) target(%dma_start3A_414 : memref<8x512xf32, #tpu.memory_space<vmem>>) target_semaphore(%arg9 : memref<!tpu.dma_semaphore, #tpu.memory_space<semaphore_mem>>)
    %mul3A_418 = arith.constant 2 : i32
    %mul3A_419 = arith.muli %mul3A_418, %select_n3A : i32
    %add3A_420 = arith.constant 1 : i32
    %add3A_421 = arith.addi %mul3A_419, %add3A_420 : i32
    %dma_start3A_422 = arith.constant 0 : i32
    %dma_start3A_423 = arith.constant 0 : i32
    %dma_start3A_424 = arith.constant 0 : i32
    %dma_start3A_425 = tpu.memref_slice %arg6[%dma_start3A_422, %dma_start3A_423, %dma_start3A_424] : memref<2x8x512xf32, #tpu.memory_space<vmem>> -> memref<1x8x512xf32, #tpu.memory_space<vmem>>
    %dma_start3A_426 = tpu.memref_squeeze %dma_start3A_425 : memref<1x8x512xf32, #tpu.memory_space<vmem>> -> memref<8x512xf32, #tpu.memory_space<vmem>>
    %dma_start3A_427 = arith.constant 0 : i32
    %dma_start3A_428 = tpu.memref_slice %arg2[%add3A_421, %add3A_400, %dma_start3A_427] : memref<16x512x512xf32, #tpu.memory_space<hbm>> -> memref<1x8x512xf32, #tpu.memory_space<hbm>>
    %dma_start3A_429 = tpu.memref_squeeze %dma_start3A_428 : memref<1x8x512xf32, #tpu.memory_space<hbm>> -> memref<8x512xf32, #tpu.memory_space<hbm>>
    %dma_start3A_430 = arith.constant 0 : i32
    %dma_start3A_431 = arith.constant 0 : i32
    %dma_start3A_432 = tpu.memref_slice %arg6[%dma_start3A_422, %dma_start3A_430, %dma_start3A_431] : memref<2x8x512xf32, #tpu.memory_space<vmem>> -> memref<1x8x512xf32, #tpu.memory_space<vmem>>
    %dma_start3A_433 = tpu.memref_squeeze %dma_start3A_432 : memref<1x8x512xf32, #tpu.memory_space<vmem>> -> memref<8x512xf32, #tpu.memory_space<vmem>>
    %dma_start3A_434 = arith.constant 0 : i32
    %dma_start3A_435 = tpu.memref_slice %arg2[%add3A_421, %add3A_400, %dma_start3A_434] : memref<16x512x512xf32, #tpu.memory_space<hbm>> -> memref<1x8x512xf32, #tpu.memory_space<hbm>>
    %dma_start3A_436 = tpu.memref_squeeze %dma_start3A_435 : memref<1x8x512xf32, #tpu.memory_space<hbm>> -> memref<8x512xf32, #tpu.memory_space<hbm>>
    tpu.enqueue_dma source(%dma_start3A_436 : memref<8x512xf32, #tpu.memory_space<hbm>>) target(%dma_start3A_433 : memref<8x512xf32, #tpu.memory_space<vmem>>) target_semaphore(%arg9 : memref<!tpu.dma_semaphore, #tpu.memory_space<semaphore_mem>>)
    %mul3A_437 = arith.constant 512 : i32
    %mul3A_438 = arith.muli %select_n3A, %mul3A_437 : i32
    %add3A_439 = arith.addi %mul3A_438, %add3A_400 : i32
    %dma_start3A_440 = arith.constant 0 : i32
    %dma_start3A_441 = arith.constant 0 : i32
    %dma_start3A_442 = arith.constant 0 : i32
    %dma_start3A_443 = tpu.memref_slice %arg7[%dma_start3A_440, %dma_start3A_441, %dma_start3A_442] : memref<2x8x512xi32, #tpu.memory_space<vmem>> -> memref<1x8x512xi32, #tpu.memory_space<vmem>>
    %dma_start3A_444 = tpu.memref_squeeze %dma_start3A_443 : memref<1x8x512xi32, #tpu.memory_space<vmem>> -> memref<8x512xi32, #tpu.memory_space<vmem>>
    %dma_start3A_445 = arith.constant 0 : i32
    %dma_start3A_446 = tpu.memref_slice %arg3[%add3A_439, %dma_start3A_445] : memref<4096x512xi32, #tpu.memory_space<hbm>> -> memref<8x512xi32, #tpu.memory_space<hbm>>
    %dma_start3A_447 = arith.constant 0 : i32
    %dma_start3A_448 = arith.constant 0 : i32
    %dma_start3A_449 = tpu.memref_slice %arg7[%dma_start3A_440, %dma_start3A_447, %dma_start3A_448] : memref<2x8x512xi32, #tpu.memory_space<vmem>> -> memref<1x8x512xi32, #tpu.memory_space<vmem>>
    %dma_start3A_450 = tpu.memref_squeeze %dma_start3A_449 : memref<1x8x512xi32, #tpu.memory_space<vmem>> -> memref<8x512xi32, #tpu.memory_space<vmem>>
    %dma_start3A_451 = arith.constant 0 : i32
    %dma_start3A_452 = tpu.memref_slice %arg3[%add3A_439, %dma_start3A_451] : memref<4096x512xi32, #tpu.memory_space<hbm>> -> memref<8x512xi32, #tpu.memory_space<hbm>>
    tpu.enqueue_dma source(%dma_start3A_452 : memref<8x512xi32, #tpu.memory_space<hbm>>) target(%dma_start3A_450 : memref<8x512xi32, #tpu.memory_space<vmem>>) target_semaphore(%arg9 : memref<!tpu.dma_semaphore, #tpu.memory_space<semaphore_mem>>)
    %dma_wait3A_453 = arith.constant 1 : i32
    %dma_wait3A_454 = arith.constant 0 : i32
    %dma_wait3A_455 = arith.constant 0 : i32
    %dma_wait3A_456 = tpu.memref_slice %arg5[%dma_wait3A_453, %dma_wait3A_454, %dma_wait3A_455] : memref<2x8x512xf32, #tpu.memory_space<vmem>> -> memref<1x8x512xf32, #tpu.memory_space<vmem>>
    %dma_wait3A_457 = tpu.memref_squeeze %dma_wait3A_456 : memref<1x8x512xf32, #tpu.memory_space<vmem>> -> memref<8x512xf32, #tpu.memory_space<vmem>>
    %dma_wait3A_458 = arith.constant 0 : i32
    %dma_wait3A_459 = tpu.memref_slice %arg2[%mul3A_298, %add3A_296, %dma_wait3A_458] : memref<16x512x512xf32, #tpu.memory_space<hbm>> -> memref<1x8x512xf32, #tpu.memory_space<hbm>>
    %dma_wait3A_460 = tpu.memref_squeeze %dma_wait3A_459 : memref<1x8x512xf32, #tpu.memory_space<hbm>> -> memref<8x512xf32, #tpu.memory_space<hbm>>
    %dma_wait3A_461 = arith.constant 0 : i32
    %dma_wait3A_462 = arith.constant 0 : i32
    %dma_wait3A_463 = tpu.memref_slice %arg5[%dma_wait3A_453, %dma_wait3A_461, %dma_wait3A_462] : memref<2x8x512xf32, #tpu.memory_space<vmem>> -> memref<1x8x512xf32, #tpu.memory_space<vmem>>
    %dma_wait3A_464 = tpu.memref_squeeze %dma_wait3A_463 : memref<1x8x512xf32, #tpu.memory_space<vmem>> -> memref<8x512xf32, #tpu.memory_space<vmem>>
    %dma_wait3A_465 = arith.constant 0 : i32
    %dma_wait3A_466 = tpu.memref_slice %arg2[%mul3A_298, %add3A_296, %dma_wait3A_465] : memref<16x512x512xf32, #tpu.memory_space<hbm>> -> memref<1x8x512xf32, #tpu.memory_space<hbm>>
    %dma_wait3A_467 = tpu.memref_squeeze %dma_wait3A_466 : memref<1x8x512xf32, #tpu.memory_space<hbm>> -> memref<8x512xf32, #tpu.memory_space<hbm>>
    tpu.wait_dma2 semaphore(%arg10 : memref<!tpu.dma_semaphore, #tpu.memory_space<semaphore_mem>>) src(%dma_wait3A_467 : memref<8x512xf32, #tpu.memory_space<hbm>>) dst(%dma_wait3A_464 : memref<8x512xf32, #tpu.memory_space<vmem>>)
    %dma_wait3A_468 = arith.constant 1 : i32
    %dma_wait3A_469 = arith.constant 0 : i32
    %dma_wait3A_470 = arith.constant 0 : i32
    %dma_wait3A_471 = tpu.memref_slice %arg6[%dma_wait3A_468, %dma_wait3A_469, %dma_wait3A_470] : memref<2x8x512xf32, #tpu.memory_space<vmem>> -> memref<1x8x512xf32, #tpu.memory_space<vmem>>
    %dma_wait3A_472 = tpu.memref_squeeze %dma_wait3A_471 : memref<1x8x512xf32, #tpu.memory_space<vmem>> -> memref<8x512xf32, #tpu.memory_space<vmem>>
    %dma_wait3A_473 = arith.constant 0 : i32
    %dma_wait3A_474 = tpu.memref_slice %arg2[%add3A_317, %add3A_296, %dma_wait3A_473] : memref<16x512x512xf32, #tpu.memory_space<hbm>> -> memref<1x8x512xf32, #tpu.memory_space<hbm>>
    %dma_wait3A_475 = tpu.memref_squeeze %dma_wait3A_474 : memref<1x8x512xf32, #tpu.memory_space<hbm>> -> memref<8x512xf32, #tpu.memory_space<hbm>>
    %dma_wait3A_476 = arith.constant 0 : i32
    %dma_wait3A_477 = arith.constant 0 : i32
    %dma_wait3A_478 = tpu.memref_slice %arg6[%dma_wait3A_468, %dma_wait3A_476, %dma_wait3A_477] : memref<2x8x512xf32, #tpu.memory_space<vmem>> -> memref<1x8x512xf32, #tpu.memory_space<vmem>>
    %dma_wait3A_479 = tpu.memref_squeeze %dma_wait3A_478 : memref<1x8x512xf32, #tpu.memory_space<vmem>> -> memref<8x512xf32, #tpu.memory_space<vmem>>
    %dma_wait3A_480 = arith.constant 0 : i32
    %dma_wait3A_481 = tpu.memref_slice %arg2[%add3A_317, %add3A_296, %dma_wait3A_480] : memref<16x512x512xf32, #tpu.memory_space<hbm>> -> memref<1x8x512xf32, #tpu.memory_space<hbm>>
    %dma_wait3A_482 = tpu.memref_squeeze %dma_wait3A_481 : memref<1x8x512xf32, #tpu.memory_space<hbm>> -> memref<8x512xf32, #tpu.memory_space<hbm>>
    tpu.wait_dma2 semaphore(%arg10 : memref<!tpu.dma_semaphore, #tpu.memory_space<semaphore_mem>>) src(%dma_wait3A_482 : memref<8x512xf32, #tpu.memory_space<hbm>>) dst(%dma_wait3A_479 : memref<8x512xf32, #tpu.memory_space<vmem>>)
    %dma_wait3A_483 = arith.constant 1 : i32
    %dma_wait3A_484 = arith.constant 0 : i32
    %dma_wait3A_485 = arith.constant 0 : i32
    %dma_wait3A_486 = tpu.memref_slice %arg7[%dma_wait3A_483, %dma_wait3A_484, %dma_wait3A_485] : memref<2x8x512xi32, #tpu.memory_space<vmem>> -> memref<1x8x512xi32, #tpu.memory_space<vmem>>
    %dma_wait3A_487 = tpu.memref_squeeze %dma_wait3A_486 : memref<1x8x512xi32, #tpu.memory_space<vmem>> -> memref<8x512xi32, #tpu.memory_space<vmem>>
    %dma_wait3A_488 = arith.constant 0 : i32
    %dma_wait3A_489 = tpu.memref_slice %arg3[%add3A_335, %dma_wait3A_488] : memref<4096x512xi32, #tpu.memory_space<hbm>> -> memref<8x512xi32, #tpu.memory_space<hbm>>
    %dma_wait3A_490 = arith.constant 0 : i32
    %dma_wait3A_491 = arith.constant 0 : i32
    %dma_wait3A_492 = tpu.memref_slice %arg7[%dma_wait3A_483, %dma_wait3A_490, %dma_wait3A_491] : memref<2x8x512xi32, #tpu.memory_space<vmem>> -> memref<1x8x512xi32, #tpu.memory_space<vmem>>
    %dma_wait3A_493 = tpu.memref_squeeze %dma_wait3A_492 : memref<1x8x512xi32, #tpu.memory_space<vmem>> -> memref<8x512xi32, #tpu.memory_space<vmem>>
    %dma_wait3A_494 = arith.constant 0 : i32
    %dma_wait3A_495 = tpu.memref_slice %arg3[%add3A_335, %dma_wait3A_494] : memref<4096x512xi32, #tpu.memory_space<hbm>> -> memref<8x512xi32, #tpu.memory_space<hbm>>
    tpu.wait_dma2 semaphore(%arg10 : memref<!tpu.dma_semaphore, #tpu.memory_space<semaphore_mem>>) src(%dma_wait3A_495 : memref<8x512xi32, #tpu.memory_space<hbm>>) dst(%dma_wait3A_493 : memref<8x512xi32, #tpu.memory_space<vmem>>)
    %scan3A_496 = arith.constant 0.847297847 : f32
    %scan3A_497 = arith.constant 0 : i32
    %scan3A_498 = arith.constant 32 : i32
    %scan3A_499 = arith.addi %scan3A_497, %scan3A_498 : i32
    %scan3A_500 = arith.constant 1 : i32
    %scan3A_501:3 = scf.for %scan3A_570 = %scan3A_497 to %scan3A_499 step %scan3A_500 iter_args(%scan3A_571 = %scan3A_397#0, %scan3A_572 = %scan3A_397#1, %scan3A_573 = %scan3A_397#2) -> (vector<16xf32>, vector<16xf32>, vector<16xf32>)  : i32 {
      %mul3A_574 = arith.constant 16 : i32
      %mul3A_575 = arith.muli %scan3A_570, %mul3A_574 : i32
      %get3A = arith.constant 1 : i32
      %get3A_576 = arith.constant 0 : i32
      %get3A_577 = arith.index_cast %get3A : i32 to index
      %get3A_578 = arith.index_cast %get3A_576 : i32 to index
      %get3A_579 = arith.index_cast %mul3A_575 : i32 to index
      %get3A_580 = tpu.vector_load %arg5[%get3A_577, %get3A_578, %get3A_579] {strides = array<i32>} : memref<2x8x512xf32, #tpu.memory_space<vmem>>, vector<1x1x16xf32>,
      %get3A_581 = vector.shape_cast %get3A_580 : vector<1x1x16xf32> to vector<16xf32>
      %get3A_582 = arith.constant 1 : i32
      %get3A_583 = arith.constant 0 : i32
      %get3A_584 = arith.index_cast %get3A_582 : i32 to index
      %get3A_585 = arith.index_cast %get3A_583 : i32 to index
      %get3A_586 = arith.index_cast %mul3A_575 : i32 to index
      %get3A_587 = tpu.vector_load %arg6[%get3A_584, %get3A_585, %get3A_586] {strides = array<i32>} : memref<2x8x512xf32, #tpu.memory_space<vmem>>, vector<1x1x16xf32>,
      %get3A_588 = vector.shape_cast %get3A_587 : vector<1x1x16xf32> to vector<16xf32>
      %get3A_589 = arith.constant 1 : i32
      %get3A_590 = arith.constant 0 : i32
      %get3A_591 = arith.index_cast %get3A_589 : i32 to index
      %get3A_592 = arith.index_cast %get3A_590 : i32 to index
      %get3A_593 = arith.index_cast %mul3A_575 : i32 to index
      %get3A_594 = tpu.vector_load %arg7[%get3A_591, %get3A_592, %get3A_593] {strides = array<i32>} : memref<2x8x512xi32, #tpu.memory_space<vmem>>, vector<1x1x16xi32>,
      %get3A_595 = vector.shape_cast %get3A_594 : vector<1x1x16xi32> to vector<16xi32>
      %convert_element_type3A = arith.sitofp %get3A_595 : vector<16xi32> to vector<16xf32>
      %sub3A_596 = arith.subf %get3A_588, %get3A_581 : vector<16xf32>
      %add3A_597 = arith.addf %convert_element_type3A, %convert_element_type3A : vector<16xf32>
      %sub3A_598 = arith.constant 1.000000e+00 : f32
      %sub3A_599 = vector.broadcast %sub3A_598 : f32 to vector<16xf32>
      %sub3A_600 = arith.subf %add3A_597, %sub3A_599 : vector<16xf32>
      %mul3A_601 = arith.mulf %sub3A_596, %sub3A_600 : vector<16xf32>
      %lt3A_602 = vector.broadcast %scan3A_496 : f32 to vector<16xf32>
      %lt3A_603 = arith.cmpf olt, %mul3A_601, %lt3A_602 : vector<16xf32>
      %jit3A_604 = arith.constant 1.000000e+00 : f32
      %jit3A_605 = arith.constant 0.000000e+00 : f32
      %broadcast_in_dim3A_606 = vector.broadcast %jit3A_604 : f32 to vector<16xf32>
      %broadcast_in_dim3A_607 = vector.broadcast %jit3A_605 : f32 to vector<16xf32>
      %select_n3A_608 = arith.select %lt3A_603, %broadcast_in_dim3A_606, %broadcast_in_dim3A_607 : vector<16xi1>, vector<16xf32>
      %abs3A = math.absf %mul3A_601 : vector<16xf32>
      %neg3A = arith.constant 0.000000e+00 : f32
      %neg3A_609 = vector.broadcast %neg3A : f32 to vector<16xf32>
      %neg3A_610 = arith.subf %neg3A_609, %abs3A : vector<16xf32>
      %exp3A = math.exp %neg3A_610 : vector<16xf32>
      %mul3A_611 = arith.constant 0.0140268523 : f32
      %mul3A_612 = vector.broadcast %mul3A_611 : f32 to vector<16xf32>
      %mul3A_613 = arith.mulf %mul3A_612, %exp3A : vector<16xf32>
      %add3A_614 = arith.constant -0.0657701269 : f32
      %add3A_615 = vector.broadcast %add3A_614 : f32 to vector<16xf32>
      %add3A_616 = arith.addf %mul3A_613, %add3A_615 : vector<16xf32>
      %mul3A_617 = arith.mulf %add3A_616, %exp3A : vector<16xf32>
      %add3A_618 = arith.constant 0.148106769 : f32
      %add3A_619 = vector.broadcast %add3A_618 : f32 to vector<16xf32>
      %add3A_620 = arith.addf %mul3A_617, %add3A_619 : vector<16xf32>
      %mul3A_621 = arith.mulf %add3A_620, %exp3A : vector<16xf32>
      %add3A_622 = arith.constant -0.23417367 : f32
      %add3A_623 = vector.broadcast %add3A_622 : f32 to vector<16xf32>
      %add3A_624 = arith.addf %mul3A_621, %add3A_623 : vector<16xf32>
      %mul3A_625 = arith.mulf %add3A_624, %exp3A : vector<16xf32>
      %add3A_626 = arith.constant 0.330787897 : f32
      %add3A_627 = vector.broadcast %add3A_626 : f32 to vector<16xf32>
      %add3A_628 = arith.addf %mul3A_625, %add3A_627 : vector<16xf32>
      %mul3A_629 = arith.mulf %add3A_628, %exp3A : vector<16xf32>
      %add3A_630 = arith.constant -0.499825478 : f32
      %add3A_631 = vector.broadcast %add3A_630 : f32 to vector<16xf32>
      %add3A_632 = arith.addf %mul3A_629, %add3A_631 : vector<16xf32>
      %mul3A_633 = arith.mulf %add3A_632, %exp3A : vector<16xf32>
      %add3A_634 = arith.constant 0.999997079 : f32
      %add3A_635 = vector.broadcast %add3A_634 : f32 to vector<16xf32>
      %add3A_636 = arith.addf %mul3A_633, %add3A_635 : vector<16xf32>
      %mul3A_637 = arith.mulf %exp3A, %add3A_636 : vector<16xf32>
      %neg3A_638 = arith.constant 0.000000e+00 : f32
      %neg3A_639 = vector.broadcast %neg3A_638 : f32 to vector<16xf32>
      %neg3A_640 = arith.subf %neg3A_639, %mul3A_601 : vector<16xf32>
      %max3A = arith.constant 0.000000e+00 : f32
      %max3A_641 = vector.broadcast %max3A : f32 to vector<16xf32>
      %max3A_642 = arith.maximumf %neg3A_640, %max3A_641 : vector<16xf32>
      %add3A_643 = arith.addf %mul3A_637, %max3A_642 : vector<16xf32>
      %mul3A_644 = arith.mulf %add3A_643, %select_n3A_608 : vector<16xf32>
      %add3A_645 = arith.addf %scan3A_571, %select_n3A_608 : vector<16xf32>
      %add3A_646 = arith.addf %scan3A_572, %mul3A_644 : vector<16xf32>
      %mul3A_647 = arith.mulf %mul3A_644, %convert_element_type3A : vector<16xf32>
      %add3A_648 = arith.addf %scan3A_573, %mul3A_647 : vector<16xf32>
      %get3A_649 = arith.constant 1 : i32
      %get3A_650 = arith.constant 1 : i32
      %get3A_651 = arith.index_cast %get3A_649 : i32 to index
      %get3A_652 = arith.index_cast %get3A_650 : i32 to index
      %get3A_653 = arith.index_cast %mul3A_575 : i32 to index
      %get3A_654 = tpu.vector_load %arg5[%get3A_651, %get3A_652, %get3A_653] {strides = array<i32>} : memref<2x8x512xf32, #tpu.memory_space<vmem>>, vector<1x1x16xf32>,
      %get3A_655 = vector.shape_cast %get3A_654 : vector<1x1x16xf32> to vector<16xf32>
      %get3A_656 = arith.constant 1 : i32
      %get3A_657 = arith.constant 1 : i32
      %get3A_658 = arith.index_cast %get3A_656 : i32 to index
      %get3A_659 = arith.index_cast %get3A_657 : i32 to index
      %get3A_660 = arith.index_cast %mul3A_575 : i32 to index
      %get3A_661 = tpu.vector_load %arg6[%get3A_658, %get3A_659, %get3A_660] {strides = array<i32>} : memref<2x8x512xf32, #tpu.memory_space<vmem>>, vector<1x1x16xf32>,
      %get3A_662 = vector.shape_cast %get3A_661 : vector<1x1x16xf32> to vector<16xf32>
      %get3A_663 = arith.constant 1 : i32
      %get3A_664 = arith.constant 1 : i32
      %get3A_665 = arith.index_cast %get3A_663 : i32 to index
      %get3A_666 = arith.index_cast %get3A_664 : i32 to index
      %get3A_667 = arith.index_cast %mul3A_575 : i32 to index
      %get3A_668 = tpu.vector_load %arg7[%get3A_665, %get3A_666, %get3A_667] {strides = array<i32>} : memref<2x8x512xi32, #tpu.memory_space<vmem>>, vector<1x1x16xi32>,
      %get3A_669 = vector.shape_cast %get3A_668 : vector<1x1x16xi32> to vector<16xi32>
      %convert_element_type3A_670 = arith.sitofp %get3A_669 : vector<16xi32> to vector<16xf32>
      %sub3A_671 = arith.subf %get3A_662, %get3A_655 : vector<16xf32>
      %add3A_672 = arith.addf %convert_element_type3A_670, %convert_element_type3A_670 : vector<16xf32>
      %sub3A_673 = arith.constant 1.000000e+00 : f32
      %sub3A_674 = vector.broadcast %sub3A_673 : f32 to vector<16xf32>
      %sub3A_675 = arith.subf %add3A_672, %sub3A_674 : vector<16xf32>
      %mul3A_676 = arith.mulf %sub3A_671, %sub3A_675 : vector<16xf32>
      %lt3A_677 = vector.broadcast %scan3A_496 : f32 to vector<16xf32>
      %lt3A_678 = arith.cmpf olt, %mul3A_676, %lt3A_677 : vector<16xf32>
      %jit3A_679 = arith.constant 1.000000e+00 : f32
      %jit3A_680 = arith.constant 0.000000e+00 : f32
      %broadcast_in_dim3A_681 = vector.broadcast %jit3A_679 : f32 to vector<16xf32>
      %broadcast_in_dim3A_682 = vector.broadcast %jit3A_680 : f32 to vector<16xf32>
      %select_n3A_683 = arith.select %lt3A_678, %broadcast_in_dim3A_681, %broadcast_in_dim3A_682 : vector<16xi1>, vector<16xf32>
      %abs3A_684 = math.absf %mul3A_676 : vector<16xf32>
      %neg3A_685 = arith.constant 0.000000e+00 : f32
      %neg3A_686 = vector.broadcast %neg3A_685 : f32 to vector<16xf32>
      %neg3A_687 = arith.subf %neg3A_686, %abs3A_684 : vector<16xf32>
      %exp3A_688 = math.exp %neg3A_687 : vector<16xf32>
      %mul3A_689 = arith.constant 0.0140268523 : f32
      %mul3A_690 = vector.broadcast %mul3A_689 : f32 to vector<16xf32>
      %mul3A_691 = arith.mulf %mul3A_690, %exp3A_688 : vector<16xf32>
      %add3A_692 = arith.constant -0.0657701269 : f32
      %add3A_693 = vector.broadcast %add3A_692 : f32 to vector<16xf32>
      %add3A_694 = arith.addf %mul3A_691, %add3A_693 : vector<16xf32>
      %mul3A_695 = arith.mulf %add3A_694, %exp3A_688 : vector<16xf32>
      %add3A_696 = arith.constant 0.148106769 : f32
      %add3A_697 = vector.broadcast %add3A_696 : f32 to vector<16xf32>
      %add3A_698 = arith.addf %mul3A_695, %add3A_697 : vector<16xf32>
      %mul3A_699 = arith.mulf %add3A_698, %exp3A_688 : vector<16xf32>
      %add3A_700 = arith.constant -0.23417367 : f32
      %add3A_701 = vector.broadcast %add3A_700 : f32 to vector<16xf32>
      %add3A_702 = arith.addf %mul3A_699, %add3A_701 : vector<16xf32>
      %mul3A_703 = arith.mulf %add3A_702, %exp3A_688 : vector<16xf32>
      %add3A_704 = arith.constant 0.330787897 : f32
      %add3A_705 = vector.broadcast %add3A_704 : f32 to vector<16xf32>
      %add3A_706 = arith.addf %mul3A_703, %add3A_705 : vector<16xf32>
      %mul3A_707 = arith.mulf %add3A_706, %exp3A_688 : vector<16xf32>
      %add3A_708 = arith.constant -0.499825478 : f32
      %add3A_709 = vector.broadcast %add3A_708 : f32 to vector<16xf32>
      %add3A_710 = arith.addf %mul3A_707, %add3A_709 : vector<16xf32>
      %mul3A_711 = arith.mulf %add3A_710, %exp3A_688 : vector<16xf32>
      %add3A_712 = arith.constant 0.999997079 : f32
      %add3A_713 = vector.broadcast %add3A_712 : f32 to vector<16xf32>
      %add3A_714 = arith.addf %mul3A_711, %add3A_713 : vector<16xf32>
      %mul3A_715 = arith.mulf %exp3A_688, %add3A_714 : vector<16xf32>
      %neg3A_716 = arith.constant 0.000000e+00 : f32
      %neg3A_717 = vector.broadcast %neg3A_716 : f32 to vector<16xf32>
      %neg3A_718 = arith.subf %neg3A_717, %mul3A_676 : vector<16xf32>
      %max3A_719 = arith.constant 0.000000e+00 : f32
      %max3A_720 = vector.broadcast %max3A_719 : f32 to vector<16xf32>
      %max3A_721 = arith.maximumf %neg3A_718, %max3A_720 : vector<16xf32>
      %add3A_722 = arith.addf %mul3A_715, %max3A_721 : vector<16xf32>
      %mul3A_723 = arith.mulf %add3A_722, %select_n3A_683 : vector<16xf32>
      %add3A_724 = arith.addf %add3A_645, %select_n3A_683 : vector<16xf32>
      %add3A_725 = arith.addf %add3A_646, %mul3A_723 : vector<16xf32>
      %mul3A_726 = arith.mulf %mul3A_723, %convert_element_type3A_670 : vector<16xf32>
      %add3A_727 = arith.addf %add3A_648, %mul3A_726 : vector<16xf32>
      %get3A_728 = arith.constant 1 : i32
      %get3A_729 = arith.constant 2 : i32
      %get3A_730 = arith.index_cast %get3A_728 : i32 to index
      %get3A_731 = arith.index_cast %get3A_729 : i32 to index
      %get3A_732 = arith.index_cast %mul3A_575 : i32 to index
      %get3A_733 = tpu.vector_load %arg5[%get3A_730, %get3A_731, %get3A_732] {strides = array<i32>} : memref<2x8x512xf32, #tpu.memory_space<vmem>>, vector<1x1x16xf32>,
      %get3A_734 = vector.shape_cast %get3A_733 : vector<1x1x16xf32> to vector<16xf32>
      %get3A_735 = arith.constant 1 : i32
      %get3A_736 = arith.constant 2 : i32
      %get3A_737 = arith.index_cast %get3A_735 : i32 to index
      %get3A_738 = arith.index_cast %get3A_736 : i32 to index
      %get3A_739 = arith.index_cast %mul3A_575 : i32 to index
      %get3A_740 = tpu.vector_load %arg6[%get3A_737, %get3A_738, %get3A_739] {strides = array<i32>} : memref<2x8x512xf32, #tpu.memory_space<vmem>>, vector<1x1x16xf32>,
      %get3A_741 = vector.shape_cast %get3A_740 : vector<1x1x16xf32> to vector<16xf32>
      %get3A_742 = arith.constant 1 : i32
      %get3A_743 = arith.constant 2 : i32
      %get3A_744 = arith.index_cast %get3A_742 : i32 to index
      %get3A_745 = arith.index_cast %get3A_743 : i32 to index
      %get3A_746 = arith.index_cast %mul3A_575 : i32 to index
      %get3A_747 = tpu.vector_load %arg7[%get3A_744, %get3A_745, %get3A_746] {strides = array<i32>} : memref<2x8x512xi32, #tpu.memory_space<vmem>>, vector<1x1x16xi32>,
      %get3A_748 = vector.shape_cast %get3A_747 : vector<1x1x16xi32> to vector<16xi32>
      %convert_element_type3A_749 = arith.sitofp %get3A_748 : vector<16xi32> to vector<16xf32>
      %sub3A_750 = arith.subf %get3A_741, %get3A_734 : vector<16xf32>
      %add3A_751 = arith.addf %convert_element_type3A_749, %convert_element_type3A_749 : vector<16xf32>
      %sub3A_752 = arith.constant 1.000000e+00 : f32
      %sub3A_753 = vector.broadcast %sub3A_752 : f32 to vector<16xf32>
      %sub3A_754 = arith.subf %add3A_751, %sub3A_753 : vector<16xf32>
      %mul3A_755 = arith.mulf %sub3A_750, %sub3A_754 : vector<16xf32>
      %lt3A_756 = vector.broadcast %scan3A_496 : f32 to vector<16xf32>
      %lt3A_757 = arith.cmpf olt, %mul3A_755, %lt3A_756 : vector<16xf32>
      %jit3A_758 = arith.constant 1.000000e+00 : f32
      %jit3A_759 = arith.constant 0.000000e+00 : f32
      %broadcast_in_dim3A_760 = vector.broadcast %jit3A_758 : f32 to vector<16xf32>
      %broadcast_in_dim3A_761 = vector.broadcast %jit3A_759 : f32 to vector<16xf32>
      %select_n3A_762 = arith.select %lt3A_757, %broadcast_in_dim3A_760, %broadcast_in_dim3A_761 : vector<16xi1>, vector<16xf32>
      %abs3A_763 = math.absf %mul3A_755 : vector<16xf32>
      %neg3A_764 = arith.constant 0.000000e+00 : f32
      %neg3A_765 = vector.broadcast %neg3A_764 : f32 to vector<16xf32>
      %neg3A_766 = arith.subf %neg3A_765, %abs3A_763 : vector<16xf32>
      %exp3A_767 = math.exp %neg3A_766 : vector<16xf32>
      %mul3A_768 = arith.constant 0.0140268523 : f32
      %mul3A_769 = vector.broadcast %mul3A_768 : f32 to vector<16xf32>
      %mul3A_770 = arith.mulf %mul3A_769, %exp3A_767 : vector<16xf32>
      %add3A_771 = arith.constant -0.0657701269 : f32
      %add3A_772 = vector.broadcast %add3A_771 : f32 to vector<16xf32>
      %add3A_773 = arith.addf %mul3A_770, %add3A_772 : vector<16xf32>
      %mul3A_774 = arith.mulf %add3A_773, %exp3A_767 : vector<16xf32>
      %add3A_775 = arith.constant 0.148106769 : f32
      %add3A_776 = vector.broadcast %add3A_775 : f32 to vector<16xf32>
      %add3A_777 = arith.addf %mul3A_774, %add3A_776 : vector<16xf32>
      %mul3A_778 = arith.mulf %add3A_777, %exp3A_767 : vector<16xf32>
      %add3A_779 = arith.constant -0.23417367 : f32
      %add3A_780 = vector.broadcast %add3A_779 : f32 to vector<16xf32>
      %add3A_781 = arith.addf %mul3A_778, %add3A_780 : vector<16xf32>
      %mul3A_782 = arith.mulf %add3A_781, %exp3A_767 : vector<16xf32>
      %add3A_783 = arith.constant 0.330787897 : f32
      %add3A_784 = vector.broadcast %add3A_783 : f32 to vector<16xf32>
      %add3A_785 = arith.addf %mul3A_782, %add3A_784 : vector<16xf32>
      %mul3A_786 = arith.mulf %add3A_785, %exp3A_767 : vector<16xf32>
      %add3A_787 = arith.constant -0.499825478 : f32
      %add3A_788 = vector.broadcast %add3A_787 : f32 to vector<16xf32>
      %add3A_789 = arith.addf %mul3A_786, %add3A_788 : vector<16xf32>
      %mul3A_790 = arith.mulf %add3A_789, %exp3A_767 : vector<16xf32>
      %add3A_791 = arith.constant 0.999997079 : f32
      %add3A_792 = vector.broadcast %add3A_791 : f32 to vector<16xf32>
      %add3A_793 = arith.addf %mul3A_790, %add3A_792 : vector<16xf32>
      %mul3A_794 = arith.mulf %exp3A_767, %add3A_793 : vector<16xf32>
      %neg3A_795 = arith.constant 0.000000e+00 : f32
      %neg3A_796 = vector.broadcast %neg3A_795 : f32 to vector<16xf32>
      %neg3A_797 = arith.subf %neg3A_796, %mul3A_755 : vector<16xf32>
      %max3A_798 = arith.constant 0.000000e+00 : f32
      %max3A_799 = vector.broadcast %max3A_798 : f32 to vector<16xf32>
      %max3A_800 = arith.maximumf %neg3A_797, %max3A_799 : vector<16xf32>
      %add3A_801 = arith.addf %mul3A_794, %max3A_800 : vector<16xf32>
      %mul3A_802 = arith.mulf %add3A_801, %select_n3A_762 : vector<16xf32>
      %add3A_803 = arith.addf %add3A_724, %select_n3A_762 : vector<16xf32>
      %add3A_804 = arith.addf %add3A_725, %mul3A_802 : vector<16xf32>
      %mul3A_805 = arith.mulf %mul3A_802, %convert_element_type3A_749 : vector<16xf32>
      %add3A_806 = arith.addf %add3A_727, %mul3A_805 : vector<16xf32>
      %get3A_807 = arith.constant 1 : i32
      %get3A_808 = arith.constant 3 : i32
      %get3A_809 = arith.index_cast %get3A_807 : i32 to index
      %get3A_810 = arith.index_cast %get3A_808 : i32 to index
      %get3A_811 = arith.index_cast %mul3A_575 : i32 to index
      %get3A_812 = tpu.vector_load %arg5[%get3A_809, %get3A_810, %get3A_811] {strides = array<i32>} : memref<2x8x512xf32, #tpu.memory_space<vmem>>, vector<1x1x16xf32>,
      %get3A_813 = vector.shape_cast %get3A_812 : vector<1x1x16xf32> to vector<16xf32>
      %get3A_814 = arith.constant 1 : i32
      %get3A_815 = arith.constant 3 : i32
      %get3A_816 = arith.index_cast %get3A_814 : i32 to index
      %get3A_817 = arith.index_cast %get3A_815 : i32 to index
      %get3A_818 = arith.index_cast %mul3A_575 : i32 to index
      %get3A_819 = tpu.vector_load %arg6[%get3A_816, %get3A_817, %get3A_818] {strides = array<i32>} : memref<2x8x512xf32, #tpu.memory_space<vmem>>, vector<1x1x16xf32>,
      %get3A_820 = vector.shape_cast %get3A_819 : vector<1x1x16xf32> to vector<16xf32>
      %get3A_821 = arith.constant 1 : i32
      %get3A_822 = arith.constant 3 : i32
      %get3A_823 = arith.index_cast %get3A_821 : i32 to index
      %get3A_824 = arith.index_cast %get3A_822 : i32 to index
      %get3A_825 = arith.index_cast %mul3A_575 : i32 to index
      %get3A_826 = tpu.vector_load %arg7[%get3A_823, %get3A_824, %get3A_825] {strides = array<i32>} : memref<2x8x512xi32, #tpu.memory_space<vmem>>, vector<1x1x16xi32>,
      %get3A_827 = vector.shape_cast %get3A_826 : vector<1x1x16xi32> to vector<16xi32>
      %convert_element_type3A_828 = arith.sitofp %get3A_827 : vector<16xi32> to vector<16xf32>
      %sub3A_829 = arith.subf %get3A_820, %get3A_813 : vector<16xf32>
      %add3A_830 = arith.addf %convert_element_type3A_828, %convert_element_type3A_828 : vector<16xf32>
      %sub3A_831 = arith.constant 1.000000e+00 : f32
      %sub3A_832 = vector.broadcast %sub3A_831 : f32 to vector<16xf32>
      %sub3A_833 = arith.subf %add3A_830, %sub3A_832 : vector<16xf32>
      %mul3A_834 = arith.mulf %sub3A_829, %sub3A_833 : vector<16xf32>
      %lt3A_835 = vector.broadcast %scan3A_496 : f32 to vector<16xf32>
      %lt3A_836 = arith.cmpf olt, %mul3A_834, %lt3A_835 : vector<16xf32>
      %jit3A_837 = arith.constant 1.000000e+00 : f32
      %jit3A_838 = arith.constant 0.000000e+00 : f32
      %broadcast_in_dim3A_839 = vector.broadcast %jit3A_837 : f32 to vector<16xf32>
      %broadcast_in_dim3A_840 = vector.broadcast %jit3A_838 : f32 to vector<16xf32>
      %select_n3A_841 = arith.select %lt3A_836, %broadcast_in_dim3A_839, %broadcast_in_dim3A_840 : vector<16xi1>, vector<16xf32>
      %abs3A_842 = math.absf %mul3A_834 : vector<16xf32>
      %neg3A_843 = arith.constant 0.000000e+00 : f32
      %neg3A_844 = vector.broadcast %neg3A_843 : f32 to vector<16xf32>
      %neg3A_845 = arith.subf %neg3A_844, %abs3A_842 : vector<16xf32>
      %exp3A_846 = math.exp %neg3A_845 : vector<16xf32>
      %mul3A_847 = arith.constant 0.0140268523 : f32
      %mul3A_848 = vector.broadcast %mul3A_847 : f32 to vector<16xf32>
      %mul3A_849 = arith.mulf %mul3A_848, %exp3A_846 : vector<16xf32>
      %add3A_850 = arith.constant -0.0657701269 : f32
      %add3A_851 = vector.broadcast %add3A_850 : f32 to vector<16xf32>
      %add3A_852 = arith.addf %mul3A_849, %add3A_851 : vector<16xf32>
      %mul3A_853 = arith.mulf %add3A_852, %exp3A_846 : vector<16xf32>
      %add3A_854 = arith.constant 0.148106769 : f32
      %add3A_855 = vector.broadcast %add3A_854 : f32 to vector<16xf32>
      %add3A_856 = arith.addf %mul3A_853, %add3A_855 : vector<16xf32>
      %mul3A_857 = arith.mulf %add3A_856, %exp3A_846 : vector<16xf32>
      %add3A_858 = arith.constant -0.23417367 : f32
      %add3A_859 = vector.broadcast %add3A_858 : f32 to vector<16xf32>
      %add3A_860 = arith.addf %mul3A_857, %add3A_859 : vector<16xf32>
      %mul3A_861 = arith.mulf %add3A_860, %exp3A_846 : vector<16xf32>
      %add3A_862 = arith.constant 0.330787897 : f32
      %add3A_863 = vector.broadcast %add3A_862 : f32 to vector<16xf32>
      %add3A_864 = arith.addf %mul3A_861, %add3A_863 : vector<16xf32>
      %mul3A_865 = arith.mulf %add3A_864, %exp3A_846 : vector<16xf32>
      %add3A_866 = arith.constant -0.499825478 : f32
      %add3A_867 = vector.broadcast %add3A_866 : f32 to vector<16xf32>
      %add3A_868 = arith.addf %mul3A_865, %add3A_867 : vector<16xf32>
      %mul3A_869 = arith.mulf %add3A_868, %exp3A_846 : vector<16xf32>
      %add3A_870 = arith.constant 0.999997079 : f32
      %add3A_871 = vector.broadcast %add3A_870 : f32 to vector<16xf32>
      %add3A_872 = arith.addf %mul3A_869, %add3A_871 : vector<16xf32>
      %mul3A_873 = arith.mulf %exp3A_846, %add3A_872 : vector<16xf32>
      %neg3A_874 = arith.constant 0.000000e+00 : f32
      %neg3A_875 = vector.broadcast %neg3A_874 : f32 to vector<16xf32>
      %neg3A_876 = arith.subf %neg3A_875, %mul3A_834 : vector<16xf32>
      %max3A_877 = arith.constant 0.000000e+00 : f32
      %max3A_878 = vector.broadcast %max3A_877 : f32 to vector<16xf32>
      %max3A_879 = arith.maximumf %neg3A_876, %max3A_878 : vector<16xf32>
      %add3A_880 = arith.addf %mul3A_873, %max3A_879 : vector<16xf32>
      %mul3A_881 = arith.mulf %add3A_880, %select_n3A_841 : vector<16xf32>
      %add3A_882 = arith.addf %add3A_803, %select_n3A_841 : vector<16xf32>
      %add3A_883 = arith.addf %add3A_804, %mul3A_881 : vector<16xf32>
      %mul3A_884 = arith.mulf %mul3A_881, %convert_element_type3A_828 : vector<16xf32>
      %add3A_885 = arith.addf %add3A_806, %mul3A_884 : vector<16xf32>
      %get3A_886 = arith.constant 1 : i32
      %get3A_887 = arith.constant 4 : i32
      %get3A_888 = arith.index_cast %get3A_886 : i32 to index
      %get3A_889 = arith.index_cast %get3A_887 : i32 to index
      %get3A_890 = arith.index_cast %mul3A_575 : i32 to index
      %get3A_891 = tpu.vector_load %arg5[%get3A_888, %get3A_889, %get3A_890] {strides = array<i32>} : memref<2x8x512xf32, #tpu.memory_space<vmem>>, vector<1x1x16xf32>,
      %get3A_892 = vector.shape_cast %get3A_891 : vector<1x1x16xf32> to vector<16xf32>
      %get3A_893 = arith.constant 1 : i32
      %get3A_894 = arith.constant 4 : i32
      %get3A_895 = arith.index_cast %get3A_893 : i32 to index
      %get3A_896 = arith.index_cast %get3A_894 : i32 to index
      %get3A_897 = arith.index_cast %mul3A_575 : i32 to index
      %get3A_898 = tpu.vector_load %arg6[%get3A_895, %get3A_896, %get3A_897] {strides = array<i32>} : memref<2x8x512xf32, #tpu.memory_space<vmem>>, vector<1x1x16xf32>,
      %get3A_899 = vector.shape_cast %get3A_898 : vector<1x1x16xf32> to vector<16xf32>
      %get3A_900 = arith.constant 1 : i32
      %get3A_901 = arith.constant 4 : i32
      %get3A_902 = arith.index_cast %get3A_900 : i32 to index
      %get3A_903 = arith.index_cast %get3A_901 : i32 to index
      %get3A_904 = arith.index_cast %mul3A_575 : i32 to index
      %get3A_905 = tpu.vector_load %arg7[%get3A_902, %get3A_903, %get3A_904] {strides = array<i32>} : memref<2x8x512xi32, #tpu.memory_space<vmem>>, vector<1x1x16xi32>,
      %get3A_906 = vector.shape_cast %get3A_905 : vector<1x1x16xi32> to vector<16xi32>
      %convert_element_type3A_907 = arith.sitofp %get3A_906 : vector<16xi32> to vector<16xf32>
      %sub3A_908 = arith.subf %get3A_899, %get3A_892 : vector<16xf32>
      %add3A_909 = arith.addf %convert_element_type3A_907, %convert_element_type3A_907 : vector<16xf32>
      %sub3A_910 = arith.constant 1.000000e+00 : f32
      %sub3A_911 = vector.broadcast %sub3A_910 : f32 to vector<16xf32>
      %sub3A_912 = arith.subf %add3A_909, %sub3A_911 : vector<16xf32>
      %mul3A_913 = arith.mulf %sub3A_908, %sub3A_912 : vector<16xf32>
      %lt3A_914 = vector.broadcast %scan3A_496 : f32 to vector<16xf32>
      %lt3A_915 = arith.cmpf olt, %mul3A_913, %lt3A_914 : vector<16xf32>
      %jit3A_916 = arith.constant 1.000000e+00 : f32
      %jit3A_917 = arith.constant 0.000000e+00 : f32
      %broadcast_in_dim3A_918 = vector.broadcast %jit3A_916 : f32 to vector<16xf32>
      %broadcast_in_dim3A_919 = vector.broadcast %jit3A_917 : f32 to vector<16xf32>
      %select_n3A_920 = arith.select %lt3A_915, %broadcast_in_dim3A_918, %broadcast_in_dim3A_919 : vector<16xi1>, vector<16xf32>
      %abs3A_921 = math.absf %mul3A_913 : vector<16xf32>
      %neg3A_922 = arith.constant 0.000000e+00 : f32
      %neg3A_923 = vector.broadcast %neg3A_922 : f32 to vector<16xf32>
      %neg3A_924 = arith.subf %neg3A_923, %abs3A_921 : vector<16xf32>
      %exp3A_925 = math.exp %neg3A_924 : vector<16xf32>
      %mul3A_926 = arith.constant 0.0140268523 : f32
      %mul3A_927 = vector.broadcast %mul3A_926 : f32 to vector<16xf32>
      %mul3A_928 = arith.mulf %mul3A_927, %exp3A_925 : vector<16xf32>
      %add3A_929 = arith.constant -0.0657701269 : f32
      %add3A_930 = vector.broadcast %add3A_929 : f32 to vector<16xf32>
      %add3A_931 = arith.addf %mul3A_928, %add3A_930 : vector<16xf32>
      %mul3A_932 = arith.mulf %add3A_931, %exp3A_925 : vector<16xf32>
      %add3A_933 = arith.constant 0.148106769 : f32
      %add3A_934 = vector.broadcast %add3A_933 : f32 to vector<16xf32>
      %add3A_935 = arith.addf %mul3A_932, %add3A_934 : vector<16xf32>
      %mul3A_936 = arith.mulf %add3A_935, %exp3A_925 : vector<16xf32>
      %add3A_937 = arith.constant -0.23417367 : f32
      %add3A_938 = vector.broadcast %add3A_937 : f32 to vector<16xf32>
      %add3A_939 = arith.addf %mul3A_936, %add3A_938 : vector<16xf32>
      %mul3A_940 = arith.mulf %add3A_939, %exp3A_925 : vector<16xf32>
      %add3A_941 = arith.constant 0.330787897 : f32
      %add3A_942 = vector.broadcast %add3A_941 : f32 to vector<16xf32>
      %add3A_943 = arith.addf %mul3A_940, %add3A_942 : vector<16xf32>
      %mul3A_944 = arith.mulf %add3A_943, %exp3A_925 : vector<16xf32>
      %add3A_945 = arith.constant -0.499825478 : f32
      %add3A_946 = vector.broadcast %add3A_945 : f32 to vector<16xf32>
      %add3A_947 = arith.addf %mul3A_944, %add3A_946 : vector<16xf32>
      %mul3A_948 = arith.mulf %add3A_947, %exp3A_925 : vector<16xf32>
      %add3A_949 = arith.constant 0.999997079 : f32
      %add3A_950 = vector.broadcast %add3A_949 : f32 to vector<16xf32>
      %add3A_951 = arith.addf %mul3A_948, %add3A_950 : vector<16xf32>
      %mul3A_952 = arith.mulf %exp3A_925, %add3A_951 : vector<16xf32>
      %neg3A_953 = arith.constant 0.000000e+00 : f32
      %neg3A_954 = vector.broadcast %neg3A_953 : f32 to vector<16xf32>
      %neg3A_955 = arith.subf %neg3A_954, %mul3A_913 : vector<16xf32>
      %max3A_956 = arith.constant 0.000000e+00 : f32
      %max3A_957 = vector.broadcast %max3A_956 : f32 to vector<16xf32>
      %max3A_958 = arith.maximumf %neg3A_955, %max3A_957 : vector<16xf32>
      %add3A_959 = arith.addf %mul3A_952, %max3A_958 : vector<16xf32>
      %mul3A_960 = arith.mulf %add3A_959, %select_n3A_920 : vector<16xf32>
      %add3A_961 = arith.addf %add3A_882, %select_n3A_920 : vector<16xf32>
      %add3A_962 = arith.addf %add3A_883, %mul3A_960 : vector<16xf32>
      %mul3A_963 = arith.mulf %mul3A_960, %convert_element_type3A_907 : vector<16xf32>
      %add3A_964 = arith.addf %add3A_885, %mul3A_963 : vector<16xf32>
      %get3A_965 = arith.constant 1 : i32
      %get3A_966 = arith.constant 5 : i32
      %get3A_967 = arith.index_cast %get3A_965 : i32 to index
      %get3A_968 = arith.index_cast %get3A_966 : i32 to index
      %get3A_969 = arith.index_cast %mul3A_575 : i32 to index
      %get3A_970 = tpu.vector_load %arg5[%get3A_967, %get3A_968, %get3A_969] {strides = array<i32>} : memref<2x8x512xf32, #tpu.memory_space<vmem>>, vector<1x1x16xf32>,
      %get3A_971 = vector.shape_cast %get3A_970 : vector<1x1x16xf32> to vector<16xf32>
      %get3A_972 = arith.constant 1 : i32
      %get3A_973 = arith.constant 5 : i32
      %get3A_974 = arith.index_cast %get3A_972 : i32 to index
      %get3A_975 = arith.index_cast %get3A_973 : i32 to index
      %get3A_976 = arith.index_cast %mul3A_575 : i32 to index
      %get3A_977 = tpu.vector_load %arg6[%get3A_974, %get3A_975, %get3A_976] {strides = array<i32>} : memref<2x8x512xf32, #tpu.memory_space<vmem>>, vector<1x1x16xf32>,
      %get3A_978 = vector.shape_cast %get3A_977 : vector<1x1x16xf32> to vector<16xf32>
      %get3A_979 = arith.constant 1 : i32
      %get3A_980 = arith.constant 5 : i32
      %get3A_981 = arith.index_cast %get3A_979 : i32 to index
      %get3A_982 = arith.index_cast %get3A_980 : i32 to index
      %get3A_983 = arith.index_cast %mul3A_575 : i32 to index
      %get3A_984 = tpu.vector_load %arg7[%get3A_981, %get3A_982, %get3A_983] {strides = array<i32>} : memref<2x8x512xi32, #tpu.memory_space<vmem>>, vector<1x1x16xi32>,
      %get3A_985 = vector.shape_cast %get3A_984 : vector<1x1x16xi32> to vector<16xi32>
      %convert_element_type3A_986 = arith.sitofp %get3A_985 : vector<16xi32> to vector<16xf32>
      %sub3A_987 = arith.subf %get3A_978, %get3A_971 : vector<16xf32>
      %add3A_988 = arith.addf %convert_element_type3A_986, %convert_element_type3A_986 : vector<16xf32>
      %sub3A_989 = arith.constant 1.000000e+00 : f32
      %sub3A_990 = vector.broadcast %sub3A_989 : f32 to vector<16xf32>
      %sub3A_991 = arith.subf %add3A_988, %sub3A_990 : vector<16xf32>
      %mul3A_992 = arith.mulf %sub3A_987, %sub3A_991 : vector<16xf32>
      %lt3A_993 = vector.broadcast %scan3A_496 : f32 to vector<16xf32>
      %lt3A_994 = arith.cmpf olt, %mul3A_992, %lt3A_993 : vector<16xf32>
      %jit3A_995 = arith.constant 1.000000e+00 : f32
      %jit3A_996 = arith.constant 0.000000e+00 : f32
      %broadcast_in_dim3A_997 = vector.broadcast %jit3A_995 : f32 to vector<16xf32>
      %broadcast_in_dim3A_998 = vector.broadcast %jit3A_996 : f32 to vector<16xf32>
      %select_n3A_999 = arith.select %lt3A_994, %broadcast_in_dim3A_997, %broadcast_in_dim3A_998 : vector<16xi1>, vector<16xf32>
      %abs3A_1000 = math.absf %mul3A_992 : vector<16xf32>
      %neg3A_1001 = arith.constant 0.000000e+00 : f32
      %neg3A_1002 = vector.broadcast %neg3A_1001 : f32 to vector<16xf32>
      %neg3A_1003 = arith.subf %neg3A_1002, %abs3A_1000 : vector<16xf32>
      %exp3A_1004 = math.exp %neg3A_1003 : vector<16xf32>
      %mul3A_1005 = arith.constant 0.0140268523 : f32
      %mul3A_1006 = vector.broadcast %mul3A_1005 : f32 to vector<16xf32>
      %mul3A_1007 = arith.mulf %mul3A_1006, %exp3A_1004 : vector<16xf32>
      %add3A_1008 = arith.constant -0.0657701269 : f32
      %add3A_1009 = vector.broadcast %add3A_1008 : f32 to vector<16xf32>
      %add3A_1010 = arith.addf %mul3A_1007, %add3A_1009 : vector<16xf32>
      %mul3A_1011 = arith.mulf %add3A_1010, %exp3A_1004 : vector<16xf32>
      %add3A_1012 = arith.constant 0.148106769 : f32
      %add3A_1013 = vector.broadcast %add3A_1012 : f32 to vector<16xf32>
      %add3A_1014 = arith.addf %mul3A_1011, %add3A_1013 : vector<16xf32>
      %mul3A_1015 = arith.mulf %add3A_1014, %exp3A_1004 : vector<16xf32>
      %add3A_1016 = arith.constant -0.23417367 : f32
      %add3A_1017 = vector.broadcast %add3A_1016 : f32 to vector<16xf32>
      %add3A_1018 = arith.addf %mul3A_1015, %add3A_1017 : vector<16xf32>
      %mul3A_1019 = arith.mulf %add3A_1018, %exp3A_1004 : vector<16xf32>
      %add3A_1020 = arith.constant 0.330787897 : f32
      %add3A_1021 = vector.broadcast %add3A_1020 : f32 to vector<16xf32>
      %add3A_1022 = arith.addf %mul3A_1019, %add3A_1021 : vector<16xf32>
      %mul3A_1023 = arith.mulf %add3A_1022, %exp3A_1004 : vector<16xf32>
      %add3A_1024 = arith.constant -0.499825478 : f32
      %add3A_1025 = vector.broadcast %add3A_1024 : f32 to vector<16xf32>
      %add3A_1026 = arith.addf %mul3A_1023, %add3A_1025 : vector<16xf32>
      %mul3A_1027 = arith.mulf %add3A_1026, %exp3A_1004 : vector<16xf32>
      %add3A_1028 = arith.constant 0.999997079 : f32
      %add3A_1029 = vector.broadcast %add3A_1028 : f32 to vector<16xf32>
      %add3A_1030 = arith.addf %mul3A_1027, %add3A_1029 : vector<16xf32>
      %mul3A_1031 = arith.mulf %exp3A_1004, %add3A_1030 : vector<16xf32>
      %neg3A_1032 = arith.constant 0.000000e+00 : f32
      %neg3A_1033 = vector.broadcast %neg3A_1032 : f32 to vector<16xf32>
      %neg3A_1034 = arith.subf %neg3A_1033, %mul3A_992 : vector<16xf32>
      %max3A_1035 = arith.constant 0.000000e+00 : f32
      %max3A_1036 = vector.broadcast %max3A_1035 : f32 to vector<16xf32>
      %max3A_1037 = arith.maximumf %neg3A_1034, %max3A_1036 : vector<16xf32>
      %add3A_1038 = arith.addf %mul3A_1031, %max3A_1037 : vector<16xf32>
      %mul3A_1039 = arith.mulf %add3A_1038, %select_n3A_999 : vector<16xf32>
      %add3A_1040 = arith.addf %add3A_961, %select_n3A_999 : vector<16xf32>
      %add3A_1041 = arith.addf %add3A_962, %mul3A_1039 : vector<16xf32>
      %mul3A_1042 = arith.mulf %mul3A_1039, %convert_element_type3A_986 : vector<16xf32>
      %add3A_1043 = arith.addf %add3A_964, %mul3A_1042 : vector<16xf32>
      %get3A_1044 = arith.constant 1 : i32
      %get3A_1045 = arith.constant 6 : i32
      %get3A_1046 = arith.index_cast %get3A_1044 : i32 to index
      %get3A_1047 = arith.index_cast %get3A_1045 : i32 to index
      %get3A_1048 = arith.index_cast %mul3A_575 : i32 to index
      %get3A_1049 = tpu.vector_load %arg5[%get3A_1046, %get3A_1047, %get3A_1048] {strides = array<i32>} : memref<2x8x512xf32, #tpu.memory_space<vmem>>, vector<1x1x16xf32>,
      %get3A_1050 = vector.shape_cast %get3A_1049 : vector<1x1x16xf32> to vector<16xf32>
      %get3A_1051 = arith.constant 1 : i32
      %get3A_1052 = arith.constant 6 : i32
      %get3A_1053 = arith.index_cast %get3A_1051 : i32 to index
      %get3A_1054 = arith.index_cast %get3A_1052 : i32 to index
      %get3A_1055 = arith.index_cast %mul3A_575 : i32 to index
      %get3A_1056 = tpu.vector_load %arg6[%get3A_1053, %get3A_1054, %get3A_1055] {strides = array<i32>} : memref<2x8x512xf32, #tpu.memory_space<vmem>>, vector<1x1x16xf32>,
      %get3A_1057 = vector.shape_cast %get3A_1056 : vector<1x1x16xf32> to vector<16xf32>
      %get3A_1058 = arith.constant 1 : i32
      %get3A_1059 = arith.constant 6 : i32
      %get3A_1060 = arith.index_cast %get3A_1058 : i32 to index
      %get3A_1061 = arith.index_cast %get3A_1059 : i32 to index
      %get3A_1062 = arith.index_cast %mul3A_575 : i32 to index
      %get3A_1063 = tpu.vector_load %arg7[%get3A_1060, %get3A_1061, %get3A_1062] {strides = array<i32>} : memref<2x8x512xi32, #tpu.memory_space<vmem>>, vector<1x1x16xi32>,
      %get3A_1064 = vector.shape_cast %get3A_1063 : vector<1x1x16xi32> to vector<16xi32>
      %convert_element_type3A_1065 = arith.sitofp %get3A_1064 : vector<16xi32> to vector<16xf32>
      %sub3A_1066 = arith.subf %get3A_1057, %get3A_1050 : vector<16xf32>
      %add3A_1067 = arith.addf %convert_element_type3A_1065, %convert_element_type3A_1065 : vector<16xf32>
      %sub3A_1068 = arith.constant 1.000000e+00 : f32
      %sub3A_1069 = vector.broadcast %sub3A_1068 : f32 to vector<16xf32>
      %sub3A_1070 = arith.subf %add3A_1067, %sub3A_1069 : vector<16xf32>
      %mul3A_1071 = arith.mulf %sub3A_1066, %sub3A_1070 : vector<16xf32>
      %lt3A_1072 = vector.broadcast %scan3A_496 : f32 to vector<16xf32>
      %lt3A_1073 = arith.cmpf olt, %mul3A_1071, %lt3A_1072 : vector<16xf32>
      %jit3A_1074 = arith.constant 1.000000e+00 : f32
      %jit3A_1075 = arith.constant 0.000000e+00 : f32
      %broadcast_in_dim3A_1076 = vector.broadcast %jit3A_1074 : f32 to vector<16xf32>
      %broadcast_in_dim3A_1077 = vector.broadcast %jit3A_1075 : f32 to vector<16xf32>
      %select_n3A_1078 = arith.select %lt3A_1073, %broadcast_in_dim3A_1076, %broadcast_in_dim3A_1077 : vector<16xi1>, vector<16xf32>
      %abs3A_1079 = math.absf %mul3A_1071 : vector<16xf32>
      %neg3A_1080 = arith.constant 0.000000e+00 : f32
      %neg3A_1081 = vector.broadcast %neg3A_1080 : f32 to vector<16xf32>
      %neg3A_1082 = arith.subf %neg3A_1081, %abs3A_1079 : vector<16xf32>
      %exp3A_1083 = math.exp %neg3A_1082 : vector<16xf32>
      %mul3A_1084 = arith.constant 0.0140268523 : f32
      %mul3A_1085 = vector.broadcast %mul3A_1084 : f32 to vector<16xf32>
      %mul3A_1086 = arith.mulf %mul3A_1085, %exp3A_1083 : vector<16xf32>
      %add3A_1087 = arith.constant -0.0657701269 : f32
      %add3A_1088 = vector.broadcast %add3A_1087 : f32 to vector<16xf32>
      %add3A_1089 = arith.addf %mul3A_1086, %add3A_1088 : vector<16xf32>
      %mul3A_1090 = arith.mulf %add3A_1089, %exp3A_1083 : vector<16xf32>
      %add3A_1091 = arith.constant 0.148106769 : f32
      %add3A_1092 = vector.broadcast %add3A_1091 : f32 to vector<16xf32>
      %add3A_1093 = arith.addf %mul3A_1090, %add3A_1092 : vector<16xf32>
      %mul3A_1094 = arith.mulf %add3A_1093, %exp3A_1083 : vector<16xf32>
      %add3A_1095 = arith.constant -0.23417367 : f32
      %add3A_1096 = vector.broadcast %add3A_1095 : f32 to vector<16xf32>
      %add3A_1097 = arith.addf %mul3A_1094, %add3A_1096 : vector<16xf32>
      %mul3A_1098 = arith.mulf %add3A_1097, %exp3A_1083 : vector<16xf32>
      %add3A_1099 = arith.constant 0.330787897 : f32
      %add3A_1100 = vector.broadcast %add3A_1099 : f32 to vector<16xf32>
      %add3A_1101 = arith.addf %mul3A_1098, %add3A_1100 : vector<16xf32>
      %mul3A_1102 = arith.mulf %add3A_1101, %exp3A_1083 : vector<16xf32>
      %add3A_1103 = arith.constant -0.499825478 : f32
      %add3A_1104 = vector.broadcast %add3A_1103 : f32 to vector<16xf32>
      %add3A_1105 = arith.addf %mul3A_1102, %add3A_1104 : vector<16xf32>
      %mul3A_1106 = arith.mulf %add3A_1105, %exp3A_1083 : vector<16xf32>
      %add3A_1107 = arith.constant 0.999997079 : f32
      %add3A_1108 = vector.broadcast %add3A_1107 : f32 to vector<16xf32>
      %add3A_1109 = arith.addf %mul3A_1106, %add3A_1108 : vector<16xf32>
      %mul3A_1110 = arith.mulf %exp3A_1083, %add3A_1109 : vector<16xf32>
      %neg3A_1111 = arith.constant 0.000000e+00 : f32
      %neg3A_1112 = vector.broadcast %neg3A_1111 : f32 to vector<16xf32>
      %neg3A_1113 = arith.subf %neg3A_1112, %mul3A_1071 : vector<16xf32>
      %max3A_1114 = arith.constant 0.000000e+00 : f32
      %max3A_1115 = vector.broadcast %max3A_1114 : f32 to vector<16xf32>
      %max3A_1116 = arith.maximumf %neg3A_1113, %max3A_1115 : vector<16xf32>
      %add3A_1117 = arith.addf %mul3A_1110, %max3A_1116 : vector<16xf32>
      %mul3A_1118 = arith.mulf %add3A_1117, %select_n3A_1078 : vector<16xf32>
      %add3A_1119 = arith.addf %add3A_1040, %select_n3A_1078 : vector<16xf32>
      %add3A_1120 = arith.addf %add3A_1041, %mul3A_1118 : vector<16xf32>
      %mul3A_1121 = arith.mulf %mul3A_1118, %convert_element_type3A_1065 : vector<16xf32>
      %add3A_1122 = arith.addf %add3A_1043, %mul3A_1121 : vector<16xf32>
      %get3A_1123 = arith.constant 1 : i32
      %get3A_1124 = arith.constant 7 : i32
      %get3A_1125 = arith.index_cast %get3A_1123 : i32 to index
      %get3A_1126 = arith.index_cast %get3A_1124 : i32 to index
      %get3A_1127 = arith.index_cast %mul3A_575 : i32 to index
      %get3A_1128 = tpu.vector_load %arg5[%get3A_1125, %get3A_1126, %get3A_1127] {strides = array<i32>} : memref<2x8x512xf32, #tpu.memory_space<vmem>>, vector<1x1x16xf32>,
      %get3A_1129 = vector.shape_cast %get3A_1128 : vector<1x1x16xf32> to vector<16xf32>
      %get3A_1130 = arith.constant 1 : i32
      %get3A_1131 = arith.constant 7 : i32
      %get3A_1132 = arith.index_cast %get3A_1130 : i32 to index
      %get3A_1133 = arith.index_cast %get3A_1131 : i32 to index
      %get3A_1134 = arith.index_cast %mul3A_575 : i32 to index
      %get3A_1135 = tpu.vector_load %arg6[%get3A_1132, %get3A_1133, %get3A_1134] {strides = array<i32>} : memref<2x8x512xf32, #tpu.memory_space<vmem>>, vector<1x1x16xf32>,
      %get3A_1136 = vector.shape_cast %get3A_1135 : vector<1x1x16xf32> to vector<16xf32>
      %get3A_1137 = arith.constant 1 : i32
      %get3A_1138 = arith.constant 7 : i32
      %get3A_1139 = arith.index_cast %get3A_1137 : i32 to index
      %get3A_1140 = arith.index_cast %get3A_1138 : i32 to index
      %get3A_1141 = arith.index_cast %mul3A_575 : i32 to index
      %get3A_1142 = tpu.vector_load %arg7[%get3A_1139, %get3A_1140, %get3A_1141] {strides = array<i32>} : memref<2x8x512xi32, #tpu.memory_space<vmem>>, vector<1x1x16xi32>,
      %get3A_1143 = vector.shape_cast %get3A_1142 : vector<1x1x16xi32> to vector<16xi32>
      %convert_element_type3A_1144 = arith.sitofp %get3A_1143 : vector<16xi32> to vector<16xf32>
      %sub3A_1145 = arith.subf %get3A_1136, %get3A_1129 : vector<16xf32>
      %add3A_1146 = arith.addf %convert_element_type3A_1144, %convert_element_type3A_1144 : vector<16xf32>
      %sub3A_1147 = arith.constant 1.000000e+00 : f32
      %sub3A_1148 = vector.broadcast %sub3A_1147 : f32 to vector<16xf32>
      %sub3A_1149 = arith.subf %add3A_1146, %sub3A_1148 : vector<16xf32>
      %mul3A_1150 = arith.mulf %sub3A_1145, %sub3A_1149 : vector<16xf32>
      %lt3A_1151 = vector.broadcast %scan3A_496 : f32 to vector<16xf32>
      %lt3A_1152 = arith.cmpf olt, %mul3A_1150, %lt3A_1151 : vector<16xf32>
      %jit3A_1153 = arith.constant 1.000000e+00 : f32
      %jit3A_1154 = arith.constant 0.000000e+00 : f32
      %broadcast_in_dim3A_1155 = vector.broadcast %jit3A_1153 : f32 to vector<16xf32>
      %broadcast_in_dim3A_1156 = vector.broadcast %jit3A_1154 : f32 to vector<16xf32>
      %select_n3A_1157 = arith.select %lt3A_1152, %broadcast_in_dim3A_1155, %broadcast_in_dim3A_1156 : vector<16xi1>, vector<16xf32>
      %abs3A_1158 = math.absf %mul3A_1150 : vector<16xf32>
      %neg3A_1159 = arith.constant 0.000000e+00 : f32
      %neg3A_1160 = vector.broadcast %neg3A_1159 : f32 to vector<16xf32>
      %neg3A_1161 = arith.subf %neg3A_1160, %abs3A_1158 : vector<16xf32>
      %exp3A_1162 = math.exp %neg3A_1161 : vector<16xf32>
      %mul3A_1163 = arith.constant 0.0140268523 : f32
      %mul3A_1164 = vector.broadcast %mul3A_1163 : f32 to vector<16xf32>
      %mul3A_1165 = arith.mulf %mul3A_1164, %exp3A_1162 : vector<16xf32>
      %add3A_1166 = arith.constant -0.0657701269 : f32
      %add3A_1167 = vector.broadcast %add3A_1166 : f32 to vector<16xf32>
      %add3A_1168 = arith.addf %mul3A_1165, %add3A_1167 : vector<16xf32>
      %mul3A_1169 = arith.mulf %add3A_1168, %exp3A_1162 : vector<16xf32>
      %add3A_1170 = arith.constant 0.148106769 : f32
      %add3A_1171 = vector.broadcast %add3A_1170 : f32 to vector<16xf32>
      %add3A_1172 = arith.addf %mul3A_1169, %add3A_1171 : vector<16xf32>
      %mul3A_1173 = arith.mulf %add3A_1172, %exp3A_1162 : vector<16xf32>
      %add3A_1174 = arith.constant -0.23417367 : f32
      %add3A_1175 = vector.broadcast %add3A_1174 : f32 to vector<16xf32>
      %add3A_1176 = arith.addf %mul3A_1173, %add3A_1175 : vector<16xf32>
      %mul3A_1177 = arith.mulf %add3A_1176, %exp3A_1162 : vector<16xf32>
      %add3A_1178 = arith.constant 0.330787897 : f32
      %add3A_1179 = vector.broadcast %add3A_1178 : f32 to vector<16xf32>
      %add3A_1180 = arith.addf %mul3A_1177, %add3A_1179 : vector<16xf32>
      %mul3A_1181 = arith.mulf %add3A_1180, %exp3A_1162 : vector<16xf32>
      %add3A_1182 = arith.constant -0.499825478 : f32
      %add3A_1183 = vector.broadcast %add3A_1182 : f32 to vector<16xf32>
      %add3A_1184 = arith.addf %mul3A_1181, %add3A_1183 : vector<16xf32>
      %mul3A_1185 = arith.mulf %add3A_1184, %exp3A_1162 : vector<16xf32>
      %add3A_1186 = arith.constant 0.999997079 : f32
      %add3A_1187 = vector.broadcast %add3A_1186 : f32 to vector<16xf32>
      %add3A_1188 = arith.addf %mul3A_1185, %add3A_1187 : vector<16xf32>
      %mul3A_1189 = arith.mulf %exp3A_1162, %add3A_1188 : vector<16xf32>
      %neg3A_1190 = arith.constant 0.000000e+00 : f32
      %neg3A_1191 = vector.broadcast %neg3A_1190 : f32 to vector<16xf32>
      %neg3A_1192 = arith.subf %neg3A_1191, %mul3A_1150 : vector<16xf32>
      %max3A_1193 = arith.constant 0.000000e+00 : f32
      %max3A_1194 = vector.broadcast %max3A_1193 : f32 to vector<16xf32>
      %max3A_1195 = arith.maximumf %neg3A_1192, %max3A_1194 : vector<16xf32>
      %add3A_1196 = arith.addf %mul3A_1189, %max3A_1195 : vector<16xf32>
      %mul3A_1197 = arith.mulf %add3A_1196, %select_n3A_1157 : vector<16xf32>
      %add3A_1198 = arith.addf %add3A_1119, %select_n3A_1157 : vector<16xf32>
      %add3A_1199 = arith.addf %add3A_1120, %mul3A_1197 : vector<16xf32>
      %mul3A_1200 = arith.mulf %mul3A_1197, %convert_element_type3A_1144 : vector<16xf32>
      %add3A_1201 = arith.addf %add3A_1122, %mul3A_1200 : vector<16xf32>
      scf.yield %add3A_1198, %add3A_1199, %add3A_1201 : vector<16xf32>, vector<16xf32>, vector<16xf32>
    }
    %scan3A_502 = arith.constant 32 : i32
    %dma_wait3A_503 = arith.constant 0 : i32
    %dma_wait3A_504 = arith.constant 0 : i32
    %dma_wait3A_505 = arith.constant 0 : i32
    %dma_wait3A_506 = tpu.memref_slice %arg5[%dma_wait3A_503, %dma_wait3A_504, %dma_wait3A_505] : memref<2x8x512xf32, #tpu.memory_space<vmem>> -> memref<1x8x512xf32, #tpu.memory_space<vmem>>
    %dma_wait3A_507 = tpu.memref_squeeze %dma_wait3A_506 : memref<1x8x512xf32, #tpu.memory_space<vmem>> -> memref<8x512xf32, #tpu.memory_space<vmem>>
    %dma_wait3A_508 = arith.constant 0 : i32
    %dma_wait3A_509 = tpu.memref_slice %arg2[%mul3A_402, %add3A_400, %dma_wait3A_508] : memref<16x512x512xf32, #tpu.memory_space<hbm>> -> memref<1x8x512xf32, #tpu.memory_space<hbm>>
    %dma_wait3A_510 = tpu.memref_squeeze %dma_wait3A_509 : memref<1x8x512xf32, #tpu.memory_space<hbm>> -> memref<8x512xf32, #tpu.memory_space<hbm>>
    %dma_wait3A_511 = arith.constant 0 : i32
    %dma_wait3A_512 = arith.constant 0 : i32
    %dma_wait3A_513 = tpu.memref_slice %arg5[%dma_wait3A_503, %dma_wait3A_511, %dma_wait3A_512] : memref<2x8x512xf32, #tpu.memory_space<vmem>> -> memref<1x8x512xf32, #tpu.memory_space<vmem>>
    %dma_wait3A_514 = tpu.memref_squeeze %dma_wait3A_513 : memref<1x8x512xf32, #tpu.memory_space<vmem>> -> memref<8x512xf32, #tpu.memory_space<vmem>>
    %dma_wait3A_515 = arith.constant 0 : i32
    %dma_wait3A_516 = tpu.memref_slice %arg2[%mul3A_402, %add3A_400, %dma_wait3A_515] : memref<16x512x512xf32, #tpu.memory_space<hbm>> -> memref<1x8x512xf32, #tpu.memory_space<hbm>>
    %dma_wait3A_517 = tpu.memref_squeeze %dma_wait3A_516 : memref<1x8x512xf32, #tpu.memory_space<hbm>> -> memref<8x512xf32, #tpu.memory_space<hbm>>
    tpu.wait_dma2 semaphore(%arg9 : memref<!tpu.dma_semaphore, #tpu.memory_space<semaphore_mem>>) src(%dma_wait3A_517 : memref<8x512xf32, #tpu.memory_space<hbm>>) dst(%dma_wait3A_514 : memref<8x512xf32, #tpu.memory_space<vmem>>)
    %dma_wait3A_518 = arith.constant 0 : i32
    %dma_wait3A_519 = arith.constant 0 : i32
    %dma_wait3A_520 = arith.constant 0 : i32
    %dma_wait3A_521 = tpu.memref_slice %arg6[%dma_wait3A_518, %dma_wait3A_519, %dma_wait3A_520] : memref<2x8x512xf32, #tpu.memory_space<vmem>> -> memref<1x8x512xf32, #tpu.memory_space<vmem>>
    %dma_wait3A_522 = tpu.memref_squeeze %dma_wait3A_521 : memref<1x8x512xf32, #tpu.memory_space<vmem>> -> memref<8x512xf32, #tpu.memory_space<vmem>>
    %dma_wait3A_523 = arith.constant 0 : i32
    %dma_wait3A_524 = tpu.memref_slice %arg2[%add3A_421, %add3A_400, %dma_wait3A_523] : memref<16x512x512xf32, #tpu.memory_space<hbm>> -> memref<1x8x512xf32, #tpu.memory_space<hbm>>
    %dma_wait3A_525 = tpu.memref_squeeze %dma_wait3A_524 : memref<1x8x512xf32, #tpu.memory_space<hbm>> -> memref<8x512xf32, #tpu.memory_space<hbm>>
    %dma_wait3A_526 = arith.constant 0 : i32
    %dma_wait3A_527 = arith.constant 0 : i32
    %dma_wait3A_528 = tpu.memref_slice %arg6[%dma_wait3A_518, %dma_wait3A_526, %dma_wait3A_527] : memref<2x8x512xf32, #tpu.memory_space<vmem>> -> memref<1x8x512xf32, #tpu.memory_space<vmem>>
    %dma_wait3A_529 = tpu.memref_squeeze %dma_wait3A_528 : memref<1x8x512xf32, #tpu.memory_space<vmem>> -> memref<8x512xf32, #tpu.memory_space<vmem>>
    %dma_wait3A_530 = arith.constant 0 : i32
    %dma_wait3A_531 = tpu.memref_slice %arg2[%add3A_421, %add3A_400, %dma_wait3A_530] : memref<16x512x512xf32, #tpu.memory_space<hbm>> -> memref<1x8x512xf32, #tpu.memory_space<hbm>>
    %dma_wait3A_532 = tpu.memref_squeeze %dma_wait3A_531 : memref<1x8x512xf32, #tpu.memory_space<hbm>> -> memref<8x512xf32, #tpu.memory_space<hbm>>
    tpu.wait_dma2 semaphore(%arg9 : memref<!tpu.dma_semaphore, #tpu.memory_space<semaphore_mem>>) src(%dma_wait3A_532 : memref<8x512xf32, #tpu.memory_space<hbm>>) dst(%dma_wait3A_529 : memref<8x512xf32, #tpu.memory_space<vmem>>)
    %dma_wait3A_533 = arith.constant 0 : i32
    %dma_wait3A_534 = arith.constant 0 : i32
    %dma_wait3A_535 = arith.constant 0 : i32
    %dma_wait3A_536 = tpu.memref_slice %arg7[%dma_wait3A_533, %dma_wait3A_534, %dma_wait3A_535] : memref<2x8x512xi32, #tpu.memory_space<vmem>> -> memref<1x8x512xi32, #tpu.memory_space<vmem>>
    %dma_wait3A_537 = tpu.memref_squeeze %dma_wait3A_536 : memref<1x8x512xi32, #tpu.memory_space<vmem>> -> memref<8x512xi32, #tpu.memory_space<vmem>>
    %dma_wait3A_538 = arith.constant 0 : i32
    %dma_wait3A_539 = tpu.memref_slice %arg3[%add3A_439, %dma_wait3A_538] : memref<4096x512xi32, #tpu.memory_space<hbm>> -> memref<8x512xi32, #tpu.memory_space<hbm>>
    %dma_wait3A_540 = arith.constant 0 : i32
    %dma_wait3A_541 = arith.constant 0 : i32
    %dma_wait3A_542 = tpu.memref_slice %arg7[%dma_wait3A_533, %dma_wait3A_540, %dma_wait3A_541] : memref<2x8x512xi32, #tpu.memory_space<vmem>> -> memref<1x8x512xi32, #tpu.memory_space<vmem>>
    %dma_wait3A_543 = tpu.memref_squeeze %dma_wait3A_542 : memref<1x8x512xi32, #tpu.memory_space<vmem>> -> memref<8x512xi32, #tpu.memory_space<vmem>>
    %dma_wait3A_544 = arith.constant 0 : i32
    %dma_wait3A_545 = tpu.memref_slice %arg3[%add3A_439, %dma_wait3A_544] : memref<4096x512xi32, #tpu.memory_space<hbm>> -> memref<8x512xi32, #tpu.memory_space<hbm>>
    tpu.wait_dma2 semaphore(%arg9 : memref<!tpu.dma_semaphore, #tpu.memory_space<semaphore_mem>>) src(%dma_wait3A_545 : memref<8x512xi32, #tpu.memory_space<hbm>>) dst(%dma_wait3A_543 : memref<8x512xi32, #tpu.memory_space<vmem>>)
    %scan3A_546 = arith.constant 0.847297847 : f32
    %scan3A_547 = arith.constant 0 : i32
    %scan3A_548 = arith.constant 32 : i32
    %scan3A_549 = arith.addi %scan3A_547, %scan3A_548 : i32
    %scan3A_550 = arith.constant 1 : i32
    %scan3A_551:3 = scf.for %scan3A_570 = %scan3A_547 to %scan3A_549 step %scan3A_550 iter_args(%scan3A_571 = %scan3A_501#0, %scan3A_572 = %scan3A_501#1, %scan3A_573 = %scan3A_501#2) -> (vector<16xf32>, vector<16xf32>, vector<16xf32>)  : i32 {
      %mul3A_574 = arith.constant 16 : i32
      %mul3A_575 = arith.muli %scan3A_570, %mul3A_574 : i32
      %get3A = arith.constant 0 : i32
      %get3A_576 = arith.constant 0 : i32
      %get3A_577 = arith.index_cast %get3A : i32 to index
      %get3A_578 = arith.index_cast %get3A_576 : i32 to index
      %get3A_579 = arith.index_cast %mul3A_575 : i32 to index
      %get3A_580 = tpu.vector_load %arg5[%get3A_577, %get3A_578, %get3A_579] {strides = array<i32>} : memref<2x8x512xf32, #tpu.memory_space<vmem>>, vector<1x1x16xf32>,
      %get3A_581 = vector.shape_cast %get3A_580 : vector<1x1x16xf32> to vector<16xf32>
      %get3A_582 = arith.constant 0 : i32
      %get3A_583 = arith.constant 0 : i32
      %get3A_584 = arith.index_cast %get3A_582 : i32 to index
      %get3A_585 = arith.index_cast %get3A_583 : i32 to index
      %get3A_586 = arith.index_cast %mul3A_575 : i32 to index
      %get3A_587 = tpu.vector_load %arg6[%get3A_584, %get3A_585, %get3A_586] {strides = array<i32>} : memref<2x8x512xf32, #tpu.memory_space<vmem>>, vector<1x1x16xf32>,
      %get3A_588 = vector.shape_cast %get3A_587 : vector<1x1x16xf32> to vector<16xf32>
      %get3A_589 = arith.constant 0 : i32
      %get3A_590 = arith.constant 0 : i32
      %get3A_591 = arith.index_cast %get3A_589 : i32 to index
      %get3A_592 = arith.index_cast %get3A_590 : i32 to index
      %get3A_593 = arith.index_cast %mul3A_575 : i32 to index
      %get3A_594 = tpu.vector_load %arg7[%get3A_591, %get3A_592, %get3A_593] {strides = array<i32>} : memref<2x8x512xi32, #tpu.memory_space<vmem>>, vector<1x1x16xi32>,
      %get3A_595 = vector.shape_cast %get3A_594 : vector<1x1x16xi32> to vector<16xi32>
      %convert_element_type3A = arith.sitofp %get3A_595 : vector<16xi32> to vector<16xf32>
      %sub3A_596 = arith.subf %get3A_588, %get3A_581 : vector<16xf32>
      %add3A_597 = arith.addf %convert_element_type3A, %convert_element_type3A : vector<16xf32>
      %sub3A_598 = arith.constant 1.000000e+00 : f32
      %sub3A_599 = vector.broadcast %sub3A_598 : f32 to vector<16xf32>
      %sub3A_600 = arith.subf %add3A_597, %sub3A_599 : vector<16xf32>
      %mul3A_601 = arith.mulf %sub3A_596, %sub3A_600 : vector<16xf32>
      %lt3A_602 = vector.broadcast %scan3A_546 : f32 to vector<16xf32>
      %lt3A_603 = arith.cmpf olt, %mul3A_601, %lt3A_602 : vector<16xf32>
      %jit3A_604 = arith.constant 1.000000e+00 : f32
      %jit3A_605 = arith.constant 0.000000e+00 : f32
      %broadcast_in_dim3A_606 = vector.broadcast %jit3A_604 : f32 to vector<16xf32>
      %broadcast_in_dim3A_607 = vector.broadcast %jit3A_605 : f32 to vector<16xf32>
      %select_n3A_608 = arith.select %lt3A_603, %broadcast_in_dim3A_606, %broadcast_in_dim3A_607 : vector<16xi1>, vector<16xf32>
      %abs3A = math.absf %mul3A_601 : vector<16xf32>
      %neg3A = arith.constant 0.000000e+00 : f32
      %neg3A_609 = vector.broadcast %neg3A : f32 to vector<16xf32>
      %neg3A_610 = arith.subf %neg3A_609, %abs3A : vector<16xf32>
      %exp3A = math.exp %neg3A_610 : vector<16xf32>
      %mul3A_611 = arith.constant 0.0140268523 : f32
      %mul3A_612 = vector.broadcast %mul3A_611 : f32 to vector<16xf32>
      %mul3A_613 = arith.mulf %mul3A_612, %exp3A : vector<16xf32>
      %add3A_614 = arith.constant -0.0657701269 : f32
      %add3A_615 = vector.broadcast %add3A_614 : f32 to vector<16xf32>
      %add3A_616 = arith.addf %mul3A_613, %add3A_615 : vector<16xf32>
      %mul3A_617 = arith.mulf %add3A_616, %exp3A : vector<16xf32>
      %add3A_618 = arith.constant 0.148106769 : f32
      %add3A_619 = vector.broadcast %add3A_618 : f32 to vector<16xf32>
      %add3A_620 = arith.addf %mul3A_617, %add3A_619 : vector<16xf32>
      %mul3A_621 = arith.mulf %add3A_620, %exp3A : vector<16xf32>
      %add3A_622 = arith.constant -0.23417367 : f32
      %add3A_623 = vector.broadcast %add3A_622 : f32 to vector<16xf32>
      %add3A_624 = arith.addf %mul3A_621, %add3A_623 : vector<16xf32>
      %mul3A_625 = arith.mulf %add3A_624, %exp3A : vector<16xf32>
      %add3A_626 = arith.constant 0.330787897 : f32
      %add3A_627 = vector.broadcast %add3A_626 : f32 to vector<16xf32>
      %add3A_628 = arith.addf %mul3A_625, %add3A_627 : vector<16xf32>
      %mul3A_629 = arith.mulf %add3A_628, %exp3A : vector<16xf32>
      %add3A_630 = arith.constant -0.499825478 : f32
      %add3A_631 = vector.broadcast %add3A_630 : f32 to vector<16xf32>
      %add3A_632 = arith.addf %mul3A_629, %add3A_631 : vector<16xf32>
      %mul3A_633 = arith.mulf %add3A_632, %exp3A : vector<16xf32>
      %add3A_634 = arith.constant 0.999997079 : f32
      %add3A_635 = vector.broadcast %add3A_634 : f32 to vector<16xf32>
      %add3A_636 = arith.addf %mul3A_633, %add3A_635 : vector<16xf32>
      %mul3A_637 = arith.mulf %exp3A, %add3A_636 : vector<16xf32>
      %neg3A_638 = arith.constant 0.000000e+00 : f32
      %neg3A_639 = vector.broadcast %neg3A_638 : f32 to vector<16xf32>
      %neg3A_640 = arith.subf %neg3A_639, %mul3A_601 : vector<16xf32>
      %max3A = arith.constant 0.000000e+00 : f32
      %max3A_641 = vector.broadcast %max3A : f32 to vector<16xf32>
      %max3A_642 = arith.maximumf %neg3A_640, %max3A_641 : vector<16xf32>
      %add3A_643 = arith.addf %mul3A_637, %max3A_642 : vector<16xf32>
      %mul3A_644 = arith.mulf %add3A_643, %select_n3A_608 : vector<16xf32>
      %add3A_645 = arith.addf %scan3A_571, %select_n3A_608 : vector<16xf32>
      %add3A_646 = arith.addf %scan3A_572, %mul3A_644 : vector<16xf32>
      %mul3A_647 = arith.mulf %mul3A_644, %convert_element_type3A : vector<16xf32>
      %add3A_648 = arith.addf %scan3A_573, %mul3A_647 : vector<16xf32>
      %get3A_649 = arith.constant 0 : i32
      %get3A_650 = arith.constant 1 : i32
      %get3A_651 = arith.index_cast %get3A_649 : i32 to index
      %get3A_652 = arith.index_cast %get3A_650 : i32 to index
      %get3A_653 = arith.index_cast %mul3A_575 : i32 to index
      %get3A_654 = tpu.vector_load %arg5[%get3A_651, %get3A_652, %get3A_653] {strides = array<i32>} : memref<2x8x512xf32, #tpu.memory_space<vmem>>, vector<1x1x16xf32>,
      %get3A_655 = vector.shape_cast %get3A_654 : vector<1x1x16xf32> to vector<16xf32>
      %get3A_656 = arith.constant 0 : i32
      %get3A_657 = arith.constant 1 : i32
      %get3A_658 = arith.index_cast %get3A_656 : i32 to index
      %get3A_659 = arith.index_cast %get3A_657 : i32 to index
      %get3A_660 = arith.index_cast %mul3A_575 : i32 to index
      %get3A_661 = tpu.vector_load %arg6[%get3A_658, %get3A_659, %get3A_660] {strides = array<i32>} : memref<2x8x512xf32, #tpu.memory_space<vmem>>, vector<1x1x16xf32>,
      %get3A_662 = vector.shape_cast %get3A_661 : vector<1x1x16xf32> to vector<16xf32>
      %get3A_663 = arith.constant 0 : i32
      %get3A_664 = arith.constant 1 : i32
      %get3A_665 = arith.index_cast %get3A_663 : i32 to index
      %get3A_666 = arith.index_cast %get3A_664 : i32 to index
      %get3A_667 = arith.index_cast %mul3A_575 : i32 to index
      %get3A_668 = tpu.vector_load %arg7[%get3A_665, %get3A_666, %get3A_667] {strides = array<i32>} : memref<2x8x512xi32, #tpu.memory_space<vmem>>, vector<1x1x16xi32>,
      %get3A_669 = vector.shape_cast %get3A_668 : vector<1x1x16xi32> to vector<16xi32>
      %convert_element_type3A_670 = arith.sitofp %get3A_669 : vector<16xi32> to vector<16xf32>
      %sub3A_671 = arith.subf %get3A_662, %get3A_655 : vector<16xf32>
      %add3A_672 = arith.addf %convert_element_type3A_670, %convert_element_type3A_670 : vector<16xf32>
      %sub3A_673 = arith.constant 1.000000e+00 : f32
      %sub3A_674 = vector.broadcast %sub3A_673 : f32 to vector<16xf32>
      %sub3A_675 = arith.subf %add3A_672, %sub3A_674 : vector<16xf32>
      %mul3A_676 = arith.mulf %sub3A_671, %sub3A_675 : vector<16xf32>
      %lt3A_677 = vector.broadcast %scan3A_546 : f32 to vector<16xf32>
      %lt3A_678 = arith.cmpf olt, %mul3A_676, %lt3A_677 : vector<16xf32>
      %jit3A_679 = arith.constant 1.000000e+00 : f32
      %jit3A_680 = arith.constant 0.000000e+00 : f32
      %broadcast_in_dim3A_681 = vector.broadcast %jit3A_679 : f32 to vector<16xf32>
      %broadcast_in_dim3A_682 = vector.broadcast %jit3A_680 : f32 to vector<16xf32>
      %select_n3A_683 = arith.select %lt3A_678, %broadcast_in_dim3A_681, %broadcast_in_dim3A_682 : vector<16xi1>, vector<16xf32>
      %abs3A_684 = math.absf %mul3A_676 : vector<16xf32>
      %neg3A_685 = arith.constant 0.000000e+00 : f32
      %neg3A_686 = vector.broadcast %neg3A_685 : f32 to vector<16xf32>
      %neg3A_687 = arith.subf %neg3A_686, %abs3A_684 : vector<16xf32>
      %exp3A_688 = math.exp %neg3A_687 : vector<16xf32>
      %mul3A_689 = arith.constant 0.0140268523 : f32
      %mul3A_690 = vector.broadcast %mul3A_689 : f32 to vector<16xf32>
      %mul3A_691 = arith.mulf %mul3A_690, %exp3A_688 : vector<16xf32>
      %add3A_692 = arith.constant -0.0657701269 : f32
      %add3A_693 = vector.broadcast %add3A_692 : f32 to vector<16xf32>
      %add3A_694 = arith.addf %mul3A_691, %add3A_693 : vector<16xf32>
      %mul3A_695 = arith.mulf %add3A_694, %exp3A_688 : vector<16xf32>
      %add3A_696 = arith.constant 0.148106769 : f32
      %add3A_697 = vector.broadcast %add3A_696 : f32 to vector<16xf32>
      %add3A_698 = arith.addf %mul3A_695, %add3A_697 : vector<16xf32>
      %mul3A_699 = arith.mulf %add3A_698, %exp3A_688 : vector<16xf32>
      %add3A_700 = arith.constant -0.23417367 : f32
      %add3A_701 = vector.broadcast %add3A_700 : f32 to vector<16xf32>
      %add3A_702 = arith.addf %mul3A_699, %add3A_701 : vector<16xf32>
      %mul3A_703 = arith.mulf %add3A_702, %exp3A_688 : vector<16xf32>
      %add3A_704 = arith.constant 0.330787897 : f32
      %add3A_705 = vector.broadcast %add3A_704 : f32 to vector<16xf32>
      %add3A_706 = arith.addf %mul3A_703, %add3A_705 : vector<16xf32>
      %mul3A_707 = arith.mulf %add3A_706, %exp3A_688 : vector<16xf32>
      %add3A_708 = arith.constant -0.499825478 : f32
      %add3A_709 = vector.broadcast %add3A_708 : f32 to vector<16xf32>
      %add3A_710 = arith.addf %mul3A_707, %add3A_709 : vector<16xf32>
      %mul3A_711 = arith.mulf %add3A_710, %exp3A_688 : vector<16xf32>
      %add3A_712 = arith.constant 0.999997079 : f32
      %add3A_713 = vector.broadcast %add3A_712 : f32 to vector<16xf32>
      %add3A_714 = arith.addf %mul3A_711, %add3A_713 : vector<16xf32>
      %mul3A_715 = arith.mulf %exp3A_688, %add3A_714 : vector<16xf32>
      %neg3A_716 = arith.constant 0.000000e+00 : f32
      %neg3A_717 = vector.broadcast %neg3A_716 : f32 to vector<16xf32>
      %neg3A_718 = arith.subf %neg3A_717, %mul3A_676 : vector<16xf32>
      %max3A_719 = arith.constant 0.000000e+00 : f32
      %max3A_720 = vector.broadcast %max3A_719 : f32 to vector<16xf32>
      %max3A_721 = arith.maximumf %neg3A_718, %max3A_720 : vector<16xf32>
      %add3A_722 = arith.addf %mul3A_715, %max3A_721 : vector<16xf32>
      %mul3A_723 = arith.mulf %add3A_722, %select_n3A_683 : vector<16xf32>
      %add3A_724 = arith.addf %add3A_645, %select_n3A_683 : vector<16xf32>
      %add3A_725 = arith.addf %add3A_646, %mul3A_723 : vector<16xf32>
      %mul3A_726 = arith.mulf %mul3A_723, %convert_element_type3A_670 : vector<16xf32>
      %add3A_727 = arith.addf %add3A_648, %mul3A_726 : vector<16xf32>
      %get3A_728 = arith.constant 0 : i32
      %get3A_729 = arith.constant 2 : i32
      %get3A_730 = arith.index_cast %get3A_728 : i32 to index
      %get3A_731 = arith.index_cast %get3A_729 : i32 to index
      %get3A_732 = arith.index_cast %mul3A_575 : i32 to index
      %get3A_733 = tpu.vector_load %arg5[%get3A_730, %get3A_731, %get3A_732] {strides = array<i32>} : memref<2x8x512xf32, #tpu.memory_space<vmem>>, vector<1x1x16xf32>,
      %get3A_734 = vector.shape_cast %get3A_733 : vector<1x1x16xf32> to vector<16xf32>
      %get3A_735 = arith.constant 0 : i32
      %get3A_736 = arith.constant 2 : i32
      %get3A_737 = arith.index_cast %get3A_735 : i32 to index
      %get3A_738 = arith.index_cast %get3A_736 : i32 to index
      %get3A_739 = arith.index_cast %mul3A_575 : i32 to index
      %get3A_740 = tpu.vector_load %arg6[%get3A_737, %get3A_738, %get3A_739] {strides = array<i32>} : memref<2x8x512xf32, #tpu.memory_space<vmem>>, vector<1x1x16xf32>,
      %get3A_741 = vector.shape_cast %get3A_740 : vector<1x1x16xf32> to vector<16xf32>
      %get3A_742 = arith.constant 0 : i32
      %get3A_743 = arith.constant 2 : i32
      %get3A_744 = arith.index_cast %get3A_742 : i32 to index
      %get3A_745 = arith.index_cast %get3A_743 : i32 to index
      %get3A_746 = arith.index_cast %mul3A_575 : i32 to index
      %get3A_747 = tpu.vector_load %arg7[%get3A_744, %get3A_745, %get3A_746] {strides = array<i32>} : memref<2x8x512xi32, #tpu.memory_space<vmem>>, vector<1x1x16xi32>,
      %get3A_748 = vector.shape_cast %get3A_747 : vector<1x1x16xi32> to vector<16xi32>
      %convert_element_type3A_749 = arith.sitofp %get3A_748 : vector<16xi32> to vector<16xf32>
      %sub3A_750 = arith.subf %get3A_741, %get3A_734 : vector<16xf32>
      %add3A_751 = arith.addf %convert_element_type3A_749, %convert_element_type3A_749 : vector<16xf32>
      %sub3A_752 = arith.constant 1.000000e+00 : f32
      %sub3A_753 = vector.broadcast %sub3A_752 : f32 to vector<16xf32>
      %sub3A_754 = arith.subf %add3A_751, %sub3A_753 : vector<16xf32>
      %mul3A_755 = arith.mulf %sub3A_750, %sub3A_754 : vector<16xf32>
      %lt3A_756 = vector.broadcast %scan3A_546 : f32 to vector<16xf32>
      %lt3A_757 = arith.cmpf olt, %mul3A_755, %lt3A_756 : vector<16xf32>
      %jit3A_758 = arith.constant 1.000000e+00 : f32
      %jit3A_759 = arith.constant 0.000000e+00 : f32
      %broadcast_in_dim3A_760 = vector.broadcast %jit3A_758 : f32 to vector<16xf32>
      %broadcast_in_dim3A_761 = vector.broadcast %jit3A_759 : f32 to vector<16xf32>
      %select_n3A_762 = arith.select %lt3A_757, %broadcast_in_dim3A_760, %broadcast_in_dim3A_761 : vector<16xi1>, vector<16xf32>
      %abs3A_763 = math.absf %mul3A_755 : vector<16xf32>
      %neg3A_764 = arith.constant 0.000000e+00 : f32
      %neg3A_765 = vector.broadcast %neg3A_764 : f32 to vector<16xf32>
      %neg3A_766 = arith.subf %neg3A_765, %abs3A_763 : vector<16xf32>
      %exp3A_767 = math.exp %neg3A_766 : vector<16xf32>
      %mul3A_768 = arith.constant 0.0140268523 : f32
      %mul3A_769 = vector.broadcast %mul3A_768 : f32 to vector<16xf32>
      %mul3A_770 = arith.mulf %mul3A_769, %exp3A_767 : vector<16xf32>
      %add3A_771 = arith.constant -0.0657701269 : f32
      %add3A_772 = vector.broadcast %add3A_771 : f32 to vector<16xf32>
      %add3A_773 = arith.addf %mul3A_770, %add3A_772 : vector<16xf32>
      %mul3A_774 = arith.mulf %add3A_773, %exp3A_767 : vector<16xf32>
      %add3A_775 = arith.constant 0.148106769 : f32
      %add3A_776 = vector.broadcast %add3A_775 : f32 to vector<16xf32>
      %add3A_777 = arith.addf %mul3A_774, %add3A_776 : vector<16xf32>
      %mul3A_778 = arith.mulf %add3A_777, %exp3A_767 : vector<16xf32>
      %add3A_779 = arith.constant -0.23417367 : f32
      %add3A_780 = vector.broadcast %add3A_779 : f32 to vector<16xf32>
      %add3A_781 = arith.addf %mul3A_778, %add3A_780 : vector<16xf32>
      %mul3A_782 = arith.mulf %add3A_781, %exp3A_767 : vector<16xf32>
      %add3A_783 = arith.constant 0.330787897 : f32
      %add3A_784 = vector.broadcast %add3A_783 : f32 to vector<16xf32>
      %add3A_785 = arith.addf %mul3A_782, %add3A_784 : vector<16xf32>
      %mul3A_786 = arith.mulf %add3A_785, %exp3A_767 : vector<16xf32>
      %add3A_787 = arith.constant -0.499825478 : f32
      %add3A_788 = vector.broadcast %add3A_787 : f32 to vector<16xf32>
      %add3A_789 = arith.addf %mul3A_786, %add3A_788 : vector<16xf32>
      %mul3A_790 = arith.mulf %add3A_789, %exp3A_767 : vector<16xf32>
      %add3A_791 = arith.constant 0.999997079 : f32
      %add3A_792 = vector.broadcast %add3A_791 : f32 to vector<16xf32>
      %add3A_793 = arith.addf %mul3A_790, %add3A_792 : vector<16xf32>
      %mul3A_794 = arith.mulf %exp3A_767, %add3A_793 : vector<16xf32>
      %neg3A_795 = arith.constant 0.000000e+00 : f32
      %neg3A_796 = vector.broadcast %neg3A_795 : f32 to vector<16xf32>
      %neg3A_797 = arith.subf %neg3A_796, %mul3A_755 : vector<16xf32>
      %max3A_798 = arith.constant 0.000000e+00 : f32
      %max3A_799 = vector.broadcast %max3A_798 : f32 to vector<16xf32>
      %max3A_800 = arith.maximumf %neg3A_797, %max3A_799 : vector<16xf32>
      %add3A_801 = arith.addf %mul3A_794, %max3A_800 : vector<16xf32>
      %mul3A_802 = arith.mulf %add3A_801, %select_n3A_762 : vector<16xf32>
      %add3A_803 = arith.addf %add3A_724, %select_n3A_762 : vector<16xf32>
      %add3A_804 = arith.addf %add3A_725, %mul3A_802 : vector<16xf32>
      %mul3A_805 = arith.mulf %mul3A_802, %convert_element_type3A_749 : vector<16xf32>
      %add3A_806 = arith.addf %add3A_727, %mul3A_805 : vector<16xf32>
      %get3A_807 = arith.constant 0 : i32
      %get3A_808 = arith.constant 3 : i32
      %get3A_809 = arith.index_cast %get3A_807 : i32 to index
      %get3A_810 = arith.index_cast %get3A_808 : i32 to index
      %get3A_811 = arith.index_cast %mul3A_575 : i32 to index
      %get3A_812 = tpu.vector_load %arg5[%get3A_809, %get3A_810, %get3A_811] {strides = array<i32>} : memref<2x8x512xf32, #tpu.memory_space<vmem>>, vector<1x1x16xf32>,
      %get3A_813 = vector.shape_cast %get3A_812 : vector<1x1x16xf32> to vector<16xf32>
      %get3A_814 = arith.constant 0 : i32
      %get3A_815 = arith.constant 3 : i32
      %get3A_816 = arith.index_cast %get3A_814 : i32 to index
      %get3A_817 = arith.index_cast %get3A_815 : i32 to index
      %get3A_818 = arith.index_cast %mul3A_575 : i32 to index
      %get3A_819 = tpu.vector_load %arg6[%get3A_816, %get3A_817, %get3A_818] {strides = array<i32>} : memref<2x8x512xf32, #tpu.memory_space<vmem>>, vector<1x1x16xf32>,
      %get3A_820 = vector.shape_cast %get3A_819 : vector<1x1x16xf32> to vector<16xf32>
      %get3A_821 = arith.constant 0 : i32
      %get3A_822 = arith.constant 3 : i32
      %get3A_823 = arith.index_cast %get3A_821 : i32 to index
      %get3A_824 = arith.index_cast %get3A_822 : i32 to index
      %get3A_825 = arith.index_cast %mul3A_575 : i32 to index
      %get3A_826 = tpu.vector_load %arg7[%get3A_823, %get3A_824, %get3A_825] {strides = array<i32>} : memref<2x8x512xi32, #tpu.memory_space<vmem>>, vector<1x1x16xi32>,
      %get3A_827 = vector.shape_cast %get3A_826 : vector<1x1x16xi32> to vector<16xi32>
      %convert_element_type3A_828 = arith.sitofp %get3A_827 : vector<16xi32> to vector<16xf32>
      %sub3A_829 = arith.subf %get3A_820, %get3A_813 : vector<16xf32>
      %add3A_830 = arith.addf %convert_element_type3A_828, %convert_element_type3A_828 : vector<16xf32>
      %sub3A_831 = arith.constant 1.000000e+00 : f32
      %sub3A_832 = vector.broadcast %sub3A_831 : f32 to vector<16xf32>
      %sub3A_833 = arith.subf %add3A_830, %sub3A_832 : vector<16xf32>
      %mul3A_834 = arith.mulf %sub3A_829, %sub3A_833 : vector<16xf32>
      %lt3A_835 = vector.broadcast %scan3A_546 : f32 to vector<16xf32>
      %lt3A_836 = arith.cmpf olt, %mul3A_834, %lt3A_835 : vector<16xf32>
      %jit3A_837 = arith.constant 1.000000e+00 : f32
      %jit3A_838 = arith.constant 0.000000e+00 : f32
      %broadcast_in_dim3A_839 = vector.broadcast %jit3A_837 : f32 to vector<16xf32>
      %broadcast_in_dim3A_840 = vector.broadcast %jit3A_838 : f32 to vector<16xf32>
      %select_n3A_841 = arith.select %lt3A_836, %broadcast_in_dim3A_839, %broadcast_in_dim3A_840 : vector<16xi1>, vector<16xf32>
      %abs3A_842 = math.absf %mul3A_834 : vector<16xf32>
      %neg3A_843 = arith.constant 0.000000e+00 : f32
      %neg3A_844 = vector.broadcast %neg3A_843 : f32 to vector<16xf32>
      %neg3A_845 = arith.subf %neg3A_844, %abs3A_842 : vector<16xf32>
      %exp3A_846 = math.exp %neg3A_845 : vector<16xf32>
      %mul3A_847 = arith.constant 0.0140268523 : f32
      %mul3A_848 = vector.broadcast %mul3A_847 : f32 to vector<16xf32>
      %mul3A_849 = arith.mulf %mul3A_848, %exp3A_846 : vector<16xf32>
      %add3A_850 = arith.constant -0.0657701269 : f32
      %add3A_851 = vector.broadcast %add3A_850 : f32 to vector<16xf32>
      %add3A_852 = arith.addf %mul3A_849, %add3A_851 : vector<16xf32>
      %mul3A_853 = arith.mulf %add3A_852, %exp3A_846 : vector<16xf32>
      %add3A_854 = arith.constant 0.148106769 : f32
      %add3A_855 = vector.broadcast %add3A_854 : f32 to vector<16xf32>
      %add3A_856 = arith.addf %mul3A_853, %add3A_855 : vector<16xf32>
      %mul3A_857 = arith.mulf %add3A_856, %exp3A_846 : vector<16xf32>
      %add3A_858 = arith.constant -0.23417367 : f32
      %add3A_859 = vector.broadcast %add3A_858 : f32 to vector<16xf32>
      %add3A_860 = arith.addf %mul3A_857, %add3A_859 : vector<16xf32>
      %mul3A_861 = arith.mulf %add3A_860, %exp3A_846 : vector<16xf32>
      %add3A_862 = arith.constant 0.330787897 : f32
      %add3A_863 = vector.broadcast %add3A_862 : f32 to vector<16xf32>
      %add3A_864 = arith.addf %mul3A_861, %add3A_863 : vector<16xf32>
      %mul3A_865 = arith.mulf %add3A_864, %exp3A_846 : vector<16xf32>
      %add3A_866 = arith.constant -0.499825478 : f32
      %add3A_867 = vector.broadcast %add3A_866 : f32 to vector<16xf32>
      %add3A_868 = arith.addf %mul3A_865, %add3A_867 : vector<16xf32>
      %mul3A_869 = arith.mulf %add3A_868, %exp3A_846 : vector<16xf32>
      %add3A_870 = arith.constant 0.999997079 : f32
      %add3A_871 = vector.broadcast %add3A_870 : f32 to vector<16xf32>
      %add3A_872 = arith.addf %mul3A_869, %add3A_871 : vector<16xf32>
      %mul3A_873 = arith.mulf %exp3A_846, %add3A_872 : vector<16xf32>
      %neg3A_874 = arith.constant 0.000000e+00 : f32
      %neg3A_875 = vector.broadcast %neg3A_874 : f32 to vector<16xf32>
      %neg3A_876 = arith.subf %neg3A_875, %mul3A_834 : vector<16xf32>
      %max3A_877 = arith.constant 0.000000e+00 : f32
      %max3A_878 = vector.broadcast %max3A_877 : f32 to vector<16xf32>
      %max3A_879 = arith.maximumf %neg3A_876, %max3A_878 : vector<16xf32>
      %add3A_880 = arith.addf %mul3A_873, %max3A_879 : vector<16xf32>
      %mul3A_881 = arith.mulf %add3A_880, %select_n3A_841 : vector<16xf32>
      %add3A_882 = arith.addf %add3A_803, %select_n3A_841 : vector<16xf32>
      %add3A_883 = arith.addf %add3A_804, %mul3A_881 : vector<16xf32>
      %mul3A_884 = arith.mulf %mul3A_881, %convert_element_type3A_828 : vector<16xf32>
      %add3A_885 = arith.addf %add3A_806, %mul3A_884 : vector<16xf32>
      %get3A_886 = arith.constant 0 : i32
      %get3A_887 = arith.constant 4 : i32
      %get3A_888 = arith.index_cast %get3A_886 : i32 to index
      %get3A_889 = arith.index_cast %get3A_887 : i32 to index
      %get3A_890 = arith.index_cast %mul3A_575 : i32 to index
      %get3A_891 = tpu.vector_load %arg5[%get3A_888, %get3A_889, %get3A_890] {strides = array<i32>} : memref<2x8x512xf32, #tpu.memory_space<vmem>>, vector<1x1x16xf32>,
      %get3A_892 = vector.shape_cast %get3A_891 : vector<1x1x16xf32> to vector<16xf32>
      %get3A_893 = arith.constant 0 : i32
      %get3A_894 = arith.constant 4 : i32
      %get3A_895 = arith.index_cast %get3A_893 : i32 to index
      %get3A_896 = arith.index_cast %get3A_894 : i32 to index
      %get3A_897 = arith.index_cast %mul3A_575 : i32 to index
      %get3A_898 = tpu.vector_load %arg6[%get3A_895, %get3A_896, %get3A_897] {strides = array<i32>} : memref<2x8x512xf32, #tpu.memory_space<vmem>>, vector<1x1x16xf32>,
      %get3A_899 = vector.shape_cast %get3A_898 : vector<1x1x16xf32> to vector<16xf32>
      %get3A_900 = arith.constant 0 : i32
      %get3A_901 = arith.constant 4 : i32
      %get3A_902 = arith.index_cast %get3A_900 : i32 to index
      %get3A_903 = arith.index_cast %get3A_901 : i32 to index
      %get3A_904 = arith.index_cast %mul3A_575 : i32 to index
      %get3A_905 = tpu.vector_load %arg7[%get3A_902, %get3A_903, %get3A_904] {strides = array<i32>} : memref<2x8x512xi32, #tpu.memory_space<vmem>>, vector<1x1x16xi32>,
      %get3A_906 = vector.shape_cast %get3A_905 : vector<1x1x16xi32> to vector<16xi32>
      %convert_element_type3A_907 = arith.sitofp %get3A_906 : vector<16xi32> to vector<16xf32>
      %sub3A_908 = arith.subf %get3A_899, %get3A_892 : vector<16xf32>
      %add3A_909 = arith.addf %convert_element_type3A_907, %convert_element_type3A_907 : vector<16xf32>
      %sub3A_910 = arith.constant 1.000000e+00 : f32
      %sub3A_911 = vector.broadcast %sub3A_910 : f32 to vector<16xf32>
      %sub3A_912 = arith.subf %add3A_909, %sub3A_911 : vector<16xf32>
      %mul3A_913 = arith.mulf %sub3A_908, %sub3A_912 : vector<16xf32>
      %lt3A_914 = vector.broadcast %scan3A_546 : f32 to vector<16xf32>
      %lt3A_915 = arith.cmpf olt, %mul3A_913, %lt3A_914 : vector<16xf32>
      %jit3A_916 = arith.constant 1.000000e+00 : f32
      %jit3A_917 = arith.constant 0.000000e+00 : f32
      %broadcast_in_dim3A_918 = vector.broadcast %jit3A_916 : f32 to vector<16xf32>
      %broadcast_in_dim3A_919 = vector.broadcast %jit3A_917 : f32 to vector<16xf32>
      %select_n3A_920 = arith.select %lt3A_915, %broadcast_in_dim3A_918, %broadcast_in_dim3A_919 : vector<16xi1>, vector<16xf32>
      %abs3A_921 = math.absf %mul3A_913 : vector<16xf32>
      %neg3A_922 = arith.constant 0.000000e+00 : f32
      %neg3A_923 = vector.broadcast %neg3A_922 : f32 to vector<16xf32>
      %neg3A_924 = arith.subf %neg3A_923, %abs3A_921 : vector<16xf32>
      %exp3A_925 = math.exp %neg3A_924 : vector<16xf32>
      %mul3A_926 = arith.constant 0.0140268523 : f32
      %mul3A_927 = vector.broadcast %mul3A_926 : f32 to vector<16xf32>
      %mul3A_928 = arith.mulf %mul3A_927, %exp3A_925 : vector<16xf32>
      %add3A_929 = arith.constant -0.0657701269 : f32
      %add3A_930 = vector.broadcast %add3A_929 : f32 to vector<16xf32>
      %add3A_931 = arith.addf %mul3A_928, %add3A_930 : vector<16xf32>
      %mul3A_932 = arith.mulf %add3A_931, %exp3A_925 : vector<16xf32>
      %add3A_933 = arith.constant 0.148106769 : f32
      %add3A_934 = vector.broadcast %add3A_933 : f32 to vector<16xf32>
      %add3A_935 = arith.addf %mul3A_932, %add3A_934 : vector<16xf32>
      %mul3A_936 = arith.mulf %add3A_935, %exp3A_925 : vector<16xf32>
      %add3A_937 = arith.constant -0.23417367 : f32
      %add3A_938 = vector.broadcast %add3A_937 : f32 to vector<16xf32>
      %add3A_939 = arith.addf %mul3A_936, %add3A_938 : vector<16xf32>
      %mul3A_940 = arith.mulf %add3A_939, %exp3A_925 : vector<16xf32>
      %add3A_941 = arith.constant 0.330787897 : f32
      %add3A_942 = vector.broadcast %add3A_941 : f32 to vector<16xf32>
      %add3A_943 = arith.addf %mul3A_940, %add3A_942 : vector<16xf32>
      %mul3A_944 = arith.mulf %add3A_943, %exp3A_925 : vector<16xf32>
      %add3A_945 = arith.constant -0.499825478 : f32
      %add3A_946 = vector.broadcast %add3A_945 : f32 to vector<16xf32>
      %add3A_947 = arith.addf %mul3A_944, %add3A_946 : vector<16xf32>
      %mul3A_948 = arith.mulf %add3A_947, %exp3A_925 : vector<16xf32>
      %add3A_949 = arith.constant 0.999997079 : f32
      %add3A_950 = vector.broadcast %add3A_949 : f32 to vector<16xf32>
      %add3A_951 = arith.addf %mul3A_948, %add3A_950 : vector<16xf32>
      %mul3A_952 = arith.mulf %exp3A_925, %add3A_951 : vector<16xf32>
      %neg3A_953 = arith.constant 0.000000e+00 : f32
      %neg3A_954 = vector.broadcast %neg3A_953 : f32 to vector<16xf32>
      %neg3A_955 = arith.subf %neg3A_954, %mul3A_913 : vector<16xf32>
      %max3A_956 = arith.constant 0.000000e+00 : f32
      %max3A_957 = vector.broadcast %max3A_956 : f32 to vector<16xf32>
      %max3A_958 = arith.maximumf %neg3A_955, %max3A_957 : vector<16xf32>
      %add3A_959 = arith.addf %mul3A_952, %max3A_958 : vector<16xf32>
      %mul3A_960 = arith.mulf %add3A_959, %select_n3A_920 : vector<16xf32>
      %add3A_961 = arith.addf %add3A_882, %select_n3A_920 : vector<16xf32>
      %add3A_962 = arith.addf %add3A_883, %mul3A_960 : vector<16xf32>
      %mul3A_963 = arith.mulf %mul3A_960, %convert_element_type3A_907 : vector<16xf32>
      %add3A_964 = arith.addf %add3A_885, %mul3A_963 : vector<16xf32>
      %get3A_965 = arith.constant 0 : i32
      %get3A_966 = arith.constant 5 : i32
      %get3A_967 = arith.index_cast %get3A_965 : i32 to index
      %get3A_968 = arith.index_cast %get3A_966 : i32 to index
      %get3A_969 = arith.index_cast %mul3A_575 : i32 to index
      %get3A_970 = tpu.vector_load %arg5[%get3A_967, %get3A_968, %get3A_969] {strides = array<i32>} : memref<2x8x512xf32, #tpu.memory_space<vmem>>, vector<1x1x16xf32>,
      %get3A_971 = vector.shape_cast %get3A_970 : vector<1x1x16xf32> to vector<16xf32>
      %get3A_972 = arith.constant 0 : i32
      %get3A_973 = arith.constant 5 : i32
      %get3A_974 = arith.index_cast %get3A_972 : i32 to index
      %get3A_975 = arith.index_cast %get3A_973 : i32 to index
      %get3A_976 = arith.index_cast %mul3A_575 : i32 to index
      %get3A_977 = tpu.vector_load %arg6[%get3A_974, %get3A_975, %get3A_976] {strides = array<i32>} : memref<2x8x512xf32, #tpu.memory_space<vmem>>, vector<1x1x16xf32>,
      %get3A_978 = vector.shape_cast %get3A_977 : vector<1x1x16xf32> to vector<16xf32>
      %get3A_979 = arith.constant 0 : i32
      %get3A_980 = arith.constant 5 : i32
      %get3A_981 = arith.index_cast %get3A_979 : i32 to index
      %get3A_982 = arith.index_cast %get3A_980 : i32 to index
      %get3A_983 = arith.index_cast %mul3A_575 : i32 to index
      %get3A_984 = tpu.vector_load %arg7[%get3A_981, %get3A_982, %get3A_983] {strides = array<i32>} : memref<2x8x512xi32, #tpu.memory_space<vmem>>, vector<1x1x16xi32>,
      %get3A_985 = vector.shape_cast %get3A_984 : vector<1x1x16xi32> to vector<16xi32>
      %convert_element_type3A_986 = arith.sitofp %get3A_985 : vector<16xi32> to vector<16xf32>
      %sub3A_987 = arith.subf %get3A_978, %get3A_971 : vector<16xf32>
      %add3A_988 = arith.addf %convert_element_type3A_986, %convert_element_type3A_986 : vector<16xf32>
      %sub3A_989 = arith.constant 1.000000e+00 : f32
      %sub3A_990 = vector.broadcast %sub3A_989 : f32 to vector<16xf32>
      %sub3A_991 = arith.subf %add3A_988, %sub3A_990 : vector<16xf32>
      %mul3A_992 = arith.mulf %sub3A_987, %sub3A_991 : vector<16xf32>
      %lt3A_993 = vector.broadcast %scan3A_546 : f32 to vector<16xf32>
      %lt3A_994 = arith.cmpf olt, %mul3A_992, %lt3A_993 : vector<16xf32>
      %jit3A_995 = arith.constant 1.000000e+00 : f32
      %jit3A_996 = arith.constant 0.000000e+00 : f32
      %broadcast_in_dim3A_997 = vector.broadcast %jit3A_995 : f32 to vector<16xf32>
      %broadcast_in_dim3A_998 = vector.broadcast %jit3A_996 : f32 to vector<16xf32>
      %select_n3A_999 = arith.select %lt3A_994, %broadcast_in_dim3A_997, %broadcast_in_dim3A_998 : vector<16xi1>, vector<16xf32>
      %abs3A_1000 = math.absf %mul3A_992 : vector<16xf32>
      %neg3A_1001 = arith.constant 0.000000e+00 : f32
      %neg3A_1002 = vector.broadcast %neg3A_1001 : f32 to vector<16xf32>
      %neg3A_1003 = arith.subf %neg3A_1002, %abs3A_1000 : vector<16xf32>
      %exp3A_1004 = math.exp %neg3A_1003 : vector<16xf32>
      %mul3A_1005 = arith.constant 0.0140268523 : f32
      %mul3A_1006 = vector.broadcast %mul3A_1005 : f32 to vector<16xf32>
      %mul3A_1007 = arith.mulf %mul3A_1006, %exp3A_1004 : vector<16xf32>
      %add3A_1008 = arith.constant -0.0657701269 : f32
      %add3A_1009 = vector.broadcast %add3A_1008 : f32 to vector<16xf32>
      %add3A_1010 = arith.addf %mul3A_1007, %add3A_1009 : vector<16xf32>
      %mul3A_1011 = arith.mulf %add3A_1010, %exp3A_1004 : vector<16xf32>
      %add3A_1012 = arith.constant 0.148106769 : f32
      %add3A_1013 = vector.broadcast %add3A_1012 : f32 to vector<16xf32>
      %add3A_1014 = arith.addf %mul3A_1011, %add3A_1013 : vector<16xf32>
      %mul3A_1015 = arith.mulf %add3A_1014, %exp3A_1004 : vector<16xf32>
      %add3A_1016 = arith.constant -0.23417367 : f32
      %add3A_1017 = vector.broadcast %add3A_1016 : f32 to vector<16xf32>
      %add3A_1018 = arith.addf %mul3A_1015, %add3A_1017 : vector<16xf32>
      %mul3A_1019 = arith.mulf %add3A_1018, %exp3A_1004 : vector<16xf32>
      %add3A_1020 = arith.constant 0.330787897 : f32
      %add3A_1021 = vector.broadcast %add3A_1020 : f32 to vector<16xf32>
      %add3A_1022 = arith.addf %mul3A_1019, %add3A_1021 : vector<16xf32>
      %mul3A_1023 = arith.mulf %add3A_1022, %exp3A_1004 : vector<16xf32>
      %add3A_1024 = arith.constant -0.499825478 : f32
      %add3A_1025 = vector.broadcast %add3A_1024 : f32 to vector<16xf32>
      %add3A_1026 = arith.addf %mul3A_1023, %add3A_1025 : vector<16xf32>
      %mul3A_1027 = arith.mulf %add3A_1026, %exp3A_1004 : vector<16xf32>
      %add3A_1028 = arith.constant 0.999997079 : f32
      %add3A_1029 = vector.broadcast %add3A_1028 : f32 to vector<16xf32>
      %add3A_1030 = arith.addf %mul3A_1027, %add3A_1029 : vector<16xf32>
      %mul3A_1031 = arith.mulf %exp3A_1004, %add3A_1030 : vector<16xf32>
      %neg3A_1032 = arith.constant 0.000000e+00 : f32
      %neg3A_1033 = vector.broadcast %neg3A_1032 : f32 to vector<16xf32>
      %neg3A_1034 = arith.subf %neg3A_1033, %mul3A_992 : vector<16xf32>
      %max3A_1035 = arith.constant 0.000000e+00 : f32
      %max3A_1036 = vector.broadcast %max3A_1035 : f32 to vector<16xf32>
      %max3A_1037 = arith.maximumf %neg3A_1034, %max3A_1036 : vector<16xf32>
      %add3A_1038 = arith.addf %mul3A_1031, %max3A_1037 : vector<16xf32>
      %mul3A_1039 = arith.mulf %add3A_1038, %select_n3A_999 : vector<16xf32>
      %add3A_1040 = arith.addf %add3A_961, %select_n3A_999 : vector<16xf32>
      %add3A_1041 = arith.addf %add3A_962, %mul3A_1039 : vector<16xf32>
      %mul3A_1042 = arith.mulf %mul3A_1039, %convert_element_type3A_986 : vector<16xf32>
      %add3A_1043 = arith.addf %add3A_964, %mul3A_1042 : vector<16xf32>
      %get3A_1044 = arith.constant 0 : i32
      %get3A_1045 = arith.constant 6 : i32
      %get3A_1046 = arith.index_cast %get3A_1044 : i32 to index
      %get3A_1047 = arith.index_cast %get3A_1045 : i32 to index
      %get3A_1048 = arith.index_cast %mul3A_575 : i32 to index
      %get3A_1049 = tpu.vector_load %arg5[%get3A_1046, %get3A_1047, %get3A_1048] {strides = array<i32>} : memref<2x8x512xf32, #tpu.memory_space<vmem>>, vector<1x1x16xf32>,
      %get3A_1050 = vector.shape_cast %get3A_1049 : vector<1x1x16xf32> to vector<16xf32>
      %get3A_1051 = arith.constant 0 : i32
      %get3A_1052 = arith.constant 6 : i32
      %get3A_1053 = arith.index_cast %get3A_1051 : i32 to index
      %get3A_1054 = arith.index_cast %get3A_1052 : i32 to index
      %get3A_1055 = arith.index_cast %mul3A_575 : i32 to index
      %get3A_1056 = tpu.vector_load %arg6[%get3A_1053, %get3A_1054, %get3A_1055] {strides = array<i32>} : memref<2x8x512xf32, #tpu.memory_space<vmem>>, vector<1x1x16xf32>,
      %get3A_1057 = vector.shape_cast %get3A_1056 : vector<1x1x16xf32> to vector<16xf32>
      %get3A_1058 = arith.constant 0 : i32
      %get3A_1059 = arith.constant 6 : i32
      %get3A_1060 = arith.index_cast %get3A_1058 : i32 to index
      %get3A_1061 = arith.index_cast %get3A_1059 : i32 to index
      %get3A_1062 = arith.index_cast %mul3A_575 : i32 to index
      %get3A_1063 = tpu.vector_load %arg7[%get3A_1060, %get3A_1061, %get3A_1062] {strides = array<i32>} : memref<2x8x512xi32, #tpu.memory_space<vmem>>, vector<1x1x16xi32>,
      %get3A_1064 = vector.shape_cast %get3A_1063 : vector<1x1x16xi32> to vector<16xi32>
      %convert_element_type3A_1065 = arith.sitofp %get3A_1064 : vector<16xi32> to vector<16xf32>
      %sub3A_1066 = arith.subf %get3A_1057, %get3A_1050 : vector<16xf32>
      %add3A_1067 = arith.addf %convert_element_type3A_1065, %convert_element_type3A_1065 : vector<16xf32>
      %sub3A_1068 = arith.constant 1.000000e+00 : f32
      %sub3A_1069 = vector.broadcast %sub3A_1068 : f32 to vector<16xf32>
      %sub3A_1070 = arith.subf %add3A_1067, %sub3A_1069 : vector<16xf32>
      %mul3A_1071 = arith.mulf %sub3A_1066, %sub3A_1070 : vector<16xf32>
      %lt3A_1072 = vector.broadcast %scan3A_546 : f32 to vector<16xf32>
      %lt3A_1073 = arith.cmpf olt, %mul3A_1071, %lt3A_1072 : vector<16xf32>
      %jit3A_1074 = arith.constant 1.000000e+00 : f32
      %jit3A_1075 = arith.constant 0.000000e+00 : f32
      %broadcast_in_dim3A_1076 = vector.broadcast %jit3A_1074 : f32 to vector<16xf32>
      %broadcast_in_dim3A_1077 = vector.broadcast %jit3A_1075 : f32 to vector<16xf32>
      %select_n3A_1078 = arith.select %lt3A_1073, %broadcast_in_dim3A_1076, %broadcast_in_dim3A_1077 : vector<16xi1>, vector<16xf32>
      %abs3A_1079 = math.absf %mul3A_1071 : vector<16xf32>
      %neg3A_1080 = arith.constant 0.000000e+00 : f32
      %neg3A_1081 = vector.broadcast %neg3A_1080 : f32 to vector<16xf32>
      %neg3A_1082 = arith.subf %neg3A_1081, %abs3A_1079 : vector<16xf32>
      %exp3A_1083 = math.exp %neg3A_1082 : vector<16xf32>
      %mul3A_1084 = arith.constant 0.0140268523 : f32
      %mul3A_1085 = vector.broadcast %mul3A_1084 : f32 to vector<16xf32>
      %mul3A_1086 = arith.mulf %mul3A_1085, %exp3A_1083 : vector<16xf32>
      %add3A_1087 = arith.constant -0.0657701269 : f32
      %add3A_1088 = vector.broadcast %add3A_1087 : f32 to vector<16xf32>
      %add3A_1089 = arith.addf %mul3A_1086, %add3A_1088 : vector<16xf32>
      %mul3A_1090 = arith.mulf %add3A_1089, %exp3A_1083 : vector<16xf32>
      %add3A_1091 = arith.constant 0.148106769 : f32
      %add3A_1092 = vector.broadcast %add3A_1091 : f32 to vector<16xf32>
      %add3A_1093 = arith.addf %mul3A_1090, %add3A_1092 : vector<16xf32>
      %mul3A_1094 = arith.mulf %add3A_1093, %exp3A_1083 : vector<16xf32>
      %add3A_1095 = arith.constant -0.23417367 : f32
      %add3A_1096 = vector.broadcast %add3A_1095 : f32 to vector<16xf32>
      %add3A_1097 = arith.addf %mul3A_1094, %add3A_1096 : vector<16xf32>
      %mul3A_1098 = arith.mulf %add3A_1097, %exp3A_1083 : vector<16xf32>
      %add3A_1099 = arith.constant 0.330787897 : f32
      %add3A_1100 = vector.broadcast %add3A_1099 : f32 to vector<16xf32>
      %add3A_1101 = arith.addf %mul3A_1098, %add3A_1100 : vector<16xf32>
      %mul3A_1102 = arith.mulf %add3A_1101, %exp3A_1083 : vector<16xf32>
      %add3A_1103 = arith.constant -0.499825478 : f32
      %add3A_1104 = vector.broadcast %add3A_1103 : f32 to vector<16xf32>
      %add3A_1105 = arith.addf %mul3A_1102, %add3A_1104 : vector<16xf32>
      %mul3A_1106 = arith.mulf %add3A_1105, %exp3A_1083 : vector<16xf32>
      %add3A_1107 = arith.constant 0.999997079 : f32
      %add3A_1108 = vector.broadcast %add3A_1107 : f32 to vector<16xf32>
      %add3A_1109 = arith.addf %mul3A_1106, %add3A_1108 : vector<16xf32>
      %mul3A_1110 = arith.mulf %exp3A_1083, %add3A_1109 : vector<16xf32>
      %neg3A_1111 = arith.constant 0.000000e+00 : f32
      %neg3A_1112 = vector.broadcast %neg3A_1111 : f32 to vector<16xf32>
      %neg3A_1113 = arith.subf %neg3A_1112, %mul3A_1071 : vector<16xf32>
      %max3A_1114 = arith.constant 0.000000e+00 : f32
      %max3A_1115 = vector.broadcast %max3A_1114 : f32 to vector<16xf32>
      %max3A_1116 = arith.maximumf %neg3A_1113, %max3A_1115 : vector<16xf32>
      %add3A_1117 = arith.addf %mul3A_1110, %max3A_1116 : vector<16xf32>
      %mul3A_1118 = arith.mulf %add3A_1117, %select_n3A_1078 : vector<16xf32>
      %add3A_1119 = arith.addf %add3A_1040, %select_n3A_1078 : vector<16xf32>
      %add3A_1120 = arith.addf %add3A_1041, %mul3A_1118 : vector<16xf32>
      %mul3A_1121 = arith.mulf %mul3A_1118, %convert_element_type3A_1065 : vector<16xf32>
      %add3A_1122 = arith.addf %add3A_1043, %mul3A_1121 : vector<16xf32>
      %get3A_1123 = arith.constant 0 : i32
      %get3A_1124 = arith.constant 7 : i32
      %get3A_1125 = arith.index_cast %get3A_1123 : i32 to index
      %get3A_1126 = arith.index_cast %get3A_1124 : i32 to index
      %get3A_1127 = arith.index_cast %mul3A_575 : i32 to index
      %get3A_1128 = tpu.vector_load %arg5[%get3A_1125, %get3A_1126, %get3A_1127] {strides = array<i32>} : memref<2x8x512xf32, #tpu.memory_space<vmem>>, vector<1x1x16xf32>,
      %get3A_1129 = vector.shape_cast %get3A_1128 : vector<1x1x16xf32> to vector<16xf32>
      %get3A_1130 = arith.constant 0 : i32
      %get3A_1131 = arith.constant 7 : i32
      %get3A_1132 = arith.index_cast %get3A_1130 : i32 to index
      %get3A_1133 = arith.index_cast %get3A_1131 : i32 to index
      %get3A_1134 = arith.index_cast %mul3A_575 : i32 to index
      %get3A_1135 = tpu.vector_load %arg6[%get3A_1132, %get3A_1133, %get3A_1134] {strides = array<i32>} : memref<2x8x512xf32, #tpu.memory_space<vmem>>, vector<1x1x16xf32>,
      %get3A_1136 = vector.shape_cast %get3A_1135 : vector<1x1x16xf32> to vector<16xf32>
      %get3A_1137 = arith.constant 0 : i32
      %get3A_1138 = arith.constant 7 : i32
      %get3A_1139 = arith.index_cast %get3A_1137 : i32 to index
      %get3A_1140 = arith.index_cast %get3A_1138 : i32 to index
      %get3A_1141 = arith.index_cast %mul3A_575 : i32 to index
      %get3A_1142 = tpu.vector_load %arg7[%get3A_1139, %get3A_1140, %get3A_1141] {strides = array<i32>} : memref<2x8x512xi32, #tpu.memory_space<vmem>>, vector<1x1x16xi32>,
      %get3A_1143 = vector.shape_cast %get3A_1142 : vector<1x1x16xi32> to vector<16xi32>
      %convert_element_type3A_1144 = arith.sitofp %get3A_1143 : vector<16xi32> to vector<16xf32>
      %sub3A_1145 = arith.subf %get3A_1136, %get3A_1129 : vector<16xf32>
      %add3A_1146 = arith.addf %convert_element_type3A_1144, %convert_element_type3A_1144 : vector<16xf32>
      %sub3A_1147 = arith.constant 1.000000e+00 : f32
      %sub3A_1148 = vector.broadcast %sub3A_1147 : f32 to vector<16xf32>
      %sub3A_1149 = arith.subf %add3A_1146, %sub3A_1148 : vector<16xf32>
      %mul3A_1150 = arith.mulf %sub3A_1145, %sub3A_1149 : vector<16xf32>
      %lt3A_1151 = vector.broadcast %scan3A_546 : f32 to vector<16xf32>
      %lt3A_1152 = arith.cmpf olt, %mul3A_1150, %lt3A_1151 : vector<16xf32>
      %jit3A_1153 = arith.constant 1.000000e+00 : f32
      %jit3A_1154 = arith.constant 0.000000e+00 : f32
      %broadcast_in_dim3A_1155 = vector.broadcast %jit3A_1153 : f32 to vector<16xf32>
      %broadcast_in_dim3A_1156 = vector.broadcast %jit3A_1154 : f32 to vector<16xf32>
      %select_n3A_1157 = arith.select %lt3A_1152, %broadcast_in_dim3A_1155, %broadcast_in_dim3A_1156 : vector<16xi1>, vector<16xf32>
      %abs3A_1158 = math.absf %mul3A_1150 : vector<16xf32>
      %neg3A_1159 = arith.constant 0.000000e+00 : f32
      %neg3A_1160 = vector.broadcast %neg3A_1159 : f32 to vector<16xf32>
      %neg3A_1161 = arith.subf %neg3A_1160, %abs3A_1158 : vector<16xf32>
      %exp3A_1162 = math.exp %neg3A_1161 : vector<16xf32>
      %mul3A_1163 = arith.constant 0.0140268523 : f32
      %mul3A_1164 = vector.broadcast %mul3A_1163 : f32 to vector<16xf32>
      %mul3A_1165 = arith.mulf %mul3A_1164, %exp3A_1162 : vector<16xf32>
      %add3A_1166 = arith.constant -0.0657701269 : f32
      %add3A_1167 = vector.broadcast %add3A_1166 : f32 to vector<16xf32>
      %add3A_1168 = arith.addf %mul3A_1165, %add3A_1167 : vector<16xf32>
      %mul3A_1169 = arith.mulf %add3A_1168, %exp3A_1162 : vector<16xf32>
      %add3A_1170 = arith.constant 0.148106769 : f32
      %add3A_1171 = vector.broadcast %add3A_1170 : f32 to vector<16xf32>
      %add3A_1172 = arith.addf %mul3A_1169, %add3A_1171 : vector<16xf32>
      %mul3A_1173 = arith.mulf %add3A_1172, %exp3A_1162 : vector<16xf32>
      %add3A_1174 = arith.constant -0.23417367 : f32
      %add3A_1175 = vector.broadcast %add3A_1174 : f32 to vector<16xf32>
      %add3A_1176 = arith.addf %mul3A_1173, %add3A_1175 : vector<16xf32>
      %mul3A_1177 = arith.mulf %add3A_1176, %exp3A_1162 : vector<16xf32>
      %add3A_1178 = arith.constant 0.330787897 : f32
      %add3A_1179 = vector.broadcast %add3A_1178 : f32 to vector<16xf32>
      %add3A_1180 = arith.addf %mul3A_1177, %add3A_1179 : vector<16xf32>
      %mul3A_1181 = arith.mulf %add3A_1180, %exp3A_1162 : vector<16xf32>
      %add3A_1182 = arith.constant -0.499825478 : f32
      %add3A_1183 = vector.broadcast %add3A_1182 : f32 to vector<16xf32>
      %add3A_1184 = arith.addf %mul3A_1181, %add3A_1183 : vector<16xf32>
      %mul3A_1185 = arith.mulf %add3A_1184, %exp3A_1162 : vector<16xf32>
      %add3A_1186 = arith.constant 0.999997079 : f32
      %add3A_1187 = vector.broadcast %add3A_1186 : f32 to vector<16xf32>
      %add3A_1188 = arith.addf %mul3A_1185, %add3A_1187 : vector<16xf32>
      %mul3A_1189 = arith.mulf %exp3A_1162, %add3A_1188 : vector<16xf32>
      %neg3A_1190 = arith.constant 0.000000e+00 : f32
      %neg3A_1191 = vector.broadcast %neg3A_1190 : f32 to vector<16xf32>
      %neg3A_1192 = arith.subf %neg3A_1191, %mul3A_1150 : vector<16xf32>
      %max3A_1193 = arith.constant 0.000000e+00 : f32
      %max3A_1194 = vector.broadcast %max3A_1193 : f32 to vector<16xf32>
      %max3A_1195 = arith.maximumf %neg3A_1192, %max3A_1194 : vector<16xf32>
      %add3A_1196 = arith.addf %mul3A_1189, %max3A_1195 : vector<16xf32>
      %mul3A_1197 = arith.mulf %add3A_1196, %select_n3A_1157 : vector<16xf32>
      %add3A_1198 = arith.addf %add3A_1119, %select_n3A_1157 : vector<16xf32>
      %add3A_1199 = arith.addf %add3A_1120, %mul3A_1197 : vector<16xf32>
      %mul3A_1200 = arith.mulf %mul3A_1197, %convert_element_type3A_1144 : vector<16xf32>
      %add3A_1201 = arith.addf %add3A_1122, %mul3A_1200 : vector<16xf32>
      scf.yield %add3A_1198, %add3A_1199, %add3A_1201 : vector<16xf32>, vector<16xf32>, vector<16xf32>
    }
    %scan3A_552 = arith.constant 32 : i32
    %swap3A = arith.constant 0 : i32
    %swap3A_553 = arith.index_cast %swap3A : i32 to index
    %swap3A_554 = arith.constant 0 : index
    %swap3A_555 = tpu.vector_load %arg8[%swap3A_553, %swap3A_554] {strides = array<i32>} : memref<3x16xf32, #tpu.memory_space<vmem>>, vector<1x16xf32>,
    %swap3A_556 = vector.shape_cast %swap3A_555 : vector<1x16xf32> to vector<16xf32>
    %swap3A_557 = vector.shape_cast %scan3A_551#0 : vector<16xf32> to vector<1x16xf32>
    tpu.vector_store %arg8[%swap3A_553, %swap3A_554], %swap3A_557 {strides = array<i32>} : memref<3x16xf32, #tpu.memory_space<vmem>>, vector<1x16xf32>,
    %swap3A_558 = arith.constant 1 : i32
    %swap3A_559 = arith.index_cast %swap3A_558 : i32 to index
    %swap3A_560 = arith.constant 0 : index
    %swap3A_561 = tpu.vector_load %arg8[%swap3A_559, %swap3A_560] {strides = array<i32>} : memref<3x16xf32, #tpu.memory_space<vmem>>, vector<1x16xf32>,
    %swap3A_562 = vector.shape_cast %swap3A_561 : vector<1x16xf32> to vector<16xf32>
    %swap3A_563 = vector.shape_cast %scan3A_551#1 : vector<16xf32> to vector<1x16xf32>
    tpu.vector_store %arg8[%swap3A_559, %swap3A_560], %swap3A_563 {strides = array<i32>} : memref<3x16xf32, #tpu.memory_space<vmem>>, vector<1x16xf32>,
    %swap3A_564 = arith.constant 2 : i32
    %swap3A_565 = arith.index_cast %swap3A_564 : i32 to index
    %swap3A_566 = arith.constant 0 : index
    %swap3A_567 = tpu.vector_load %arg8[%swap3A_565, %swap3A_566] {strides = array<i32>} : memref<3x16xf32, #tpu.memory_space<vmem>>, vector<1x16xf32>,
    %swap3A_568 = vector.shape_cast %swap3A_567 : vector<1x16xf32> to vector<16xf32>
    %swap3A_569 = vector.shape_cast %scan3A_551#2 : vector<16xf32> to vector<1x16xf32>
    tpu.vector_store %arg8[%swap3A_565, %swap3A_566], %swap3A_569 {strides = array<i32>} : memref<3x16xf32, #tpu.memory_space<vmem>>, vector<1x16xf32>,
    "tpu.region"() ({
      %run_scoped3A = tpu.sem_alloc : memref<!tpu.dma_semaphore, #tpu.memory_space<semaphore_mem>>
      %dma_start3A_570 = arith.constant 0 : i32
      %dma_start3A_571 = arith.constant 0 : i32
      %dma_start3A_572 = tpu.memref_slice %arg4[%add3A, %dma_start3A_570, %dma_start3A_571] : memref<32x3x16xf32, #tpu.memory_space<hbm>> -> memref<1x3x16xf32, #tpu.memory_space<hbm>>
      %dma_start3A_573 = tpu.memref_squeeze %dma_start3A_572 : memref<1x3x16xf32, #tpu.memory_space<hbm>> -> memref<3x16xf32, #tpu.memory_space<hbm>>
      %dma_start3A_574 = arith.constant 0 : i32
      %dma_start3A_575 = arith.constant 0 : i32
      %dma_start3A_576 = tpu.memref_slice %arg4[%add3A, %dma_start3A_574, %dma_start3A_575] : memref<32x3x16xf32, #tpu.memory_space<hbm>> -> memref<1x3x16xf32, #tpu.memory_space<hbm>>
      %dma_start3A_577 = tpu.memref_squeeze %dma_start3A_576 : memref<1x3x16xf32, #tpu.memory_space<hbm>> -> memref<3x16xf32, #tpu.memory_space<hbm>>
      tpu.enqueue_dma source(%arg8 : memref<3x16xf32, #tpu.memory_space<vmem>>) target(%dma_start3A_577 : memref<3x16xf32, #tpu.memory_space<hbm>>) target_semaphore(%run_scoped3A : memref<!tpu.dma_semaphore, #tpu.memory_space<semaphore_mem>>)
      %dma_wait3A_578 = arith.constant 0 : i32
      %dma_wait3A_579 = arith.constant 0 : i32
      %dma_wait3A_580 = tpu.memref_slice %arg4[%add3A, %dma_wait3A_578, %dma_wait3A_579] : memref<32x3x16xf32, #tpu.memory_space<hbm>> -> memref<1x3x16xf32, #tpu.memory_space<hbm>>
      %dma_wait3A_581 = tpu.memref_squeeze %dma_wait3A_580 : memref<1x3x16xf32, #tpu.memory_space<hbm>> -> memref<3x16xf32, #tpu.memory_space<hbm>>
      %dma_wait3A_582 = arith.constant 0 : i32
      %dma_wait3A_583 = arith.constant 0 : i32
      %dma_wait3A_584 = tpu.memref_slice %arg4[%add3A, %dma_wait3A_582, %dma_wait3A_583] : memref<32x3x16xf32, #tpu.memory_space<hbm>> -> memref<1x3x16xf32, #tpu.memory_space<hbm>>
      %dma_wait3A_585 = tpu.memref_squeeze %dma_wait3A_584 : memref<1x3x16xf32, #tpu.memory_space<hbm>> -> memref<3x16xf32, #tpu.memory_space<hbm>>
      tpu.wait_dma2 semaphore(%run_scoped3A : memref<!tpu.dma_semaphore, #tpu.memory_space<semaphore_mem>>) src(%arg8 : memref<3x16xf32, #tpu.memory_space<vmem>>) dst(%dma_wait3A_585 : memref<3x16xf32, #tpu.memory_space<hbm>>)
      tpu.yield
    }) : () -> ()
    return
  }
}

module attributes {stable_mosaic.version = 14 : i64} {
  func.func @_bisect_body(%arg0: i32, %arg1: i32, %arg2: i32, %arg3: memref<2x128x512xf32, #tpu.memory_space<vmem>>, %arg4: memref<128x512xi32, #tpu.memory_space<vmem>>, %arg5: memref<2xf32, #tpu.memory_space<smem>>, %arg6: memref<1x1xi32, #tpu.memory_space<smem>>, %arg7: memref<1x1xf32, #tpu.memory_space<smem>>, %arg8: memref<3xi32, #tpu.memory_space<smem>>, %arg9: memref<1xf32, #tpu.memory_space<smem>>) attributes {dimension_semantics = [#tpu.dimension_semantics<arbitrary>, #tpu.dimension_semantics<arbitrary>, #tpu.dimension_semantics<arbitrary>], iteration_bounds = array<i64: 34, 8, 4>, scalar_prefetch = 0 : i64, scratch_operands = 2 : i64, tpu.core_type = #tpu.core_type<tc>, window_params = [{transform_indices = @transform_0, window_bounds = array<i64: 2, 128, 512>}, {transform_indices = @transform_1, window_bounds = array<i64: 128, 512>}, {transform_indices = @transform_2, window_bounds = array<i64: 2>}, {transform_indices = @transform_3, window_bounds = array<i64: 1, 1>}, {transform_indices = @transform_4, window_bounds = array<i64: 1, 1>}]} {
    %eq3A = arith.constant 0 : i32
    %eq3A_0 = arith.cmpi eq, %arg1, %eq3A : i32
    %eq3A_1 = arith.constant 0 : i32
    %eq3A_2 = arith.cmpi eq, %arg2, %eq3A_1 : i32
    %and3A = arith.andi %eq3A_0, %eq3A_2 : i1
    %eq3A_3 = arith.constant 0 : i32
    %eq3A_4 = arith.cmpi eq, %arg0, %eq3A_3 : i32
    %and3A_5 = arith.andi %and3A, %eq3A_4 : i1
    %convert_element_type3A = arith.extui %and3A_5 : i1 to i32
    %cond3A = arith.constant 0 : i32
    %cond3A_6 = arith.cmpi ne, %convert_element_type3A, %cond3A : i32
    scf.if %cond3A_6 {
      %swap3A = arith.constant -2147483648 : i32
      %swap3A_50 = arith.constant 0 : index
      %swap3A_51 = memref.load %arg8[%swap3A_50] : memref<3xi32, #tpu.memory_space<smem>>
      memref.store %swap3A, %arg8[%swap3A_50] : memref<3xi32, #tpu.memory_space<smem>>
      %swap3A_52 = arith.constant 0 : i32
      %swap3A_53 = arith.constant 1 : index
      %swap3A_54 = memref.load %arg8[%swap3A_53] : memref<3xi32, #tpu.memory_space<smem>>
      memref.store %swap3A_52, %arg8[%swap3A_53] : memref<3xi32, #tpu.memory_space<smem>>
      %swap3A_55 = arith.constant 0 : i32
      %swap3A_56 = arith.constant 2 : index
      %swap3A_57 = memref.load %arg8[%swap3A_56] : memref<3xi32, #tpu.memory_space<smem>>
      memref.store %swap3A_55, %arg8[%swap3A_56] : memref<3xi32, #tpu.memory_space<smem>>
      %swap3A_58 = arith.constant 0.000000e+00 : f32
      %swap3A_59 = arith.constant 0 : index
      %swap3A_60 = memref.load %arg9[%swap3A_59] : memref<1xf32, #tpu.memory_space<smem>>
      memref.store %swap3A_58, %arg9[%swap3A_59] : memref<1xf32, #tpu.memory_space<smem>>
    } else {
    }
    %gt3A = arith.constant 0 : i32
    %gt3A_7 = arith.cmpi sgt, %arg0, %gt3A : i32
    %le3A = arith.constant 32 : i32
    %le3A_8 = arith.cmpi sle, %arg0, %le3A : i32
    %and3A_9 = arith.andi %gt3A_7, %le3A_8 : i1
    %and3A_10 = arith.andi %and3A, %and3A_9 : i1
    %convert_element_type3A_11 = arith.extui %and3A_10 : i1 to i32
    %cond3A_12 = arith.constant 0 : i32
    %cond3A_13 = arith.cmpi ne, %convert_element_type3A_11, %cond3A_12 : i32
    scf.if %cond3A_13 {
      %get3A_50 = arith.constant 1 : index
      %get3A_51 = memref.load %arg8[%get3A_50] : memref<3xi32, #tpu.memory_space<smem>>
      %le3A_52 = arith.constant 100000 : i32
      %le3A_53 = arith.cmpi sle, %get3A_51, %le3A_52 : i32
      %sub3A_54 = arith.constant 32 : i32
      %sub3A_55 = arith.subi %sub3A_54, %arg0 : i32
      %jit3A = arith.constant 0 : i32
      %jit3A_56 = arith.constant 31 : i32
      %max3A = arith.maxsi %jit3A, %sub3A_55 : i32
      %min3A = arith.minsi %jit3A_56, %max3A : i32
      %shift_left3A = arith.constant 1 : i32
      %shift_left3A_57 = arith.shli %shift_left3A, %min3A : i32
      %jit3A_58 = arith.constant 0 : i32
      %select_n3A_59 = arith.select %le3A_53, %shift_left3A_57, %jit3A_58 : i32
      %get3A_60 = arith.constant 0 : index
      %get3A_61 = memref.load %arg8[%get3A_60] : memref<3xi32, #tpu.memory_space<smem>>
      %add3A = arith.addi %get3A_61, %select_n3A_59 : i32
      %swap3A = arith.constant 0 : index
      %swap3A_62 = memref.load %arg8[%swap3A] : memref<3xi32, #tpu.memory_space<smem>>
      memref.store %add3A, %arg8[%swap3A] : memref<3xi32, #tpu.memory_space<smem>>
      %swap3A_63 = arith.constant 0 : i32
      %swap3A_64 = arith.constant 1 : index
      %swap3A_65 = memref.load %arg8[%swap3A_64] : memref<3xi32, #tpu.memory_space<smem>>
      memref.store %swap3A_63, %arg8[%swap3A_64] : memref<3xi32, #tpu.memory_space<smem>>
    } else {
    }
    %get3A = arith.constant 1 : index
    %get3A_14 = arith.constant 0 : index
    %get3A_15 = arith.constant 0 : index
    %get3A_16 = vector.load %arg3[%get3A, %get3A_14, %get3A_15] : memref<2x128x512xf32, #tpu.memory_space<vmem>>, vector<1x128x512xf32>
    %get3A_17 = vector.shape_cast %get3A_16 : vector<1x128x512xf32> to vector<128x512xf32>
    %get3A_18 = arith.constant 0 : index
    %get3A_19 = arith.constant 0 : index
    %get3A_20 = arith.constant 0 : index
    %get3A_21 = vector.load %arg3[%get3A_18, %get3A_19, %get3A_20] : memref<2x128x512xf32, #tpu.memory_space<vmem>>, vector<1x128x512xf32>
    %get3A_22 = vector.shape_cast %get3A_21 : vector<1x128x512xf32> to vector<128x512xf32>
    %sub3A = arith.subf %get3A_17, %get3A_22 : vector<128x512xf32>
    %get3A_23 = arith.constant 0 : index
    %get3A_24 = arith.constant 0 : index
    %get3A_25 = vector.load %arg4[%get3A_23, %get3A_24] : memref<128x512xi32, #tpu.memory_space<vmem>>, vector<128x512xi32>
    %eq3A_26 = arith.constant 1 : i32
    %eq3A_27 = vector.broadcast %eq3A_26 : i32 to vector<128x512xi32>
    %eq3A_28 = arith.cmpi eq, %get3A_25, %eq3A_27 : vector<128x512xi32>
    %neg3A = arith.constant 0.000000e+00 : f32
    %neg3A_29 = vector.broadcast %neg3A : f32 to vector<128x512xf32>
    %neg3A_30 = arith.subf %neg3A_29, %sub3A : vector<128x512xf32>
    %select_n3A = arith.select %eq3A_28, %sub3A, %neg3A_30 : vector<128x512xi1>, vector<128x512xf32>
    %bitcast_convert_type3A = tpu.bitcast %select_n3A : vector<128x512xf32> -> vector<128x512xi32>
    %ge3A = arith.constant 0 : i32
    %ge3A_31 = vector.broadcast %ge3A : i32 to vector<128x512xi32>
    %ge3A_32 = arith.cmpi sge, %bitcast_convert_type3A, %ge3A_31 : vector<128x512xi32>
    %xor3A = arith.constant 2147483647 : i32
    %xor3A_33 = vector.broadcast %xor3A : i32 to vector<128x512xi32>
    %xor3A_34 = arith.xori %bitcast_convert_type3A, %xor3A_33 : vector<128x512xi32>
    %select_n3A_35 = arith.select %ge3A_32, %bitcast_convert_type3A, %xor3A_34 : vector<128x512xi1>, vector<128x512xi32>
    %lt3A = arith.constant 32 : i32
    %lt3A_36 = arith.cmpi slt, %arg0, %lt3A : i32
    %convert_element_type3A_37 = arith.extui %lt3A_36 : i1 to i32
    %cond3A_38 = arith.constant 0 : i32
    %cond3A_39 = arith.cmpi ne, %convert_element_type3A_37, %cond3A_38 : i32
    scf.if %cond3A_39 {
      %get3A_50 = arith.constant 0 : index
      %get3A_51 = memref.load %arg8[%get3A_50] : memref<3xi32, #tpu.memory_space<smem>>
      %sub3A_52 = arith.constant 31 : i32
      %sub3A_53 = arith.subi %sub3A_52, %arg0 : i32
      %jit3A = arith.constant 0 : i32
      %jit3A_54 = arith.constant 31 : i32
      %max3A = arith.maxsi %jit3A, %sub3A_53 : i32
      %min3A = arith.minsi %jit3A_54, %max3A : i32
      %shift_left3A = arith.constant 1 : i32
      %shift_left3A_55 = arith.shli %shift_left3A, %min3A : i32
      %add3A = arith.addi %get3A_51, %shift_left3A_55 : i32
      %get3A_56 = arith.constant 1 : index
      %get3A_57 = memref.load %arg8[%get3A_56] : memref<3xi32, #tpu.memory_space<smem>>
      %lt3A_58 = vector.broadcast %add3A : i32 to vector<128x512xi32>
      %lt3A_59 = arith.cmpi slt, %select_n3A_35, %lt3A_58 : vector<128x512xi32>
      %convert_element_type3A_60 = arith.extui %lt3A_59 : vector<128x512xi1> to vector<128x512xi32>
      %reduce_sum3A = vector.shape_cast %convert_element_type3A_60 : vector<128x512xi32> to vector<1x128x512xi32>
      %reduce_sum3A_61 = arith.constant dense<0> : vector<1xi32>
      %reduce_sum3A_62 = vector.multi_reduction <add>, %reduce_sum3A, %reduce_sum3A_61 [1, 2] : vector<1x128x512xi32> to vector<1xi32>
      %reduce_sum3A_63 = vector.shape_cast %reduce_sum3A_62 : vector<1xi32> to vector<1x1x1xi32>
      %reduce_sum3A_64 = vector.extract %reduce_sum3A_63[0, 0, 0] : i32 from vector<1x1x1xi32>
      %add3A_65 = arith.addi %get3A_57, %reduce_sum3A_64 : i32
      %swap3A = arith.constant 1 : index
      %swap3A_66 = memref.load %arg8[%swap3A] : memref<3xi32, #tpu.memory_space<smem>>
      memref.store %add3A_65, %arg8[%swap3A] : memref<3xi32, #tpu.memory_space<smem>>
    } else {
    }
    %eq3A_40 = arith.constant 32 : i32
    %eq3A_41 = arith.cmpi eq, %arg0, %eq3A_40 : i32
    %convert_element_type3A_42 = arith.extui %eq3A_41 : i1 to i32
    %cond3A_43 = arith.constant 0 : i32
    %cond3A_44 = arith.cmpi ne, %convert_element_type3A_42, %cond3A_43 : i32
    scf.if %cond3A_44 {
      %get3A_50 = arith.constant 0 : index
      %get3A_51 = memref.load %arg8[%get3A_50] : memref<3xi32, #tpu.memory_space<smem>>
      %lt3A_52 = vector.broadcast %get3A_51 : i32 to vector<128x512xi32>
      %lt3A_53 = arith.cmpi slt, %select_n3A_35, %lt3A_52 : vector<128x512xi32>
      %get3A_54 = arith.constant 2 : index
      %get3A_55 = memref.load %arg8[%get3A_54] : memref<3xi32, #tpu.memory_space<smem>>
      %convert_element_type3A_56 = arith.extui %lt3A_53 : vector<128x512xi1> to vector<128x512xi32>
      %reduce_sum3A = vector.shape_cast %convert_element_type3A_56 : vector<128x512xi32> to vector<1x128x512xi32>
      %reduce_sum3A_57 = arith.constant dense<0> : vector<1xi32>
      %reduce_sum3A_58 = vector.multi_reduction <add>, %reduce_sum3A, %reduce_sum3A_57 [1, 2] : vector<1x128x512xi32> to vector<1xi32>
      %reduce_sum3A_59 = vector.shape_cast %reduce_sum3A_58 : vector<1xi32> to vector<1x1x1xi32>
      %reduce_sum3A_60 = vector.extract %reduce_sum3A_59[0, 0, 0] : i32 from vector<1x1x1xi32>
      %add3A = arith.addi %get3A_55, %reduce_sum3A_60 : i32
      %swap3A = arith.constant 2 : index
      %swap3A_61 = memref.load %arg8[%swap3A] : memref<3xi32, #tpu.memory_space<smem>>
      memref.store %add3A, %arg8[%swap3A] : memref<3xi32, #tpu.memory_space<smem>>
      %get3A_62 = arith.constant 0 : index
      %get3A_63 = memref.load %arg9[%get3A_62] : memref<1xf32, #tpu.memory_space<smem>>
      %eq3A_64 = arith.constant 1 : i32
      %eq3A_65 = vector.broadcast %eq3A_64 : i32 to vector<128x512xi32>
      %eq3A_66 = arith.cmpi eq, %get3A_25, %eq3A_65 : vector<128x512xi32>
      %get3A_67 = arith.constant 1 : index
      %get3A_68 = memref.load %arg5[%get3A_67] : memref<2xf32, #tpu.memory_space<smem>>
      %get3A_69 = arith.constant 0 : index
      %get3A_70 = memref.load %arg5[%get3A_69] : memref<2xf32, #tpu.memory_space<smem>>
      %broadcast_in_dim3A = vector.broadcast %get3A_68 : f32 to vector<128x512xf32>
      %broadcast_in_dim3A_71 = vector.broadcast %get3A_70 : f32 to vector<128x512xf32>
      %select_n3A_72 = arith.select %eq3A_66, %broadcast_in_dim3A, %broadcast_in_dim3A_71 : vector<128x512xi1>, vector<128x512xf32>
      %abs3A = math.absf %select_n3A : vector<128x512xf32>
      %neg3A_73 = arith.constant 0.000000e+00 : f32
      %neg3A_74 = vector.broadcast %neg3A_73 : f32 to vector<128x512xf32>
      %neg3A_75 = arith.subf %neg3A_74, %abs3A : vector<128x512xf32>
      %exp3A = math.exp %neg3A_75 : vector<128x512xf32>
      %log1p3A = math.log1p %exp3A : vector<128x512xf32>
      %neg3A_76 = arith.constant 0.000000e+00 : f32
      %neg3A_77 = vector.broadcast %neg3A_76 : f32 to vector<128x512xf32>
      %neg3A_78 = arith.subf %neg3A_77, %select_n3A : vector<128x512xf32>
      %max3A = arith.constant 0.000000e+00 : f32
      %max3A_79 = vector.broadcast %max3A : f32 to vector<128x512xf32>
      %max3A_80 = arith.maximumf %neg3A_78, %max3A_79 : vector<128x512xf32>
      %add3A_81 = arith.addf %log1p3A, %max3A_80 : vector<128x512xf32>
      %mul3A = arith.mulf %select_n3A_72, %add3A_81 : vector<128x512xf32>
      %jit3A = arith.constant 0.000000e+00 : f32
      %broadcast_in_dim3A_82 = vector.broadcast %jit3A : f32 to vector<128x512xf32>
      %select_n3A_83 = arith.select %lt3A_53, %mul3A, %broadcast_in_dim3A_82 : vector<128x512xi1>, vector<128x512xf32>
      %reduce_sum3A_84 = vector.shape_cast %select_n3A_83 : vector<128x512xf32> to vector<1x128x512xf32>
      %reduce_sum3A_85 = arith.constant dense<0.000000e+00> : vector<1xf32>
      %reduce_sum3A_86 = vector.multi_reduction <add>, %reduce_sum3A_84, %reduce_sum3A_85 [1, 2] : vector<1x128x512xf32> to vector<1xf32>
      %reduce_sum3A_87 = vector.shape_cast %reduce_sum3A_86 : vector<1xf32> to vector<1x1x1xf32>
      %reduce_sum3A_88 = vector.extract %reduce_sum3A_87[0, 0, 0] : f32 from vector<1x1x1xf32>
      %add3A_89 = arith.addf %get3A_63, %reduce_sum3A_88 : f32
      %swap3A_90 = arith.constant 0 : index
      %swap3A_91 = memref.load %arg9[%swap3A_90] : memref<1xf32, #tpu.memory_space<smem>>
      memref.store %add3A_89, %arg9[%swap3A_90] : memref<1xf32, #tpu.memory_space<smem>>
    } else {
    }
    %eq3A_45 = arith.constant 33 : i32
    %eq3A_46 = arith.cmpi eq, %arg0, %eq3A_45 : i32
    %convert_element_type3A_47 = arith.extui %eq3A_46 : i1 to i32
    %cond3A_48 = arith.constant 0 : i32
    %cond3A_49 = arith.cmpi ne, %convert_element_type3A_47, %cond3A_48 : i32
    scf.if %cond3A_49 {
      %get3A_50 = arith.constant 2 : index
      %get3A_51 = memref.load %arg8[%get3A_50] : memref<3xi32, #tpu.memory_space<smem>>
      %swap3A = arith.constant 0 : index
      %swap3A_52 = arith.constant 0 : index
      %swap3A_53 = memref.load %arg6[%swap3A, %swap3A_52] : memref<1x1xi32, #tpu.memory_space<smem>>
      memref.store %get3A_51, %arg6[%swap3A, %swap3A_52] : memref<1x1xi32, #tpu.memory_space<smem>>
      %get3A_54 = arith.constant 0 : index
      %get3A_55 = memref.load %arg9[%get3A_54] : memref<1xf32, #tpu.memory_space<smem>>
      %swap3A_56 = arith.constant 0 : index
      %swap3A_57 = arith.constant 0 : index
      %swap3A_58 = memref.load %arg7[%swap3A_56, %swap3A_57] : memref<1x1xf32, #tpu.memory_space<smem>>
      memref.store %get3A_55, %arg7[%swap3A_56, %swap3A_57] : memref<1x1xf32, #tpu.memory_space<smem>>
    } else {
    }
    return
  }
  func.func @transform_0(%arg0: i32, %arg1: i32, %arg2: i32) -> (i32, i32, i32) {
    %c0_i32 = arith.constant 0 : i32
    %c0_i32_0 = arith.constant 0 : i32
    return %arg1, %arg2, %c0_i32 : i32, i32, i32
  }
  func.func @transform_1(%arg0: i32, %arg1: i32, %arg2: i32) -> (i32, i32) {
    %mul3A = arith.constant 4 : i32
    %mul3A_0 = arith.muli %arg1, %mul3A : i32
    %add3A = arith.addi %mul3A_0, %arg2 : i32
    %c0_i32 = arith.constant 0 : i32
    %c0_i32_1 = arith.constant 0 : i32
    return %add3A, %c0_i32 : i32, i32
  }
  func.func @transform_2(%arg0: i32, %arg1: i32, %arg2: i32) -> i32 {
    %c0_i32 = arith.constant 0 : i32
    %c0_i32_0 = arith.constant 0 : i32
    return %c0_i32 : i32
  }
  func.func @transform_3(%arg0: i32, %arg1: i32, %arg2: i32) -> (i32, i32) {
    %c0_i32 = arith.constant 0 : i32
    %c0_i32_0 = arith.constant 0 : i32
    %c0_i32_1 = arith.constant 0 : i32
    return %c0_i32, %c0_i32_0 : i32, i32
  }
  func.func @transform_4(%arg0: i32, %arg1: i32, %arg2: i32) -> (i32, i32) {
    %c0_i32 = arith.constant 0 : i32
    %c0_i32_0 = arith.constant 0 : i32
    %c0_i32_1 = arith.constant 0 : i32
    return %c0_i32, %c0_i32_0 : i32, i32
  }
}

module attributes {stable_mosaic.version = 14 : i64} {
  func.func @_pass1_body(%arg0: i32, %arg1: i32, %arg2: memref<2x352x512xf32, #tpu.memory_space<vmem>>, %arg3: memref<352x512xi32, #tpu.memory_space<vmem>>, %arg4: memref<2xf32, #tpu.memory_space<smem>>, %arg5: memref<1x1xf32, #tpu.memory_space<smem>>, %arg6: memref<1x1xf32, #tpu.memory_space<smem>>, %arg7: memref<352x512xf32, #tpu.memory_space<vmem>>, %arg8: memref<352x512xf32, #tpu.memory_space<vmem>>) attributes {dimension_semantics = [#tpu.dimension_semantics<arbitrary>, #tpu.dimension_semantics<arbitrary>], iteration_bounds = array<i64: 8, 1>, scalar_prefetch = 0 : i64, scratch_operands = 2 : i64, tpu.core_type = #tpu.core_type<tc>, window_params = [{transform_indices = @transform_0, window_bounds = array<i64: 2, 352, 512>}, {transform_indices = @transform_1, window_bounds = array<i64: 352, 512>}, {transform_indices = @transform_2, window_bounds = array<i64: 2>}, {transform_indices = @transform_3, window_bounds = array<i64: 1, 1>}, {transform_indices = @transform_4, window_bounds = array<i64: 1, 1>}]} {
    %eq3A = arith.constant 0 : i32
    %eq3A_0 = arith.cmpi eq, %arg0, %eq3A : i32
    %eq3A_1 = arith.constant 0 : i32
    %eq3A_2 = arith.cmpi eq, %arg1, %eq3A_1 : i32
    %and3A = arith.andi %eq3A_0, %eq3A_2 : i1
    %eq3A_3 = arith.constant 7 : i32
    %eq3A_4 = arith.cmpi eq, %arg0, %eq3A_3 : i32
    %eq3A_5 = arith.constant 0 : i32
    %eq3A_6 = arith.cmpi eq, %arg1, %eq3A_5 : i32
    %and3A_7 = arith.andi %eq3A_4, %eq3A_6 : i1
    %convert_element_type3A = arith.extui %and3A : i1 to i32
    %cond3A = arith.constant 0 : i32
    %cond3A_8 = arith.cmpi ne, %convert_element_type3A, %cond3A : i32
    scf.if %cond3A_8 {
      %broadcast_in_dim3A_68 = arith.constant 0.000000e+00 : f32
      %broadcast_in_dim3A_69 = vector.broadcast %broadcast_in_dim3A_68 : f32 to vector<352x512xf32>
      %swap3A_70 = arith.constant 0 : index
      %swap3A_71 = arith.constant 0 : index
      %swap3A_72 = vector.load %arg7[%swap3A_70, %swap3A_71] : memref<352x512xf32, #tpu.memory_space<vmem>>, vector<352x512xf32>
      tpu.vector_store %arg7[%swap3A_70, %swap3A_71], %broadcast_in_dim3A_69 {strides = array<i32>} : memref<352x512xf32, #tpu.memory_space<vmem>>, vector<352x512xf32>,
      %broadcast_in_dim3A_73 = arith.constant 0.000000e+00 : f32
      %broadcast_in_dim3A_74 = vector.broadcast %broadcast_in_dim3A_73 : f32 to vector<352x512xf32>
      %swap3A_75 = arith.constant 0 : index
      %swap3A_76 = arith.constant 0 : index
      %swap3A_77 = vector.load %arg8[%swap3A_75, %swap3A_76] : memref<352x512xf32, #tpu.memory_space<vmem>>, vector<352x512xf32>
      tpu.vector_store %arg8[%swap3A_75, %swap3A_76], %broadcast_in_dim3A_74 {strides = array<i32>} : memref<352x512xf32, #tpu.memory_space<vmem>>, vector<352x512xf32>,
    } else {
    }
    %get3A = arith.constant 1 : index
    %get3A_9 = arith.constant 0 : index
    %get3A_10 = arith.constant 0 : index
    %get3A_11 = vector.load %arg2[%get3A, %get3A_9, %get3A_10] : memref<2x352x512xf32, #tpu.memory_space<vmem>>, vector<1x352x512xf32>
    %get3A_12 = vector.shape_cast %get3A_11 : vector<1x352x512xf32> to vector<352x512xf32>
    %get3A_13 = arith.constant 0 : index
    %get3A_14 = arith.constant 0 : index
    %get3A_15 = arith.constant 0 : index
    %get3A_16 = vector.load %arg2[%get3A_13, %get3A_14, %get3A_15] : memref<2x352x512xf32, #tpu.memory_space<vmem>>, vector<1x352x512xf32>
    %get3A_17 = vector.shape_cast %get3A_16 : vector<1x352x512xf32> to vector<352x512xf32>
    %sub3A = arith.subf %get3A_12, %get3A_17 : vector<352x512xf32>
    %get3A_18 = arith.constant 0 : index
    %get3A_19 = arith.constant 0 : index
    %get3A_20 = vector.load %arg3[%get3A_18, %get3A_19] : memref<352x512xi32, #tpu.memory_space<vmem>>, vector<352x512xi32>
    %eq3A_21 = arith.constant 1 : i32
    %eq3A_22 = vector.broadcast %eq3A_21 : i32 to vector<352x512xi32>
    %eq3A_23 = arith.cmpi eq, %get3A_20, %eq3A_22 : vector<352x512xi32>
    %neg3A = arith.constant 0.000000e+00 : f32
    %neg3A_24 = vector.broadcast %neg3A : f32 to vector<352x512xf32>
    %neg3A_25 = arith.subf %neg3A_24, %sub3A : vector<352x512xf32>
    %select_n3A = arith.select %eq3A_23, %sub3A, %neg3A_25 : vector<352x512xi1>, vector<352x512xf32>
    %lt3A = arith.constant 0.847297847 : f32
    %lt3A_26 = vector.broadcast %lt3A : f32 to vector<352x512xf32>
    %lt3A_27 = arith.cmpf olt, %select_n3A, %lt3A_26 : vector<352x512xf32>
    %get3A_28 = arith.constant 0 : index
    %get3A_29 = arith.constant 0 : index
    %get3A_30 = vector.load %arg7[%get3A_28, %get3A_29] : memref<352x512xf32, #tpu.memory_space<vmem>>, vector<352x512xf32>
    %jit3A = arith.constant 1.000000e+00 : f32
    %jit3A_31 = arith.constant 0.000000e+00 : f32
    %broadcast_in_dim3A = vector.broadcast %jit3A : f32 to vector<352x512xf32>
    %broadcast_in_dim3A_32 = vector.broadcast %jit3A_31 : f32 to vector<352x512xf32>
    %select_n3A_33 = arith.select %lt3A_27, %broadcast_in_dim3A, %broadcast_in_dim3A_32 : vector<352x512xi1>, vector<352x512xf32>
    %add3A = arith.addf %get3A_30, %select_n3A_33 : vector<352x512xf32>
    %swap3A = arith.constant 0 : index
    %swap3A_34 = arith.constant 0 : index
    %swap3A_35 = vector.load %arg7[%swap3A, %swap3A_34] : memref<352x512xf32, #tpu.memory_space<vmem>>, vector<352x512xf32>
    tpu.vector_store %arg7[%swap3A, %swap3A_34], %add3A {strides = array<i32>} : memref<352x512xf32, #tpu.memory_space<vmem>>, vector<352x512xf32>,
    %get3A_36 = arith.constant 0 : index
    %get3A_37 = arith.constant 0 : index
    %get3A_38 = vector.load %arg8[%get3A_36, %get3A_37] : memref<352x512xf32, #tpu.memory_space<vmem>>, vector<352x512xf32>
    %eq3A_39 = arith.constant 1 : i32
    %eq3A_40 = vector.broadcast %eq3A_39 : i32 to vector<352x512xi32>
    %eq3A_41 = arith.cmpi eq, %get3A_20, %eq3A_40 : vector<352x512xi32>
    %get3A_42 = arith.constant 1 : index
    %get3A_43 = memref.load %arg4[%get3A_42] : memref<2xf32, #tpu.memory_space<smem>>
    %get3A_44 = arith.constant 0 : index
    %get3A_45 = memref.load %arg4[%get3A_44] : memref<2xf32, #tpu.memory_space<smem>>
    %broadcast_in_dim3A_46 = vector.broadcast %get3A_43 : f32 to vector<352x512xf32>
    %broadcast_in_dim3A_47 = vector.broadcast %get3A_45 : f32 to vector<352x512xf32>
    %select_n3A_48 = arith.select %eq3A_41, %broadcast_in_dim3A_46, %broadcast_in_dim3A_47 : vector<352x512xi1>, vector<352x512xf32>
    %abs3A = math.absf %select_n3A : vector<352x512xf32>
    %neg3A_49 = arith.constant 0.000000e+00 : f32
    %neg3A_50 = vector.broadcast %neg3A_49 : f32 to vector<352x512xf32>
    %neg3A_51 = arith.subf %neg3A_50, %abs3A : vector<352x512xf32>
    %exp3A = math.exp %neg3A_51 : vector<352x512xf32>
    %log1p3A = math.log1p %exp3A : vector<352x512xf32>
    %neg3A_52 = arith.constant 0.000000e+00 : f32
    %neg3A_53 = vector.broadcast %neg3A_52 : f32 to vector<352x512xf32>
    %neg3A_54 = arith.subf %neg3A_53, %select_n3A : vector<352x512xf32>
    %max3A = arith.constant 0.000000e+00 : f32
    %max3A_55 = vector.broadcast %max3A : f32 to vector<352x512xf32>
    %max3A_56 = arith.maximumf %neg3A_54, %max3A_55 : vector<352x512xf32>
    %add3A_57 = arith.addf %log1p3A, %max3A_56 : vector<352x512xf32>
    %mul3A = arith.mulf %select_n3A_48, %add3A_57 : vector<352x512xf32>
    %jit3A_58 = arith.constant 0.000000e+00 : f32
    %broadcast_in_dim3A_59 = vector.broadcast %jit3A_58 : f32 to vector<352x512xf32>
    %select_n3A_60 = arith.select %lt3A_27, %mul3A, %broadcast_in_dim3A_59 : vector<352x512xi1>, vector<352x512xf32>
    %add3A_61 = arith.addf %get3A_38, %select_n3A_60 : vector<352x512xf32>
    %swap3A_62 = arith.constant 0 : index
    %swap3A_63 = arith.constant 0 : index
    %swap3A_64 = vector.load %arg8[%swap3A_62, %swap3A_63] : memref<352x512xf32, #tpu.memory_space<vmem>>, vector<352x512xf32>
    tpu.vector_store %arg8[%swap3A_62, %swap3A_63], %add3A_61 {strides = array<i32>} : memref<352x512xf32, #tpu.memory_space<vmem>>, vector<352x512xf32>,
    %convert_element_type3A_65 = arith.extui %and3A_7 : i1 to i32
    %cond3A_66 = arith.constant 0 : i32
    %cond3A_67 = arith.cmpi ne, %convert_element_type3A_65, %cond3A_66 : i32
    scf.if %cond3A_67 {
      %get3A_68 = arith.constant 0 : index
      %get3A_69 = arith.constant 0 : index
      %get3A_70 = vector.load %arg7[%get3A_68, %get3A_69] : memref<352x512xf32, #tpu.memory_space<vmem>>, vector<352x512xf32>
      %reduce_sum3A = vector.shape_cast %get3A_70 : vector<352x512xf32> to vector<1x352x512xf32>
      %reduce_sum3A_71 = arith.constant dense<0.000000e+00> : vector<1xf32>
      %reduce_sum3A_72 = vector.multi_reduction <add>, %reduce_sum3A, %reduce_sum3A_71 [1, 2] : vector<1x352x512xf32> to vector<1xf32>
      %reduce_sum3A_73 = vector.shape_cast %reduce_sum3A_72 : vector<1xf32> to vector<1x1x1xf32>
      %reduce_sum3A_74 = vector.extract %reduce_sum3A_73[0, 0, 0] : f32 from vector<1x1x1xf32>
      %swap3A_75 = arith.constant 0 : index
      %swap3A_76 = arith.constant 0 : index
      %swap3A_77 = memref.load %arg5[%swap3A_75, %swap3A_76] : memref<1x1xf32, #tpu.memory_space<smem>>
      memref.store %reduce_sum3A_74, %arg5[%swap3A_75, %swap3A_76] : memref<1x1xf32, #tpu.memory_space<smem>>
      %get3A_78 = arith.constant 0 : index
      %get3A_79 = arith.constant 0 : index
      %get3A_80 = vector.load %arg8[%get3A_78, %get3A_79] : memref<352x512xf32, #tpu.memory_space<vmem>>, vector<352x512xf32>
      %reduce_sum3A_81 = vector.shape_cast %get3A_80 : vector<352x512xf32> to vector<1x352x512xf32>
      %reduce_sum3A_82 = arith.constant dense<0.000000e+00> : vector<1xf32>
      %reduce_sum3A_83 = vector.multi_reduction <add>, %reduce_sum3A_81, %reduce_sum3A_82 [1, 2] : vector<1x352x512xf32> to vector<1xf32>
      %reduce_sum3A_84 = vector.shape_cast %reduce_sum3A_83 : vector<1xf32> to vector<1x1x1xf32>
      %reduce_sum3A_85 = vector.extract %reduce_sum3A_84[0, 0, 0] : f32 from vector<1x1x1xf32>
      %swap3A_86 = arith.constant 0 : index
      %swap3A_87 = arith.constant 0 : index
      %swap3A_88 = memref.load %arg6[%swap3A_86, %swap3A_87] : memref<1x1xf32, #tpu.memory_space<smem>>
      memref.store %reduce_sum3A_85, %arg6[%swap3A_86, %swap3A_87] : memref<1x1xf32, #tpu.memory_space<smem>>
    } else {
    }
    return
  }
  func.func @transform_0(%arg0: i32, %arg1: i32) -> (i32, i32, i32) {
    %c0_i32 = arith.constant 0 : i32
    %c0_i32_0 = arith.constant 0 : i32
    return %arg0, %arg1, %c0_i32 : i32, i32, i32
  }
  func.func @transform_1(%arg0: i32, %arg1: i32) -> (i32, i32) {
    %mul3A = arith.constant 1 : i32
    %mul3A_0 = arith.muli %arg0, %mul3A : i32
    %add3A = arith.addi %mul3A_0, %arg1 : i32
    %c0_i32 = arith.constant 0 : i32
    %c0_i32_1 = arith.constant 0 : i32
    return %add3A, %c0_i32 : i32, i32
  }
  func.func @transform_2(%arg0: i32, %arg1: i32) -> i32 {
    %c0_i32 = arith.constant 0 : i32
    %c0_i32_0 = arith.constant 0 : i32
    return %c0_i32 : i32
  }
  func.func @transform_3(%arg0: i32, %arg1: i32) -> (i32, i32) {
    %c0_i32 = arith.constant 0 : i32
    %c0_i32_0 = arith.constant 0 : i32
    %c0_i32_1 = arith.constant 0 : i32
    return %c0_i32, %c0_i32_0 : i32, i32
  }
  func.func @transform_4(%arg0: i32, %arg1: i32) -> (i32, i32) {
    %c0_i32 = arith.constant 0 : i32
    %c0_i32_0 = arith.constant 0 : i32
    %c0_i32_1 = arith.constant 0 : i32
    return %c0_i32, %c0_i32_0 : i32, i32
  }
}

</mosaic_0001>

<sc_bundles>
// kernel: kernel.4.cloned.1.call-start
scs
__scs_entry_jumppad:
0x0: {  	(pc) =	sbr.rel $0x88, $3  }
0x1: {  	(tag) =	ssettag $0x0;
	lr =	simm.s32 $0x1  }
0x2: {  	[smem:$0x3F9E] =	sst lr;
	_ =	strace $0xD0000000  }
0x3: {  	_ = 	snop  }
0x4: {  	_ = 	snop  }
0x5: {  	_ = 	snop  }
0x6: {  	_ = 	snop  }
0x7: {  	_ = 	snop  }
__scs_overlays_trampoline_lowered:
0x8: {  	[smem:$0x3FAD] =	sst s0  }
0x9: {  	[smem:$0x3FAE] =	sst s1  }
0xa: {  	[smem:$0x3FAF] =	sst s2  }
0xb: {  	[smem:$0x3FB0] =	sst s3  }
0xc: {  	[smem:$0x3FB1] =	sst s4  }
0xd: {  	[smem:$0x3FB2] =	sst s5  }
0xe: {  	[smem:$0x3FB3] =	sst s6  }
0xf: {  	[smem:$0x3FB4] =	sst s7  }
0x10: {  	[smem:$0x3FB5] =	sst s8  }
0x11: {  	[smem:$0x3FB6] =	sst s9;
	s0 =	simm.s32 @!p0 $0x0  }
0x12: {  	s1 =	sld [smem:$0x3F9C];
	s0 =	simm.s32 @p0 $0x1  }
0x13: {  	[smem:$0x3FB7] =	sst s0;
	s0 =	simm.s32 @!p1 $0x0  }
0x14: {  	s2 =	sld [smem:$0x3F9B];
	s0 =	simm.s32 @p1 $0x1  }
0x15: {  	[smem:$0x3FB8] =	sst s0;
	s0 =	simm.s32 @!p2 $0x0  }
0x16: {  	s3 =	sld [smem:$0x3FDB];
	s0 =	simm.s32 @p2 $0x1  }
0x17: {  	s4 =	simm.s32 $0x1BF5;
	[smem:$0x3FBA] =	sst s0  }
0x18: {  	s0 =	sld [smem:$0x3F9D];
	_ =	swait.ge [sflag:s4], $0x0  }
0x19: {  	s7 =	sld [smem:$0x3F9E]  }
0x1a: {  	s8 =	sadd.s32 $0xFFFFE003, lr  }
0x1b: {  	s9 =	sadd.s32 $0xFFFFFEF7, lr;
	s5 =	simm.s32 $0xFFFFFFFF;
	p2 =	slt.u32 s8, $0xFFFFF086  }
0x1c: {  	p1 =	slt.u32 s9, $0xF7A;
	s5 =	simm.s32 @!p2 $0x0  }
0x1d: {  	s5 =	simm.s32 @p1 $0x1;
	p0 =	seq.s32 s7, s2  }
0x1e: {  	s7 =	smul.u32 @!p0 $0xF7A, s2;
	p2 =	seq.s32 @!p0 s5, $0x0  }
0x1f: {  	s9 =	smul.u32 $0xF7A, s1;
	s8 =	simm.s32 @!p0 $0x1BF5;
	p2 =	por !p2, p0  }
0x20: {  	[sflag:s8] =	ssyncset.s32 @!p0 $0xFFFFF086;
	s6 =	sadd.s32 @!p0 s3, s7;
	s7 =	simm.s32 @!p0 $0x108  }
0x21: {  	s3 =	sadd.s32 s3, s9;
	s6 =	sadd.s32 @!p0 $0x88, s6;
	s7 =	simm.s32 @p2 $0x1082  }
0x22: {  	[simem:s7], [sflag:s8] =	dma.local @!p0 [hbm:s6], $0xF7A  }
0x23: {  	s9 =	sor.u32 $0xD0000000, s2;
	s6 =	simm.s32 $0x108;
	_ =	swait.ge @!p0 [sflag:s8], $0x0  }
0x24: {  	s3 =	sadd.s32 $0x88, s3;
	s6 =	simm.s32 @!p1 $0x1082;
	[sflag:s4] =	ssyncset.s32 $0xFFFFF086  }
0x25: {  	[simem:s6], [sflag:s4] =	dma.local [hbm:s3], $0xF7A  }
0x26: {  	[smem:$0x3F9E] =	sst s1;
	(tag) =	ssettag s2;
	_ =	strace s9  }
0x27: {  	s1 =	sld [smem:$0x3FAE]  }
0x28: {  	s2 =	sld [smem:$0x3FAF]  }
0x29: {  	s4 =	sld [smem:$0x3FB1]  }
0x2a: {  	p0 =	seq.s32 s5, $0x0;
	s5 =	sld [smem:$0x3FB2]  }
0x2b: {  	s6 =	sld [smem:$0x3FB3]  }
0x2c: {  	s7 =	sld [smem:$0x3FB4]  }
0x2d: {  	s3 =	simm.s32 $0x108;
	s8 =	sld [smem:$0x3FB5]  }
0x2e: {  	s3 =	simm.s32 @!p0 $0x1082;
	s9 =	sld [smem:$0x3FB6]  }
0x2f: {  	lr =	sadd.s32 s0, s3;
	s0 =	sld [smem:$0x3FAD]  }
0x30: {  	s3 =	sld [smem:$0x3FB0]  }
0x31: {  	[smem:$0x3FB9] =	sst s10  }
0x32: {  	s10 =	sld [smem:$0x3FB7];
	_ =	sdelay $0x3  }
0x33: {  	p0 =	seq.s32 s10, $0x1;
	s10 =	sld [smem:$0x3FB9];
	_ =	sdelay $0x3  }
0x34: {  	[smem:$0x3FB9] =	sst s10  }
0x35: {  	s10 =	sld [smem:$0x3FB8];
	_ =	sdelay $0x3  }
0x36: {  	p1 =	seq.s32 s10, $0x1;
	s10 =	sld [smem:$0x3FB9];
	_ =	sdelay $0x3  }
0x37: {  	[smem:$0x3FB9] =	sst s10  }
0x38: {  	s10 =	sld [smem:$0x3FBA]  }
0x39: {  	_ = 	snop;
	(pc) =	sbr.ind lr, $3  }
0x3a: {  	_ = 	snop  }
0x3b: {  	_ = 	snop  }
0x3c: {  	p2 =	seq.s32 s10, $0x1;
	s10 =	sld [smem:$0x3FB9]  }
0x3d: {  	_ =	shalt  }
0x3e: {  	_ =	shalt  }
0x3f: {  	_ =	shalt  }
0x40: {  	_ =	shalt  }
0x41: {  	_ =	shalt  }
0x42: {  	_ =	shalt  }
0x43: {  	_ =	shalt  }
0x44: {  	_ =	shalt  }
0x45: {  	_ =	shalt  }
0x46: {  	_ =	shalt  }
0x47: {  	_ =	shalt  }
0x48: {  	_ =	shalt  }
0x49: {  	_ =	shalt  }
0x4a: {  	_ =	shalt  }
0x4b: {  	_ =	shalt  }
0x4c: {  	_ =	shalt  }
0x4d: {  	_ =	shalt  }
0x4e: {  	_ =	shalt  }
0x4f: {  	_ =	shalt  }
0x50: {  	_ =	shalt  }
0x51: {  	_ =	shalt  }
0x52: {  	_ =	shalt  }
0x53: {  	_ =	shalt  }
0x54: {  	_ =	shalt  }
0x55: {  	_ =	shalt  }
0x56: {  	_ =	shalt  }
0x57: {  	_ =	shalt  }
0x58: {  	_ =	shalt  }
0x59: {  	_ =	shalt  }
0x5a: {  	_ =	shalt  }
0x5b: {  	_ =	shalt  }
0x5c: {  	_ =	shalt  }
0x5d: {  	_ =	shalt  }
0x5e: {  	_ =	shalt  }
0x5f: {  	_ =	shalt  }
0x60: {  	_ =	shalt  }
0x61: {  	_ =	shalt  }
0x62: {  	_ =	shalt  }
0x63: {  	_ =	shalt  }
0x64: {  	_ =	shalt  }
0x65: {  	_ =	shalt  }
0x66: {  	_ =	shalt  }
0x67: {  	_ =	shalt  }
0x68: {  	_ =	shalt  }
0x69: {  	_ =	shalt  }
0x6a: {  	_ =	shalt  }
0x6b: {  	_ =	shalt  }
0x6c: {  	_ =	shalt  }
0x6d: {  	_ =	shalt  }
0x6e: {  	_ =	shalt  }
0x6f: {  	_ =	shalt  }
0x70: {  	_ =	shalt  }
0x71: {  	_ =	shalt  }
0x72: {  	_ =	shalt  }
0x73: {  	_ =	shalt  }
0x74: {  	_ =	shalt  }
0x75: {  	_ =	shalt  }
0x76: {  	_ =	shalt  }
0x77: {  	_ =	shalt  }
0x78: {  	_ =	shalt  }
0x79: {  	_ =	shalt  }
0x7a: {  	_ =	shalt  }
0x7b: {  	_ =	shalt  }
0x7c: {  	_ =	shalt  }
0x7d: {  	_ =	shalt  }
0x7e: {  	_ =	shalt  }
0x7f: {  	_ =	shalt  }
0x80: {  	_ =	shalt  }
0x81: {  	_ =	shalt  }
0x82: {  	_ =	shalt  }
0x83: {  	_ =	shalt  }
0x84: {  	_ =	shalt  }
0x85: {  	_ =	shalt  }
0x86: {  	_ =	shalt  }
0x87: {  	_ =	shalt  }
.Lfunc_end0:
.L_simem_size_0:
called_computation_lowered:
.L_overlay_start_0:
0x88: {  	s2 =	sld [smem:$0x3FD9]  }
0x89: {  	s3 =	sld [smem:$0x3FFE];
	_ =	sdelay $0x1  }
0x8a: {  	s1 =	srdreg.scid  }
0x8b: {  	s0 =	sand.u32 $0x1, s1  }
0x8c: {  	s17 =	sshll.u32 s0, $0xA;
	s2 =	sadd.s32 s3, s2  }
0x8d: {  	s2 =	sadd.s32 s2, s17  }
0x8e: {  	[smem:$0x3FC5] =	sst s2  }
0x8f: {  	_ = 	snop  }
0x90: {  	s2 =	sld [smem:$0x3FC9]  }
0x91: {  	s18 =	sld [smem:$0x3FC8];
	(tm) =	ssettm $0x1  }
0x92: {  	s4 =	sld [smem:$0x3FFB];
	_ =	sdelay $0x3  }
0x93: {  	_ =	strace s4  }
0x94: {  	s4 =	sld [smem:$0x3FFC];
	_ =	sdelay $0x3  }
0x95: {  	_ =	strace s4  }
0x96: {  	s4 =	sld [smem:$0x3FFD];
	_ =	sdelay $0x3  }
0x97: {  	_ =	strace s4  }
0x98: {  	_ =	strace $0x8FFFFFFF  }
0x99: {  	s19 =	sld [smem:$0x3FDB];
	_ =	sdelay $0x1  }
0x9a: {  	s5 =	simm.s32 $_scs_section_size  }
0x9b: {  	s6 =	simm.s32 $_size__tile_overlayer_lowered;
	s7 =	simm.s32 $_tile_overlayer_lowered  }
0x9c: {  	s22 =	simm.s32 $0x1BFF;
	s21 =	sshll.u32 s7, $0x1;
	s4 =	sadd.s32 s5, s19  }
0x9d: {  	s8 =	simm.s32 $0x0;
	s20 =	sshll.u32 s6, $0x1;
	s6 =	sadd.s32 s21, s4  }
0x9e: {  	[timem:s8], [sflag:s22] =	dma.local [hbm:s6], s20  }
0x9f: {  	_ =	swait.ge [sflag:s22], s20  }
0xa0: {  	s5 =	ssub.s32 $0x0, s20;
	[sflag:s22] =	ssyncset.done $0x0  }
0xa1: {  	[sflag:s22] =	ssyncadd.s32 s5;
	_ =	sdelay $0x1  }
0xa2: {  	s23 =	simm.s32 $0x1B8B  }
0xa3: {  	_ =	swait.ge [sflag:s23], $0x1  }
0xa4: {  	[sflag:s23] =	ssyncset.done $0x0  }
0xa5: {  	s25 =	simm.s32 $0x1B8E;
	s24 =	sld [smem:$0x3FFE];
	[sflag:s23] =	ssyncadd.s32 $0xFFFFFFFF  }
0xa6: {  	s26 =	simm.s32 $execute0_lowered;
	[smem:$0x3FD2] =	sst s25  }
0xa7: {  	s6 =	sshll.u32 s26, $0x1;
	_ =	strace $0x80000046;
	[dreg:$0x1] =	wrdreg $0xFFFFFFFF  }
0xa8: {  	s28 =	simm.s32 $_size_execute0_lowered;
	s4 =	sadd.s32 s4, s6;
	[dreg:$0x0] =	wrdreg $0x0  }
0xa9: {  	s6 =	sshll.u32 s28, $0x1;
	[dreg:$0x2] =	wrdreg s4  }
0xaa: {  	[dreg:$0x3] =	wrdreg s6  }
0xab: {  	[dreg:$0x4] =	wrdreg $0xC0  }
0xac: {  	_ =	task [dreg:s8], $0x5FFFF  }
0xad: {  	[dreg:$0x1] =	wrdreg $0xFFFFFFFF  }
0xae: {  	[dreg:$0x0] =	wrdreg $0x60  }
0xaf: {  	[dreg:$0x2] =	wrdreg s2  }
0xb0: {  	[dreg:$0x3] =	wrdreg s18  }
0xb1: {  	[dreg:$0x4] =	wrdreg s24  }
0xb2: {  	[dreg:$0x5] =	wrdreg $0x9  }
0xb3: {  	_ =	task.clear_ibuf [dreg:s8], $0x6FFFF;
	_ =	strace $0x90000046  }
0xb4: {  	s29 =	simm.s32 $0x9;
	_ =	strace $0x80000048  }
0xb5: {  	_ =	swait.ge [sflag:s29], $0x1  }
0xb6: {  	[sflag:s29] =	ssyncadd.s32 $0xFFFFFFFF  }
0xb7: {  	_ =	strace $0x90000048  }
0xb8: {  	_ =	sfence  }
0xb9: {  	s30 =	sld [smem:$0x0];
	_ =	sdelay $0x2  }
0xba: {  	s31 =	sshll.u32 s1, $0xD;
	s1 =	sshrl.u32 s1, $0x2  }
0xbb: {  	s3 =	sand.u32 $0x4000, s31;
	s1 =	sadd.s32 s1, s30  }
0xbc: {  	s0 =	sor.u32 s3, s0;
	s1 =	sshll.u32 s1, $0x11  }
0xbd: {  	s0 =	sor.u32 s1, s0  }
0xbe: {  	s0 =	sadd.s32 $0x8F2B, s0  }
0xbf: {  	[sflag:s0] =	ssyncadd.remote.s32 $0x1  }
0xc0: {  	_ =	sfence.sel $0xFFFF  }
0xc1: {  	[dreg:$0x0] =	wrdreg $0xFFFFFFFF;
	(pc) =	sbr.abs _section_cstart, $3  }
0xc2: {  	[dreg:$0x1] =	wrdreg $0xFFFFFFFF  }
0xc3: {  	_ =	task.clear_ibuf [dreg:s8], $0x2FFFF;
	_ =	strace $0x9FFFFFFF  }
0xc4: {  	(tm) =	ssettm $0x7FFFFFFF  }
0xc5: {  	_ =	shalt  }
tec
execute0_lowered:
.L_overlay_start_1:
0x0: {  	(tag) =	ssettag $0x1  }
0x1: {  	s0 =	srdreg.scid  }
0x2: {  	s6 =	stileid.u32;
	s5 =	rddreg [dreg:$0x2]  }
0x3: {  	s29 =	simm.s32 $0x3;
	s30 =	simm.s32 $0x0;
	s3 =	sand.u32 $0x1, s0  }
0x4: {  	s1 =	sshll.u32 s6, $0x1;
	s0 =	rddreg [dreg:$0x0];
	s6 =	sshrl.u32 s6, $0x1  }
0x5: {  	s4 =	sor.u32 s3, s1;
	s1 =	rddreg [dreg:$0x1];
	s15 =	sshll.u32 s6, $0x13  }
0x6: {  	s3 =	ssub.s32 $0x2, s3;
	s2 =	sand.u32 $0x3, s4;
	s4 =	sshll.u32 s4, $0x6  }
0x7: {  	s14 =	sshrl.u32 s3, $0x1;
	s13 =	smul.u32 $0x28, s2;
	s2 =	simm.s32 $0x0  }
0x8: {  	s18 =	sadd.s32 s4, s5;
	s19 =	ssub.s32 s3, s14;
	[smem:$0x7FF] =	sst s2  }
0x9: {  	s18 =	sadd.s32 $0x1000, s18;
	s19 =	smax.u32 s19, $0x1;
	s7 =	sadd.s32 $0x160, s13  }
0xa: {  	_ =	strace $0x80000047;
	s21 =	sadd.s32 $0x168, s13;
	s10 =	sadd.s32 $0x170, s13  }
0xb: {  	s14 =	sadd.s32 $0x178, s13;
	s28 =	sor.u32 $0x180, s13;
	s8 =	sshll.u32 s7, $0x9  }
0xc: {  	s23 =	sshll.u32 s21, $0x9;
	s11 =	sshll.u32 s10, $0x9;
	s31 =	sshll.u32 s28, $0x9  }
0xd: {  	s9 =	sor.u32 s15, s8;
	s24 =	sor.u32 s15, s23;
	s25 =	sor.u32 s15, s11  }
0xe: {  	s16 =	sshrl.u32 s9, $0x3;
	s9 =	sshrl.u32 s25, $0x3;
	s25 =	simm.s32 $0x1  }
0xf: {  	s17 =	sadd.s32 s0, s16;
	s16 =	sor.u32 $0x40000, s15;
	s9 =	sadd.s32 s0, s9  }
0x10: {  	[dreg:$0x4] =	wrdreg s17;
	s20 =	sor.u32 s16, s8;
	s17 =	sshll.u32 s6, $0x9  }
0x11: {  	s6 =	sshrl.u32 s24, $0x3;
	s11 =	sor.u32 s16, s11;
	s24 =	simm.s32 $0x5000  }
0x12: {  	s4 =	sshrl.u32 s20, $0x3;
	s22 =	sor.u32 s17, s7;
	s6 =	sadd.s32 s0, s6  }
0x13: {  	s7 =	sor.u32 s16, s23;
	s8 =	sor.u32 s17, s21;
	s10 =	sor.u32 s17, s10  }
0x14: {  	s20 =	sshll.u32 s14, $0x9;
	s11 =	sshrl.u32 s11, $0x3;
	s14 =	sor.u32 s17, s14  }
0x15: {  	s17 =	sor.u32 s17, s28;
	s4 =	sadd.s32 s0, s4;
	s5 =	sshll.u32 s22, $0x6  }
0x16: {  	s7 =	sshrl.u32 s7, $0x3;
	s8 =	sshll.u32 s8, $0x6;
	s12 =	sshll.u32 s10, $0x6  }
0x17: {  	s21 =	sor.u32 s15, s20;
	s10 =	sadd.s32 s0, s11;
	s20 =	sor.u32 s16, s20  }
0x18: {  	s14 =	sshll.u32 s14, $0x6;
	s15 =	sor.u32 s15, s31;
	s16 =	sor.u32 s16, s31  }
0x19: {  	s17 =	sshll.u32 s17, $0x6;
	s5 =	sadd.s32 s1, s5;
	s7 =	sadd.s32 s0, s7  }
0x1a: {  	s8 =	sadd.s32 s1, s8;
	s11 =	sadd.s32 s1, s12;
	s26 =	sshrl.u32 s21, $0x3  }
0x1b: {  	s20 =	sshrl.u32 s20, $0x3;
	s14 =	sadd.s32 s1, s14;
	s15 =	sshrl.u32 s15, $0x3  }
0x1c: {  	s16 =	sshrl.u32 s16, $0x3;
	s17 =	sadd.s32 s1, s17;
	s21 =	simm.s32 $0x4000  }
0x1d: {  	s12 =	sadd.s32 s0, s26;
	s13 =	sadd.s32 s0, s20;
	s15 =	sadd.s32 s0, s15  }
0x1e: {  	v0 =	vimm.f32 $0.0e+00;
	s16 =	sadd.s32 s0, s16;
	s20 =	simm.s32 $0x2000;
	s26 =	simm.s32 $0x2  }
.LBB2_1:
0x1f: {  	s0 =	rddreg [dreg:$0x4]  }
0x20: {  	[tilespmem:s2], [sflag:$0x1] =	stream.linear.gather [hbm4b:s0+s2], $0x1000, $0x38;
	[tilespmem:$0x6200] =	vst v63  }
0x21: {  	_ = 	snop  }
0x22: {  	[tilespmem:s20], [sflag:$0x1] =	stream.linear.gather [hbm4b:s4+s2], $0x1000, $0x38;
	[tilespmem:$0x6200] =	vst v63  }
0x23: {  	_ = 	snop  }
0x24: {  	[tilespmem:s21], [sflag:$0x1] =	stream.linear.gather [hbm4b:s5+s2], $0x1000, $0x38;
	[tilespmem:$0x6200] =	vst v63  }
0x25: {  	s1 =	simm.s32 $0x1000  }
0x26: {  	[tilespmem:s1], [sflag:$0x2] =	stream.linear.gather [hbm4b:s6+s2], $0x1000, $0x38;
	[tilespmem:$0x6200] =	vst v63  }
0x27: {  	s3 =	simm.s32 $0x3000  }
0x28: {  	[tilespmem:s3], [sflag:$0x2] =	stream.linear.gather [hbm4b:s7+s2], $0x1000, $0x38;
	[tilespmem:$0x6200] =	vst v63  }
0x29: {  	_ = 	snop  }
0x2a: {  	[tilespmem:s24], [sflag:$0x2] =	stream.linear.gather [hbm4b:s8+s2], $0x1000, $0x38;
	[tilespmem:$0x6200] =	vst v63  }
0x2b: {  	_ =	swait.ge [sflag:s25], $0x1000  }
0x2c: {  	[sflag:s25] =	ssyncset.done $0x0  }
0x2d: {  	[sflag:s25] =	ssyncadd.s32 $0xFFFFF000  }
0x2e: {  	_ =	swait.ge [sflag:s25], $0x1000  }
0x2f: {  	[sflag:s25] =	ssyncset.done $0x0  }
0x30: {  	[sflag:s25] =	ssyncadd.s32 $0xFFFFF000  }
0x31: {  	_ =	swait.ge [sflag:s25], $0x1000  }
0x32: {  	s22 =	sor.u32 s2, s2;
	s28 =	sand.u32 $0xC00, s2;
	[sflag:s25] =	ssyncset.done $0x0  }
0x33: {  	s0 =	sor.u32 $0x380, s22;
	s1 =	sand.u32 $0x70, s2;
	[sflag:s25] =	ssyncadd.s32 $0xFFFFF000  }
0x34: {  	s1 =	sor.u32 s1, s28;
	v1 =	vld [tilespmem:s0+$0x2000]  }
0x35: {  	v4 =	vld [tilespmem:s1+$0x2280]  }
0x36: {  	v2 =	vld [tilespmem:s0+$0x4000]  }
0x37: {  	v5 =	vld [tilespmem:s0+$0x0]  }
0x38: {  	v6 =	vld [tilespmem:s1+$0x2300]  }
0x39: {  	v7 =	vld [tilespmem:s1+$0x280]  }
0x3a: {  	v3 =	vld [tilespmem:s1+$0x4300]  }
0x3b: {  	v8 =	vld [tilespmem:s1+$0x2080]  }
0x3c: {  	v10 =	vld [tilespmem:s1+$0x2100]  }
0x3d: {  	v17 =	vld [tilespmem:s1+$0x80]  }
0x3e: {  	v16 =	vld [tilespmem:s1+$0x100]  }
0x3f: {  	v9 =	vld [tilespmem:s1+$0x2200]  }
0x40: {  	s23 =	sor.u32 s28, s2;
	v12 =	vld [tilespmem:s1+$0x300];
	v2 =	vcvt.s32.f32 v2  }
0x41: {  	v13 =	vld [tilespmem:s1+$0x4280];
	s0 =	sor.u32 $0x180, s23;
	v3 =	vcvt.s32.f32 v3  }
0x42: {  	v20 =	vsub.f32 v8, v17;
	v8 =	vld [tilespmem:s0+$0x4000];
	v11 =	vadd.f32 v2, v2  }
0x43: {  	v16 =	vsub.f32 v10, v16;
	v10 =	vld [tilespmem:s1+$0x4100];
	v15 =	vadd.f32 v3, v3  }
0x44: {  	v1 =	vsub.f32 v1, v5;
	v5 =	vadd.f32 $-1.000000000e+00, v11;
	v11 =	vld [tilespmem:s1+$0x200]  }
0x45: {  	v6 =	vsub.f32 v6, v12;
	v12 =	vadd.f32 $-1.000000000e+00, v15  }
0x46: {  	v15 =	vld [tilespmem:s1+$0x4200];
	v5 =	vmul.f32 v5, v1  }
0x47: {  	v7 =	vsub.f32 v4, v7;
	v1 =	vcvt.s32.f32 v13;
	v13 =	vld [tilespmem:s1+$0x4080];
	v6 =	vmul.f32 v12, v6  }
0x48: {  	v8 =	vcvt.s32.f32 v8;
	v10 =	vcvt.s32.f32 v10;
	v12 =	vld [tilespmem:s1+$0x4000];
	v4 =	vand.u32 $0x7FFFFFFF, v5  }
0x49: {  	v14 =	vld [tilespmem:s0+$0x0];
	v18 =	vand.u32 $0x7FFFFFFF, v6;
	v4 =	vsub.f32 $0.0e+00, v4;
	v19 =	vsub.f32 v9, v11  }
0x4a: {  	vm2 =	vlt.f32 v6, $8.472978470e-01;
	v9 =	vadd.f32 v1, v1;
	v11 =	vld [tilespmem:s0+$0x2000];
	v17 =	vsub.f32 $0.0e+00, v18  }
0x4b: {  	v23 =	vld [tilespmem:s1+$0x0];
	v21 =	vxor.u32 $0x80000000, v6;
	v6 =	vcvt.s32.f32 v15;
	v4 =	vmul.f32 $1.442695020e+00, v4  }
0x4c: {  	v15 =	vld [tilespmem:s1+$0x2000];
	v9 =	vadd.f32 $-1.000000000e+00, v9;
	v22 =	vmul.f32 $1.442695020e+00, v17;
	v17 =	vcvt.s32.f32 v13  }
0x4d: {  	vm0 =	vlt.f32 v5, $8.472978470e-01;
	v5 =	vxor.u32 $0x80000000, v5;
	v18 =	vcvt.s32.f32 v12  }
0x4e: {  	(erf) = vpow2.f32 v4;
	v9 =	vmul.f32 v9, v7;
	v12 =	vadd.f32 v17, v17  }
0x4f: {  	v7 =	vmax.f32 v5, $0.0e+00;
	v13 =	vsub.f32 v11, v14;
	v11 =	vadd.f32 v6, v6  }
0x50: {  	(erf) = vpow2.f32 v22;
	v14 =	vadd.f32 v18, v18;
	v22 =	vadd.f32 v8, v8  }
0x51: {  	v15 =	vsub.f32 v15, v23;
	v5 =	vand.u32 $0x7FFFFFFF, v9;
	v12 =	vadd.f32 $-1.000000000e+00, v12  }
0x52: {  	v4 =	vsel vm0, $0x3F800000, v0;
	v24 =	vsub.f32 $0.0e+00, v5;
	v14 =	vadd.f32 $-1.000000000e+00, v14  }
0x53: {  	vm1 =	vlt.f32 v9, $8.472978470e-01;
	v23 =	vxor.u32 $0x80000000, v9;
	v25 =	vmul.f32 v12, v20  }
0x54: {  	v5 =	vsel vm2, $0x3F800000, v0;
	v20 =	vmul.f32 $1.442695020e+00, v24;
	v14 =	vmul.f32 v14, v15  }
0x55: {  	v23 =	vmax.f32 v23, $0.0e+00;
	v12 =	vadd.f32 v10, v10;
	v15 =	vadd.f32 $-1.000000000e+00, v22  }
0x56: {  	v22 =	vadd.f32 $-1.000000000e+00, v11;
	(erf) = vpow2.f32 v20;
	v20 =	vand.u32 $0x7FFFFFFF, v14  }
0x57: {  	v11 =	vmax.f32 v21, $0.0e+00;
	vm12 =	vlt.f32 v25, $8.472978470e-01;
	v20 =	vsub.f32 $0.0e+00, v20  }
0x58: {  	v12 =	vadd.f32 $-1.000000000e+00, v12;
	v19 =	vmul.f32 v22, v19;
	v22 =	vand.u32 $0x7FFFFFFF, v25  }
0x59: {  	v24 =	vxor.u32 $0x80000000, v14;
	v15 =	vmul.f32 v15, v13;
	v13 =	vmul.f32 $1.442695020e+00, v20  }
0x5a: {  	vm13 =	vlt.f32 v14, $8.472978470e-01;
	v25 =	vxor.u32 $0x80000000, v25;
	v16 =	vmul.f32 v12, v16  }
0x5b: {  	v22 =	vsub.f32 $0.0e+00, v22;
	v12 =	vand.u32 $0x7FFFFFFF, v19;
	(erf) = vpow2.f32 v13  }
0x5c: {  	v25 =	vmax.f32 v25, $0.0e+00;
	v9 =	vpop (erf);
	v26 =	vand.u32 $0x7FFFFFFF, v15;
	v27 =	vand.u32 $0x7FFFFFFF, v16  }
0x5d: {  	v28 =	vxor.u32 $0x80000000, v15;
	v21 =	vmul.f32 $1.402685230e-02, v9;
	v27 =	vsub.f32 $0.0e+00, v27  }
0x5e: {  	v14 =	vmul.f32 $1.442695020e+00, v22;
	v13 =	vmax.f32 v28, $0.0e+00;
	v28 =	vsub.f32 $0.0e+00, v12;
	v12 =	vpop (erf)  }
0x5f: {  	v22 =	vsub.f32 $0.0e+00, v26;
	v26 =	vmul.f32 $1.442695020e+00, v27;
	v27 =	vmul.f32 $1.402685230e-02, v12;
	v29 =	vpop (erf)  }
0x60: {  	v21 =	vadd.f32 $-6.577012690e-02, v21;
	(erf) = vpow2.f32 v14;
	v30 =	vmul.f32 $1.402685230e-02, v29  }
0x61: {  	v24 =	vmax.f32 v24, $0.0e+00;
	vm3 =	vlt.f32 v15, $8.472978470e-01;
	vm15 =	vlt.f32 v19, $8.472978470e-01  }
0x62: {  	v21 =	vmul.f32 v21, v9;
	v14 =	vadd.f32 $-6.577012690e-02, v27;
	v27 =	vadd.f32 $-6.577012690e-02, v30  }
0x63: {  	v20 =	vsel vm12, $0x3F800000, v0;
	v22 =	vmul.f32 $1.442695020e+00, v22;
	(erf) = vpow2.f32 v26  }
0x64: {  	vm14 =	vlt.f32 v16, $8.472978470e-01;
	v21 =	vadd.f32 $1.481067690e-01, v21;
	v15 =	vmul.f32 v27, v29;
	v30 =	vpop (erf)  }
0x65: {  	v16 =	vxor.u32 $0x80000000, v16;
	(erf) = vpow2.f32 v22;
	v22 =	vmul.f32 $1.402685230e-02, v30  }
0x66: {  	v35 =	vmax.f32 v16, $0.0e+00;
	v21 =	vmul.f32 v21, v9;
	v15 =	vadd.f32 $1.481067690e-01, v15  }
0x67: {  	v26 =	vmul.f32 $1.442695020e+00, v28;
	v28 =	vxor.u32 $0x80000000, v19;
	v22 =	vadd.f32 $-6.577012690e-02, v22  }
0x68: {  	v14 =	vmul.f32 v14, v12;
	v21 =	vadd.f32 $-2.341736700e-01, v21;
	v15 =	vmul.f32 v15, v29  }
0x69: {  	v27 =	vsel vm13, $0x3F800000, v0;
	(erf) = vpow2.f32 v26;
	v32 =	vpop (erf);
	v19 =	vmul.f32 v22, v30  }
0x6a: {  	v31 =	vadd.f32 v27, v0;
	v22 =	vmul.f32 $1.402685230e-02, v32;
	v15 =	vadd.f32 $-2.341736700e-01, v15  }
0x6b: {  	v16 =	vsel vm3, $0x3F800000, v0;
	v26 =	vadd.f32 $1.481067690e-01, v14;
	v19 =	vadd.f32 $1.481067690e-01, v19  }
0x6c: {  	v37 =	vmul.f32 v21, v9;
	v33 =	vpop (erf);
	v22 =	vadd.f32 $-6.577012690e-02, v22;
	v36 =	vmul.f32 v15, v29  }
0x6d: {  	v14 =	vsel vm1, $0x3F800000, v0;
	v34 =	vmul.f32 $1.402685230e-02, v33;
	v19 =	vmul.f32 v19, v30  }
0x6e: {  	v31 =	vadd.f32 v20, v31;
	v57 =	vpop (erf);
	v22 =	vmul.f32 v22, v32;
	v21 =	vadd.f32 $3.307878970e-01, v36  }
0x6f: {  	v34 =	vadd.f32 $-6.577012690e-02, v34;
	v38 =	vmul.f32 $1.402685230e-02, v57;
	v39 =	vadd.f32 $-2.341736700e-01, v19  }
0x70: {  	v19 =	vmax.f32 v28, $0.0e+00;
	v22 =	vadd.f32 $1.481067690e-01, v22;
	v28 =	vmul.f32 v21, v29  }
0x71: {  	v26 =	vmul.f32 v26, v12;
	v34 =	vmul.f32 v34, v33;
	v38 =	vadd.f32 $-6.577012690e-02, v38  }
0x72: {  	v39 =	vmul.f32 v39, v30;
	v22 =	vmul.f32 v22, v32;
	v21 =	vpop (erf);
	v28 =	vadd.f32 $-4.998254780e-01, v28  }
0x73: {  	v34 =	vadd.f32 $1.481067690e-01, v34;
	v38 =	vmul.f32 v38, v57;
	v40 =	vmul.f32 $1.402685230e-02, v21  }
0x74: {  	v39 =	vadd.f32 $3.307878970e-01, v39;
	v22 =	vadd.f32 $-2.341736700e-01, v22;
	v28 =	vmul.f32 v28, v29  }
0x75: {  	v34 =	vmul.f32 v34, v33;
	v38 =	vadd.f32 $1.481067690e-01, v38;
	v40 =	vadd.f32 $-6.577012690e-02, v40  }
0x76: {  	v39 =	vmul.f32 v39, v30;
	v22 =	vmul.f32 v22, v32;
	v28 =	vadd.f32 $9.999970790e-01, v28  }
0x77: {  	v34 =	vadd.f32 $-2.341736700e-01, v34;
	v38 =	vmul.f32 v38, v57;
	v40 =	vmul.f32 v40, v21  }
0x78: {  	v39 =	vadd.f32 $-4.998254780e-01, v39;
	v22 =	vadd.f32 $3.307878970e-01, v22;
	v28 =	vmul.f32 v28, v29  }
0x79: {  	v29 =	vmul.f32 v34, v33;
	v58 =	vadd.f32 $-2.341736700e-01, v38;
	v40 =	vadd.f32 $1.481067690e-01, v40  }
0x7a: {  	v26 =	vadd.f32 $-2.341736700e-01, v26;
	v59 =	vmul.f32 v39, v30;
	v22 =	vmul.f32 v22, v32  }
0x7b: {  	v29 =	vadd.f32 $3.307878970e-01, v29;
	v34 =	vmul.f32 v58, v57;
	v60 =	vmul.f32 v40, v21  }
0x7c: {  	v26 =	vmul.f32 v26, v12;
	v38 =	vadd.f32 $9.999970790e-01, v59;
	v22 =	vadd.f32 $-4.998254780e-01, v22  }
0x7d: {  	v29 =	vmul.f32 v29, v33;
	v34 =	vadd.f32 $3.307878970e-01, v34;
	v39 =	vadd.f32 $-2.341736700e-01, v60  }
0x7e: {  	v37 =	vadd.f32 $3.307878970e-01, v37;
	v30 =	vmul.f32 v38, v30;
	v22 =	vmul.f32 v22, v32  }
0x7f: {  	v29 =	vadd.f32 $-4.998254780e-01, v29;
	v34 =	vmul.f32 v34, v57;
	v61 =	vmul.f32 v39, v21  }
0x80: {  	v15 =	vsel vm15, $0x3F800000, v0;
	v24 =	vadd.f32 v30, v24;
	v22 =	vadd.f32 $9.999970790e-01, v22  }
0x81: {  	v29 =	vmul.f32 v29, v33;
	v34 =	vadd.f32 $-4.998254780e-01, v34;
	v30 =	vadd.f32 $3.307878970e-01, v61  }
0x82: {  	v26 =	vadd.f32 $3.307878970e-01, v26;
	v24 =	vmul.f32 v24, v27;
	v22 =	vmul.f32 v22, v32  }
0x83: {  	v29 =	vadd.f32 $9.999970790e-01, v29;
	v27 =	vmul.f32 v30, v21;
	v30 =	vmul.f32 v34, v57  }
0x84: {  	v62 =	vadd.f32 v24, v0;
	v63 =	vmul.f32 v18, v24;
	v18 =	vadd.f32 v28, v23  }
0x85: {  	v22 =	vadd.f32 v22, v25;
	v24 =	vmul.f32 v26, v12;
	v26 =	vsel vm14, $0x3F800000, v0  }
0x86: {  	v23 =	vmul.f32 v29, v33;
	v29 =	vmul.f32 v37, v9;
	v25 =	vadd.f32 $-4.998254780e-01, v27  }
0x87: {  	v20 =	vmul.f32 v22, v20;
	v30 =	vadd.f32 $9.999970790e-01, v30;
	v27 =	vadd.f32 $-4.998254780e-01, v24  }
0x88: {  	v22 =	vadd.f32 v23, v35;
	v28 =	vmul.f32 v25, v21;
	v25 =	vadd.f32 $-4.998254780e-01, v29  }
0x89: {  	v23 =	vadd.f32 v20, v62;
	v17 =	vmul.f32 v17, v20;
	v20 =	vmul.f32 v30, v57  }
0x8a: {  	s31 =	simm.s32 $0x80;
	s28 =	simm.s32 $0x10;
	v24 =	vmul.f32 v22, v26;
	v22 =	vadd.f32 v26, v31;
	v26 =	vadd.f32 v63, v0  }
.LBB2_2:
0x8b: {  	s0 =	sand.u32 $0x70, s28  }
0x8c: {  	s3 =	sand.u32 $0xC00, s31;
	s1 =	sor.u32 s31, s28;
	v28 =	vadd.f32 $9.999970790e-01, v28;
	v27 =	vmul.f32 v27, v12;
	v25 =	vmul.f32 v25, v9;
	s22 =	smov.u32 s28  }
0x8d: {  	v10 =	vmul.f32 v10, v24;
	s0 =	sor.u32 s0, s3;
	s23 =	sor.u32 $0x380, s1;
	s1 =	sadd.s32 $0x10, s28;
	v17 =	vadd.f32 v17, v26;
	v13 =	vadd.f32 v20, v13  }
0x8e: {  	p0 =	sne.s32 s28, $0x1F0;
	v20 =	vld [tilespmem:s23+$0x2000];
	v21 =	vmul.f32 v28, v21;
	v26 =	vadd.f32 $9.999970790e-01, v27;
	v25 =	vadd.f32 $9.999970790e-01, v25  }
0x8f: {  	v23 =	vadd.f32 v24, v23;
	s3 =	sor.u32 s3, s22;
	v27 =	vld [tilespmem:s0+$0x2280];
	v10 =	vadd.f32 v10, v17;
	v13 =	vmul.f32 v13, v16  }
0x90: {  	s28 =	sor.u32 $0x180, s3;
	v16 =	vadd.f32 v16, v22;
	v17 =	vld [tilespmem:s23+$0x4000];
	v19 =	vadd.f32 v21, v19;
	v12 =	vmul.f32 v26, v12  }
0x91: {  	v21 =	vld [tilespmem:s23+$0x0];
	v22 =	vadd.f32 v13, v23;
	v8 =	vmul.f32 v8, v13;
	v13 =	vmul.f32 v18, v14  }
0x92: {  	v9 =	vmul.f32 v25, v9;
	v23 =	vld [tilespmem:s0+$0x2300];
	v18 =	vmul.f32 v19, v15;
	v11 =	vadd.f32 v12, v11  }
0x93: {  	v12 =	vld [tilespmem:s0+$0x280];
	v8 =	vadd.f32 v8, v10;
	v10 =	vadd.f32 v15, v16;
	v1 =	vmul.f32 v1, v13  }
0x94: {  	v7 =	vadd.f32 v9, v7;
	v15 =	vld [tilespmem:s0+$0x4300];
	v6 =	vmul.f32 v6, v18;
	v11 =	vmul.f32 v11, v5  }
0x95: {  	v9 =	vld [tilespmem:s0+$0x2080];
	v16 =	vcvt.s32.f32 v17;
	v17 =	vadd.f32 v18, v22;
	v10 =	vadd.f32 v14, v10  }
0x96: {  	v19 =	vld [tilespmem:s0+$0x2200];
	v14 =	vsub.f32 v20, v21;
	v6 =	vadd.f32 v6, v8;
	v8 =	vmul.f32 v3, v11  }
0x97: {  	v7 =	vmul.f32 v7, v4;
	v20 =	vld [tilespmem:s0+$0x2100];
	v18 =	vadd.f32 v16, v16;
	v13 =	vadd.f32 v13, v17  }
0x98: {  	v12 =	vsub.f32 v27, v12;
	v21 =	vld [tilespmem:s0+$0x300];
	v1 =	vadd.f32 v1, v6  }
0x99: {  	v17 =	vmul.f32 v2, v7;
	v2 =	vmovc v16;
	v6 =	vld [tilespmem:s0+$0x4280];
	v3 =	vcvt.s32.f32 v15;
	v15 =	vadd.f32 $-1.000000000e+00, v18  }
0x9a: {  	v11 =	vadd.f32 v11, v13;
	v16 =	vld [tilespmem:s0+$0x200];
	v1 =	vadd.f32 v8, v1  }
0x9b: {  	v5 =	vadd.f32 v5, v10;
	v8 =	vld [tilespmem:s28+$0x0];
	v13 =	vadd.f32 v3, v3;
	v15 =	vmul.f32 v15, v14  }
0x9c: {  	v18 =	vadd.f32 v7, v11;
	v10 =	vld [tilespmem:s0+$0x100];
	v17 =	vadd.f32 v17, v1  }
0x9d: {  	v7 =	vld [tilespmem:s0+$0x80];
	v11 =	vsub.f32 v23, v21;
	v13 =	vadd.f32 $-1.000000000e+00, v13;
	v14 =	vand.u32 $0x7FFFFFFF, v15  }
0x9e: {  	v21 =	vld [tilespmem:s0+$0x4200];
	v1 =	vcvt.s32.f32 v6;
	v6 =	vsub.f32 $0.0e+00, v14;
	v14 =	vadd.f32 v4, v5  }
0x9f: {  	vm1 =	vlt.f32 v15, $8.472978470e-01;
	v5 =	vld [tilespmem:s0+$0x4080];
	v4 =	vmul.f32 v13, v11;
	v11 =	vxor.u32 $0x80000000, v15  }
0xa0: {  	v15 =	vsub.f32 v19, v16;
	v13 =	vld [tilespmem:s0+$0x4000];
	v16 =	vadd.f32 v1, v1;
	v6 =	vmul.f32 $1.442695020e+00, v6  }
0xa1: {  	v19 =	vld [tilespmem:s28+$0x2000];
	vm0 =	vlt.f32 v4, $8.472978470e-01;
	v22 =	vand.u32 $0x7FFFFFFF, v4;
	v23 =	vxor.u32 $0x80000000, v4  }
0xa2: {  	v25 =	vsub.f32 v20, v10;
	v24 =	vsub.f32 v9, v7;
	v9 =	vld [tilespmem:s28+$0x4000];
	(erf) = vpow2.f32 v6  }
0xa3: {  	v7 =	vadd.f32 $-1.000000000e+00, v16;
	v16 =	vsub.f32 $0.0e+00, v22;
	v10 =	vld [tilespmem:s0+$0x4100];
	v6 =	vcvt.s32.f32 v21  }
0xa4: {  	v4 =	vsel vm1, $0x3F800000, v0  }
0xa5: {  	v12 =	vmul.f32 v7, v12;
	v16 =	vmul.f32 $1.442695020e+00, v16;
	v7 =	vmax.f32 v11, $0.0e+00;
	v21 =	vld [tilespmem:s0+$0x2000]  }
0xa6: {  	v20 =	vcvt.s32.f32 v5;
	v26 =	vadd.f32 v6, v6;
	v11 =	vld [tilespmem:s0+$0x0];
	v19 =	vsub.f32 v19, v8  }
0xa7: {  	v22 =	vcvt.s32.f32 v13;
	v5 =	vand.u32 $0x7FFFFFFF, v12;
	v8 =	vcvt.s32.f32 v9  }
0xa8: {  	v29 =	vadd.f32 v20, v20;
	v10 =	vcvt.s32.f32 v10;
	(erf) = vpow2.f32 v16  }
0xa9: {  	vm1 =	vlt.f32 v12, $8.472978470e-01;
	v13 =	vadd.f32 v22, v22;
	v16 =	vadd.f32 v8, v8  }
0xaa: {  	v28 =	vsub.f32 $0.0e+00, v5;
	v5 =	vsel vm0, $0x3F800000, v0;
	v27 =	vadd.f32 $-1.000000000e+00, v29  }
0xab: {  	v13 =	vadd.f32 $-1.000000000e+00, v13;
	v11 =	vsub.f32 v21, v11;
	v21 =	vxor.u32 $0x80000000, v12;
	v9 =	vpop (erf)  }
0xac: {  	v24 =	vmul.f32 v27, v24;
	v27 =	vmul.f32 $1.442695020e+00, v28;
	v12 =	vadd.f32 v10, v10  }
0xad: {  	v28 =	vmul.f32 v13, v11;
	v13 =	vadd.f32 $-1.000000000e+00, v16;
	v16 =	vadd.f32 $-1.000000000e+00, v26  }
0xae: {  	vm0 =	vlt.f32 v24, $8.472978470e-01;
	v11 =	vmax.f32 v23, $0.0e+00;
	(erf) = vpow2.f32 v27  }
0xaf: {  	v23 =	vand.u32 $0x7FFFFFFF, v28;
	v15 =	vmul.f32 v16, v15;
	v16 =	vmul.f32 $1.402685230e-02, v9  }
0xb0: {  	v26 =	vand.u32 $0x7FFFFFFF, v24;
	v27 =	vadd.f32 $-1.000000000e+00, v12;
	v23 =	vsub.f32 $0.0e+00, v23  }
0xb1: {  	v29 =	vxor.u32 $0x80000000, v28;
	v19 =	vmul.f32 v13, v19;
	v16 =	vadd.f32 $-6.577012690e-02, v16;
	v12 =	vpop (erf)  }
0xb2: {  	v25 =	vmul.f32 v27, v25;
	v13 =	vmul.f32 $1.442695020e+00, v23;
	v23 =	vsel vm0, $0x3F800000, v0  }
0xb3: {  	v26 =	vsub.f32 $0.0e+00, v26;
	v27 =	vand.u32 $0x7FFFFFFF, v19;
	v30 =	vand.u32 $0x7FFFFFFF, v15  }
0xb4: {  	v32 =	vxor.u32 $0x80000000, v19;
	v31 =	vand.u32 $0x7FFFFFFF, v25;
	(erf) = vpow2.f32 v13  }
0xb5: {  	v30 =	vsub.f32 $0.0e+00, v30;
	v31 =	vsub.f32 $0.0e+00, v31;
	v13 =	vmax.f32 v32, $0.0e+00  }
0xb6: {  	vm3 =	vlt.f32 v28, $8.472978470e-01;
	v26 =	vmul.f32 $1.442695020e+00, v26;
	v27 =	vsub.f32 $0.0e+00, v27  }
0xb7: {  	vm0 =	vlt.f32 v25, $8.472978470e-01;
	v28 =	vmul.f32 $1.442695020e+00, v31;
	v31 =	vmul.f32 $1.402685230e-02, v12;
	v32 =	vpop (erf)  }
0xb8: {  	v25 =	vxor.u32 $0x80000000, v25;
	v33 =	vmul.f32 $1.402685230e-02, v32;
	(erf) = vpow2.f32 v26  }
0xb9: {  	v16 =	vmul.f32 v16, v9;
	v26 =	vadd.f32 $-6.577012690e-02, v31;
	(erf) = vpow2.f32 v28  }
0xba: {  	v24 =	vxor.u32 $0x80000000, v24;
	v28 =	vmul.f32 $1.442695020e+00, v30;
	v30 =	vadd.f32 $-6.577012690e-02, v33  }
0xbb: {  	v27 =	vmul.f32 $1.442695020e+00, v27;
	v16 =	vadd.f32 $1.481067690e-01, v16;
	v31 =	vxor.u32 $0x80000000, v15  }
0xbc: {  	v24 =	vmax.f32 v24, $0.0e+00;
	vm2 =	vlt.f32 v19, $8.472978470e-01;
	v19 =	vmul.f32 v30, v32  }
0xbd: {  	v16 =	vmul.f32 v16, v9;
	v30 =	vsel vm3, $0x3F800000, v0;
	v33 =	vpop (erf);
	(erf) = vpow2.f32 v27  }
0xbe: {  	v34 =	vadd.f32 v30, v14;
	v27 =	vmul.f32 $1.402685230e-02, v33;
	v14 =	vadd.f32 $1.481067690e-01, v19  }
0xbf: {  	v19 =	vmul.f32 v26, v12;
	v26 =	vadd.f32 $-2.341736700e-01, v16;
	(erf) = vpow2.f32 v28  }
0xc0: {  	v16 =	vadd.f32 $-6.577012690e-02, v27;
	v27 =	vmax.f32 v29, $0.0e+00;
	v14 =	vmul.f32 v14, v32  }
0xc1: {  	vm3 =	vlt.f32 v15, $8.472978470e-01;
	v28 =	vmax.f32 v21, $0.0e+00;
	v29 =	vadd.f32 $1.481067690e-01, v19;
	v35 =	vpop (erf)  }
0xc2: {  	v15 =	vmul.f32 v16, v33;
	v19 =	vmul.f32 $1.402685230e-02, v35;
	v21 =	vadd.f32 $-2.341736700e-01, v14;
	v36 =	vpop (erf)  }
0xc3: {  	v25 =	vmax.f32 v25, $0.0e+00;
	v14 =	vsel vm1, $0x3F800000, v0;
	v37 =	vmul.f32 $1.402685230e-02, v36  }
0xc4: {  	v16 =	vsel vm2, $0x3F800000, v0;
	v15 =	vadd.f32 $1.481067690e-01, v15;
	v21 =	vmul.f32 v21, v32  }
0xc5: {  	v34 =	vadd.f32 v23, v34;
	v26 =	vmul.f32 v26, v9;
	v19 =	vadd.f32 $-6.577012690e-02, v19  }
0xc6: {  	v38 =	vmul.f32 v15, v33;
	v15 =	vsel vm3, $0x3F800000, v0;
	v42 =	vadd.f32 $3.307878970e-01, v21;
	v39 =	vpop (erf)  }
0xc7: {  	v37 =	vadd.f32 $-6.577012690e-02, v37;
	v40 =	vmul.f32 v19, v35;
	v41 =	vmul.f32 $1.402685230e-02, v39  }
0xc8: {  	v19 =	vmax.f32 v31, $0.0e+00;
	v38 =	vadd.f32 $-2.341736700e-01, v38;
	v31 =	vmul.f32 v42, v32;
	v21 =	vpop (erf)  }
0xc9: {  	v37 =	vmul.f32 v37, v36;
	v40 =	vadd.f32 $1.481067690e-01, v40;
	v41 =	vadd.f32 $-6.577012690e-02, v41  }
0xca: {  	v42 =	vmul.f32 $1.402685230e-02, v21;
	v38 =	vmul.f32 v38, v33;
	v31 =	vadd.f32 $-4.998254780e-01, v31  }
0xcb: {  	v37 =	vadd.f32 $1.481067690e-01, v37;
	v40 =	vmul.f32 v40, v35;
	v41 =	vmul.f32 v41, v39  }
0xcc: {  	v42 =	vadd.f32 $-6.577012690e-02, v42;
	v38 =	vadd.f32 $3.307878970e-01, v38;
	v31 =	vmul.f32 v31, v32  }
0xcd: {  	v37 =	vmul.f32 v37, v36;
	v40 =	vadd.f32 $-2.341736700e-01, v40;
	v41 =	vadd.f32 $1.481067690e-01, v41  }
0xce: {  	v42 =	vmul.f32 v42, v21;
	v38 =	vmul.f32 v38, v33;
	v31 =	vadd.f32 $9.999970790e-01, v31  }
0xcf: {  	v37 =	vadd.f32 $-2.341736700e-01, v37;
	v40 =	vmul.f32 v40, v35;
	v41 =	vmul.f32 v41, v39  }
0xd0: {  	v42 =	vadd.f32 $1.481067690e-01, v42;
	v38 =	vadd.f32 $-4.998254780e-01, v38;
	v31 =	vmul.f32 v31, v32  }
0xd1: {  	v37 =	vmul.f32 v37, v36;
	v32 =	vadd.f32 $3.307878970e-01, v40;
	v40 =	vadd.f32 $-2.341736700e-01, v41  }
0xd2: {  	v26 =	vadd.f32 $3.307878970e-01, v26;
	v41 =	vmul.f32 v42, v21;
	v38 =	vmul.f32 v38, v33  }
0xd3: {  	v37 =	vadd.f32 $3.307878970e-01, v37;
	v32 =	vmul.f32 v32, v35;
	v40 =	vmul.f32 v40, v39  }
0xd4: {  	v29 =	vmul.f32 v29, v12;
	v41 =	vadd.f32 $-2.341736700e-01, v41;
	v38 =	vadd.f32 $9.999970790e-01, v38  }
0xd5: {  	v37 =	vmul.f32 v37, v36;
	v32 =	vadd.f32 $-4.998254780e-01, v32;
	v40 =	vadd.f32 $3.307878970e-01, v40  }
0xd6: {  	v29 =	vadd.f32 $-2.341736700e-01, v29;
	v33 =	vmul.f32 v38, v33;
	v38 =	vmul.f32 v41, v21  }
0xd7: {  	v37 =	vadd.f32 $-4.998254780e-01, v37;
	v32 =	vmul.f32 v32, v35;
	v40 =	vmul.f32 v40, v39  }
0xd8: {  	v29 =	vmul.f32 v29, v12;
	v27 =	vadd.f32 v33, v27;
	v33 =	vadd.f32 $3.307878970e-01, v38  }
0xd9: {  	v37 =	vmul.f32 v37, v36;
	v32 =	vadd.f32 $9.999970790e-01, v32;
	v38 =	vadd.f32 $-4.998254780e-01, v40  }
0xda: {  	v29 =	vadd.f32 $3.307878970e-01, v29;
	v27 =	vmul.f32 v27, v30;
	v30 =	vmul.f32 v33, v21  }
0xdb: {  	v32 =	vmul.f32 v32, v35;
	v33 =	vadd.f32 $9.999970790e-01, v37;
	v35 =	vmul.f32 v38, v39  }
0xdc: {  	v37 =	vadd.f32 v27, v18;
	v38 =	vmul.f32 v22, v27;
	v18 =	vadd.f32 v31, v28  }
0xdd: {  	v22 =	vadd.f32 v32, v24;
	v24 =	vmul.f32 v33, v36;
	v27 =	vmul.f32 v29, v12  }
.Ltmp0:
0xde: {  	v26 =	vmul.f32 v26, v9;
	v29 =	vsel vm0, $0x3F800000, v0;
	v28 =	vadd.f32 $-4.998254780e-01, v30;
	(pc) =	sbr.rel @p0 .LBB2_2-.Ltmp0, $4  }
0xdf: {  	v31 =	vadd.f32 $9.999970790e-01, v35;
	v30 =	vmul.f32 v22, v23;
	v22 =	vadd.f32 v24, v25  }
0xe0: {  	v28 =	vmul.f32 v28, v21;
	v27 =	vadd.f32 $-4.998254780e-01, v27;
	v25 =	vadd.f32 $-4.998254780e-01, v26  }
0xe1: {  	v23 =	vadd.f32 v30, v37;
	v24 =	vmul.f32 v22, v29;
	v22 =	vadd.f32 v29, v34  }
0xe2: {  	s31 =	sadd.s32 $0x80, s31;
	s28 =	smov.u32 s1;
	v26 =	vadd.f32 v38, v17;
	v17 =	vmul.f32 v20, v30;
	v20 =	vmul.f32 v31, v39  }
0xe3: {  	s1 =	simm.s32 $0x0  }
0xe4: {  	[tilespmem:s1], [sflag:$0x1] =	stream.linear.gather [hbm4b:s9+s1], $0x1000, $0x38;
	[tilespmem:$0x6200] =	vst v63  }
0xe5: {  	_ = 	snop  }
0xe6: {  	[tilespmem:s20], [sflag:$0x1] =	stream.linear.gather [hbm4b:s10+s1], $0x1000, $0x38;
	[tilespmem:$0x6200] =	vst v63  }
0xe7: {  	_ = 	snop  }
0xe8: {  	[tilespmem:s21], [sflag:$0x1] =	stream.linear.gather [hbm4b:s11+s1], $0x1000, $0x38;
	[tilespmem:$0x6200] =	vst v63  }
0xe9: {  	_ =	swait.ge [sflag:s26], $0x1000  }
0xea: {  	[sflag:s26] =	ssyncset.done $0x0  }
0xeb: {  	[sflag:s26] =	ssyncadd.s32 $0xFFFFF000  }
0xec: {  	_ =	swait.ge [sflag:s26], $0x1000  }
0xed: {  	[sflag:s26] =	ssyncset.done $0x0  }
0xee: {  	v28 =	vadd.f32 $9.999970790e-01, v28;
	[sflag:s26] =	ssyncadd.s32 $0xFFFFF000  }
0xef: {  	v27 =	vmul.f32 v27, v12;
	_ =	swait.ge [sflag:s26], $0x1000  }
0xf0: {  	v10 =	vmul.f32 v10, v24;
	s0 =	sor.u32 s1, s1;
	v13 =	vadd.f32 v20, v13;
	s3 =	sand.u32 $0x70, s1;
	v20 =	vmul.f32 v28, v21;
	[sflag:s26] =	ssyncset.done $0x0  }
0xf1: {  	v25 =	vmul.f32 v25, v9;
	s22 =	sand.u32 $0xC00, s1;
	v17 =	vadd.f32 v17, v26;
	s23 =	sor.u32 $0x1380, s0;
	v21 =	vadd.f32 $9.999970790e-01, v27;
	[sflag:s26] =	ssyncadd.s32 $0xFFFFF000  }
0xf2: {  	v23 =	vadd.f32 v24, v23;
	s3 =	sor.u32 s3, s22;
	v13 =	vmul.f32 v13, v16;
	v19 =	vadd.f32 v20, v19;
	v26 =	vld [tilespmem:s23+$0x2000]  }
0xf3: {  	v24 =	vadd.f32 $9.999970790e-01, v25;
	v10 =	vadd.f32 v10, v17;
	v12 =	vmul.f32 v21, v12;
	v20 =	vld [tilespmem:s3+$0x3280]  }
0xf4: {  	v8 =	vmul.f32 v8, v13;
	v13 =	vadd.f32 v13, v23;
	v17 =	vmul.f32 v19, v15;
	v21 =	vld [tilespmem:s23+$0x4000]  }
0xf5: {  	v18 =	vmul.f32 v18, v14;
	v19 =	vld [tilespmem:s23+$0x0]  }
0xf6: {  	v9 =	vmul.f32 v24, v9;
	v11 =	vadd.f32 v12, v11;
	v13 =	vadd.f32 v17, v13;
	v23 =	vld [tilespmem:s3+$0x3300]  }
0xf7: {  	v12 =	vadd.f32 v16, v22;
	v8 =	vadd.f32 v8, v10;
	v6 =	vmul.f32 v6, v17;
	v10 =	vld [tilespmem:s3+$0x1280]  }
0xf8: {  	v7 =	vadd.f32 v9, v7;
	v11 =	vmul.f32 v11, v5;
	v13 =	vadd.f32 v18, v13;
	v22 =	vld [tilespmem:s3+$0x5300]  }
0xf9: {  	v16 =	vmul.f32 v1, v18;
	v6 =	vadd.f32 v6, v8;
	v8 =	vld [tilespmem:s3+$0x3080]  }
0xfa: {  	v7 =	vmul.f32 v7, v4;
	v3 =	vmul.f32 v3, v11;
	v11 =	vadd.f32 v11, v13;
	v9 =	vld [tilespmem:s3+$0x3200]  }
0xfb: {  	v12 =	vadd.f32 v15, v12;
	v15 =	vld [tilespmem:s3+$0x3100]  }
0xfc: {  	v6 =	vadd.f32 v16, v6;
	v18 =	vadd.f32 v7, v11;
	v11 =	vld [tilespmem:s3+$0x1080]  }
0xfd: {  	v12 =	vadd.f32 v14, v12;
	v2 =	vmul.f32 v2, v7;
	v7 =	vld [tilespmem:s3+$0x1100]  }
0xfe: {  	v6 =	vadd.f32 v3, v6;
	v1 =	vcvt.s32.f32 v21;
	v21 =	vld [tilespmem:s3+$0x1200]  }
0xff: {  	s1 =	sor.u32 s22, s1;
	v5 =	vadd.f32 v5, v12;
	v16 =	vld [tilespmem:s3+$0x1300]  }
0x100: {  	s1 =	sor.u32 $0x1180, s1;
	v13 =	vld [tilespmem:s3+$0x5280];
	v17 =	vadd.f32 v2, v6;
	v3 =	vcvt.s32.f32 v22;
	v14 =	vadd.f32 v1, v1  }
0x101: {  	v19 =	vsub.f32 v26, v19;
	v11 =	vsub.f32 v8, v11;
	v8 =	vld [tilespmem:s1+$0x4000]  }
0x102: {  	v22 =	vadd.f32 v3, v3;
	v14 =	vadd.f32 $-1.000000000e+00, v14  }
0x103: {  	v12 =	vld [tilespmem:s1+$0x0];
	v15 =	vsub.f32 v15, v7;
	v21 =	vsub.f32 v9, v21  }
0x104: {  	v9 =	vld [tilespmem:s1+$0x2000];
	v6 =	vmul.f32 v14, v19;
	v14 =	vsub.f32 v23, v16;
	v16 =	vadd.f32 $-1.000000000e+00, v22  }
0x105: {  	v2 =	vcvt.s32.f32 v13;
	v19 =	vadd.f32 v4, v5;
	v5 =	vsub.f32 v20, v10;
	v10 =	vld [tilespmem:s3+$0x5200]  }
0x106: {  	v8 =	vcvt.s32.f32 v8;
	v22 =	vld [tilespmem:s3+$0x5000];
	v4 =	vand.u32 $0x7FFFFFFF, v6;
	v14 =	vmul.f32 v16, v14  }
0x107: {  	v23 =	vld [tilespmem:s3+$0x5100];
	vm0 =	vlt.f32 v6, $8.472978470e-01;
	v16 =	vxor.u32 $0x80000000, v6;
	v6 =	vadd.f32 v2, v2  }
0x108: {  	v13 =	vld [tilespmem:s3+$0x5080];
	v27 =	vadd.f32 v8, v8;
	v4 =	vsub.f32 $0.0e+00, v4;
	vm2 =	vlt.f32 v14, $8.472978470e-01  }
0x109: {  	v20 =	vand.u32 $0x7FFFFFFF, v14;
	v14 =	vxor.u32 $0x80000000, v14;
	v7 =	vadd.f32 $-1.000000000e+00, v6  }
0x10a: {  	v24 =	vld [tilespmem:s3+$0x3000];
	v4 =	vmul.f32 $1.442695020e+00, v4;
	v20 =	vsub.f32 $0.0e+00, v20;
	v6 =	vcvt.s32.f32 v10  }
0x10b: {  	v22 =	vcvt.s32.f32 v22;
	v25 =	vmul.f32 v7, v5;
	v7 =	vmax.f32 v16, $0.0e+00;
	v16 =	vld [tilespmem:s3+$0x1000]  }
0x10c: {  	v12 =	vsub.f32 v9, v12;
	v10 =	vcvt.s32.f32 v23;
	(erf) = vpow2.f32 v4  }
0x10d: {  	v4 =	vsel vm0, $0x3F800000, v0;
	v5 =	vmul.f32 $1.442695020e+00, v20;
	v20 =	vcvt.s32.f32 v13  }
0x10e: {  	v9 =	vadd.f32 v6, v6;
	v23 =	vadd.f32 v22, v22;
	v13 =	vand.u32 $0x7FFFFFFF, v25  }
0x10f: {  	vm1 =	vlt.f32 v25, $8.472978470e-01;
	v26 =	vadd.f32 v20, v20;
	v13 =	vsub.f32 $0.0e+00, v13  }
0x110: {  	(erf) = vpow2.f32 v5;
	v23 =	vadd.f32 $-1.000000000e+00, v23;
	v16 =	vsub.f32 v24, v16  }
0x111: {  	v5 =	vsel vm2, $0x3F800000, v0;
	v26 =	vadd.f32 $-1.000000000e+00, v26;
	v24 =	vxor.u32 $0x80000000, v25  }
0x112: {  	v13 =	vmul.f32 $1.442695020e+00, v13;
	v24 =	vmax.f32 v24, $0.0e+00;
	v16 =	vmul.f32 v23, v16  }
0x113: {  	v25 =	vmul.f32 v26, v11;
	v26 =	vadd.f32 v10, v10;
	v23 =	vadd.f32 $-1.000000000e+00, v27  }
0x114: {  	v27 =	vadd.f32 $-1.000000000e+00, v9;
	(erf) = vpow2.f32 v13;
	v13 =	vand.u32 $0x7FFFFFFF, v16  }
0x115: {  	v11 =	vmax.f32 v14, $0.0e+00;
	vm12 =	vlt.f32 v25, $8.472978470e-01;
	v13 =	vsub.f32 $0.0e+00, v13  }
0x116: {  	v14 =	vmul.f32 v27, v21;
	v27 =	vand.u32 $0x7FFFFFFF, v25;
	v26 =	vadd.f32 $-1.000000000e+00, v26  }
0x117: {  	v28 =	vxor.u32 $0x80000000, v16;
	v29 =	vmul.f32 v23, v12;
	v12 =	vmul.f32 $1.442695020e+00, v13  }
0x118: {  	vm13 =	vlt.f32 v16, $8.472978470e-01;
	v25 =	vxor.u32 $0x80000000, v25;
	v23 =	vsel vm12, $0x3F800000, v0  }
0x119: {  	v9 =	vpop (erf);
	v15 =	vmul.f32 v26, v15;
	v26 =	vsub.f32 $0.0e+00, v27;
	(erf) = vpow2.f32 v12  }
0x11a: {  	v25 =	vmax.f32 v25, $0.0e+00;
	v21 =	vmul.f32 $1.402685230e-02, v9;
	v27 =	vand.u32 $0x7FFFFFFF, v29  }
0x11b: {  	v30 =	vand.u32 $0x7FFFFFFF, v14;
	v13 =	vand.u32 $0x7FFFFFFF, v15;
	v16 =	vmul.f32 $1.442695020e+00, v26  }
0x11c: {  	v31 =	vxor.u32 $0x80000000, v29;
	vm3 =	vlt.f32 v29, $8.472978470e-01;
	v32 =	vsub.f32 $0.0e+00, v13;
	v12 =	vpop (erf)  }
0x11d: {  	v30 =	vsub.f32 $0.0e+00, v30;
	v21 =	vadd.f32 $-6.577012690e-02, v21;
	(erf) = vpow2.f32 v16;
	v52 =	vpop (erf)  }
0x11e: {  	v26 =	vsub.f32 $0.0e+00, v27;
	v27 =	vmul.f32 $1.442695020e+00, v32;
	v33 =	vmul.f32 $1.402685230e-02, v52  }
0x11f: {  	vm15 =	vlt.f32 v14, $8.472978470e-01;
	vm14 =	vlt.f32 v15, $8.472978470e-01;
	v21 =	vmul.f32 v21, v9  }
0x120: {  	(erf) = vpow2.f32 v27;
	v27 =	vmul.f32 $1.442695020e+00, v30;
	v30 =	vadd.f32 $-6.577012690e-02, v33  }
0x121: {  	v13 =	vmax.f32 v31, $0.0e+00;
	v26 =	vmul.f32 $1.442695020e+00, v26;
	v31 =	vmul.f32 $1.402685230e-02, v12  }
0x122: {  	v15 =	vxor.u32 $0x80000000, v15;
	v21 =	vadd.f32 $1.481067690e-01, v21;
	v29 =	vmul.f32 v30, v52;
	v53 =	vpop (erf)  }
0x123: {  	v16 =	vadd.f32 $-6.577012690e-02, v31;
	(erf) = vpow2.f32 v26;
	v26 =	vmul.f32 $1.402685230e-02, v53  }
0x124: {  	v37 =	vmax.f32 v15, $0.0e+00;
	v31 =	vxor.u32 $0x80000000, v14;
	v29 =	vadd.f32 $1.481067690e-01, v29  }
0x125: {  	v21 =	vmul.f32 v21, v9;
	v16 =	vmul.f32 v16, v12;
	v26 =	vadd.f32 $-6.577012690e-02, v26  }
0x126: {  	(erf) = vpow2.f32 v27;
	v27 =	vmax.f32 v28, $0.0e+00;
	v28 =	vmul.f32 v29, v52  }
0x127: {  	v21 =	vadd.f32 $-2.341736700e-01, v21;
	v34 =	vpop (erf);
	v29 =	vadd.f32 $1.481067690e-01, v16;
	v16 =	vmul.f32 v26, v53  }
0x128: {  	v30 =	vsel vm13, $0x3F800000, v0;
	v26 =	vmul.f32 $1.402685230e-02, v34;
	v28 =	vadd.f32 $-2.341736700e-01, v28  }
0x129: {  	v14 =	vsel vm1, $0x3F800000, v0;
	v19 =	vadd.f32 v30, v19;
	v35 =	vpop (erf);
	v15 =	vadd.f32 $1.481067690e-01, v16  }
0x12a: {  	v36 =	vmul.f32 $1.402685230e-02, v35;
	v28 =	vmul.f32 v28, v52;
	v26 =	vadd.f32 $-6.577012690e-02, v26  }
0x12b: {  	v39 =	vmul.f32 v21, v9;
	v38 =	vadd.f32 v23, v19;
	v19 =	vmul.f32 v15, v53  }
0x12c: {  	v36 =	vadd.f32 $-6.577012690e-02, v36;
	v21 =	vadd.f32 $3.307878970e-01, v28;
	v26 =	vmul.f32 v26, v34  }
0x12d: {  	v39 =	vadd.f32 $3.307878970e-01, v39;
	v29 =	vmul.f32 v29, v12;
	v41 =	vadd.f32 $-2.341736700e-01, v19  }
0x12e: {  	v16 =	vsel vm3, $0x3F800000, v0;
	v36 =	vmul.f32 v36, v35;
	v28 =	vpop (erf);
	v26 =	vadd.f32 $1.481067690e-01, v26  }
0x12f: {  	v19 =	vmax.f32 v31, $0.0e+00;
	v40 =	vmul.f32 $1.402685230e-02, v28;
	v41 =	vmul.f32 v41, v53  }
0x130: {  	v31 =	vmul.f32 v21, v52;
	v36 =	vadd.f32 $1.481067690e-01, v36;
	v21 =	vpop (erf);
	v26 =	vmul.f32 v26, v34  }
0x131: {  	v40 =	vadd.f32 $-6.577012690e-02, v40;
	v42 =	vmul.f32 $1.402685230e-02, v21;
	v41 =	vadd.f32 $3.307878970e-01, v41  }
0x132: {  	v29 =	vadd.f32 $-2.341736700e-01, v29;
	v36 =	vmul.f32 v36, v35;
	v26 =	vadd.f32 $-2.341736700e-01, v26  }
0x133: {  	v40 =	vmul.f32 v40, v28;
	v42 =	vadd.f32 $-6.577012690e-02, v42;
	v41 =	vmul.f32 v41, v53  }
0x134: {  	v15 =	vsel vm15, $0x3F800000, v0;
	v36 =	vadd.f32 $-2.341736700e-01, v36;
	v26 =	vmul.f32 v26, v34  }
0x135: {  	v40 =	vadd.f32 $1.481067690e-01, v40;
	v42 =	vmul.f32 v42, v21;
	v41 =	vadd.f32 $-4.998254780e-01, v41  }
0x136: {  	v29 =	vmul.f32 v29, v12;
	v54 =	vmul.f32 v36, v35;
	v26 =	vadd.f32 $3.307878970e-01, v26  }
0x137: {  	v40 =	vmul.f32 v40, v28;
	v42 =	vadd.f32 $1.481067690e-01, v42;
	v56 =	vmul.f32 v41, v53  }
0x138: {  	v29 =	vadd.f32 $3.307878970e-01, v29;
	v32 =	vadd.f32 $3.307878970e-01, v54;
	v26 =	vmul.f32 v26, v34  }
0x139: {  	v55 =	vadd.f32 $-2.341736700e-01, v40;
	v57 =	vmul.f32 v42, v21;
	v40 =	vadd.f32 $9.999970790e-01, v56  }
0x13a: {  	v31 =	vadd.f32 $-4.998254780e-01, v31;
	v32 =	vmul.f32 v32, v35;
	v26 =	vadd.f32 $-4.998254780e-01, v26  }
0x13b: {  	v36 =	vmul.f32 v55, v28;
	v41 =	vadd.f32 $-2.341736700e-01, v57;
	v33 =	vmul.f32 v40, v53  }
0x13c: {  	v31 =	vmul.f32 v31, v52;
	v32 =	vadd.f32 $-4.998254780e-01, v32;
	v26 =	vmul.f32 v26, v34  }
0x13d: {  	v36 =	vadd.f32 $3.307878970e-01, v36;
	v58 =	vmul.f32 v41, v21;
	v27 =	vadd.f32 v33, v27  }
0x13e: {  	v31 =	vadd.f32 $9.999970790e-01, v31;
	v32 =	vmul.f32 v32, v35;
	v26 =	vadd.f32 $9.999970790e-01, v26  }
0x13f: {  	v36 =	vmul.f32 v36, v28;
	v59 =	vadd.f32 $3.307878970e-01, v58;
	v27 =	vmul.f32 v27, v30  }
0x140: {  	v31 =	vmul.f32 v31, v52;
	v32 =	vadd.f32 $9.999970790e-01, v32;
	v26 =	vmul.f32 v26, v34  }
0x141: {  	v36 =	vadd.f32 $-4.998254780e-01, v36;
	v30 =	vmul.f32 v59, v21;
	v61 =	vadd.f32 v27, v18  }
0x142: {  	v62 =	vmul.f32 v22, v27;
	v18 =	vadd.f32 v31, v24;
	v22 =	vadd.f32 v26, v25  }
0x143: {  	v24 =	vmul.f32 v32, v35;
	v25 =	vmul.f32 v29, v12;
	v29 =	vsel vm14, $0x3F800000, v0  }
0x144: {  	v60 =	vmul.f32 v36, v28;
	v26 =	vadd.f32 $-4.998254780e-01, v30;
	v30 =	vmul.f32 v39, v9  }
0x145: {  	v31 =	vmul.f32 v22, v23;
	v22 =	vadd.f32 v24, v37;
	v17 =	vadd.f32 v62, v17  }
0x146: {  	v63 =	vadd.f32 $9.999970790e-01, v60;
	v27 =	vmul.f32 v26, v21;
	v26 =	vadd.f32 $-4.998254780e-01, v25  }
0x147: {  	v25 =	vadd.f32 $-4.998254780e-01, v30;
	v23 =	vadd.f32 v31, v61;
	v24 =	vmul.f32 v22, v29  }
0x148: {  	s28 =	simm.s32 $0x10;
	s31 =	simm.s32 $0x80;
	v22 =	vadd.f32 v29, v38;
	v20 =	vmul.f32 v20, v31;
	v28 =	vmul.f32 v63, v28  }
.LBB2_4:
0x149: {  	s0 =	sand.u32 $0x70, s28  }
0x14a: {  	s3 =	sand.u32 $0xC00, s31;
	s1 =	sor.u32 s31, s28;
	v27 =	vadd.f32 $9.999970790e-01, v27;
	v26 =	vmul.f32 v26, v12;
	v25 =	vmul.f32 v25, v9;
	s22 =	smov.u32 s28  }
0x14b: {  	v10 =	vmul.f32 v10, v24;
	s0 =	sor.u32 s0, s3;
	s23 =	sor.u32 $0x1380, s1;
	s1 =	sadd.s32 $0x10, s28;
	v17 =	vadd.f32 v20, v17;
	v13 =	vadd.f32 v28, v13  }
0x14c: {  	p0 =	sne.s32 s28, $0x1F0;
	v20 =	vld [tilespmem:s23+$0x2000];
	v21 =	vmul.f32 v27, v21;
	v26 =	vadd.f32 $9.999970790e-01, v26;
	v25 =	vadd.f32 $9.999970790e-01, v25  }
0x14d: {  	v23 =	vadd.f32 v24, v23;
	s3 =	sor.u32 s3, s22;
	v27 =	vld [tilespmem:s0+$0x3280];
	v10 =	vadd.f32 v10, v17;
	v13 =	vmul.f32 v13, v16  }
0x14e: {  	s28 =	sor.u32 $0x1180, s3;
	v16 =	vadd.f32 v16, v22;
	v17 =	vld [tilespmem:s23+$0x4000];
	v19 =	vadd.f32 v21, v19;
	v12 =	vmul.f32 v26, v12  }
0x14f: {  	v21 =	vld [tilespmem:s23+$0x0];
	v22 =	vadd.f32 v13, v23;
	v8 =	vmul.f32 v8, v13;
	v13 =	vmul.f32 v18, v14  }
0x150: {  	v9 =	vmul.f32 v25, v9;
	v23 =	vld [tilespmem:s0+$0x3300];
	v18 =	vmul.f32 v19, v15;
	v11 =	vadd.f32 v12, v11  }
0x151: {  	v12 =	vld [tilespmem:s0+$0x1280];
	v8 =	vadd.f32 v8, v10;
	v10 =	vadd.f32 v15, v16;
	v2 =	vmul.f32 v2, v13  }
0x152: {  	v7 =	vadd.f32 v9, v7;
	v15 =	vld [tilespmem:s0+$0x5300];
	v6 =	vmul.f32 v6, v18;
	v11 =	vmul.f32 v11, v5  }
0x153: {  	v9 =	vld [tilespmem:s0+$0x3080];
	v16 =	vcvt.s32.f32 v17;
	v17 =	vadd.f32 v18, v22;
	v10 =	vadd.f32 v14, v10  }
0x154: {  	v19 =	vld [tilespmem:s0+$0x3200];
	v14 =	vsub.f32 v20, v21;
	v6 =	vadd.f32 v6, v8;
	v8 =	vmul.f32 v3, v11  }
0x155: {  	v7 =	vmul.f32 v7, v4;
	v20 =	vld [tilespmem:s0+$0x3100];
	v18 =	vadd.f32 v16, v16;
	v13 =	vadd.f32 v13, v17  }
0x156: {  	v12 =	vsub.f32 v27, v12;
	v21 =	vld [tilespmem:s0+$0x1300];
	v2 =	vadd.f32 v2, v6  }
0x157: {  	v17 =	vmul.f32 v1, v7;
	v1 =	vmovc v16;
	v6 =	vld [tilespmem:s0+$0x5280];
	v3 =	vcvt.s32.f32 v15;
	v15 =	vadd.f32 $-1.000000000e+00, v18  }
0x158: {  	v11 =	vadd.f32 v11, v13;
	v16 =	vld [tilespmem:s0+$0x1200];
	v2 =	vadd.f32 v8, v2  }
0x159: {  	v5 =	vadd.f32 v5, v10;
	v8 =	vld [tilespmem:s28+$0x0];
	v13 =	vadd.f32 v3, v3;
	v15 =	vmul.f32 v15, v14  }
0x15a: {  	v18 =	vadd.f32 v7, v11;
	v10 =	vld [tilespmem:s0+$0x1100];
	v17 =	vadd.f32 v17, v2  }
0x15b: {  	v7 =	vld [tilespmem:s0+$0x1080];
	v11 =	vsub.f32 v23, v21;
	v13 =	vadd.f32 $-1.000000000e+00, v13;
	v14 =	vand.u32 $0x7FFFFFFF, v15  }
0x15c: {  	v21 =	vld [tilespmem:s0+$0x5200];
	v2 =	vcvt.s32.f32 v6;
	v6 =	vsub.f32 $0.0e+00, v14;
	v14 =	vadd.f32 v4, v5  }
0x15d: {  	vm1 =	vlt.f32 v15, $8.472978470e-01;
	v5 =	vld [tilespmem:s0+$0x5080];
	v4 =	vmul.f32 v13, v11;
	v11 =	vxor.u32 $0x80000000, v15  }
0x15e: {  	v15 =	vsub.f32 v19, v16;
	v13 =	vld [tilespmem:s0+$0x5000];
	v16 =	vadd.f32 v2, v2;
	v6 =	vmul.f32 $1.442695020e+00, v6  }
0x15f: {  	v19 =	vld [tilespmem:s28+$0x2000];
	vm0 =	vlt.f32 v4, $8.472978470e-01;
	v22 =	vand.u32 $0x7FFFFFFF, v4;
	v23 =	vxor.u32 $0x80000000, v4  }
0x160: {  	v25 =	vsub.f32 v20, v10;
	v24 =	vsub.f32 v9, v7;
	v9 =	vld [tilespmem:s28+$0x4000];
	(erf) = vpow2.f32 v6  }
0x161: {  	v7 =	vadd.f32 $-1.000000000e+00, v16;
	v16 =	vsub.f32 $0.0e+00, v22;
	v10 =	vld [tilespmem:s0+$0x5100];
	v6 =	vcvt.s32.f32 v21  }
0x162: {  	v4 =	vsel vm1, $0x3F800000, v0  }
0x163: {  	v12 =	vmul.f32 v7, v12;
	v16 =	vmul.f32 $1.442695020e+00, v16;
	v7 =	vmax.f32 v11, $0.0e+00;
	v21 =	vld [tilespmem:s0+$0x3000]  }
0x164: {  	v20 =	vcvt.s32.f32 v5;
	v26 =	vadd.f32 v6, v6;
	v11 =	vld [tilespmem:s0+$0x1000];
	v19 =	vsub.f32 v19, v8  }
0x165: {  	v22 =	vcvt.s32.f32 v13;
	v5 =	vand.u32 $0x7FFFFFFF, v12;
	v8 =	vcvt.s32.f32 v9  }
0x166: {  	v29 =	vadd.f32 v20, v20;
	v10 =	vcvt.s32.f32 v10;
	(erf) = vpow2.f32 v16  }
0x167: {  	vm1 =	vlt.f32 v12, $8.472978470e-01;
	v13 =	vadd.f32 v22, v22;
	v16 =	vadd.f32 v8, v8  }
0x168: {  	v28 =	vsub.f32 $0.0e+00, v5;
	v5 =	vsel vm0, $0x3F800000, v0;
	v27 =	vadd.f32 $-1.000000000e+00, v29  }
0x169: {  	v13 =	vadd.f32 $-1.000000000e+00, v13;
	v11 =	vsub.f32 v21, v11;
	v21 =	vxor.u32 $0x80000000, v12;
	v9 =	vpop (erf)  }
0x16a: {  	v24 =	vmul.f32 v27, v24;
	v27 =	vmul.f32 $1.442695020e+00, v28;
	v12 =	vadd.f32 v10, v10  }
0x16b: {  	v28 =	vmul.f32 v13, v11;
	v13 =	vadd.f32 $-1.000000000e+00, v16;
	v16 =	vadd.f32 $-1.000000000e+00, v26  }
0x16c: {  	vm0 =	vlt.f32 v24, $8.472978470e-01;
	v11 =	vmax.f32 v23, $0.0e+00;
	(erf) = vpow2.f32 v27  }
0x16d: {  	v23 =	vand.u32 $0x7FFFFFFF, v28;
	v15 =	vmul.f32 v16, v15;
	v16 =	vmul.f32 $1.402685230e-02, v9  }
0x16e: {  	v26 =	vand.u32 $0x7FFFFFFF, v24;
	v27 =	vadd.f32 $-1.000000000e+00, v12;
	v23 =	vsub.f32 $0.0e+00, v23  }
0x16f: {  	v29 =	vxor.u32 $0x80000000, v28;
	v19 =	vmul.f32 v13, v19;
	v16 =	vadd.f32 $-6.577012690e-02, v16;
	v12 =	vpop (erf)  }
0x170: {  	v25 =	vmul.f32 v27, v25;
	v13 =	vmul.f32 $1.442695020e+00, v23;
	v23 =	vsel vm0, $0x3F800000, v0  }
0x171: {  	v26 =	vsub.f32 $0.0e+00, v26;
	v27 =	vand.u32 $0x7FFFFFFF, v19;
	v30 =	vand.u32 $0x7FFFFFFF, v15  }
0x172: {  	v32 =	vxor.u32 $0x80000000, v19;
	v31 =	vand.u32 $0x7FFFFFFF, v25;
	(erf) = vpow2.f32 v13  }
0x173: {  	v30 =	vsub.f32 $0.0e+00, v30;
	v31 =	vsub.f32 $0.0e+00, v31;
	v13 =	vmax.f32 v32, $0.0e+00  }
0x174: {  	vm3 =	vlt.f32 v28, $8.472978470e-01;
	v26 =	vmul.f32 $1.442695020e+00, v26;
	v27 =	vsub.f32 $0.0e+00, v27  }
0x175: {  	vm0 =	vlt.f32 v25, $8.472978470e-01;
	v28 =	vmul.f32 $1.442695020e+00, v31;
	v31 =	vmul.f32 $1.402685230e-02, v12;
	v32 =	vpop (erf)  }
0x176: {  	v25 =	vxor.u32 $0x80000000, v25;
	v33 =	vmul.f32 $1.402685230e-02, v32;
	(erf) = vpow2.f32 v26  }
0x177: {  	v16 =	vmul.f32 v16, v9;
	v26 =	vadd.f32 $-6.577012690e-02, v31;
	(erf) = vpow2.f32 v28  }
0x178: {  	v24 =	vxor.u32 $0x80000000, v24;
	v28 =	vmul.f32 $1.442695020e+00, v30;
	v30 =	vadd.f32 $-6.577012690e-02, v33  }
0x179: {  	v27 =	vmul.f32 $1.442695020e+00, v27;
	v16 =	vadd.f32 $1.481067690e-01, v16;
	v31 =	vxor.u32 $0x80000000, v15  }
0x17a: {  	v24 =	vmax.f32 v24, $0.0e+00;
	vm2 =	vlt.f32 v19, $8.472978470e-01;
	v19 =	vmul.f32 v30, v32  }
0x17b: {  	v16 =	vmul.f32 v16, v9;
	v30 =	vsel vm3, $0x3F800000, v0;
	v33 =	vpop (erf);
	(erf) = vpow2.f32 v27  }
0x17c: {  	v34 =	vadd.f32 v30, v14;
	v27 =	vmul.f32 $1.402685230e-02, v33;
	v14 =	vadd.f32 $1.481067690e-01, v19  }
0x17d: {  	v19 =	vmul.f32 v26, v12;
	v26 =	vadd.f32 $-2.341736700e-01, v16;
	(erf) = vpow2.f32 v28  }
0x17e: {  	v16 =	vadd.f32 $-6.577012690e-02, v27;
	v27 =	vmax.f32 v29, $0.0e+00;
	v14 =	vmul.f32 v14, v32  }
0x17f: {  	vm3 =	vlt.f32 v15, $8.472978470e-01;
	v28 =	vmax.f32 v21, $0.0e+00;
	v29 =	vadd.f32 $1.481067690e-01, v19;
	v35 =	vpop (erf)  }
0x180: {  	v15 =	vmul.f32 v16, v33;
	v19 =	vmul.f32 $1.402685230e-02, v35;
	v21 =	vadd.f32 $-2.341736700e-01, v14;
	v36 =	vpop (erf)  }
0x181: {  	v25 =	vmax.f32 v25, $0.0e+00;
	v14 =	vsel vm1, $0x3F800000, v0;
	v37 =	vmul.f32 $1.402685230e-02, v36  }
0x182: {  	v16 =	vsel vm2, $0x3F800000, v0;
	v15 =	vadd.f32 $1.481067690e-01, v15;
	v21 =	vmul.f32 v21, v32  }
0x183: {  	v34 =	vadd.f32 v23, v34;
	v26 =	vmul.f32 v26, v9;
	v19 =	vadd.f32 $-6.577012690e-02, v19  }
0x184: {  	v38 =	vmul.f32 v15, v33;
	v15 =	vsel vm3, $0x3F800000, v0;
	v42 =	vadd.f32 $3.307878970e-01, v21;
	v39 =	vpop (erf)  }
0x185: {  	v37 =	vadd.f32 $-6.577012690e-02, v37;
	v40 =	vmul.f32 v19, v35;
	v41 =	vmul.f32 $1.402685230e-02, v39  }
0x186: {  	v19 =	vmax.f32 v31, $0.0e+00;
	v38 =	vadd.f32 $-2.341736700e-01, v38;
	v31 =	vmul.f32 v42, v32;
	v21 =	vpop (erf)  }
0x187: {  	v37 =	vmul.f32 v37, v36;
	v40 =	vadd.f32 $1.481067690e-01, v40;
	v41 =	vadd.f32 $-6.577012690e-02, v41  }
0x188: {  	v42 =	vmul.f32 $1.402685230e-02, v21;
	v38 =	vmul.f32 v38, v33;
	v31 =	vadd.f32 $-4.998254780e-01, v31  }
0x189: {  	v37 =	vadd.f32 $1.481067690e-01, v37;
	v40 =	vmul.f32 v40, v35;
	v41 =	vmul.f32 v41, v39  }
0x18a: {  	v42 =	vadd.f32 $-6.577012690e-02, v42;
	v38 =	vadd.f32 $3.307878970e-01, v38;
	v31 =	vmul.f32 v31, v32  }
0x18b: {  	v37 =	vmul.f32 v37, v36;
	v40 =	vadd.f32 $-2.341736700e-01, v40;
	v41 =	vadd.f32 $1.481067690e-01, v41  }
0x18c: {  	v42 =	vmul.f32 v42, v21;
	v38 =	vmul.f32 v38, v33;
	v31 =	vadd.f32 $9.999970790e-01, v31  }
0x18d: {  	v37 =	vadd.f32 $-2.341736700e-01, v37;
	v40 =	vmul.f32 v40, v35;
	v41 =	vmul.f32 v41, v39  }
0x18e: {  	v42 =	vadd.f32 $1.481067690e-01, v42;
	v38 =	vadd.f32 $-4.998254780e-01, v38;
	v31 =	vmul.f32 v31, v32  }
0x18f: {  	v37 =	vmul.f32 v37, v36;
	v32 =	vadd.f32 $3.307878970e-01, v40;
	v40 =	vadd.f32 $-2.341736700e-01, v41  }
0x190: {  	v26 =	vadd.f32 $3.307878970e-01, v26;
	v41 =	vmul.f32 v42, v21;
	v38 =	vmul.f32 v38, v33  }
0x191: {  	v37 =	vadd.f32 $3.307878970e-01, v37;
	v32 =	vmul.f32 v32, v35;
	v40 =	vmul.f32 v40, v39  }
0x192: {  	v29 =	vmul.f32 v29, v12;
	v41 =	vadd.f32 $-2.341736700e-01, v41;
	v38 =	vadd.f32 $9.999970790e-01, v38  }
0x193: {  	v37 =	vmul.f32 v37, v36;
	v32 =	vadd.f32 $-4.998254780e-01, v32;
	v40 =	vadd.f32 $3.307878970e-01, v40  }
0x194: {  	v29 =	vadd.f32 $-2.341736700e-01, v29;
	v33 =	vmul.f32 v38, v33;
	v38 =	vmul.f32 v41, v21  }
0x195: {  	v37 =	vadd.f32 $-4.998254780e-01, v37;
	v32 =	vmul.f32 v32, v35;
	v40 =	vmul.f32 v40, v39  }
0x196: {  	v29 =	vmul.f32 v29, v12;
	v27 =	vadd.f32 v33, v27;
	v33 =	vadd.f32 $3.307878970e-01, v38  }
0x197: {  	v37 =	vmul.f32 v37, v36;
	v32 =	vadd.f32 $9.999970790e-01, v32;
	v38 =	vadd.f32 $-4.998254780e-01, v40  }
0x198: {  	v29 =	vadd.f32 $3.307878970e-01, v29;
	v27 =	vmul.f32 v27, v30;
	v30 =	vmul.f32 v33, v21  }
0x199: {  	v32 =	vmul.f32 v32, v35;
	v33 =	vadd.f32 $9.999970790e-01, v37;
	v35 =	vmul.f32 v38, v39  }
0x19a: {  	v37 =	vadd.f32 v27, v18;
	v38 =	vmul.f32 v22, v27;
	v18 =	vadd.f32 v31, v28  }
0x19b: {  	v22 =	vadd.f32 v32, v24;
	v24 =	vmul.f32 v33, v36;
	v28 =	vmul.f32 v29, v12  }
.Ltmp1:
0x19c: {  	v29 =	vsel vm0, $0x3F800000, v0;
	v27 =	vadd.f32 $-4.998254780e-01, v30;
	v30 =	vmul.f32 v26, v9;
	(pc) =	sbr.rel @p0 .LBB2_4-.Ltmp1, $4  }
0x19d: {  	v32 =	vadd.f32 $9.999970790e-01, v35;
	v31 =	vmul.f32 v22, v23;
	v22 =	vadd.f32 v24, v25  }
0x19e: {  	v27 =	vmul.f32 v27, v21;
	v26 =	vadd.f32 $-4.998254780e-01, v28;
	v25 =	vadd.f32 $-4.998254780e-01, v30  }
0x19f: {  	v23 =	vadd.f32 v31, v37;
	v24 =	vmul.f32 v22, v29;
	v22 =	vadd.f32 v29, v34  }
0x1a0: {  	s31 =	sadd.s32 $0x80, s31;
	s28 =	smov.u32 s1;
	v17 =	vadd.f32 v38, v17;
	v28 =	vmul.f32 v32, v39;
	v20 =	vmul.f32 v20, v31  }
0x1a1: {  	s1 =	simm.s32 $0x0;
	s0 =	simm.s32 $0x1000  }
0x1a2: {  	[tilespmem:s0], [sflag:$0x2] =	stream.linear.gather [hbm4b:s12+s1], $0x1000, $0x38;
	[tilespmem:$0x6200] =	vst v63  }
0x1a3: {  	s22 =	simm.s32 $0x3000  }
0x1a4: {  	[tilespmem:s22], [sflag:$0x2] =	stream.linear.gather [hbm4b:s13+s1], $0x1000, $0x38;
	[tilespmem:$0x6200] =	vst v63  }
0x1a5: {  	_ = 	snop  }
0x1a6: {  	[tilespmem:s24], [sflag:$0x2] =	stream.linear.gather [hbm4b:s14+s1], $0x1000, $0x38;
	[tilespmem:$0x6200] =	vst v63  }
0x1a7: {  	_ =	swait.ge [sflag:s25], $0x1000  }
0x1a8: {  	[sflag:s25] =	ssyncset.done $0x0  }
0x1a9: {  	[sflag:s25] =	ssyncadd.s32 $0xFFFFF000  }
0x1aa: {  	_ =	swait.ge [sflag:s25], $0x1000  }
0x1ab: {  	v27 =	vadd.f32 $9.999970790e-01, v27;
	[sflag:s25] =	ssyncset.done $0x0  }
0x1ac: {  	v26 =	vmul.f32 v26, v12;
	[sflag:s25] =	ssyncadd.s32 $0xFFFFF000  }
0x1ad: {  	v10 =	vmul.f32 v10, v24;
	v13 =	vadd.f32 v28, v13;
	v21 =	vmul.f32 v27, v21;
	_ =	swait.ge [sflag:s25], $0x1000  }
0x1ae: {  	v25 =	vmul.f32 v25, v9;
	s23 =	sor.u32 s1, s1;
	s3 =	sand.u32 $0x70, s1;
	v17 =	vadd.f32 v20, v17;
	v20 =	vadd.f32 $9.999970790e-01, v26;
	[sflag:s25] =	ssyncset.done $0x0  }
0x1af: {  	v23 =	vadd.f32 v24, v23;
	s23 =	sor.u32 $0x380, s23;
	s22 =	sand.u32 $0xC00, s1;
	v13 =	vmul.f32 v13, v16;
	v19 =	vadd.f32 v21, v19;
	[sflag:s25] =	ssyncadd.s32 $0xFFFFF000  }
0x1b0: {  	v24 =	vadd.f32 $9.999970790e-01, v25;
	v10 =	vadd.f32 v10, v17;
	s3 =	sor.u32 s3, s22;
	v12 =	vmul.f32 v20, v12;
	v26 =	vld [tilespmem:s23+$0x2000]  }
0x1b1: {  	v8 =	vmul.f32 v8, v13;
	v13 =	vadd.f32 v13, v23;
	v17 =	vmul.f32 v19, v15;
	v21 =	vld [tilespmem:s3+$0x2280]  }
0x1b2: {  	v9 =	vmul.f32 v24, v9;
	v20 =	vld [tilespmem:s23+$0x4000]  }
0x1b3: {  	v18 =	vmul.f32 v18, v14;
	v11 =	vadd.f32 v12, v11;
	v13 =	vadd.f32 v17, v13;
	v19 =	vld [tilespmem:s23+$0x0]  }
0x1b4: {  	v7 =	vadd.f32 v9, v7;
	v8 =	vadd.f32 v8, v10;
	v23 =	vld [tilespmem:s3+$0x2300]  }
0x1b5: {  	v6 =	vmul.f32 v6, v17;
	v11 =	vmul.f32 v11, v5;
	v13 =	vadd.f32 v18, v13;
	v10 =	vld [tilespmem:s3+$0x280]  }
0x1b6: {  	v12 =	vadd.f32 v16, v22;
	v7 =	vmul.f32 v7, v4;
	v22 =	vld [tilespmem:s3+$0x4300]  }
0x1b7: {  	v6 =	vadd.f32 v6, v8;
	v3 =	vmul.f32 v3, v11;
	v11 =	vadd.f32 v11, v13;
	v8 =	vld [tilespmem:s3+$0x2080]  }
0x1b8: {  	v9 =	vld [tilespmem:s3+$0x2200]  }
0x1b9: {  	v16 =	vmul.f32 v2, v18;
	v18 =	vadd.f32 v7, v11;
	v11 =	vld [tilespmem:s3+$0x80]  }
0x1ba: {  	v12 =	vadd.f32 v15, v12;
	v15 =	vld [tilespmem:s3+$0x2100]  }
0x1bb: {  	v6 =	vadd.f32 v16, v6;
	v13 =	vld [tilespmem:s3+$0x4280]  }
0x1bc: {  	s1 =	sor.u32 s22, s1;
	v1 =	vmul.f32 v1, v7;
	v7 =	vld [tilespmem:s3+$0x100];
	v2 =	vcvt.s32.f32 v20  }
0x1bd: {  	s1 =	sor.u32 $0x180, s1;
	v12 =	vadd.f32 v14, v12;
	v6 =	vadd.f32 v3, v6;
	v16 =	vld [tilespmem:s3+$0x300]  }
0x1be: {  	v3 =	vcvt.s32.f32 v22;
	v11 =	vsub.f32 v8, v11;
	v8 =	vld [tilespmem:s1+$0x4000];
	v14 =	vadd.f32 v2, v2  }
0x1bf: {  	v5 =	vadd.f32 v5, v12;
	v19 =	vsub.f32 v26, v19;
	v20 =	vld [tilespmem:s3+$0x200]  }
0x1c0: {  	v22 =	vadd.f32 v3, v3;
	v14 =	vadd.f32 $-1.000000000e+00, v14  }
0x1c1: {  	v12 =	vld [tilespmem:s1+$0x0];
	v17 =	vadd.f32 v1, v6;
	v1 =	vcvt.s32.f32 v13;
	v15 =	vsub.f32 v15, v7  }
0x1c2: {  	v24 =	vld [tilespmem:s3+$0x4100];
	v6 =	vmul.f32 v14, v19;
	v14 =	vsub.f32 v23, v16;
	v16 =	vadd.f32 $-1.000000000e+00, v22  }
0x1c3: {  	v8 =	vcvt.s32.f32 v8;
	v19 =	vadd.f32 v4, v5;
	v5 =	vsub.f32 v21, v10;
	v10 =	vld [tilespmem:s3+$0x4200]  }
0x1c4: {  	v21 =	vld [tilespmem:s3+$0x4000];
	v23 =	vsub.f32 v9, v20;
	v4 =	vand.u32 $0x7FFFFFFF, v6;
	v14 =	vmul.f32 v16, v14  }
0x1c5: {  	v9 =	vld [tilespmem:s1+$0x2000];
	vm0 =	vlt.f32 v6, $8.472978470e-01;
	v16 =	vxor.u32 $0x80000000, v6;
	v6 =	vadd.f32 v1, v1  }
0x1c6: {  	v13 =	vld [tilespmem:s3+$0x4080];
	v27 =	vadd.f32 v8, v8;
	v4 =	vsub.f32 $0.0e+00, v4;
	vm2 =	vlt.f32 v14, $8.472978470e-01  }
0x1c7: {  	v20 =	vand.u32 $0x7FFFFFFF, v14;
	v14 =	vxor.u32 $0x80000000, v14;
	v7 =	vadd.f32 $-1.000000000e+00, v6  }
0x1c8: {  	v25 =	vld [tilespmem:s3+$0x2000];
	v4 =	vmul.f32 $1.442695020e+00, v4;
	v20 =	vsub.f32 $0.0e+00, v20;
	v6 =	vcvt.s32.f32 v10  }
0x1c9: {  	v22 =	vcvt.s32.f32 v21;
	v26 =	vmul.f32 v7, v5;
	v7 =	vmax.f32 v16, $0.0e+00;
	v16 =	vld [tilespmem:s3+$0x0]  }
0x1ca: {  	v12 =	vsub.f32 v9, v12;
	v10 =	vcvt.s32.f32 v24;
	(erf) = vpow2.f32 v4  }
0x1cb: {  	v4 =	vsel vm0, $0x3F800000, v0;
	v5 =	vmul.f32 $1.442695020e+00, v20;
	v20 =	vcvt.s32.f32 v13  }
0x1cc: {  	v9 =	vadd.f32 v6, v6;
	v24 =	vadd.f32 v22, v22;
	v13 =	vand.u32 $0x7FFFFFFF, v26  }
0x1cd: {  	vm1 =	vlt.f32 v26, $8.472978470e-01;
	v21 =	vadd.f32 v20, v20;
	v13 =	vsub.f32 $0.0e+00, v13  }
0x1ce: {  	(erf) = vpow2.f32 v5;
	v24 =	vadd.f32 $-1.000000000e+00, v24;
	v16 =	vsub.f32 v25, v16  }
0x1cf: {  	v5 =	vsel vm2, $0x3F800000, v0;
	v21 =	vadd.f32 $-1.000000000e+00, v21;
	v13 =	vmul.f32 $1.442695020e+00, v13  }
0x1d0: {  	v25 =	vxor.u32 $0x80000000, v26;
	v26 =	vadd.f32 v10, v10;
	v16 =	vmul.f32 v24, v16  }
0x1d1: {  	v25 =	vmax.f32 v25, $0.0e+00;
	v21 =	vmul.f32 v21, v11;
	(erf) = vpow2.f32 v13  }
0x1d2: {  	v24 =	vadd.f32 $-1.000000000e+00, v27;
	v27 =	vadd.f32 $-1.000000000e+00, v9;
	v13 =	vand.u32 $0x7FFFFFFF, v16  }
0x1d3: {  	v11 =	vmax.f32 v14, $0.0e+00;
	v26 =	vadd.f32 $-1.000000000e+00, v26;
	v13 =	vsub.f32 $0.0e+00, v13  }
0x1d4: {  	vm12 =	vlt.f32 v21, $8.472978470e-01;
	v14 =	vmul.f32 v27, v23;
	v27 =	vand.u32 $0x7FFFFFFF, v21  }
0x1d5: {  	v28 =	vxor.u32 $0x80000000, v16;
	v24 =	vmul.f32 v24, v12;
	v12 =	vmul.f32 $1.442695020e+00, v13  }
0x1d6: {  	v15 =	vmul.f32 v26, v15;
	vm13 =	vlt.f32 v16, $8.472978470e-01;
	v21 =	vxor.u32 $0x80000000, v21;
	v9 =	vpop (erf)  }
0x1d7: {  	v26 =	vsub.f32 $0.0e+00, v27;
	v55 =	vmax.f32 v21, $0.0e+00;
	v23 =	vmul.f32 $1.402685230e-02, v9  }
0x1d8: {  	v27 =	vand.u32 $0x7FFFFFFF, v24;
	v13 =	vand.u32 $0x7FFFFFFF, v15;
	(erf) = vpow2.f32 v12  }
0x1d9: {  	v30 =	vand.u32 $0x7FFFFFFF, v14;
	v31 =	vxor.u32 $0x80000000, v24;
	v32 =	vsub.f32 $0.0e+00, v13;
	v12 =	vpop (erf)  }
0x1da: {  	vm14 =	vlt.f32 v15, $8.472978470e-01;
	v30 =	vsub.f32 $0.0e+00, v30;
	v16 =	vmul.f32 $1.442695020e+00, v26;
	v54 =	vpop (erf)  }
0x1db: {  	v26 =	vsub.f32 $0.0e+00, v27;
	v27 =	vmul.f32 $1.442695020e+00, v32;
	v33 =	vmul.f32 $1.402685230e-02, v54  }
0x1dc: {  	vm3 =	vlt.f32 v24, $8.472978470e-01;
	v29 =	vadd.f32 $-6.577012690e-02, v23;
	(erf) = vpow2.f32 v16  }
0x1dd: {  	(erf) = vpow2.f32 v27;
	v27 =	vmul.f32 $1.442695020e+00, v30;
	v30 =	vadd.f32 $-6.577012690e-02, v33  }
0x1de: {  	v24 =	vsel vm13, $0x3F800000, v0;
	vm15 =	vlt.f32 v14, $8.472978470e-01;
	v15 =	vxor.u32 $0x80000000, v15  }
0x1df: {  	v13 =	vmax.f32 v31, $0.0e+00;
	v29 =	vmul.f32 v29, v9;
	v31 =	vmul.f32 $1.402685230e-02, v12  }
0x1e0: {  	v19 =	vadd.f32 v24, v19;
	v26 =	vmul.f32 $1.442695020e+00, v26;
	v21 =	vmul.f32 v30, v54  }
0x1e1: {  	v23 =	vsel vm12, $0x3F800000, v0;
	v29 =	vadd.f32 $1.481067690e-01, v29;
	v16 =	vadd.f32 $-6.577012690e-02, v31;
	v30 =	vpop (erf)  }
0x1e2: {  	(erf) = vpow2.f32 v26;
	v21 =	vadd.f32 $1.481067690e-01, v21;
	v26 =	vmul.f32 $1.402685230e-02, v30  }
0x1e3: {  	v37 =	vmax.f32 v15, $0.0e+00;
	v38 =	vadd.f32 v23, v19;
	v29 =	vmul.f32 v29, v9  }
0x1e4: {  	v16 =	vmul.f32 v16, v12;
	v21 =	vmul.f32 v21, v54;
	v26 =	vadd.f32 $-6.577012690e-02, v26  }
0x1e5: {  	v29 =	vadd.f32 $-2.341736700e-01, v29;
	(erf) = vpow2.f32 v27;
	v27 =	vmax.f32 v28, $0.0e+00  }
0x1e6: {  	v28 =	vadd.f32 $1.481067690e-01, v16;
	v34 =	vpop (erf);
	v21 =	vadd.f32 $-2.341736700e-01, v21;
	v16 =	vmul.f32 v26, v30  }
0x1e7: {  	v31 =	vxor.u32 $0x80000000, v14;
	v29 =	vmul.f32 v29, v9;
	v26 =	vmul.f32 $1.402685230e-02, v34  }
0x1e8: {  	v14 =	vsel vm1, $0x3F800000, v0;
	v35 =	vpop (erf);
	v21 =	vmul.f32 v21, v54;
	v15 =	vadd.f32 $1.481067690e-01, v16  }
0x1e9: {  	v29 =	vadd.f32 $3.307878970e-01, v29;
	v36 =	vmul.f32 $1.402685230e-02, v35;
	v26 =	vadd.f32 $-6.577012690e-02, v26  }
0x1ea: {  	v28 =	vmul.f32 v28, v12;
	v21 =	vadd.f32 $3.307878970e-01, v21;
	v19 =	vmul.f32 v15, v30  }
0x1eb: {  	v29 =	vmul.f32 v29, v9;
	v36 =	vadd.f32 $-6.577012690e-02, v36;
	v39 =	vpop (erf);
	v26 =	vmul.f32 v26, v34  }
0x1ec: {  	v28 =	vadd.f32 $-2.341736700e-01, v28;
	v40 =	vmul.f32 $1.402685230e-02, v39;
	v41 =	vadd.f32 $-2.341736700e-01, v19  }
0x1ed: {  	v36 =	vmul.f32 v36, v35;
	v19 =	vmax.f32 v31, $0.0e+00;
	v26 =	vadd.f32 $1.481067690e-01, v26  }
0x1ee: {  	v31 =	vmul.f32 v21, v54;
	v21 =	vpop (erf);
	v40 =	vadd.f32 $-6.577012690e-02, v40;
	v41 =	vmul.f32 v41, v30  }
0x1ef: {  	v36 =	vadd.f32 $1.481067690e-01, v36;
	v42 =	vmul.f32 $1.402685230e-02, v21;
	v26 =	vmul.f32 v26, v34  }
0x1f0: {  	v16 =	vsel vm3, $0x3F800000, v0;
	v40 =	vmul.f32 v40, v39;
	v41 =	vadd.f32 $3.307878970e-01, v41  }
0x1f1: {  	v36 =	vmul.f32 v36, v35;
	v42 =	vadd.f32 $-6.577012690e-02, v42;
	v26 =	vadd.f32 $-2.341736700e-01, v26  }
0x1f2: {  	v28 =	vmul.f32 v28, v12;
	v40 =	vadd.f32 $1.481067690e-01, v40;
	v41 =	vmul.f32 v41, v30  }
0x1f3: {  	v36 =	vadd.f32 $-2.341736700e-01, v36;
	v42 =	vmul.f32 v42, v21;
	v26 =	vmul.f32 v26, v34  }
0x1f4: {  	v15 =	vsel vm15, $0x3F800000, v0;
	v40 =	vmul.f32 v40, v39;
	v41 =	vadd.f32 $-4.998254780e-01, v41  }
0x1f5: {  	v56 =	vmul.f32 v36, v35;
	v42 =	vadd.f32 $1.481067690e-01, v42;
	v26 =	vadd.f32 $3.307878970e-01, v26  }
0x1f6: {  	v28 =	vadd.f32 $3.307878970e-01, v28;
	v57 =	vadd.f32 $-2.341736700e-01, v40;
	v58 =	vmul.f32 v41, v30  }
0x1f7: {  	v32 =	vadd.f32 $3.307878970e-01, v56;
	v59 =	vmul.f32 v42, v21;
	v26 =	vmul.f32 v26, v34  }
0x1f8: {  	v31 =	vadd.f32 $-4.998254780e-01, v31;
	v36 =	vmul.f32 v57, v39;
	v40 =	vadd.f32 $9.999970790e-01, v58  }
0x1f9: {  	v32 =	vmul.f32 v32, v35;
	v41 =	vadd.f32 $-2.341736700e-01, v59;
	v26 =	vadd.f32 $-4.998254780e-01, v26  }
0x1fa: {  	v31 =	vmul.f32 v31, v54;
	v36 =	vadd.f32 $3.307878970e-01, v36;
	v30 =	vmul.f32 v40, v30  }
0x1fb: {  	v32 =	vadd.f32 $-4.998254780e-01, v32;
	v60 =	vmul.f32 v41, v21;
	v26 =	vmul.f32 v26, v34  }
0x1fc: {  	v31 =	vadd.f32 $9.999970790e-01, v31;
	v36 =	vmul.f32 v36, v39;
	v27 =	vadd.f32 v30, v27  }
0x1fd: {  	v32 =	vmul.f32 v32, v35;
	v30 =	vadd.f32 $3.307878970e-01, v60;
	v26 =	vadd.f32 $9.999970790e-01, v26  }
0x1fe: {  	v31 =	vmul.f32 v31, v54;
	v36 =	vadd.f32 $-4.998254780e-01, v36;
	v24 =	vmul.f32 v27, v24  }
0x1ff: {  	v27 =	vmul.f32 v30, v21;
	v26 =	vmul.f32 v26, v34;
	v30 =	vadd.f32 $9.999970790e-01, v32  }
0x200: {  	v61 =	vmul.f32 v36, v39;
	v62 =	vadd.f32 v24, v18;
	v63 =	vmul.f32 v22, v24  }
0x201: {  	v18 =	vadd.f32 v31, v25;
	v22 =	vadd.f32 v26, v55;
	v24 =	vmul.f32 v30, v35  }
0x202: {  	v25 =	vmul.f32 v28, v12;
	v28 =	vsel vm14, $0x3F800000, v0;
	v26 =	vadd.f32 $-4.998254780e-01, v27  }
0x203: {  	v31 =	vadd.f32 $9.999970790e-01, v61;
	v30 =	vmul.f32 v22, v23;
	v22 =	vadd.f32 v24, v37  }
0x204: {  	v27 =	vmul.f32 v26, v21;
	v26 =	vadd.f32 $-4.998254780e-01, v25;
	v25 =	vadd.f32 $-4.998254780e-01, v29  }
0x205: {  	v17 =	vadd.f32 v63, v17;
	v23 =	vadd.f32 v30, v62;
	v24 =	vmul.f32 v22, v28  }
0x206: {  	s28 =	simm.s32 $0x10;
	s31 =	simm.s32 $0x80;
	v22 =	vadd.f32 v28, v38;
	v20 =	vmul.f32 v20, v30;
	v28 =	vmul.f32 v31, v39  }
.LBB2_6:
0x207: {  	s0 =	sand.u32 $0x70, s28  }
0x208: {  	s3 =	sand.u32 $0xC00, s31;
	s1 =	sor.u32 s31, s28;
	v27 =	vadd.f32 $9.999970790e-01, v27;
	v26 =	vmul.f32 v26, v12;
	v25 =	vmul.f32 v25, v9;
	s22 =	smov.u32 s28  }
0x209: {  	v10 =	vmul.f32 v10, v24;
	s0 =	sor.u32 s0, s3;
	s23 =	sor.u32 $0x380, s1;
	s1 =	sadd.s32 $0x10, s28;
	v17 =	vadd.f32 v20, v17;
	v13 =	vadd.f32 v28, v13  }
0x20a: {  	p0 =	sne.s32 s28, $0x1F0;
	v20 =	vld [tilespmem:s23+$0x2000];
	v21 =	vmul.f32 v27, v21;
	v26 =	vadd.f32 $9.999970790e-01, v26;
	v25 =	vadd.f32 $9.999970790e-01, v25  }
0x20b: {  	v23 =	vadd.f32 v24, v23;
	s3 =	sor.u32 s3, s22;
	v27 =	vld [tilespmem:s0+$0x2280];
	v10 =	vadd.f32 v10, v17;
	v13 =	vmul.f32 v13, v16  }
0x20c: {  	s28 =	sor.u32 $0x180, s3;
	v16 =	vadd.f32 v16, v22;
	v17 =	vld [tilespmem:s23+$0x4000];
	v19 =	vadd.f32 v21, v19;
	v12 =	vmul.f32 v26, v12  }
0x20d: {  	v21 =	vld [tilespmem:s23+$0x0];
	v22 =	vadd.f32 v13, v23;
	v8 =	vmul.f32 v8, v13;
	v13 =	vmul.f32 v18, v14  }
0x20e: {  	v9 =	vmul.f32 v25, v9;
	v23 =	vld [tilespmem:s0+$0x2300];
	v18 =	vmul.f32 v19, v15;
	v11 =	vadd.f32 v12, v11  }
0x20f: {  	v12 =	vld [tilespmem:s0+$0x280];
	v8 =	vadd.f32 v8, v10;
	v10 =	vadd.f32 v15, v16;
	v1 =	vmul.f32 v1, v13  }
0x210: {  	v7 =	vadd.f32 v9, v7;
	v15 =	vld [tilespmem:s0+$0x4300];
	v6 =	vmul.f32 v6, v18;
	v11 =	vmul.f32 v11, v5  }
0x211: {  	v9 =	vld [tilespmem:s0+$0x2080];
	v16 =	vcvt.s32.f32 v17;
	v17 =	vadd.f32 v18, v22;
	v10 =	vadd.f32 v14, v10  }
0x212: {  	v19 =	vld [tilespmem:s0+$0x2200];
	v14 =	vsub.f32 v20, v21;
	v6 =	vadd.f32 v6, v8;
	v8 =	vmul.f32 v3, v11  }
0x213: {  	v7 =	vmul.f32 v7, v4;
	v20 =	vld [tilespmem:s0+$0x2100];
	v18 =	vadd.f32 v16, v16;
	v13 =	vadd.f32 v13, v17  }
0x214: {  	v12 =	vsub.f32 v27, v12;
	v21 =	vld [tilespmem:s0+$0x300];
	v1 =	vadd.f32 v1, v6  }
0x215: {  	v17 =	vmul.f32 v2, v7;
	v2 =	vmovc v16;
	v6 =	vld [tilespmem:s0+$0x4280];
	v3 =	vcvt.s32.f32 v15;
	v15 =	vadd.f32 $-1.000000000e+00, v18  }
0x216: {  	v11 =	vadd.f32 v11, v13;
	v16 =	vld [tilespmem:s0+$0x200];
	v1 =	vadd.f32 v8, v1  }
0x217: {  	v5 =	vadd.f32 v5, v10;
	v8 =	vld [tilespmem:s28+$0x0];
	v13 =	vadd.f32 v3, v3;
	v15 =	vmul.f32 v15, v14  }
0x218: {  	v18 =	vadd.f32 v7, v11;
	v10 =	vld [tilespmem:s0+$0x100];
	v17 =	vadd.f32 v17, v1  }
0x219: {  	v7 =	vld [tilespmem:s0+$0x80];
	v11 =	vsub.f32 v23, v21;
	v13 =	vadd.f32 $-1.000000000e+00, v13;
	v14 =	vand.u32 $0x7FFFFFFF, v15  }
0x21a: {  	v21 =	vld [tilespmem:s0+$0x4200];
	v1 =	vcvt.s32.f32 v6;
	v6 =	vsub.f32 $0.0e+00, v14;
	v14 =	vadd.f32 v4, v5  }
0x21b: {  	vm1 =	vlt.f32 v15, $8.472978470e-01;
	v5 =	vld [tilespmem:s0+$0x4080];
	v4 =	vmul.f32 v13, v11;
	v11 =	vxor.u32 $0x80000000, v15  }
0x21c: {  	v15 =	vsub.f32 v19, v16;
	v13 =	vld [tilespmem:s0+$0x4000];
	v16 =	vadd.f32 v1, v1;
	v6 =	vmul.f32 $1.442695020e+00, v6  }
0x21d: {  	v19 =	vld [tilespmem:s28+$0x2000];
	vm0 =	vlt.f32 v4, $8.472978470e-01;
	v22 =	vand.u32 $0x7FFFFFFF, v4;
	v23 =	vxor.u32 $0x80000000, v4  }
0x21e: {  	v25 =	vsub.f32 v20, v10;
	v24 =	vsub.f32 v9, v7;
	v9 =	vld [tilespmem:s28+$0x4000];
	(erf) = vpow2.f32 v6  }
0x21f: {  	v7 =	vadd.f32 $-1.000000000e+00, v16;
	v16 =	vsub.f32 $0.0e+00, v22;
	v10 =	vld [tilespmem:s0+$0x4100];
	v6 =	vcvt.s32.f32 v21  }
0x220: {  	v4 =	vsel vm1, $0x3F800000, v0  }
0x221: {  	v12 =	vmul.f32 v7, v12;
	v16 =	vmul.f32 $1.442695020e+00, v16;
	v7 =	vmax.f32 v11, $0.0e+00;
	v21 =	vld [tilespmem:s0+$0x2000]  }
0x222: {  	v20 =	vcvt.s32.f32 v5;
	v26 =	vadd.f32 v6, v6;
	v11 =	vld [tilespmem:s0+$0x0];
	v19 =	vsub.f32 v19, v8  }
0x223: {  	v22 =	vcvt.s32.f32 v13;
	v5 =	vand.u32 $0x7FFFFFFF, v12;
	v8 =	vcvt.s32.f32 v9  }
0x224: {  	v29 =	vadd.f32 v20, v20;
	v10 =	vcvt.s32.f32 v10;
	(erf) = vpow2.f32 v16  }
0x225: {  	vm1 =	vlt.f32 v12, $8.472978470e-01;
	v13 =	vadd.f32 v22, v22;
	v16 =	vadd.f32 v8, v8  }
0x226: {  	v28 =	vsub.f32 $0.0e+00, v5;
	v5 =	vsel vm0, $0x3F800000, v0;
	v27 =	vadd.f32 $-1.000000000e+00, v29  }
0x227: {  	v13 =	vadd.f32 $-1.000000000e+00, v13;
	v11 =	vsub.f32 v21, v11;
	v21 =	vxor.u32 $0x80000000, v12;
	v9 =	vpop (erf)  }
0x228: {  	v24 =	vmul.f32 v27, v24;
	v27 =	vmul.f32 $1.442695020e+00, v28;
	v12 =	vadd.f32 v10, v10  }
0x229: {  	v28 =	vmul.f32 v13, v11;
	v13 =	vadd.f32 $-1.000000000e+00, v16;
	v16 =	vadd.f32 $-1.000000000e+00, v26  }
0x22a: {  	vm0 =	vlt.f32 v24, $8.472978470e-01;
	v11 =	vmax.f32 v23, $0.0e+00;
	(erf) = vpow2.f32 v27  }
0x22b: {  	v23 =	vand.u32 $0x7FFFFFFF, v28;
	v15 =	vmul.f32 v16, v15;
	v16 =	vmul.f32 $1.402685230e-02, v9  }
0x22c: {  	v26 =	vand.u32 $0x7FFFFFFF, v24;
	v27 =	vadd.f32 $-1.000000000e+00, v12;
	v23 =	vsub.f32 $0.0e+00, v23  }
0x22d: {  	v29 =	vxor.u32 $0x80000000, v28;
	v19 =	vmul.f32 v13, v19;
	v16 =	vadd.f32 $-6.577012690e-02, v16;
	v12 =	vpop (erf)  }
0x22e: {  	v25 =	vmul.f32 v27, v25;
	v13 =	vmul.f32 $1.442695020e+00, v23;
	v23 =	vsel vm0, $0x3F800000, v0  }
0x22f: {  	v26 =	vsub.f32 $0.0e+00, v26;
	v27 =	vand.u32 $0x7FFFFFFF, v19;
	v30 =	vand.u32 $0x7FFFFFFF, v15  }
0x230: {  	v32 =	vxor.u32 $0x80000000, v19;
	v31 =	vand.u32 $0x7FFFFFFF, v25;
	(erf) = vpow2.f32 v13  }
0x231: {  	v30 =	vsub.f32 $0.0e+00, v30;
	v31 =	vsub.f32 $0.0e+00, v31;
	v13 =	vmax.f32 v32, $0.0e+00  }
0x232: {  	vm3 =	vlt.f32 v28, $8.472978470e-01;
	v26 =	vmul.f32 $1.442695020e+00, v26;
	v27 =	vsub.f32 $0.0e+00, v27  }
0x233: {  	vm0 =	vlt.f32 v25, $8.472978470e-01;
	v28 =	vmul.f32 $1.442695020e+00, v31;
	v31 =	vmul.f32 $1.402685230e-02, v12;
	v32 =	vpop (erf)  }
0x234: {  	v25 =	vxor.u32 $0x80000000, v25;
	v33 =	vmul.f32 $1.402685230e-02, v32;
	(erf) = vpow2.f32 v26  }
0x235: {  	v16 =	vmul.f32 v16, v9;
	v26 =	vadd.f32 $-6.577012690e-02, v31;
	(erf) = vpow2.f32 v28  }
0x236: {  	v24 =	vxor.u32 $0x80000000, v24;
	v28 =	vmul.f32 $1.442695020e+00, v30;
	v30 =	vadd.f32 $-6.577012690e-02, v33  }
0x237: {  	v27 =	vmul.f32 $1.442695020e+00, v27;
	v16 =	vadd.f32 $1.481067690e-01, v16;
	v31 =	vxor.u32 $0x80000000, v15  }
0x238: {  	v24 =	vmax.f32 v24, $0.0e+00;
	vm2 =	vlt.f32 v19, $8.472978470e-01;
	v19 =	vmul.f32 v30, v32  }
0x239: {  	v16 =	vmul.f32 v16, v9;
	v30 =	vsel vm3, $0x3F800000, v0;
	v33 =	vpop (erf);
	(erf) = vpow2.f32 v27  }
0x23a: {  	v34 =	vadd.f32 v30, v14;
	v27 =	vmul.f32 $1.402685230e-02, v33;
	v14 =	vadd.f32 $1.481067690e-01, v19  }
0x23b: {  	v19 =	vmul.f32 v26, v12;
	v26 =	vadd.f32 $-2.341736700e-01, v16;
	(erf) = vpow2.f32 v28  }
0x23c: {  	v16 =	vadd.f32 $-6.577012690e-02, v27;
	v27 =	vmax.f32 v29, $0.0e+00;
	v14 =	vmul.f32 v14, v32  }
0x23d: {  	vm3 =	vlt.f32 v15, $8.472978470e-01;
	v28 =	vmax.f32 v21, $0.0e+00;
	v29 =	vadd.f32 $1.481067690e-01, v19;
	v35 =	vpop (erf)  }
0x23e: {  	v15 =	vmul.f32 v16, v33;
	v19 =	vmul.f32 $1.402685230e-02, v35;
	v21 =	vadd.f32 $-2.341736700e-01, v14;
	v36 =	vpop (erf)  }
0x23f: {  	v25 =	vmax.f32 v25, $0.0e+00;
	v14 =	vsel vm1, $0x3F800000, v0;
	v37 =	vmul.f32 $1.402685230e-02, v36  }
0x240: {  	v16 =	vsel vm2, $0x3F800000, v0;
	v15 =	vadd.f32 $1.481067690e-01, v15;
	v21 =	vmul.f32 v21, v32  }
0x241: {  	v34 =	vadd.f32 v23, v34;
	v26 =	vmul.f32 v26, v9;
	v19 =	vadd.f32 $-6.577012690e-02, v19  }
0x242: {  	v38 =	vmul.f32 v15, v33;
	v15 =	vsel vm3, $0x3F800000, v0;
	v42 =	vadd.f32 $3.307878970e-01, v21;
	v39 =	vpop (erf)  }
0x243: {  	v37 =	vadd.f32 $-6.577012690e-02, v37;
	v40 =	vmul.f32 v19, v35;
	v41 =	vmul.f32 $1.402685230e-02, v39  }
0x244: {  	v19 =	vmax.f32 v31, $0.0e+00;
	v38 =	vadd.f32 $-2.341736700e-01, v38;
	v31 =	vmul.f32 v42, v32;
	v21 =	vpop (erf)  }
0x245: {  	v37 =	vmul.f32 v37, v36;
	v40 =	vadd.f32 $1.481067690e-01, v40;
	v41 =	vadd.f32 $-6.577012690e-02, v41  }
0x246: {  	v42 =	vmul.f32 $1.402685230e-02, v21;
	v38 =	vmul.f32 v38, v33;
	v31 =	vadd.f32 $-4.998254780e-01, v31  }
0x247: {  	v37 =	vadd.f32 $1.481067690e-01, v37;
	v40 =	vmul.f32 v40, v35;
	v41 =	vmul.f32 v41, v39  }
0x248: {  	v42 =	vadd.f32 $-6.577012690e-02, v42;
	v38 =	vadd.f32 $3.307878970e-01, v38;
	v31 =	vmul.f32 v31, v32  }
0x249: {  	v37 =	vmul.f32 v37, v36;
	v40 =	vadd.f32 $-2.341736700e-01, v40;
	v41 =	vadd.f32 $1.481067690e-01, v41  }
0x24a: {  	v42 =	vmul.f32 v42, v21;
	v38 =	vmul.f32 v38, v33;
	v31 =	vadd.f32 $9.999970790e-01, v31  }
0x24b: {  	v37 =	vadd.f32 $-2.341736700e-01, v37;
	v40 =	vmul.f32 v40, v35;
	v41 =	vmul.f32 v41, v39  }
0x24c: {  	v42 =	vadd.f32 $1.481067690e-01, v42;
	v38 =	vadd.f32 $-4.998254780e-01, v38;
	v31 =	vmul.f32 v31, v32  }
0x24d: {  	v37 =	vmul.f32 v37, v36;
	v32 =	vadd.f32 $3.307878970e-01, v40;
	v40 =	vadd.f32 $-2.341736700e-01, v41  }
0x24e: {  	v26 =	vadd.f32 $3.307878970e-01, v26;
	v41 =	vmul.f32 v42, v21;
	v38 =	vmul.f32 v38, v33  }
0x24f: {  	v37 =	vadd.f32 $3.307878970e-01, v37;
	v32 =	vmul.f32 v32, v35;
	v40 =	vmul.f32 v40, v39  }
0x250: {  	v29 =	vmul.f32 v29, v12;
	v41 =	vadd.f32 $-2.341736700e-01, v41;
	v38 =	vadd.f32 $9.999970790e-01, v38  }
0x251: {  	v37 =	vmul.f32 v37, v36;
	v32 =	vadd.f32 $-4.998254780e-01, v32;
	v40 =	vadd.f32 $3.307878970e-01, v40  }
0x252: {  	v29 =	vadd.f32 $-2.341736700e-01, v29;
	v33 =	vmul.f32 v38, v33;
	v38 =	vmul.f32 v41, v21  }
0x253: {  	v37 =	vadd.f32 $-4.998254780e-01, v37;
	v32 =	vmul.f32 v32, v35;
	v40 =	vmul.f32 v40, v39  }
0x254: {  	v29 =	vmul.f32 v29, v12;
	v27 =	vadd.f32 v33, v27;
	v33 =	vadd.f32 $3.307878970e-01, v38  }
0x255: {  	v37 =	vmul.f32 v37, v36;
	v32 =	vadd.f32 $9.999970790e-01, v32;
	v38 =	vadd.f32 $-4.998254780e-01, v40  }
0x256: {  	v29 =	vadd.f32 $3.307878970e-01, v29;
	v27 =	vmul.f32 v27, v30;
	v30 =	vmul.f32 v33, v21  }
0x257: {  	v32 =	vmul.f32 v32, v35;
	v33 =	vadd.f32 $9.999970790e-01, v37;
	v35 =	vmul.f32 v38, v39  }
0x258: {  	v37 =	vadd.f32 v27, v18;
	v38 =	vmul.f32 v22, v27;
	v18 =	vadd.f32 v31, v28  }
0x259: {  	v22 =	vadd.f32 v32, v24;
	v24 =	vmul.f32 v33, v36;
	v28 =	vmul.f32 v29, v12  }
.Ltmp2:
0x25a: {  	v29 =	vsel vm0, $0x3F800000, v0;
	v27 =	vadd.f32 $-4.998254780e-01, v30;
	v30 =	vmul.f32 v26, v9;
	(pc) =	sbr.rel @p0 .LBB2_6-.Ltmp2, $4  }
0x25b: {  	v32 =	vadd.f32 $9.999970790e-01, v35;
	v31 =	vmul.f32 v22, v23;
	v22 =	vadd.f32 v24, v25  }
0x25c: {  	v27 =	vmul.f32 v27, v21;
	v26 =	vadd.f32 $-4.998254780e-01, v28;
	v25 =	vadd.f32 $-4.998254780e-01, v30  }
0x25d: {  	v23 =	vadd.f32 v31, v37;
	v24 =	vmul.f32 v22, v29;
	v22 =	vadd.f32 v29, v34  }
0x25e: {  	s31 =	sadd.s32 $0x80, s31;
	s28 =	smov.u32 s1;
	v17 =	vadd.f32 v38, v17;
	v28 =	vmul.f32 v32, v39;
	v20 =	vmul.f32 v20, v31  }
0x25f: {  	s1 =	simm.s32 $0x0  }
0x260: {  	[tilespmem:s1], [sflag:$0x1] =	stream.linear.gather [hbm4b:s15+s1], $0x1000, $0x38;
	[tilespmem:$0x6200] =	vst v63  }
0x261: {  	_ = 	snop  }
0x262: {  	[tilespmem:s20], [sflag:$0x1] =	stream.linear.gather [hbm4b:s16+s1], $0x1000, $0x38;
	[tilespmem:$0x6200] =	vst v63  }
0x263: {  	_ = 	snop  }
0x264: {  	[tilespmem:s21], [sflag:$0x1] =	stream.linear.gather [hbm4b:s17+s1], $0x1000, $0x38;
	[tilespmem:$0x6200] =	vst v63  }
0x265: {  	_ =	swait.ge [sflag:s26], $0x1000  }
0x266: {  	[sflag:s26] =	ssyncset.done $0x0  }
0x267: {  	[sflag:s26] =	ssyncadd.s32 $0xFFFFF000  }
0x268: {  	_ =	swait.ge [sflag:s26], $0x1000  }
0x269: {  	v27 =	vadd.f32 $9.999970790e-01, v27;
	[sflag:s26] =	ssyncset.done $0x0  }
0x26a: {  	v26 =	vmul.f32 v26, v12;
	[sflag:s26] =	ssyncadd.s32 $0xFFFFF000  }
0x26b: {  	v10 =	vmul.f32 v10, v24;
	v13 =	vadd.f32 v28, v13;
	v21 =	vmul.f32 v27, v21;
	_ =	swait.ge [sflag:s26], $0x1000  }
0x26c: {  	v25 =	vmul.f32 v25, v9;
	s0 =	sor.u32 s1, s1;
	s3 =	sand.u32 $0x70, s1;
	v17 =	vadd.f32 v20, v17;
	v20 =	vadd.f32 $9.999970790e-01, v26;
	[sflag:s26] =	ssyncset.done $0x0  }
0x26d: {  	v23 =	vadd.f32 v24, v23;
	s22 =	sand.u32 $0xC00, s1;
	s23 =	sor.u32 $0x1380, s0;
	v13 =	vmul.f32 v13, v16;
	v19 =	vadd.f32 v21, v19;
	[sflag:s26] =	ssyncadd.s32 $0xFFFFF000  }
0x26e: {  	s3 =	sor.u32 s3, s22;
	v24 =	vadd.f32 $9.999970790e-01, v25;
	v10 =	vadd.f32 v10, v17;
	v12 =	vmul.f32 v20, v12;
	v26 =	vld [tilespmem:s23+$0x2000]  }
0x26f: {  	v8 =	vmul.f32 v8, v13;
	v13 =	vadd.f32 v13, v23;
	v17 =	vmul.f32 v19, v15;
	v21 =	vld [tilespmem:s3+$0x3280]  }
0x270: {  	v9 =	vmul.f32 v24, v9;
	v20 =	vld [tilespmem:s23+$0x4000]  }
0x271: {  	v18 =	vmul.f32 v18, v14;
	v11 =	vadd.f32 v12, v11;
	v13 =	vadd.f32 v17, v13;
	v19 =	vld [tilespmem:s23+$0x0]  }
0x272: {  	v7 =	vadd.f32 v9, v7;
	v8 =	vadd.f32 v8, v10;
	v23 =	vld [tilespmem:s3+$0x3300]  }
0x273: {  	v6 =	vmul.f32 v6, v17;
	v11 =	vmul.f32 v11, v5;
	v13 =	vadd.f32 v18, v13;
	v10 =	vld [tilespmem:s3+$0x1280]  }
0x274: {  	v12 =	vadd.f32 v16, v22;
	v7 =	vmul.f32 v7, v4;
	v22 =	vld [tilespmem:s3+$0x5300]  }
0x275: {  	v6 =	vadd.f32 v6, v8;
	v3 =	vmul.f32 v3, v11;
	v11 =	vadd.f32 v11, v13;
	v8 =	vld [tilespmem:s3+$0x3080]  }
0x276: {  	v9 =	vld [tilespmem:s3+$0x3200]  }
0x277: {  	v16 =	vmul.f32 v1, v18;
	v18 =	vadd.f32 v7, v11;
	v11 =	vld [tilespmem:s3+$0x1080]  }
0x278: {  	v12 =	vadd.f32 v15, v12;
	v15 =	vld [tilespmem:s3+$0x3100]  }
0x279: {  	v6 =	vadd.f32 v16, v6;
	v13 =	vld [tilespmem:s3+$0x5280]  }
0x27a: {  	s1 =	sor.u32 s22, s1;
	v2 =	vmul.f32 v2, v7;
	v7 =	vld [tilespmem:s3+$0x1100];
	v1 =	vcvt.s32.f32 v20  }
0x27b: {  	s1 =	sor.u32 $0x1180, s1;
	v12 =	vadd.f32 v14, v12;
	v6 =	vadd.f32 v3, v6;
	v16 =	vld [tilespmem:s3+$0x1300]  }
0x27c: {  	v3 =	vcvt.s32.f32 v22;
	v11 =	vsub.f32 v8, v11;
	v8 =	vld [tilespmem:s1+$0x4000];
	v14 =	vadd.f32 v1, v1  }
0x27d: {  	v5 =	vadd.f32 v5, v12;
	v19 =	vsub.f32 v26, v19;
	v20 =	vld [tilespmem:s3+$0x1200]  }
0x27e: {  	v22 =	vadd.f32 v3, v3;
	v14 =	vadd.f32 $-1.000000000e+00, v14  }
0x27f: {  	v12 =	vld [tilespmem:s1+$0x0];
	v17 =	vadd.f32 v2, v6;
	v2 =	vcvt.s32.f32 v13;
	v15 =	vsub.f32 v15, v7  }
0x280: {  	v24 =	vld [tilespmem:s3+$0x5100];
	v6 =	vmul.f32 v14, v19;
	v14 =	vsub.f32 v23, v16;
	v16 =	vadd.f32 $-1.000000000e+00, v22  }
0x281: {  	v8 =	vcvt.s32.f32 v8;
	v19 =	vadd.f32 v4, v5;
	v5 =	vsub.f32 v21, v10;
	v10 =	vld [tilespmem:s3+$0x5200]  }
0x282: {  	v21 =	vld [tilespmem:s3+$0x5000];
	v23 =	vsub.f32 v9, v20;
	v4 =	vand.u32 $0x7FFFFFFF, v6;
	v14 =	vmul.f32 v16, v14  }
0x283: {  	v9 =	vld [tilespmem:s1+$0x2000];
	vm0 =	vlt.f32 v6, $8.472978470e-01;
	v16 =	vxor.u32 $0x80000000, v6;
	v6 =	vadd.f32 v2, v2  }
0x284: {  	v13 =	vld [tilespmem:s3+$0x5080];
	v27 =	vadd.f32 v8, v8;
	v4 =	vsub.f32 $0.0e+00, v4;
	vm2 =	vlt.f32 v14, $8.472978470e-01  }
0x285: {  	v20 =	vand.u32 $0x7FFFFFFF, v14;
	v14 =	vxor.u32 $0x80000000, v14;
	v7 =	vadd.f32 $-1.000000000e+00, v6  }
0x286: {  	v25 =	vld [tilespmem:s3+$0x3000];
	v4 =	vmul.f32 $1.442695020e+00, v4;
	v20 =	vsub.f32 $0.0e+00, v20;
	v6 =	vcvt.s32.f32 v10  }
0x287: {  	v22 =	vcvt.s32.f32 v21;
	v26 =	vmul.f32 v7, v5;
	v7 =	vmax.f32 v16, $0.0e+00;
	v16 =	vld [tilespmem:s3+$0x1000]  }
0x288: {  	v12 =	vsub.f32 v9, v12;
	v10 =	vcvt.s32.f32 v24;
	(erf) = vpow2.f32 v4  }
0x289: {  	v4 =	vsel vm0, $0x3F800000, v0;
	v5 =	vmul.f32 $1.442695020e+00, v20;
	v20 =	vcvt.s32.f32 v13  }
0x28a: {  	v9 =	vadd.f32 v6, v6;
	v24 =	vadd.f32 v22, v22;
	v13 =	vand.u32 $0x7FFFFFFF, v26  }
0x28b: {  	vm1 =	vlt.f32 v26, $8.472978470e-01;
	v21 =	vadd.f32 v20, v20;
	v13 =	vsub.f32 $0.0e+00, v13  }
0x28c: {  	(erf) = vpow2.f32 v5;
	v24 =	vadd.f32 $-1.000000000e+00, v24;
	v16 =	vsub.f32 v25, v16  }
0x28d: {  	v5 =	vsel vm2, $0x3F800000, v0;
	v21 =	vadd.f32 $-1.000000000e+00, v21;
	v13 =	vmul.f32 $1.442695020e+00, v13  }
0x28e: {  	v25 =	vxor.u32 $0x80000000, v26;
	v26 =	vadd.f32 v10, v10;
	v16 =	vmul.f32 v24, v16  }
0x28f: {  	v25 =	vmax.f32 v25, $0.0e+00;
	v21 =	vmul.f32 v21, v11;
	(erf) = vpow2.f32 v13  }
0x290: {  	v24 =	vadd.f32 $-1.000000000e+00, v27;
	v27 =	vadd.f32 $-1.000000000e+00, v9;
	v13 =	vand.u32 $0x7FFFFFFF, v16  }
0x291: {  	v11 =	vmax.f32 v14, $0.0e+00;
	v26 =	vadd.f32 $-1.000000000e+00, v26;
	v13 =	vsub.f32 $0.0e+00, v13  }
0x292: {  	vm12 =	vlt.f32 v21, $8.472978470e-01;
	v14 =	vmul.f32 v27, v23;
	v27 =	vand.u32 $0x7FFFFFFF, v21  }
0x293: {  	v28 =	vxor.u32 $0x80000000, v16;
	v24 =	vmul.f32 v24, v12;
	v12 =	vmul.f32 $1.442695020e+00, v13  }
0x294: {  	v15 =	vmul.f32 v26, v15;
	vm13 =	vlt.f32 v16, $8.472978470e-01;
	v21 =	vxor.u32 $0x80000000, v21;
	v9 =	vpop (erf)  }
0x295: {  	v26 =	vsub.f32 $0.0e+00, v27;
	v55 =	vmax.f32 v21, $0.0e+00;
	v23 =	vmul.f32 $1.402685230e-02, v9  }
0x296: {  	v27 =	vand.u32 $0x7FFFFFFF, v24;
	v13 =	vand.u32 $0x7FFFFFFF, v15;
	(erf) = vpow2.f32 v12  }
0x297: {  	v30 =	vand.u32 $0x7FFFFFFF, v14;
	v31 =	vxor.u32 $0x80000000, v24;
	v32 =	vsub.f32 $0.0e+00, v13;
	v12 =	vpop (erf)  }
0x298: {  	vm14 =	vlt.f32 v15, $8.472978470e-01;
	v30 =	vsub.f32 $0.0e+00, v30;
	v16 =	vmul.f32 $1.442695020e+00, v26;
	v54 =	vpop (erf)  }
0x299: {  	v26 =	vsub.f32 $0.0e+00, v27;
	v27 =	vmul.f32 $1.442695020e+00, v32;
	v33 =	vmul.f32 $1.402685230e-02, v54  }
0x29a: {  	vm3 =	vlt.f32 v24, $8.472978470e-01;
	v29 =	vadd.f32 $-6.577012690e-02, v23;
	(erf) = vpow2.f32 v16  }
0x29b: {  	(erf) = vpow2.f32 v27;
	v27 =	vmul.f32 $1.442695020e+00, v30;
	v30 =	vadd.f32 $-6.577012690e-02, v33  }
0x29c: {  	v24 =	vsel vm13, $0x3F800000, v0;
	vm15 =	vlt.f32 v14, $8.472978470e-01;
	v15 =	vxor.u32 $0x80000000, v15  }
0x29d: {  	v13 =	vmax.f32 v31, $0.0e+00;
	v29 =	vmul.f32 v29, v9;
	v31 =	vmul.f32 $1.402685230e-02, v12  }
0x29e: {  	v19 =	vadd.f32 v24, v19;
	v26 =	vmul.f32 $1.442695020e+00, v26;
	v21 =	vmul.f32 v30, v54  }
0x29f: {  	v23 =	vsel vm12, $0x3F800000, v0;
	v29 =	vadd.f32 $1.481067690e-01, v29;
	v16 =	vadd.f32 $-6.577012690e-02, v31;
	v30 =	vpop (erf)  }
0x2a0: {  	(erf) = vpow2.f32 v26;
	v21 =	vadd.f32 $1.481067690e-01, v21;
	v26 =	vmul.f32 $1.402685230e-02, v30  }
0x2a1: {  	v37 =	vmax.f32 v15, $0.0e+00;
	v38 =	vadd.f32 v23, v19;
	v29 =	vmul.f32 v29, v9  }
0x2a2: {  	v16 =	vmul.f32 v16, v12;
	v21 =	vmul.f32 v21, v54;
	v26 =	vadd.f32 $-6.577012690e-02, v26  }
0x2a3: {  	v29 =	vadd.f32 $-2.341736700e-01, v29;
	(erf) = vpow2.f32 v27;
	v27 =	vmax.f32 v28, $0.0e+00  }
0x2a4: {  	v28 =	vadd.f32 $1.481067690e-01, v16;
	v34 =	vpop (erf);
	v21 =	vadd.f32 $-2.341736700e-01, v21;
	v16 =	vmul.f32 v26, v30  }
0x2a5: {  	v31 =	vxor.u32 $0x80000000, v14;
	v29 =	vmul.f32 v29, v9;
	v26 =	vmul.f32 $1.402685230e-02, v34  }
0x2a6: {  	v14 =	vsel vm1, $0x3F800000, v0;
	v35 =	vpop (erf);
	v21 =	vmul.f32 v21, v54;
	v15 =	vadd.f32 $1.481067690e-01, v16  }
0x2a7: {  	v29 =	vadd.f32 $3.307878970e-01, v29;
	v36 =	vmul.f32 $1.402685230e-02, v35;
	v26 =	vadd.f32 $-6.577012690e-02, v26  }
0x2a8: {  	v28 =	vmul.f32 v28, v12;
	v21 =	vadd.f32 $3.307878970e-01, v21;
	v19 =	vmul.f32 v15, v30  }
0x2a9: {  	v29 =	vmul.f32 v29, v9;
	v36 =	vadd.f32 $-6.577012690e-02, v36;
	v39 =	vpop (erf);
	v26 =	vmul.f32 v26, v34  }
0x2aa: {  	v28 =	vadd.f32 $-2.341736700e-01, v28;
	v40 =	vmul.f32 $1.402685230e-02, v39;
	v41 =	vadd.f32 $-2.341736700e-01, v19  }
0x2ab: {  	v36 =	vmul.f32 v36, v35;
	v19 =	vmax.f32 v31, $0.0e+00;
	v26 =	vadd.f32 $1.481067690e-01, v26  }
0x2ac: {  	v31 =	vmul.f32 v21, v54;
	v21 =	vpop (erf);
	v40 =	vadd.f32 $-6.577012690e-02, v40;
	v41 =	vmul.f32 v41, v30  }
0x2ad: {  	v36 =	vadd.f32 $1.481067690e-01, v36;
	v42 =	vmul.f32 $1.402685230e-02, v21;
	v26 =	vmul.f32 v26, v34  }
0x2ae: {  	v16 =	vsel vm3, $0x3F800000, v0;
	v40 =	vmul.f32 v40, v39;
	v41 =	vadd.f32 $3.307878970e-01, v41  }
0x2af: {  	v36 =	vmul.f32 v36, v35;
	v42 =	vadd.f32 $-6.577012690e-02, v42;
	v26 =	vadd.f32 $-2.341736700e-01, v26  }
0x2b0: {  	v28 =	vmul.f32 v28, v12;
	v40 =	vadd.f32 $1.481067690e-01, v40;
	v41 =	vmul.f32 v41, v30  }
0x2b1: {  	v36 =	vadd.f32 $-2.341736700e-01, v36;
	v42 =	vmul.f32 v42, v21;
	v26 =	vmul.f32 v26, v34  }
0x2b2: {  	v15 =	vsel vm15, $0x3F800000, v0;
	v40 =	vmul.f32 v40, v39;
	v41 =	vadd.f32 $-4.998254780e-01, v41  }
0x2b3: {  	v56 =	vmul.f32 v36, v35;
	v42 =	vadd.f32 $1.481067690e-01, v42;
	v26 =	vadd.f32 $3.307878970e-01, v26  }
0x2b4: {  	v28 =	vadd.f32 $3.307878970e-01, v28;
	v57 =	vadd.f32 $-2.341736700e-01, v40;
	v58 =	vmul.f32 v41, v30  }
0x2b5: {  	v32 =	vadd.f32 $3.307878970e-01, v56;
	v59 =	vmul.f32 v42, v21;
	v26 =	vmul.f32 v26, v34  }
0x2b6: {  	v31 =	vadd.f32 $-4.998254780e-01, v31;
	v36 =	vmul.f32 v57, v39;
	v40 =	vadd.f32 $9.999970790e-01, v58  }
0x2b7: {  	v32 =	vmul.f32 v32, v35;
	v41 =	vadd.f32 $-2.341736700e-01, v59;
	v26 =	vadd.f32 $-4.998254780e-01, v26  }
0x2b8: {  	v31 =	vmul.f32 v31, v54;
	v36 =	vadd.f32 $3.307878970e-01, v36;
	v30 =	vmul.f32 v40, v30  }
0x2b9: {  	v32 =	vadd.f32 $-4.998254780e-01, v32;
	v60 =	vmul.f32 v41, v21;
	v26 =	vmul.f32 v26, v34  }
0x2ba: {  	v31 =	vadd.f32 $9.999970790e-01, v31;
	v36 =	vmul.f32 v36, v39;
	v27 =	vadd.f32 v30, v27  }
0x2bb: {  	v32 =	vmul.f32 v32, v35;
	v30 =	vadd.f32 $3.307878970e-01, v60;
	v26 =	vadd.f32 $9.999970790e-01, v26  }
0x2bc: {  	v31 =	vmul.f32 v31, v54;
	v36 =	vadd.f32 $-4.998254780e-01, v36;
	v24 =	vmul.f32 v27, v24  }
0x2bd: {  	v27 =	vmul.f32 v30, v21;
	v26 =	vmul.f32 v26, v34;
	v30 =	vadd.f32 $9.999970790e-01, v32  }
0x2be: {  	v61 =	vmul.f32 v36, v39;
	v62 =	vadd.f32 v24, v18;
	v63 =	vmul.f32 v22, v24  }
0x2bf: {  	v18 =	vadd.f32 v31, v25;
	v22 =	vadd.f32 v26, v55;
	v24 =	vmul.f32 v30, v35  }
0x2c0: {  	v25 =	vmul.f32 v28, v12;
	v28 =	vsel vm14, $0x3F800000, v0;
	v26 =	vadd.f32 $-4.998254780e-01, v27  }
0x2c1: {  	v31 =	vadd.f32 $9.999970790e-01, v61;
	v30 =	vmul.f32 v22, v23;
	v22 =	vadd.f32 v24, v37  }
0x2c2: {  	v27 =	vmul.f32 v26, v21;
	v26 =	vadd.f32 $-4.998254780e-01, v25;
	v25 =	vadd.f32 $-4.998254780e-01, v29  }
0x2c3: {  	v17 =	vadd.f32 v63, v17;
	v23 =	vadd.f32 v30, v62;
	v24 =	vmul.f32 v22, v28  }
0x2c4: {  	s28 =	simm.s32 $0x10;
	s31 =	simm.s32 $0x80;
	v22 =	vadd.f32 v28, v38;
	v20 =	vmul.f32 v20, v30;
	v28 =	vmul.f32 v31, v39  }
.LBB2_8:
0x2c5: {  	s0 =	sand.u32 $0x70, s28  }
0x2c6: {  	s3 =	sand.u32 $0xC00, s31;
	s1 =	sor.u32 s31, s28;
	v27 =	vadd.f32 $9.999970790e-01, v27;
	v26 =	vmul.f32 v26, v12;
	v25 =	vmul.f32 v25, v9;
	s22 =	smov.u32 s28  }
0x2c7: {  	v10 =	vmul.f32 v10, v24;
	s0 =	sor.u32 s0, s3;
	s23 =	sor.u32 $0x1380, s1;
	s1 =	sadd.s32 $0x10, s28;
	v17 =	vadd.f32 v20, v17;
	v13 =	vadd.f32 v28, v13  }
0x2c8: {  	p0 =	sne.s32 s28, $0x1F0;
	v20 =	vld [tilespmem:s23+$0x2000];
	v21 =	vmul.f32 v27, v21;
	v26 =	vadd.f32 $9.999970790e-01, v26;
	v25 =	vadd.f32 $9.999970790e-01, v25  }
0x2c9: {  	v23 =	vadd.f32 v24, v23;
	s3 =	sor.u32 s3, s22;
	v27 =	vld [tilespmem:s0+$0x3280];
	v10 =	vadd.f32 v10, v17;
	v13 =	vmul.f32 v13, v16  }
0x2ca: {  	s28 =	sor.u32 $0x1180, s3;
	v16 =	vadd.f32 v16, v22;
	v17 =	vld [tilespmem:s23+$0x4000];
	v19 =	vadd.f32 v21, v19;
	v12 =	vmul.f32 v26, v12  }
0x2cb: {  	v21 =	vld [tilespmem:s23+$0x0];
	v22 =	vadd.f32 v13, v23;
	v8 =	vmul.f32 v8, v13;
	v13 =	vmul.f32 v18, v14  }
0x2cc: {  	v9 =	vmul.f32 v25, v9;
	v23 =	vld [tilespmem:s0+$0x3300];
	v18 =	vmul.f32 v19, v15;
	v11 =	vadd.f32 v12, v11  }
0x2cd: {  	v12 =	vld [tilespmem:s0+$0x1280];
	v8 =	vadd.f32 v8, v10;
	v10 =	vadd.f32 v15, v16;
	v2 =	vmul.f32 v2, v13  }
0x2ce: {  	v7 =	vadd.f32 v9, v7;
	v15 =	vld [tilespmem:s0+$0x5300];
	v6 =	vmul.f32 v6, v18;
	v11 =	vmul.f32 v11, v5  }
0x2cf: {  	v9 =	vld [tilespmem:s0+$0x3080];
	v16 =	vcvt.s32.f32 v17;
	v17 =	vadd.f32 v18, v22;
	v10 =	vadd.f32 v14, v10  }
0x2d0: {  	v19 =	vld [tilespmem:s0+$0x3200];
	v14 =	vsub.f32 v20, v21;
	v6 =	vadd.f32 v6, v8;
	v8 =	vmul.f32 v3, v11  }
0x2d1: {  	v7 =	vmul.f32 v7, v4;
	v20 =	vld [tilespmem:s0+$0x3100];
	v18 =	vadd.f32 v16, v16;
	v13 =	vadd.f32 v13, v17  }
0x2d2: {  	v12 =	vsub.f32 v27, v12;
	v21 =	vld [tilespmem:s0+$0x1300];
	v2 =	vadd.f32 v2, v6  }
0x2d3: {  	v17 =	vmul.f32 v1, v7;
	v1 =	vmovc v16;
	v6 =	vld [tilespmem:s0+$0x5280];
	v3 =	vcvt.s32.f32 v15;
	v15 =	vadd.f32 $-1.000000000e+00, v18  }
0x2d4: {  	v11 =	vadd.f32 v11, v13;
	v16 =	vld [tilespmem:s0+$0x1200];
	v2 =	vadd.f32 v8, v2  }
0x2d5: {  	v5 =	vadd.f32 v5, v10;
	v8 =	vld [tilespmem:s28+$0x0];
	v13 =	vadd.f32 v3, v3;
	v15 =	vmul.f32 v15, v14  }
0x2d6: {  	v18 =	vadd.f32 v7, v11;
	v10 =	vld [tilespmem:s0+$0x1100];
	v17 =	vadd.f32 v17, v2  }
0x2d7: {  	v7 =	vld [tilespmem:s0+$0x1080];
	v11 =	vsub.f32 v23, v21;
	v13 =	vadd.f32 $-1.000000000e+00, v13;
	v14 =	vand.u32 $0x7FFFFFFF, v15  }
0x2d8: {  	v21 =	vld [tilespmem:s0+$0x5200];
	v2 =	vcvt.s32.f32 v6;
	v6 =	vsub.f32 $0.0e+00, v14;
	v14 =	vadd.f32 v4, v5  }
0x2d9: {  	vm1 =	vlt.f32 v15, $8.472978470e-01;
	v5 =	vld [tilespmem:s0+$0x5080];
	v4 =	vmul.f32 v13, v11;
	v11 =	vxor.u32 $0x80000000, v15  }
0x2da: {  	v15 =	vsub.f32 v19, v16;
	v13 =	vld [tilespmem:s0+$0x5000];
	v16 =	vadd.f32 v2, v2;
	v6 =	vmul.f32 $1.442695020e+00, v6  }
0x2db: {  	v19 =	vld [tilespmem:s28+$0x2000];
	vm0 =	vlt.f32 v4, $8.472978470e-01;
	v22 =	vand.u32 $0x7FFFFFFF, v4;
	v23 =	vxor.u32 $0x80000000, v4  }
0x2dc: {  	v25 =	vsub.f32 v20, v10;
	v24 =	vsub.f32 v9, v7;
	v9 =	vld [tilespmem:s28+$0x4000];
	(erf) = vpow2.f32 v6  }
0x2dd: {  	v7 =	vadd.f32 $-1.000000000e+00, v16;
	v16 =	vsub.f32 $0.0e+00, v22;
	v10 =	vld [tilespmem:s0+$0x5100];
	v6 =	vcvt.s32.f32 v21  }
0x2de: {  	v4 =	vsel vm1, $0x3F800000, v0  }
0x2df: {  	v12 =	vmul.f32 v7, v12;
	v16 =	vmul.f32 $1.442695020e+00, v16;
	v7 =	vmax.f32 v11, $0.0e+00;
	v21 =	vld [tilespmem:s0+$0x3000]  }
0x2e0: {  	v20 =	vcvt.s32.f32 v5;
	v26 =	vadd.f32 v6, v6;
	v11 =	vld [tilespmem:s0+$0x1000];
	v19 =	vsub.f32 v19, v8  }
0x2e1: {  	v22 =	vcvt.s32.f32 v13;
	v5 =	vand.u32 $0x7FFFFFFF, v12;
	v8 =	vcvt.s32.f32 v9  }
0x2e2: {  	v29 =	vadd.f32 v20, v20;
	v10 =	vcvt.s32.f32 v10;
	(erf) = vpow2.f32 v16  }
0x2e3: {  	vm1 =	vlt.f32 v12, $8.472978470e-01;
	v13 =	vadd.f32 v22, v22;
	v16 =	vadd.f32 v8, v8  }
0x2e4: {  	v28 =	vsub.f32 $0.0e+00, v5;
	v5 =	vsel vm0, $0x3F800000, v0;
	v27 =	vadd.f32 $-1.000000000e+00, v29  }
0x2e5: {  	v13 =	vadd.f32 $-1.000000000e+00, v13;
	v11 =	vsub.f32 v21, v11;
	v21 =	vxor.u32 $0x80000000, v12;
	v9 =	vpop (erf)  }
0x2e6: {  	v24 =	vmul.f32 v27, v24;
	v27 =	vmul.f32 $1.442695020e+00, v28;
	v12 =	vadd.f32 v10, v10  }
0x2e7: {  	v28 =	vmul.f32 v13, v11;
	v13 =	vadd.f32 $-1.000000000e+00, v16;
	v16 =	vadd.f32 $-1.000000000e+00, v26  }
0x2e8: {  	vm0 =	vlt.f32 v24, $8.472978470e-01;
	v11 =	vmax.f32 v23, $0.0e+00;
	(erf) = vpow2.f32 v27  }
0x2e9: {  	v23 =	vand.u32 $0x7FFFFFFF, v28;
	v15 =	vmul.f32 v16, v15;
	v16 =	vmul.f32 $1.402685230e-02, v9  }
0x2ea: {  	v26 =	vand.u32 $0x7FFFFFFF, v24;
	v27 =	vadd.f32 $-1.000000000e+00, v12;
	v23 =	vsub.f32 $0.0e+00, v23  }
0x2eb: {  	v29 =	vxor.u32 $0x80000000, v28;
	v19 =	vmul.f32 v13, v19;
	v16 =	vadd.f32 $-6.577012690e-02, v16;
	v12 =	vpop (erf)  }
0x2ec: {  	v25 =	vmul.f32 v27, v25;
	v13 =	vmul.f32 $1.442695020e+00, v23;
	v23 =	vsel vm0, $0x3F800000, v0  }
0x2ed: {  	v26 =	vsub.f32 $0.0e+00, v26;
	v27 =	vand.u32 $0x7FFFFFFF, v19;
	v30 =	vand.u32 $0x7FFFFFFF, v15  }
0x2ee: {  	v32 =	vxor.u32 $0x80000000, v19;
	v31 =	vand.u32 $0x7FFFFFFF, v25;
	(erf) = vpow2.f32 v13  }
0x2ef: {  	v30 =	vsub.f32 $0.0e+00, v30;
	v31 =	vsub.f32 $0.0e+00, v31;
	v13 =	vmax.f32 v32, $0.0e+00  }
0x2f0: {  	vm3 =	vlt.f32 v28, $8.472978470e-01;
	v26 =	vmul.f32 $1.442695020e+00, v26;
	v27 =	vsub.f32 $0.0e+00, v27  }
0x2f1: {  	vm0 =	vlt.f32 v25, $8.472978470e-01;
	v28 =	vmul.f32 $1.442695020e+00, v31;
	v31 =	vmul.f32 $1.402685230e-02, v12;
	v32 =	vpop (erf)  }
0x2f2: {  	v25 =	vxor.u32 $0x80000000, v25;
	v33 =	vmul.f32 $1.402685230e-02, v32;
	(erf) = vpow2.f32 v26  }
0x2f3: {  	v16 =	vmul.f32 v16, v9;
	v26 =	vadd.f32 $-6.577012690e-02, v31;
	(erf) = vpow2.f32 v28  }
0x2f4: {  	v24 =	vxor.u32 $0x80000000, v24;
	v28 =	vmul.f32 $1.442695020e+00, v30;
	v30 =	vadd.f32 $-6.577012690e-02, v33  }
0x2f5: {  	v27 =	vmul.f32 $1.442695020e+00, v27;
	v16 =	vadd.f32 $1.481067690e-01, v16;
	v31 =	vxor.u32 $0x80000000, v15  }
0x2f6: {  	v24 =	vmax.f32 v24, $0.0e+00;
	vm2 =	vlt.f32 v19, $8.472978470e-01;
	v19 =	vmul.f32 v30, v32  }
0x2f7: {  	v16 =	vmul.f32 v16, v9;
	v30 =	vsel vm3, $0x3F800000, v0;
	v33 =	vpop (erf);
	(erf) = vpow2.f32 v27  }
0x2f8: {  	v34 =	vadd.f32 v30, v14;
	v27 =	vmul.f32 $1.402685230e-02, v33;
	v14 =	vadd.f32 $1.481067690e-01, v19  }
0x2f9: {  	v19 =	vmul.f32 v26, v12;
	v26 =	vadd.f32 $-2.341736700e-01, v16;
	(erf) = vpow2.f32 v28  }
0x2fa: {  	v16 =	vadd.f32 $-6.577012690e-02, v27;
	v27 =	vmax.f32 v29, $0.0e+00;
	v14 =	vmul.f32 v14, v32  }
0x2fb: {  	vm3 =	vlt.f32 v15, $8.472978470e-01;
	v28 =	vmax.f32 v21, $0.0e+00;
	v29 =	vadd.f32 $1.481067690e-01, v19;
	v35 =	vpop (erf)  }
0x2fc: {  	v15 =	vmul.f32 v16, v33;
	v19 =	vmul.f32 $1.402685230e-02, v35;
	v21 =	vadd.f32 $-2.341736700e-01, v14;
	v36 =	vpop (erf)  }
0x2fd: {  	v25 =	vmax.f32 v25, $0.0e+00;
	v14 =	vsel vm1, $0x3F800000, v0;
	v37 =	vmul.f32 $1.402685230e-02, v36  }
0x2fe: {  	v16 =	vsel vm2, $0x3F800000, v0;
	v15 =	vadd.f32 $1.481067690e-01, v15;
	v21 =	vmul.f32 v21, v32  }
0x2ff: {  	v34 =	vadd.f32 v23, v34;
	v26 =	vmul.f32 v26, v9;
	v19 =	vadd.f32 $-6.577012690e-02, v19  }
0x300: {  	v38 =	vmul.f32 v15, v33;
	v15 =	vsel vm3, $0x3F800000, v0;
	v42 =	vadd.f32 $3.307878970e-01, v21;
	v39 =	vpop (erf)  }
0x301: {  	v37 =	vadd.f32 $-6.577012690e-02, v37;
	v40 =	vmul.f32 v19, v35;
	v41 =	vmul.f32 $1.402685230e-02, v39  }
0x302: {  	v19 =	vmax.f32 v31, $0.0e+00;
	v38 =	vadd.f32 $-2.341736700e-01, v38;
	v31 =	vmul.f32 v42, v32;
	v21 =	vpop (erf)  }
0x303: {  	v37 =	vmul.f32 v37, v36;
	v40 =	vadd.f32 $1.481067690e-01, v40;
	v41 =	vadd.f32 $-6.577012690e-02, v41  }
0x304: {  	v42 =	vmul.f32 $1.402685230e-02, v21;
	v38 =	vmul.f32 v38, v33;
	v31 =	vadd.f32 $-4.998254780e-01, v31  }
0x305: {  	v37 =	vadd.f32 $1.481067690e-01, v37;
	v40 =	vmul.f32 v40, v35;
	v41 =	vmul.f32 v41, v39  }
0x306: {  	v42 =	vadd.f32 $-6.577012690e-02, v42;
	v38 =	vadd.f32 $3.307878970e-01, v38;
	v31 =	vmul.f32 v31, v32  }
0x307: {  	v37 =	vmul.f32 v37, v36;
	v40 =	vadd.f32 $-2.341736700e-01, v40;
	v41 =	vadd.f32 $1.481067690e-01, v41  }
0x308: {  	v42 =	vmul.f32 v42, v21;
	v38 =	vmul.f32 v38, v33;
	v31 =	vadd.f32 $9.999970790e-01, v31  }
0x309: {  	v37 =	vadd.f32 $-2.341736700e-01, v37;
	v40 =	vmul.f32 v40, v35;
	v41 =	vmul.f32 v41, v39  }
0x30a: {  	v42 =	vadd.f32 $1.481067690e-01, v42;
	v38 =	vadd.f32 $-4.998254780e-01, v38;
	v31 =	vmul.f32 v31, v32  }
0x30b: {  	v37 =	vmul.f32 v37, v36;
	v32 =	vadd.f32 $3.307878970e-01, v40;
	v40 =	vadd.f32 $-2.341736700e-01, v41  }
0x30c: {  	v26 =	vadd.f32 $3.307878970e-01, v26;
	v41 =	vmul.f32 v42, v21;
	v38 =	vmul.f32 v38, v33  }
0x30d: {  	v37 =	vadd.f32 $3.307878970e-01, v37;
	v32 =	vmul.f32 v32, v35;
	v40 =	vmul.f32 v40, v39  }
0x30e: {  	v29 =	vmul.f32 v29, v12;
	v41 =	vadd.f32 $-2.341736700e-01, v41;
	v38 =	vadd.f32 $9.999970790e-01, v38  }
0x30f: {  	v37 =	vmul.f32 v37, v36;
	v32 =	vadd.f32 $-4.998254780e-01, v32;
	v40 =	vadd.f32 $3.307878970e-01, v40  }
0x310: {  	v29 =	vadd.f32 $-2.341736700e-01, v29;
	v33 =	vmul.f32 v38, v33;
	v38 =	vmul.f32 v41, v21  }
0x311: {  	v37 =	vadd.f32 $-4.998254780e-01, v37;
	v32 =	vmul.f32 v32, v35;
	v40 =	vmul.f32 v40, v39  }
0x312: {  	v29 =	vmul.f32 v29, v12;
	v27 =	vadd.f32 v33, v27;
	v33 =	vadd.f32 $3.307878970e-01, v38  }
0x313: {  	v37 =	vmul.f32 v37, v36;
	v32 =	vadd.f32 $9.999970790e-01, v32;
	v38 =	vadd.f32 $-4.998254780e-01, v40  }
0x314: {  	v29 =	vadd.f32 $3.307878970e-01, v29;
	v27 =	vmul.f32 v27, v30;
	v30 =	vmul.f32 v33, v21  }
0x315: {  	v32 =	vmul.f32 v32, v35;
	v33 =	vadd.f32 $9.999970790e-01, v37;
	v35 =	vmul.f32 v38, v39  }
0x316: {  	v37 =	vadd.f32 v27, v18;
	v38 =	vmul.f32 v22, v27;
	v18 =	vadd.f32 v31, v28  }
0x317: {  	v22 =	vadd.f32 v32, v24;
	v24 =	vmul.f32 v33, v36;
	v28 =	vmul.f32 v29, v12  }
.Ltmp3:
0x318: {  	v29 =	vsel vm0, $0x3F800000, v0;
	v27 =	vadd.f32 $-4.998254780e-01, v30;
	v30 =	vmul.f32 v26, v9;
	(pc) =	sbr.rel @p0 .LBB2_8-.Ltmp3, $4  }
0x319: {  	v32 =	vadd.f32 $9.999970790e-01, v35;
	v31 =	vmul.f32 v22, v23;
	v22 =	vadd.f32 v24, v25  }
0x31a: {  	v27 =	vmul.f32 v27, v21;
	v26 =	vadd.f32 $-4.998254780e-01, v28;
	v25 =	vadd.f32 $-4.998254780e-01, v30  }
0x31b: {  	v23 =	vadd.f32 v31, v37;
	v24 =	vmul.f32 v22, v29;
	v22 =	vadd.f32 v29, v34  }
0x31c: {  	s31 =	sadd.s32 $0x80, s31;
	s28 =	smov.u32 s1;
	v17 =	vadd.f32 v38, v17;
	v28 =	vmul.f32 v32, v39;
	v20 =	vmul.f32 v20, v31  }
0x31d: {  	_ =	swait.ge [sflag:s25], $0x1000  }
0x31e: {  	[sflag:s25] =	ssyncset.done $0x0  }
0x31f: {  	[sflag:s25] =	ssyncadd.s32 $0xFFFFF000  }
0x320: {  	_ =	swait.ge [sflag:s25], $0x1000  }
0x321: {  	[sflag:s25] =	ssyncset.done $0x0  }
0x322: {  	[sflag:s25] =	ssyncadd.s32 $0xFFFFF000  }
0x323: {  	v27 =	vadd.f32 $9.999970790e-01, v27;
	s1 =	simm.s32 $0x0;
	_ =	swait.ge [sflag:s25], $0x1000  }
0x324: {  	v26 =	vmul.f32 v26, v12;
	s0 =	sor.u32 s1, s1;
	s3 =	sand.u32 $0x70, s1;
	[sflag:s25] =	ssyncset.done $0x0  }
0x325: {  	v13 =	vadd.f32 v28, v13;
	s22 =	sand.u32 $0xC00, s1;
	v21 =	vmul.f32 v27, v21;
	s23 =	sor.u32 $0x380, s0;
	[sflag:s25] =	ssyncadd.s32 $0xFFFFF000  }
0x326: {  	v25 =	vmul.f32 v25, v9;
	v17 =	vadd.f32 v20, v17;
	v20 =	vadd.f32 $9.999970790e-01, v26;
	s3 =	sor.u32 s3, s22;
	v26 =	vld [tilespmem:s23+$0x2000]  }
0x327: {  	v10 =	vmul.f32 v10, v24;
	v13 =	vmul.f32 v13, v16;
	v19 =	vadd.f32 v21, v19;
	v21 =	vld [tilespmem:s3+$0x2280]  }
0x328: {  	v23 =	vadd.f32 v24, v23;
	v24 =	vadd.f32 $9.999970790e-01, v25;
	v12 =	vmul.f32 v20, v12;
	v20 =	vld [tilespmem:s23+$0x4000]  }
0x329: {  	v10 =	vadd.f32 v10, v17;
	v8 =	vmul.f32 v8, v13;
	v17 =	vmul.f32 v19, v15;
	v19 =	vld [tilespmem:s23+$0x0]  }
0x32a: {  	v9 =	vmul.f32 v24, v9;
	v13 =	vadd.f32 v13, v23;
	v11 =	vadd.f32 v12, v11;
	v23 =	vld [tilespmem:s3+$0x2300]  }
0x32b: {  	v12 =	vadd.f32 v16, v22;
	v8 =	vadd.f32 v8, v10;
	v10 =	vld [tilespmem:s3+$0x280]  }
0x32c: {  	v18 =	vmul.f32 v18, v14;
	v7 =	vadd.f32 v9, v7;
	v6 =	vmul.f32 v6, v17;
	v22 =	vld [tilespmem:s3+$0x4300]  }
0x32d: {  	v13 =	vadd.f32 v17, v13;
	v12 =	vadd.f32 v15, v12;
	v9 =	vld [tilespmem:s3+$0x2200]  }
0x32e: {  	v16 =	vmul.f32 v2, v18;
	v11 =	vmul.f32 v11, v5;
	v24 =	vld [tilespmem:s3+$0x4100];
	v6 =	vadd.f32 v6, v8  }
0x32f: {  	v8 =	vld [tilespmem:s3+$0x2080];
	v13 =	vadd.f32 v18, v13;
	v12 =	vadd.f32 v14, v12  }
0x330: {  	v3 =	vmul.f32 v3, v11;
	v18 =	vld [tilespmem:s3+$0x300];
	v6 =	vadd.f32 v16, v6;
	v2 =	vcvt.s32.f32 v20  }
0x331: {  	v7 =	vmul.f32 v7, v4;
	v16 =	vld [tilespmem:s3+$0x2100];
	v11 =	vadd.f32 v11, v13;
	v5 =	vadd.f32 v5, v12  }
0x332: {  	v13 =	vld [tilespmem:s3+$0x4280];
	v6 =	vadd.f32 v3, v6;
	v3 =	vcvt.s32.f32 v22;
	v14 =	vadd.f32 v2, v2  }
0x333: {  	v19 =	vsub.f32 v26, v19;
	v20 =	vld [tilespmem:s3+$0x200];
	v17 =	vadd.f32 v7, v11  }
0x334: {  	v1 =	vmul.f32 v1, v7;
	v7 =	vld [tilespmem:s3+$0x80];
	v22 =	vadd.f32 v3, v3;
	v14 =	vadd.f32 $-1.000000000e+00, v14  }
0x335: {  	s1 =	sor.u32 s22, s1;
	v10 =	vsub.f32 v21, v10;
	v21 =	vld [tilespmem:s3+$0x4000];
	v11 =	vsub.f32 v23, v18  }
0x336: {  	s1 =	sor.u32 $0x180, s1;
	v15 =	vadd.f32 v1, v6;
	v6 =	vld [tilespmem:s3+$0x100];
	v1 =	vmul.f32 v14, v19;
	v14 =	vadd.f32 $-1.000000000e+00, v22  }
0x337: {  	v12 =	vld [tilespmem:s1+$0x0];
	v18 =	vadd.f32 v4, v5;
	v4 =	vcvt.s32.f32 v13  }
0x338: {  	v20 =	vsub.f32 v9, v20;
	v9 =	vld [tilespmem:s1+$0x2000];
	v5 =	vand.u32 $0x7FFFFFFF, v1;
	v11 =	vmul.f32 v14, v11  }
0x339: {  	v13 =	vld [tilespmem:s3+$0x4080];
	vm0 =	vlt.f32 v1, $8.472978470e-01;
	v14 =	vxor.u32 $0x80000000, v1;
	v1 =	vadd.f32 v4, v4  }
0x33a: {  	v23 =	vsub.f32 v8, v7;
	v21 =	vcvt.s32.f32 v21;
	v19 =	vld [tilespmem:s3+$0x4200];
	v5 =	vsub.f32 $0.0e+00, v5  }
0x33b: {  	v16 =	vsub.f32 v16, v6;
	v6 =	vld [tilespmem:s1+$0x4000];
	vm2 =	vlt.f32 v11, $8.472978470e-01;
	v7 =	vadd.f32 $-1.000000000e+00, v1  }
0x33c: {  	v22 =	vand.u32 $0x7FFFFFFF, v11;
	v11 =	vxor.u32 $0x80000000, v11;
	v5 =	vmul.f32 $1.442695020e+00, v5  }
0x33d: {  	v1 =	vsel vm0, $0x3F800000, v0;
	v12 =	vsub.f32 v9, v12;
	v25 =	vmul.f32 v7, v10  }
0x33e: {  	v8 =	vsub.f32 $0.0e+00, v22;
	v22 =	vld [tilespmem:s3+$0x2000];
	v10 =	vcvt.s32.f32 v24;
	(erf) = vpow2.f32 v5  }
0x33f: {  	v7 =	vmax.f32 v14, $0.0e+00;
	v14 =	vld [tilespmem:s3+$0x0];
	v5 =	vcvt.s32.f32 v19;
	v19 =	vcvt.s32.f32 v13  }
0x340: {  	v11 =	vmax.f32 v11, $0.0e+00;
	v26 =	vmul.f32 $1.442695020e+00, v8;
	v8 =	vcvt.s32.f32 v6  }
0x341: {  	v24 =	vadd.f32 v21, v21;
	v6 =	vand.u32 $0x7FFFFFFF, v25;
	v13 =	vadd.f32 v19, v19  }
0x342: {  	v9 =	vadd.f32 v5, v5;
	(erf) = vpow2.f32 v26;
	v26 =	vadd.f32 v8, v8  }
0x343: {  	vm1 =	vlt.f32 v25, $8.472978470e-01;
	v27 =	vsub.f32 $0.0e+00, v6;
	v13 =	vadd.f32 $-1.000000000e+00, v13  }
0x344: {  	v6 =	vsel vm2, $0x3F800000, v0;
	v14 =	vsub.f32 v22, v14;
	v22 =	vadd.f32 $-1.000000000e+00, v24  }
0x345: {  	v24 =	vxor.u32 $0x80000000, v25;
	v25 =	vmul.f32 v13, v23;
	v23 =	vmul.f32 $1.442695020e+00, v27  }
0x346: {  	v14 =	vmul.f32 v22, v14;
	v22 =	vadd.f32 $-1.000000000e+00, v26;
	v26 =	vadd.f32 $-1.000000000e+00, v9  }
0x347: {  	v24 =	vmax.f32 v24, $0.0e+00;
	v13 =	vadd.f32 v10, v10;
	vm12 =	vlt.f32 v25, $8.472978470e-01  }
0x348: {  	(erf) = vpow2.f32 v23;
	v23 =	vand.u32 $0x7FFFFFFF, v14;
	v20 =	vmul.f32 v26, v20  }
0x349: {  	v27 =	vand.u32 $0x7FFFFFFF, v25;
	v13 =	vadd.f32 $-1.000000000e+00, v13;
	v23 =	vsub.f32 $0.0e+00, v23  }
0x34a: {  	v28 =	vxor.u32 $0x80000000, v14;
	v22 =	vmul.f32 v22, v12;
	vm13 =	vlt.f32 v14, $8.472978470e-01  }
0x34b: {  	v25 =	vxor.u32 $0x80000000, v25;
	v9 =	vpop (erf);
	v27 =	vsub.f32 $0.0e+00, v27;
	v12 =	vmul.f32 $1.442695020e+00, v23  }
0x34c: {  	v25 =	vmax.f32 v25, $0.0e+00;
	v26 =	vmul.f32 $1.402685230e-02, v9;
	v16 =	vmul.f32 v13, v16  }
0x34d: {  	v29 =	vand.u32 $0x7FFFFFFF, v22;
	v30 =	vand.u32 $0x7FFFFFFF, v20;
	(erf) = vpow2.f32 v12  }
0x34e: {  	v31 =	vxor.u32 $0x80000000, v22;
	vm3 =	vlt.f32 v22, $8.472978470e-01;
	v13 =	vand.u32 $0x7FFFFFFF, v16  }
0x34f: {  	v30 =	vsub.f32 $0.0e+00, v30;
	v14 =	vmul.f32 $1.442695020e+00, v27;
	v32 =	vsub.f32 $0.0e+00, v13  }
0x350: {  	vm15 =	vlt.f32 v20, $8.472978470e-01;
	v27 =	vsub.f32 $0.0e+00, v29;
	v26 =	vadd.f32 $-6.577012690e-02, v26;
	v12 =	vpop (erf)  }
0x351: {  	vm14 =	vlt.f32 v16, $8.472978470e-01;
	(erf) = vpow2.f32 v14;
	v29 =	vmul.f32 $1.442695020e+00, v32;
	v49 =	vpop (erf)  }
0x352: {  	v16 =	vxor.u32 $0x80000000, v16;
	v27 =	vmul.f32 $1.442695020e+00, v27;
	v33 =	vmul.f32 $1.402685230e-02, v49  }
0x353: {  	v13 =	vmax.f32 v31, $0.0e+00;
	v26 =	vmul.f32 v26, v9;
	(erf) = vpow2.f32 v29  }
0x354: {  	v31 =	vmul.f32 $1.402685230e-02, v12;
	v29 =	vmul.f32 $1.442695020e+00, v30;
	v30 =	vadd.f32 $-6.577012690e-02, v33  }
0x355: {  	v23 =	vsel vm12, $0x3F800000, v0;
	v38 =	vmax.f32 v16, $0.0e+00;
	v26 =	vadd.f32 $1.481067690e-01, v26  }
0x356: {  	v14 =	vadd.f32 $-6.577012690e-02, v31;
	v22 =	vmul.f32 v30, v49;
	v50 =	vpop (erf);
	(erf) = vpow2.f32 v27  }
0x357: {  	v26 =	vmul.f32 v26, v9;
	v30 =	vsel vm13, $0x3F800000, v0;
	v27 =	vmul.f32 $1.402685230e-02, v50  }
0x358: {  	v31 =	vxor.u32 $0x80000000, v20;
	v34 =	vadd.f32 v30, v18;
	v18 =	vadd.f32 $1.481067690e-01, v22  }
0x359: {  	v14 =	vmul.f32 v14, v12;
	v22 =	vadd.f32 $-2.341736700e-01, v26;
	v26 =	vadd.f32 $-6.577012690e-02, v27  }
0x35a: {  	(erf) = vpow2.f32 v29;
	v29 =	vpop (erf);
	v27 =	vmax.f32 v28, $0.0e+00;
	v18 =	vmul.f32 v18, v49  }
0x35b: {  	v28 =	vadd.f32 $1.481067690e-01, v14;
	v20 =	vmul.f32 v26, v50;
	v26 =	vmul.f32 $1.402685230e-02, v29  }
0x35c: {  	v14 =	vsel vm1, $0x3F800000, v0;
	v36 =	vpop (erf);
	v51 =	vmul.f32 v22, v9;
	v35 =	vadd.f32 $-2.341736700e-01, v18  }
0x35d: {  	v37 =	vmul.f32 $1.402685230e-02, v36;
	v16 =	vadd.f32 $1.481067690e-01, v20;
	v26 =	vadd.f32 $-6.577012690e-02, v26  }
0x35e: {  	v34 =	vadd.f32 v23, v34;
	v28 =	vmul.f32 v28, v12;
	v20 =	vmul.f32 v35, v49  }
0x35f: {  	v37 =	vadd.f32 $-6.577012690e-02, v37;
	v22 =	vmul.f32 v16, v50;
	v40 =	vpop (erf);
	v26 =	vmul.f32 v26, v29  }
0x360: {  	v28 =	vadd.f32 $-2.341736700e-01, v28;
	v39 =	vadd.f32 $3.307878970e-01, v20;
	v41 =	vmul.f32 $1.402685230e-02, v40  }
0x361: {  	v37 =	vmul.f32 v37, v36;
	v42 =	vadd.f32 $-2.341736700e-01, v22;
	v26 =	vadd.f32 $1.481067690e-01, v26  }
0x362: {  	v20 =	vmax.f32 v31, $0.0e+00;
	v31 =	vmul.f32 v39, v49;
	v52 =	vadd.f32 $-6.577012690e-02, v41  }
0x363: {  	v35 =	vadd.f32 $3.307878970e-01, v51;
	v22 =	vpop (erf);
	v53 =	vmul.f32 v42, v50;
	v26 =	vmul.f32 v26, v29  }
0x364: {  	v37 =	vadd.f32 $1.481067690e-01, v37;
	v54 =	vmul.f32 $1.402685230e-02, v22;
	v39 =	vmul.f32 v52, v40  }
0x365: {  	v18 =	vsel vm3, $0x3F800000, v0;
	v41 =	vadd.f32 $3.307878970e-01, v53;
	v26 =	vadd.f32 $-2.341736700e-01, v26  }
0x366: {  	v37 =	vmul.f32 v37, v36;
	v42 =	vadd.f32 $-6.577012690e-02, v54;
	v39 =	vadd.f32 $1.481067690e-01, v39  }
0x367: {  	v16 =	vsel vm15, $0x3F800000, v0;
	v41 =	vmul.f32 v41, v50;
	v26 =	vmul.f32 v26, v29  }
0x368: {  	v37 =	vadd.f32 $-2.341736700e-01, v37;
	v42 =	vmul.f32 v42, v22;
	v39 =	vmul.f32 v39, v40  }
0x369: {  	v28 =	vmul.f32 v28, v12;
	v41 =	vadd.f32 $-4.998254780e-01, v41;
	v26 =	vadd.f32 $3.307878970e-01, v26  }
0x36a: {  	v55 =	vmul.f32 v37, v36;
	v42 =	vadd.f32 $1.481067690e-01, v42;
	v56 =	vadd.f32 $-2.341736700e-01, v39  }
0x36b: {  	v31 =	vadd.f32 $-4.998254780e-01, v31;
	v57 =	vmul.f32 v41, v50;
	v26 =	vmul.f32 v26, v29  }
0x36c: {  	v32 =	vadd.f32 $3.307878970e-01, v55;
	v58 =	vmul.f32 v42, v22;
	v37 =	vmul.f32 v56, v40  }
0x36d: {  	v31 =	vmul.f32 v31, v49;
	v39 =	vadd.f32 $9.999970790e-01, v57;
	v26 =	vadd.f32 $-4.998254780e-01, v26  }
0x36e: {  	v32 =	vmul.f32 v32, v36;
	v41 =	vadd.f32 $-2.341736700e-01, v58;
	v37 =	vadd.f32 $3.307878970e-01, v37  }
0x36f: {  	v31 =	vadd.f32 $9.999970790e-01, v31;
	v33 =	vmul.f32 v39, v50;
	v26 =	vmul.f32 v26, v29  }
0x370: {  	v32 =	vadd.f32 $-4.998254780e-01, v32;
	v59 =	vmul.f32 v41, v22;
	v37 =	vmul.f32 v37, v40  }
0x371: {  	v31 =	vmul.f32 v31, v49;
	v27 =	vadd.f32 v33, v27;
	v26 =	vadd.f32 $9.999970790e-01, v26  }
0x372: {  	v32 =	vmul.f32 v32, v36;
	v60 =	vadd.f32 $3.307878970e-01, v59;
	v37 =	vadd.f32 $-4.998254780e-01, v37  }
0x373: {  	v28 =	vadd.f32 $3.307878970e-01, v28;
	v27 =	vmul.f32 v27, v30;
	v26 =	vmul.f32 v26, v29  }
0x374: {  	v29 =	vadd.f32 $9.999970790e-01, v32;
	v30 =	vmul.f32 v60, v22;
	v61 =	vmul.f32 v37, v40  }
0x375: {  	v62 =	vadd.f32 v27, v17;
	v63 =	vmul.f32 v21, v27;
	v17 =	vadd.f32 v31, v24  }
0x376: {  	v21 =	vadd.f32 v26, v25;
	v24 =	vmul.f32 v29, v36;
	v26 =	vmul.f32 v28, v12  }
0x377: {  	v27 =	vmul.f32 v35, v9;
	v25 =	vadd.f32 $-4.998254780e-01, v30;
	v30 =	vadd.f32 $9.999970790e-01, v61  }
0x378: {  	v29 =	vmul.f32 v21, v23;
	v21 =	vadd.f32 v24, v38;
	v26 =	vadd.f32 $-4.998254780e-01, v26  }
0x379: {  	v28 =	vsel vm14, $0x3F800000, v0;
	v27 =	vadd.f32 $-4.998254780e-01, v27;
	v15 =	vadd.f32 v63, v15  }
0x37a: {  	v25 =	vmul.f32 v25, v22;
	v23 =	vadd.f32 v29, v62;
	v24 =	vmul.f32 v21, v28  }
0x37b: {  	s28 =	simm.s32 $0x10;
	s31 =	simm.s32 $0x80;
	v21 =	vadd.f32 v28, v34;
	v28 =	vmul.f32 v19, v29;
	v19 =	vmul.f32 v30, v40  }
.LBB2_10:
0x37c: {  	s0 =	sand.u32 $0x70, s28  }
0x37d: {  	s3 =	sand.u32 $0xC00, s31;
	s1 =	sor.u32 s31, s28;
	v25 =	vadd.f32 $9.999970790e-01, v25;
	v26 =	vmul.f32 v26, v12;
	v27 =	vmul.f32 v27, v9;
	s22 =	smov.u32 s28  }
0x37e: {  	v10 =	vmul.f32 v10, v24;
	s0 =	sor.u32 s0, s3;
	s23 =	sor.u32 $0x380, s1;
	s1 =	sadd.s32 $0x10, s28;
	v15 =	vadd.f32 v28, v15;
	v13 =	vadd.f32 v19, v13  }
0x37f: {  	p0 =	sne.s32 s28, $0x1F0;
	v19 =	vld [tilespmem:s23+$0x2000];
	v22 =	vmul.f32 v25, v22;
	v25 =	vadd.f32 $9.999970790e-01, v26;
	v26 =	vadd.f32 $9.999970790e-01, v27  }
0x380: {  	v23 =	vadd.f32 v24, v23;
	s3 =	sor.u32 s3, s22;
	v27 =	vld [tilespmem:s0+$0x2280];
	v10 =	vadd.f32 v10, v15;
	v13 =	vmul.f32 v13, v18  }
0x381: {  	s28 =	sor.u32 $0x180, s3;
	v18 =	vadd.f32 v18, v21;
	v15 =	vld [tilespmem:s23+$0x4000];
	v20 =	vadd.f32 v22, v20;
	v12 =	vmul.f32 v25, v12  }
0x382: {  	v21 =	vld [tilespmem:s23+$0x0];
	v22 =	vadd.f32 v13, v23;
	v8 =	vmul.f32 v8, v13;
	v13 =	vmul.f32 v17, v14  }
0x383: {  	v9 =	vmul.f32 v26, v9;
	v23 =	vld [tilespmem:s0+$0x2300];
	v17 =	vmul.f32 v20, v16;
	v11 =	vadd.f32 v12, v11  }
0x384: {  	v12 =	vld [tilespmem:s0+$0x280];
	v8 =	vadd.f32 v8, v10;
	v10 =	vadd.f32 v16, v18;
	v4 =	vmul.f32 v4, v13  }
0x385: {  	v7 =	vadd.f32 v9, v7;
	v16 =	vld [tilespmem:s0+$0x4300];
	v5 =	vmul.f32 v5, v17;
	v11 =	vmul.f32 v11, v6  }
0x386: {  	v17 =	vadd.f32 v17, v22;
	v9 =	vld [tilespmem:s0+$0x2080];
	v15 =	vcvt.s32.f32 v15;
	v10 =	vadd.f32 v14, v10  }
0x387: {  	v18 =	vld [tilespmem:s0+$0x2200];
	v14 =	vsub.f32 v19, v21;
	v5 =	vadd.f32 v5, v8;
	v8 =	vmul.f32 v3, v11  }
0x388: {  	v7 =	vmul.f32 v7, v1;
	v13 =	vadd.f32 v13, v17;
	v19 =	vld [tilespmem:s0+$0x2100];
	v20 =	vadd.f32 v15, v15  }
0x389: {  	v12 =	vsub.f32 v27, v12;
	v21 =	vld [tilespmem:s0+$0x300];
	v4 =	vadd.f32 v4, v5  }
0x38a: {  	v5 =	vld [tilespmem:s0+$0x4280];
	v3 =	vcvt.s32.f32 v16;
	v16 =	vadd.f32 $-1.000000000e+00, v20;
	v20 =	vmul.f32 v2, v7;
	v2 =	vmovc v15  }
0x38b: {  	v11 =	vadd.f32 v11, v13;
	v22 =	vld [tilespmem:s0+$0x200];
	v4 =	vadd.f32 v8, v4  }
0x38c: {  	v6 =	vadd.f32 v6, v10;
	v8 =	vld [tilespmem:s28+$0x0];
	v13 =	vadd.f32 v3, v3;
	v16 =	vmul.f32 v16, v14  }
0x38d: {  	v17 =	vadd.f32 v7, v11;
	v10 =	vld [tilespmem:s0+$0x100];
	v15 =	vadd.f32 v20, v4  }
0x38e: {  	v7 =	vld [tilespmem:s0+$0x80];
	v11 =	vsub.f32 v23, v21;
	v13 =	vadd.f32 $-1.000000000e+00, v13;
	v14 =	vand.u32 $0x7FFFFFFF, v16  }
0x38f: {  	v20 =	vld [tilespmem:s0+$0x4200];
	v4 =	vcvt.s32.f32 v5;
	v5 =	vsub.f32 $0.0e+00, v14;
	v14 =	vadd.f32 v1, v6  }
0x390: {  	vm1 =	vlt.f32 v16, $8.472978470e-01;
	v6 =	vld [tilespmem:s0+$0x4080];
	v1 =	vmul.f32 v13, v11;
	v11 =	vxor.u32 $0x80000000, v16  }
0x391: {  	v16 =	vsub.f32 v18, v22;
	v13 =	vld [tilespmem:s0+$0x4000];
	v18 =	vadd.f32 v4, v4;
	v5 =	vmul.f32 $1.442695020e+00, v5  }
0x392: {  	v21 =	vld [tilespmem:s28+$0x2000];
	vm0 =	vlt.f32 v1, $8.472978470e-01;
	v22 =	vand.u32 $0x7FFFFFFF, v1;
	v23 =	vxor.u32 $0x80000000, v1  }
0x393: {  	v25 =	vsub.f32 v19, v10;
	v24 =	vsub.f32 v9, v7;
	v9 =	vld [tilespmem:s28+$0x4000];
	(erf) = vpow2.f32 v5  }
0x394: {  	v7 =	vadd.f32 $-1.000000000e+00, v18;
	v18 =	vsub.f32 $0.0e+00, v22;
	v10 =	vld [tilespmem:s0+$0x4100];
	v5 =	vcvt.s32.f32 v20  }
0x395: {  	v1 =	vsel vm1, $0x3F800000, v0  }
0x396: {  	v12 =	vmul.f32 v7, v12;
	v18 =	vmul.f32 $1.442695020e+00, v18;
	v7 =	vmax.f32 v11, $0.0e+00;
	v20 =	vld [tilespmem:s0+$0x2000]  }
0x397: {  	v19 =	vcvt.s32.f32 v6;
	v26 =	vadd.f32 v5, v5;
	v11 =	vld [tilespmem:s0+$0x0];
	v22 =	vsub.f32 v21, v8  }
0x398: {  	v21 =	vcvt.s32.f32 v13;
	v6 =	vand.u32 $0x7FFFFFFF, v12;
	v8 =	vcvt.s32.f32 v9  }
0x399: {  	v29 =	vadd.f32 v19, v19;
	v10 =	vcvt.s32.f32 v10;
	(erf) = vpow2.f32 v18  }
0x39a: {  	vm1 =	vlt.f32 v12, $8.472978470e-01;
	v13 =	vadd.f32 v21, v21;
	v18 =	vadd.f32 v8, v8  }
0x39b: {  	v28 =	vsub.f32 $0.0e+00, v6;
	v6 =	vsel vm0, $0x3F800000, v0;
	v27 =	vadd.f32 $-1.000000000e+00, v29  }
0x39c: {  	v13 =	vadd.f32 $-1.000000000e+00, v13;
	v11 =	vsub.f32 v20, v11;
	v20 =	vxor.u32 $0x80000000, v12;
	v9 =	vpop (erf)  }
0x39d: {  	v24 =	vmul.f32 v27, v24;
	v27 =	vmul.f32 $1.442695020e+00, v28;
	v12 =	vadd.f32 v10, v10  }
0x39e: {  	v28 =	vmul.f32 v13, v11;
	v13 =	vadd.f32 $-1.000000000e+00, v18;
	v18 =	vadd.f32 $-1.000000000e+00, v26  }
0x39f: {  	vm0 =	vlt.f32 v24, $8.472978470e-01;
	v11 =	vmax.f32 v23, $0.0e+00;
	(erf) = vpow2.f32 v27  }
0x3a0: {  	v23 =	vand.u32 $0x7FFFFFFF, v28;
	v16 =	vmul.f32 v18, v16;
	v18 =	vmul.f32 $1.402685230e-02, v9  }
0x3a1: {  	v26 =	vand.u32 $0x7FFFFFFF, v24;
	v27 =	vadd.f32 $-1.000000000e+00, v12;
	v23 =	vsub.f32 $0.0e+00, v23  }
0x3a2: {  	v29 =	vxor.u32 $0x80000000, v28;
	v22 =	vmul.f32 v13, v22;
	v18 =	vadd.f32 $-6.577012690e-02, v18;
	v12 =	vpop (erf)  }
0x3a3: {  	v25 =	vmul.f32 v27, v25;
	v13 =	vmul.f32 $1.442695020e+00, v23;
	v23 =	vsel vm0, $0x3F800000, v0  }
0x3a4: {  	v26 =	vsub.f32 $0.0e+00, v26;
	v27 =	vand.u32 $0x7FFFFFFF, v22;
	v30 =	vand.u32 $0x7FFFFFFF, v16  }
0x3a5: {  	v32 =	vxor.u32 $0x80000000, v22;
	v31 =	vand.u32 $0x7FFFFFFF, v25;
	(erf) = vpow2.f32 v13  }
0x3a6: {  	v30 =	vsub.f32 $0.0e+00, v30;
	v31 =	vsub.f32 $0.0e+00, v31;
	v13 =	vmax.f32 v32, $0.0e+00  }
0x3a7: {  	vm3 =	vlt.f32 v28, $8.472978470e-01;
	v26 =	vmul.f32 $1.442695020e+00, v26;
	v27 =	vsub.f32 $0.0e+00, v27  }
0x3a8: {  	vm0 =	vlt.f32 v25, $8.472978470e-01;
	v28 =	vmul.f32 $1.442695020e+00, v31;
	v31 =	vmul.f32 $1.402685230e-02, v12;
	v32 =	vpop (erf)  }
0x3a9: {  	v25 =	vxor.u32 $0x80000000, v25;
	v33 =	vmul.f32 $1.402685230e-02, v32;
	(erf) = vpow2.f32 v26  }
0x3aa: {  	v18 =	vmul.f32 v18, v9;
	v26 =	vadd.f32 $-6.577012690e-02, v31;
	(erf) = vpow2.f32 v28  }
0x3ab: {  	v24 =	vxor.u32 $0x80000000, v24;
	v28 =	vmul.f32 $1.442695020e+00, v30;
	v30 =	vadd.f32 $-6.577012690e-02, v33  }
0x3ac: {  	v27 =	vmul.f32 $1.442695020e+00, v27;
	v18 =	vadd.f32 $1.481067690e-01, v18;
	v31 =	vxor.u32 $0x80000000, v16  }
0x3ad: {  	v24 =	vmax.f32 v24, $0.0e+00;
	vm2 =	vlt.f32 v22, $8.472978470e-01;
	v22 =	vmul.f32 v30, v32  }
0x3ae: {  	v18 =	vmul.f32 v18, v9;
	v30 =	vsel vm3, $0x3F800000, v0;
	v33 =	vpop (erf);
	(erf) = vpow2.f32 v27  }
0x3af: {  	v34 =	vadd.f32 v30, v14;
	v27 =	vmul.f32 $1.402685230e-02, v33;
	v14 =	vadd.f32 $1.481067690e-01, v22  }
0x3b0: {  	v22 =	vmul.f32 v26, v12;
	v26 =	vadd.f32 $-2.341736700e-01, v18;
	(erf) = vpow2.f32 v28  }
0x3b1: {  	v18 =	vadd.f32 $-6.577012690e-02, v27;
	v27 =	vmax.f32 v29, $0.0e+00;
	v14 =	vmul.f32 v14, v32  }
0x3b2: {  	vm3 =	vlt.f32 v16, $8.472978470e-01;
	v28 =	vmax.f32 v20, $0.0e+00;
	v29 =	vadd.f32 $1.481067690e-01, v22;
	v35 =	vpop (erf)  }
0x3b3: {  	v16 =	vmul.f32 v18, v33;
	v20 =	vmul.f32 $1.402685230e-02, v35;
	v22 =	vadd.f32 $-2.341736700e-01, v14;
	v36 =	vpop (erf)  }
0x3b4: {  	v25 =	vmax.f32 v25, $0.0e+00;
	v14 =	vsel vm1, $0x3F800000, v0;
	v37 =	vmul.f32 $1.402685230e-02, v36  }
0x3b5: {  	v18 =	vsel vm2, $0x3F800000, v0;
	v16 =	vadd.f32 $1.481067690e-01, v16;
	v22 =	vmul.f32 v22, v32  }
0x3b6: {  	v34 =	vadd.f32 v23, v34;
	v26 =	vmul.f32 v26, v9;
	v20 =	vadd.f32 $-6.577012690e-02, v20  }
0x3b7: {  	v38 =	vmul.f32 v16, v33;
	v16 =	vsel vm3, $0x3F800000, v0;
	v42 =	vadd.f32 $3.307878970e-01, v22;
	v39 =	vpop (erf)  }
0x3b8: {  	v37 =	vadd.f32 $-6.577012690e-02, v37;
	v40 =	vmul.f32 v20, v35;
	v41 =	vmul.f32 $1.402685230e-02, v39  }
0x3b9: {  	v20 =	vmax.f32 v31, $0.0e+00;
	v38 =	vadd.f32 $-2.341736700e-01, v38;
	v31 =	vmul.f32 v42, v32;
	v22 =	vpop (erf)  }
0x3ba: {  	v37 =	vmul.f32 v37, v36;
	v40 =	vadd.f32 $1.481067690e-01, v40;
	v41 =	vadd.f32 $-6.577012690e-02, v41  }
0x3bb: {  	v42 =	vmul.f32 $1.402685230e-02, v22;
	v38 =	vmul.f32 v38, v33;
	v31 =	vadd.f32 $-4.998254780e-01, v31  }
0x3bc: {  	v37 =	vadd.f32 $1.481067690e-01, v37;
	v40 =	vmul.f32 v40, v35;
	v41 =	vmul.f32 v41, v39  }
0x3bd: {  	v42 =	vadd.f32 $-6.577012690e-02, v42;
	v38 =	vadd.f32 $3.307878970e-01, v38;
	v31 =	vmul.f32 v31, v32  }
0x3be: {  	v37 =	vmul.f32 v37, v36;
	v40 =	vadd.f32 $-2.341736700e-01, v40;
	v41 =	vadd.f32 $1.481067690e-01, v41  }
0x3bf: {  	v42 =	vmul.f32 v42, v22;
	v38 =	vmul.f32 v38, v33;
	v31 =	vadd.f32 $9.999970790e-01, v31  }
0x3c0: {  	v37 =	vadd.f32 $-2.341736700e-01, v37;
	v40 =	vmul.f32 v40, v35;
	v41 =	vmul.f32 v41, v39  }
0x3c1: {  	v42 =	vadd.f32 $1.481067690e-01, v42;
	v38 =	vadd.f32 $-4.998254780e-01, v38;
	v31 =	vmul.f32 v31, v32  }
0x3c2: {  	v37 =	vmul.f32 v37, v36;
	v32 =	vadd.f32 $3.307878970e-01, v40;
	v40 =	vadd.f32 $-2.341736700e-01, v41  }
0x3c3: {  	v26 =	vadd.f32 $3.307878970e-01, v26;
	v41 =	vmul.f32 v42, v22;
	v38 =	vmul.f32 v38, v33  }
0x3c4: {  	v37 =	vadd.f32 $3.307878970e-01, v37;
	v32 =	vmul.f32 v32, v35;
	v40 =	vmul.f32 v40, v39  }
0x3c5: {  	v29 =	vmul.f32 v29, v12;
	v41 =	vadd.f32 $-2.341736700e-01, v41;
	v38 =	vadd.f32 $9.999970790e-01, v38  }
0x3c6: {  	v37 =	vmul.f32 v37, v36;
	v32 =	vadd.f32 $-4.998254780e-01, v32;
	v40 =	vadd.f32 $3.307878970e-01, v40  }
0x3c7: {  	v29 =	vadd.f32 $-2.341736700e-01, v29;
	v33 =	vmul.f32 v38, v33;
	v38 =	vmul.f32 v41, v22  }
0x3c8: {  	v37 =	vadd.f32 $-4.998254780e-01, v37;
	v32 =	vmul.f32 v32, v35;
	v40 =	vmul.f32 v40, v39  }
0x3c9: {  	v29 =	vmul.f32 v29, v12;
	v27 =	vadd.f32 v33, v27;
	v33 =	vadd.f32 $3.307878970e-01, v38  }
0x3ca: {  	v37 =	vmul.f32 v37, v36;
	v32 =	vadd.f32 $9.999970790e-01, v32;
	v38 =	vadd.f32 $-4.998254780e-01, v40  }
0x3cb: {  	v29 =	vadd.f32 $3.307878970e-01, v29;
	v27 =	vmul.f32 v27, v30;
	v30 =	vmul.f32 v33, v22  }
0x3cc: {  	v32 =	vmul.f32 v32, v35;
	v33 =	vadd.f32 $9.999970790e-01, v37;
	v35 =	vmul.f32 v38, v39  }
0x3cd: {  	v37 =	vadd.f32 v27, v17;
	v38 =	vmul.f32 v21, v27;
	v17 =	vadd.f32 v31, v28  }
0x3ce: {  	v21 =	vadd.f32 v32, v24;
	v24 =	vmul.f32 v33, v36;
	v27 =	vmul.f32 v29, v12  }
.Ltmp4:
0x3cf: {  	v28 =	vsel vm0, $0x3F800000, v0;
	v29 =	vadd.f32 $-4.998254780e-01, v30;
	v30 =	vmul.f32 v26, v9;
	(pc) =	sbr.rel @p0 .LBB2_10-.Ltmp4, $4  }
0x3d0: {  	v32 =	vadd.f32 $9.999970790e-01, v35;
	v31 =	vmul.f32 v21, v23;
	v21 =	vadd.f32 v24, v25  }
0x3d1: {  	v25 =	vmul.f32 v29, v22;
	v26 =	vadd.f32 $-4.998254780e-01, v27;
	v27 =	vadd.f32 $-4.998254780e-01, v30  }
0x3d2: {  	v23 =	vadd.f32 v31, v37;
	v24 =	vmul.f32 v21, v28;
	v21 =	vadd.f32 v28, v34  }
0x3d3: {  	s31 =	sadd.s32 $0x80, s31;
	s28 =	smov.u32 s1;
	v15 =	vadd.f32 v38, v15;
	v28 =	vmul.f32 v19, v31;
	v19 =	vmul.f32 v32, v39  }
0x3d4: {  	v25 =	vadd.f32 $9.999970790e-01, v25  }
0x3d5: {  	v26 =	vmul.f32 v26, v12;
	v27 =	vmul.f32 v27, v9  }
0x3d6: {  	v23 =	vadd.f32 v24, v23;
	v13 =	vadd.f32 v19, v13;
	v50 =	vmul.f32 v25, v22  }
0x3d7: {  	v10 =	vmul.f32 v10, v24;
	v53 =	vadd.f32 v18, v21;
	v51 =	vadd.f32 $9.999970790e-01, v26  }
0x3d8: {  	v15 =	vadd.f32 v28, v15;
	v13 =	vmul.f32 v13, v18;
	v19 =	vadd.f32 v50, v20  }
0x3d9: {  	v17 =	vmul.f32 v17, v14;
	v52 =	vadd.f32 $9.999970790e-01, v27;
	v54 =	vmul.f32 v51, v12  }
0x3da: {  	v10 =	vadd.f32 v10, v15;
	v8 =	vmul.f32 v8, v13;
	v56 =	vmul.f32 v19, v16  }
0x3db: {  	v58 =	vadd.f32 v16, v53;
	v57 =	vmul.f32 v52, v9;
	v55 =	vadd.f32 v13, v23  }
0x3dc: {  	v11 =	vadd.f32 v54, v11;
	v8 =	vadd.f32 v8, v10;
	v5 =	vmul.f32 v5, v56  }
0x3dd: {  	v4 =	vmul.f32 v4, v17;
	v7 =	vadd.f32 v57, v7;
	v59 =	vadd.f32 v56, v55  }
0x3de: {  	v10 =	vadd.f32 v14, v58;
	v11 =	vmul.f32 v11, v6;
	v5 =	vadd.f32 v5, v8  }
0x3df: {  	v7 =	vmul.f32 v7, v1;
	v60 =	vadd.f32 v17, v59  }
0x3e0: {  	v61 =	vadd.f32 v6, v10;
	v3 =	vmul.f32 v3, v11;
	v4 =	vadd.f32 v4, v5  }
0x3e1: {  	v62 =	vadd.f32 v11, v60  }
0x3e2: {  	v2 =	vmul.f32 v2, v7;
	v1 =	vadd.f32 v1, v61;
	v3 =	vadd.f32 v3, v4  }
0x3e3: {  	v63 =	vadd.f32 v7, v62  }
0x3e4: {  	s30 =	sadd.s32 $0x1, s30;
	[tilespmem:$0x6000] =	vst v1;
	v2 =	vadd.f32 v2, v3  }
0x3e5: {  	p0 =	sne.s32 s30, s19;
	[tilespmem:$0x6080] =	vst v63  }
.Ltmp5:
0x3e6: {  	s0 =	simm.s32 $0x6000;
	[tilespmem:$0x6100] =	vst v2;
	(pc) =	sbr.rel @p0 .LBB2_1-.Ltmp5, $4  }
0x3e7: {  	[hbm4b:s18+s2] =	stream.linear.scatter [tilespmem:s0], [sflag:$0x3], $0x180, $0x38;
	[tilespmem:$0x6200] =	vst v63  }
0x3e8: {  	_ =	swait.ge [sflag:s29], $0x180  }
0x3e9: {  	[sflag:s29] =	ssyncset.done $0x0  }
0x3ea: {  	[sflag:s29] =	ssyncadd.s32 $0xFFFFFE80  }
0x3eb: {  	_ =	sfence.sel $0x180000  }
0x3ec: {  	[bflag:$0x0] =	sbarrier.arrive $0xFFFF  }
0x3ed: {  	_ =	strace $0x90000047  }
0x3ee: {  	s0 =	stileid.u32;
	[bflag:$0x2] =	sbarrier.arrive $0xFFFF  }
0x3ef: {  	p0 =	sne.s32 s0, $0x0;
	s0 =	rddreg [dreg:$0x3]  }
0x3f0: {  	s0 =	sadd.s32 @!p0 $0x100000, s0  }
0x3f1: {  	[sflag:s0] =	ssyncadd.tile.s32 @!p0 $0x1;
	_ =	shalt  }
.Lfunc_end2:
_tile_overlayer_lowered:
.L_overlay_start_2:
0x3f2: {  	(tag) =	ssettag $0x2  }
0x3f3: {  	s0 =	rddreg [dreg:$0x0];
	s2 =	stileid.u32  }
0x3f4: {  	s1 =	rddreg [dreg:$0x1];
	p0 =	sne.s32 s2, $0x0  }
0x3f5: {  	s3 =	rddreg [dreg:$0x2];
	[bflag:$0x3] =	sbarrier.arrive $0xFFFF;
	s2 =	simm.s32 @!p0 $0x1C03  }
0x3f6: {  	[timem:s3], [sflag:s2] =	dma.local @!p0 [hbm:s0], s1  }
0x3f7: {  	s0 =	simm.s32 @!p0 $0x3  }
0x3f8: {  	_ =	swait.ge @!p0 [sflag:s0], s1  }
0x3f9: {  	s1 =	ssub.s32 @!p0 $0x0, s1;
	[sflag:s0] =	ssyncset.done @!p0 $0x0  }
0x3fa: {  	[sflag:s0] =	ssyncadd.s32 @!p0 s1  }
0x3fb: {  	[bflag:$0x3] =	sbarrier.arrive $0xFFFF  }
0x3fc: {  	_ =	shalt  }

</sc_bundles>
